<compile_context>
chip_gen: v7x
topology: tpu7x:2x2x1
jax: 0.10.2.dev20260603
libtpu: 0.0.44.dev20260713+nightly
codegen_flags: <defaults>
</compile_context>

<pallas_src>
import functools

import jax
import jax.numpy as jnp
from jax import lax
from jax.experimental import pallas as pl
from jax.experimental.pallas import tpu as pltpu
from jax.experimental.pallas import tpu_sc as plsc

N = 10000
E = 320000
IN_CH = 128
HID_CH = 256
OUT_CH = 64

NC = 2
NS = 16
NW = NC * NS

K1 = 125
C1 = E // NW // K1
K2 = 125
C2 = E // NS // K2
NP = 10240
ROWS_T = NP // NS

def _edge_pipeline(C, ld4, wl4, ig, wg, isc, wsc):
    M = C // 4
    assert C % 8 == 0 and M >= 4
    ld4(0, 0)
    wl4(0)
    ig(0, 0, 0)
    ig(1, 0, 1)
    wg(0, 0, 0)
    isc(0, 0, 0)
    wsc(0, 0, 0)
    ld4(1, 1)
    ig(0, 0, 2)
    wg(1, 0, 1)
    isc(1, 0, 1)
    wsc(1, 0, 1)
    ig(1, 0, 3)
    wg(0, 0, 2)
    isc(0, 0, 2)

    def superstep(m, p, prefetch):
        o = 1 - p
        wl4(p)
        wsc(0, o, 2)
        ig(0, p, 0)
        wg(1, o, 3)
        isc(1, o, 3)
        wsc(1, o, 3)
        ig(1, p, 1)
        wg(0, p, 0)
        isc(0, p, 0)
        wsc(0, p, 0)
        if prefetch:
            ld4(m + 1, o)
        ig(0, p, 2)
        wg(1, p, 1)
        isc(1, p, 1)
        wsc(1, p, 1)
        ig(1, p, 3)
        wg(0, p, 2)
        isc(0, p, 2)

    def body(t, carry):
        superstep(2 * t + 1, 1, True)
        superstep(2 * t + 2, 0, True)
        return carry

    lax.fori_loop(0, (M - 2) // 2, body, 0)
    superstep(M - 1, 1, False)
    wg(1, 1, 3)
    isc(1, 1, 3)
    wsc(0, 1, 2)
    wsc(1, 1, 3)


@functools.lru_cache(maxsize=None)
def _sc_kernels():
    mesh = plsc.VectorSubcoreMesh(core_axis_name="c", subcore_axis_name="s",
                                  num_cores=NC, num_subcores=NS)

    @functools.partial(
        pl.kernel,
        out_type=(
            jax.ShapeDtypeStruct((NC, NP, IN_CH), jnp.float32),
            jax.ShapeDtypeStruct((NC, NP), jnp.float32),
        ),
        mesh=mesh,
        scratch_types=[
            pltpu.VMEM((4, K1), jnp.int32),
            pltpu.VMEM((4, K1), jnp.int32),
            pltpu.VMEM((4, K1), jnp.int32),
            pltpu.VMEM((4, K1), jnp.int32),
            pltpu.VMEM((K1, IN_CH), jnp.float32),
            pltpu.VMEM((K1, IN_CH), jnp.float32),
            pltpu.VMEM((128,), jnp.float32),
            pltpu.VMEM_SHARED((NP, IN_CH), jnp.float32),
            pltpu.VMEM_SHARED((NP,), jnp.float32),
            pltpu.SemaphoreType.DMA,
            pltpu.SemaphoreType.DMA,
            pltpu.SemaphoreType.DMA,
            pltpu.SemaphoreType.DMA,
            pltpu.SemaphoreType.DMA,
            pltpu.SemaphoreType.DMA,
        ],
    )
    def sc_layer1(x_hbm, ei5, zf, z1, aggp, cntp,
                  sb0, sb1, db0, db1, rv0, rv1, onesv, acc, cacc,
                  gs0, gs1, ss0, ss1, ip0, ip1):
        c = lax.axis_index("c")
        s = lax.axis_index("s")
        w = c * NS + s
        r0 = s * ROWS_T
        sb = (sb0, sb1)
        db = (db0, db1)
        rv = (rv0, rv1)
        gs = (gs0, gs1)
        ss = (ss0, ss1)
        pltpu.sync_copy(zf, acc.at[pl.ds(r0, ROWS_T)])
        pltpu.sync_copy(z1, cacc.at[pl.ds(r0, ROWS_T)])
        ones16 = jnp.ones((16,), jnp.float32)
        for i in range(8):
            onesv[pl.ds(i * 16, 16)] = ones16
        plsc.subcore_barrier()

        ip = (ip0, ip1)

        def ld4(m, p):
            pltpu.async_copy(ei5.at[0].at[w].at[m], sb[p], ip[p])
            pltpu.async_copy(ei5.at[1].at[w].at[m], db[p], ip[p])

        def wl4(p):
            pltpu.make_async_copy(ei5.at[0].at[0].at[0], sb[p], ip[p]).wait()
            pltpu.make_async_copy(ei5.at[1].at[0].at[0], db[p], ip[p]).wait()

        def ig(b, p, r):
            pltpu.async_copy(x_hbm.at[sb[p].at[r]], rv[b], gs[b])

        def wg(b, p, r):
            pltpu.make_async_copy(x_hbm.at[sb[p].at[r]], rv[b],
                                  gs[b]).wait()

        def isc(b, p, r):
            pltpu.async_copy(rv[b], acc.at[db[p].at[r]], ss[b],
                             add=True)
            pltpu.async_copy(onesv.at[pl.ds(0, K1)],
                             cacc.at[db[p].at[r]], ss[b], add=True)

        def wsc(b, p, r):
            pltpu.make_async_copy(rv[b], acc.at[db[p].at[r]],
                                  ss[b]).wait()
            pltpu.make_async_copy(onesv.at[pl.ds(0, K1)],
                                  cacc.at[db[p].at[r]], ss[b]).wait()

        _edge_pipeline(C1, ld4, wl4, ig, wg, isc, wsc)
        plsc.subcore_barrier()
        pltpu.sync_copy(acc.at[pl.ds(r0, ROWS_T)],
                        aggp.at[c].at[pl.ds(r0, ROWS_T)])
        pltpu.sync_copy(cacc.at[pl.ds(r0, ROWS_T)],
                        cntp.at[c].at[pl.ds(r0, ROWS_T)])

    @functools.partial(
        pl.kernel,
        out_type=jax.ShapeDtypeStruct((NC, NP, IN_CH), jnp.float32),
        mesh=mesh,
        scratch_types=[
            pltpu.VMEM((4, K2), jnp.int32),
            pltpu.VMEM((4, K2), jnp.int32),
            pltpu.VMEM((4, K2), jnp.int32),
            pltpu.VMEM((4, K2), jnp.int32),
            pltpu.VMEM((K2, IN_CH), jnp.float32),
            pltpu.VMEM((K2, IN_CH), jnp.float32),
            pltpu.VMEM_SHARED((NP, IN_CH), jnp.float32),
            pltpu.SemaphoreType.DMA,
            pltpu.SemaphoreType.DMA,
            pltpu.SemaphoreType.DMA,
            pltpu.SemaphoreType.DMA,
            pltpu.SemaphoreType.DMA,
            pltpu.SemaphoreType.DMA,
        ],
    )
    def sc_layer2(h1s_hbm, ei5, zf, agg2,
                  sb0, sb1, db0, db1, rv0, rv1, acc,
                  gs0, gs1, ss0, ss1, ip0, ip1):
        c = lax.axis_index("c")
        s = lax.axis_index("s")
        r0 = s * ROWS_T
        sb = (sb0, sb1)
        db = (db0, db1)
        rv = (rv0, rv1)
        gs = (gs0, gs1)
        ss = (ss0, ss1)
        pltpu.sync_copy(zf, acc.at[pl.ds(r0, ROWS_T)])
        plsc.subcore_barrier()

        ip = (ip0, ip1)

        def ld4(m, p):
            w2 = 2 * s + m // (C1 // 4)
            mm = m % (C1 // 4)
            pltpu.async_copy(ei5.at[0].at[w2].at[mm], sb[p], ip[p])
            pltpu.async_copy(ei5.at[1].at[w2].at[mm], db[p], ip[p])

        def wl4(p):
            pltpu.make_async_copy(ei5.at[0].at[0].at[0], sb[p], ip[p]).wait()
            pltpu.make_async_copy(ei5.at[1].at[0].at[0], db[p], ip[p]).wait()

        def ig(b, p, r):
            pltpu.async_copy(h1s_hbm.at[c].at[sb[p].at[r]], rv[b],
                             gs[b])

        def wg(b, p, r):
            pltpu.make_async_copy(h1s_hbm.at[c].at[sb[p].at[r]],
                                  rv[b], gs[b]).wait()

        def isc(b, p, r):
            pltpu.async_copy(rv[b], acc.at[db[p].at[r]], ss[b],
                             add=True)

        def wsc(b, p, r):
            pltpu.make_async_copy(rv[b], acc.at[db[p].at[r]],
                                  ss[b]).wait()

        _edge_pipeline(C2, ld4, wl4, ig, wg, isc, wsc)
        plsc.subcore_barrier()
        pltpu.sync_copy(acc.at[pl.ds(r0, ROWS_T)],
                        agg2.at[c].at[pl.ds(r0, ROWS_T)])

    return sc_layer1, sc_layer2


BM = 2000
_GM = N // BM
_PREC = lax.Precision.HIGHEST


def _root_body(x, wr, bl, xr):
    xr[...] = lax.dot(x[...], wr[...], precision=_PREC) + bl[...]


def _root2_body(h1s, wr, bl, hr):
    h1 = jnp.concatenate([h1s[0], h1s[1]], axis=1)
    hr[...] = lax.dot(h1, wr[...], precision=_PREC) + bl[...]


def _d1_body(aggp, rcnt, xr, wl, h1s):
    agg = aggp[0] + aggp[1]
    mw = lax.dot(agg, wl[...], precision=_PREC) * rcnt[...]
    h = jnp.maximum(mw + xr[...], 0.0)
    h1s[0] = h[:, :IN_CH]
    h1s[1] = h[:, IN_CH:]


def _d2_body(agg2, rcnt, hr, wl, wfc, bfc, out):
    agg = jnp.concatenate([agg2[0], agg2[1]], axis=1)
    mw = lax.dot(agg, wl[...], precision=_PREC) * rcnt[...]
    h2 = jnp.maximum(mw + hr[...], 0.0)
    z = lax.dot(h2, wfc[...], precision=_PREC) + bfc[...]
    m = jnp.max(z, axis=1, keepdims=True)
    e = z - m
    out[...] = e - jnp.log(jnp.sum(jnp.exp(e), axis=1, keepdims=True))


_root_call = pl.pallas_call(
    _root_body,
    grid=(_GM,),
    in_specs=[
        pl.BlockSpec((BM, IN_CH), lambda i: (i, 0)),
        pl.BlockSpec((IN_CH, HID_CH), lambda i: (0, 0)),
        pl.BlockSpec((1, HID_CH), lambda i: (0, 0)),
    ],
    out_specs=pl.BlockSpec((BM, HID_CH), lambda i: (i, 0)),
    out_shape=jax.ShapeDtypeStruct((N, HID_CH), jnp.float32),
)

_root2_call = pl.pallas_call(
    _root2_body,
    grid=(_GM,),
    in_specs=[
        pl.BlockSpec((2, BM, IN_CH), lambda i: (0, i, 0)),
        pl.BlockSpec((HID_CH, HID_CH), lambda i: (0, 0)),
        pl.BlockSpec((1, HID_CH), lambda i: (0, 0)),
    ],
    out_specs=pl.BlockSpec((BM, HID_CH), lambda i: (i, 0)),
    out_shape=jax.ShapeDtypeStruct((N, HID_CH), jnp.float32),
)

_d1_call = pl.pallas_call(
    _d1_body,
    grid=(_GM,),
    in_specs=[
        pl.BlockSpec((2, BM, IN_CH), lambda i: (0, i, 0)),
        pl.BlockSpec((BM, 1), lambda i: (i, 0)),
        pl.BlockSpec((BM, HID_CH), lambda i: (i, 0)),
        pl.BlockSpec((IN_CH, HID_CH), lambda i: (0, 0)),
    ],
    out_specs=pl.BlockSpec((2, BM, IN_CH), lambda i: (0, i, 0)),
    out_shape=jax.ShapeDtypeStruct((2, N, IN_CH), jnp.float32),
)

_d2_call = pl.pallas_call(
    _d2_body,
    grid=(_GM,),
    in_specs=[
        pl.BlockSpec((2, BM, IN_CH), lambda i: (0, i, 0)),
        pl.BlockSpec((BM, 1), lambda i: (i, 0)),
        pl.BlockSpec((BM, HID_CH), lambda i: (i, 0)),
        pl.BlockSpec((HID_CH, HID_CH), lambda i: (0, 0)),
        pl.BlockSpec((HID_CH, OUT_CH), lambda i: (0, 0)),
        pl.BlockSpec((1, OUT_CH), lambda i: (0, 0)),
    ],
    out_specs=pl.BlockSpec((BM, OUT_CH), lambda i: (i, 0)),
    out_shape=jax.ShapeDtypeStruct((N, OUT_CH), jnp.float32),
)


def kernel(x, edge_index, Wl1, bl1, Wr1, Wl2, bl2, Wr2, Wfc, bfc):
    ei5 = edge_index.astype(jnp.int32).reshape(2, NW, C1 // 4, 4, K1)
    zf = jnp.zeros((ROWS_T, IN_CH), jnp.float32)
    z1 = jnp.zeros((ROWS_T,), jnp.float32)

    sc_layer1, sc_layer2 = _sc_kernels()
    xr = _root_call(x, Wr1, bl1.reshape(1, -1))
    aggp, cntp = sc_layer1(x, ei5, zf, z1)
    rcnt = (1.0 / jnp.clip(cntp[0] + cntp[1], 1.0, None))[:, None]
    h1s = _d1_call(aggp, rcnt, xr, Wl1)
    hr = _root2_call(h1s, Wr2, bl2.reshape(1, -1))
    agg2 = sc_layer2(h1s, ei5, zf)
    out = _d2_call(agg2, rcnt, hr, Wl2, Wfc, bfc.reshape(1, -1))
    return out

# --- scband reference (transcript-rebuilt; emitter-appended) ---
"""Pipeline reference for scband-inductive-gcn-73160472920606 (READ-ONLY COPY).

The authoritative reference and input builder live on the scoring server;
editing this copy changes nothing except your own understanding.
"""

import jax, jax.numpy as jnp
import numpy as np

N_NODES = 10000
N_EDGES = 320000
IN_CH = 128
HID_CH = 256
OUT_CH = 64


def setup_inputs(seed: int = 0) -> dict:
    key = jax.random.key(seed)
    ks = jax.random.split(key, 10)
    x = jax.random.normal(ks[0], (N_NODES, IN_CH), dtype=jnp.float32)
    edge_index = jax.random.randint(ks[1], (2, N_EDGES), 0, N_NODES, dtype=jnp.int64)
    # SAGEConv params: lin_l (applied to aggregated neighbors, with bias), lin_r (root, no bias)
    s1 = 1.0 / np.sqrt(IN_CH)
    s2 = 1.0 / np.sqrt(HID_CH)
    Wl1 = jax.random.normal(ks[2], (IN_CH, HID_CH), dtype=jnp.float32) * s1
    bl1 = jnp.zeros((HID_CH,), dtype=jnp.float32)
    Wr1 = jax.random.normal(ks[3], (IN_CH, HID_CH), dtype=jnp.float32) * s1
    Wl2 = jax.random.normal(ks[4], (HID_CH, HID_CH), dtype=jnp.float32) * s2
    bl2 = jnp.zeros((HID_CH,), dtype=jnp.float32)
    Wr2 = jax.random.normal(ks[5], (HID_CH, HID_CH), dtype=jnp.float32) * s2
    Wfc = jax.random.normal(ks[6], (HID_CH, OUT_CH), dtype=jnp.float32) * s2
    bfc = jnp.zeros((OUT_CH,), dtype=jnp.float32)
    return {"x": x, "edge_index": edge_index, "Wl1": Wl1, "bl1": bl1, "Wr1": Wr1,
            "Wl2": Wl2, "bl2": bl2, "Wr2": Wr2, "Wfc": Wfc, "bfc": bfc}


def _sage_conv(x, edge_index, Wl, bl, Wr):
    src = edge_index[0]
    dst = edge_index[1]
    msgs = jnp.take(x, src, axis=0)
    agg = jax.ops.segment_sum(msgs, dst, num_segments=N_NODES)
    cnt = jax.ops.segment_sum(jnp.ones((edge_index.shape[1],), dtype=x.dtype), dst, num_segments=N_NODES)
    mean = agg / jnp.clip(cnt, 1.0, None)[:, None]
    return mean @ Wl + bl + x @ Wr


def reference(x, edge_index, Wl1, bl1, Wr1, Wl2, bl2, Wr2, Wfc, bfc):
    # eval mode: dropout is identity
    h = _sage_conv(x, edge_index, Wl1, bl1, Wr1)
    h = jax.nn.relu(h)
    h = _sage_conv(h, edge_index, Wl2, bl2, Wr2)
    h = jax.nn.relu(h)
    out = h @ Wfc + bfc
    return jax.nn.log_softmax(out, axis=1)

if __name__ == "__main__":
    import jax
    _d = setup_inputs()
    print(jax.jit(kernel)(*tuple(_d.values())))

</pallas_src>

<mosaic_0001>
#map = affine_map<(d0, d1) -> (0, 0)>
#map1 = affine_map<(d0, d1) -> (0, 0, 0, 0, 0)>
#map2 = affine_map<(d0, d1) -> (0)>
#map3 = affine_map<(d0, d1) -> (0, 0, 0)>
module attributes {stable_mosaic.version = 14 : i64} {
  func.func @sc_layer1(%arg0: i32, %arg1: i32, %arg2: memref<10000x128xf32, #tpu.memory_space<hbm>>, %arg3: memref<2x32x20x4x125xi32, #tpu.memory_space<hbm>>, %arg4: memref<640x128xf32, #tpu.memory_space<hbm>>, %arg5: memref<640xf32, #tpu.memory_space<hbm>>, %arg6: memref<2x10240x128xf32, #tpu.memory_space<hbm>>, %arg7: memref<2x10240xf32, #tpu.memory_space<hbm>>, %arg8: memref<4x125xi32, #tpu.memory_space<vmem>>, %arg9: memref<4x125xi32, #tpu.memory_space<vmem>>, %arg10: memref<4x125xi32, #tpu.memory_space<vmem>>, %arg11: memref<4x125xi32, #tpu.memory_space<vmem>>, %arg12: memref<125x128xf32, #tpu.memory_space<vmem>>, %arg13: memref<125x128xf32, #tpu.memory_space<vmem>>, %arg14: memref<128xf32, #tpu.memory_space<vmem>>, %arg15: memref<10240x128xf32, #tpu.memory_space<vmem_shared>>, %arg16: memref<10240xf32, #tpu.memory_space<vmem_shared>>, %arg17: memref<!tpu.dma_semaphore, #tpu.memory_space<semaphore_mem>>, %arg18: memref<!tpu.dma_semaphore, #tpu.memory_space<semaphore_mem>>, %arg19: memref<!tpu.dma_semaphore, #tpu.memory_space<semaphore_mem>>, %arg20: memref<!tpu.dma_semaphore, #tpu.memory_space<semaphore_mem>>, %arg21: memref<!tpu.dma_semaphore, #tpu.memory_space<semaphore_mem>>, %arg22: memref<!tpu.dma_semaphore, #tpu.memory_space<semaphore_mem>>) attributes {dimension_semantics = [#tpu.dimension_semantics<core_parallel>, #tpu.dimension_semantics<subcore_parallel>], iteration_bounds = array<i64: 2, 16>, scalar_prefetch = 0 : i64, scratch_operands = 15 : i64, tpu.core_type = #tpu.core_type<sc_vector_subcore>, window_params = [{transform_indices = #map}, {transform_indices = #map1}, {transform_indices = #map}, {transform_indices = #map2}, {transform_indices = #map3}, {transform_indices = #map}]} {
    %mul3A = arith.constant 16 : i32
    %mul3A_0 = arith.muli %arg0, %mul3A : i32
    %add3A = arith.addi %mul3A_0, %arg1 : i32
    %mul3A_1 = arith.constant 640 : i32
    %mul3A_2 = arith.muli %arg1, %mul3A_1 : i32
    "tpu.region"() ({
      %run_scoped3A = tpu.sem_alloc : memref<!tpu.dma_semaphore, #tpu.memory_space<semaphore_mem>>
      %dma_start3A_651 = arith.constant 0 : i32
      %dma_start3A_652 = tpu.memref_slice %arg15[%mul3A_2, %dma_start3A_651] : memref<10240x128xf32, #tpu.memory_space<vmem_shared>> -> memref<640x128xf32, #tpu.memory_space<vmem_shared>>
      tpu.enqueue_dma source(%arg4 : memref<640x128xf32, #tpu.memory_space<hbm>>) target(%dma_start3A_652 : memref<640x128xf32, #tpu.memory_space<vmem_shared>>) target_semaphore(%run_scoped3A : memref<!tpu.dma_semaphore, #tpu.memory_space<semaphore_mem>>)
      %dma_wait3A_653 = arith.constant 0 : i32
      %dma_wait3A_654 = tpu.memref_slice %arg15[%mul3A_2, %dma_wait3A_653] : memref<10240x128xf32, #tpu.memory_space<vmem_shared>> -> memref<640x128xf32, #tpu.memory_space<vmem_shared>>
      tpu.wait_dma2 semaphore(%run_scoped3A : memref<!tpu.dma_semaphore, #tpu.memory_space<semaphore_mem>>) src(%arg4 : memref<640x128xf32, #tpu.memory_space<hbm>>) dst(%dma_wait3A_654 : memref<640x128xf32, #tpu.memory_space<vmem_shared>>)
      tpu.yield
    }) : () -> ()
    "tpu.region"() ({
      %run_scoped3A = tpu.sem_alloc : memref<!tpu.dma_semaphore, #tpu.memory_space<semaphore_mem>>
      %dma_start3A_651 = tpu.memref_slice %arg16[%mul3A_2] : memref<10240xf32, #tpu.memory_space<vmem_shared>> -> memref<640xf32, #tpu.memory_space<vmem_shared>>
      tpu.enqueue_dma source(%arg5 : memref<640xf32, #tpu.memory_space<hbm>>) target(%dma_start3A_651 : memref<640xf32, #tpu.memory_space<vmem_shared>>) target_semaphore(%run_scoped3A : memref<!tpu.dma_semaphore, #tpu.memory_space<semaphore_mem>>)
      %dma_wait3A_652 = tpu.memref_slice %arg16[%mul3A_2] : memref<10240xf32, #tpu.memory_space<vmem_shared>> -> memref<640xf32, #tpu.memory_space<vmem_shared>>
      tpu.wait_dma2 semaphore(%run_scoped3A : memref<!tpu.dma_semaphore, #tpu.memory_space<semaphore_mem>>) src(%arg5 : memref<640xf32, #tpu.memory_space<hbm>>) dst(%dma_wait3A_652 : memref<640xf32, #tpu.memory_space<vmem_shared>>)
      tpu.yield
    }) : () -> ()
    %broadcast_in_dim3A = arith.constant 1.000000e+00 : f32
    %broadcast_in_dim3A_3 = vector.broadcast %broadcast_in_dim3A : f32 to vector<16xf32>
    %swap3A = arith.constant 0 : index
    %swap3A_4 = tpu.vector_load %arg14[%swap3A] {strides = array<i32>} : memref<128xf32, #tpu.memory_space<vmem>>, vector<16xf32>,
    %swap3A_5 = vector.shape_cast %swap3A_4 : vector<16xf32> to vector<16xf32>
    %swap3A_6 = vector.shape_cast %broadcast_in_dim3A_3 : vector<16xf32> to vector<16xf32>
    tpu.vector_store %arg14[%swap3A], %swap3A_6 {strides = array<i32>} : memref<128xf32, #tpu.memory_space<vmem>>, vector<16xf32>,
    %swap3A_7 = arith.constant 16 : index
    %swap3A_8 = tpu.vector_load %arg14[%swap3A_7] {strides = array<i32>} : memref<128xf32, #tpu.memory_space<vmem>>, vector<16xf32>,
    %swap3A_9 = vector.shape_cast %swap3A_8 : vector<16xf32> to vector<16xf32>
    %swap3A_10 = vector.shape_cast %broadcast_in_dim3A_3 : vector<16xf32> to vector<16xf32>
    tpu.vector_store %arg14[%swap3A_7], %swap3A_10 {strides = array<i32>} : memref<128xf32, #tpu.memory_space<vmem>>, vector<16xf32>,
    %swap3A_11 = arith.constant 32 : index
    %swap3A_12 = tpu.vector_load %arg14[%swap3A_11] {strides = array<i32>} : memref<128xf32, #tpu.memory_space<vmem>>, vector<16xf32>,
    %swap3A_13 = vector.shape_cast %swap3A_12 : vector<16xf32> to vector<16xf32>
    %swap3A_14 = vector.shape_cast %broadcast_in_dim3A_3 : vector<16xf32> to vector<16xf32>
    tpu.vector_store %arg14[%swap3A_11], %swap3A_14 {strides = array<i32>} : memref<128xf32, #tpu.memory_space<vmem>>, vector<16xf32>,
    %swap3A_15 = arith.constant 48 : index
    %swap3A_16 = tpu.vector_load %arg14[%swap3A_15] {strides = array<i32>} : memref<128xf32, #tpu.memory_space<vmem>>, vector<16xf32>,
    %swap3A_17 = vector.shape_cast %swap3A_16 : vector<16xf32> to vector<16xf32>
    %swap3A_18 = vector.shape_cast %broadcast_in_dim3A_3 : vector<16xf32> to vector<16xf32>
    tpu.vector_store %arg14[%swap3A_15], %swap3A_18 {strides = array<i32>} : memref<128xf32, #tpu.memory_space<vmem>>, vector<16xf32>,
    %swap3A_19 = arith.constant 64 : index
    %swap3A_20 = tpu.vector_load %arg14[%swap3A_19] {strides = array<i32>} : memref<128xf32, #tpu.memory_space<vmem>>, vector<16xf32>,
    %swap3A_21 = vector.shape_cast %swap3A_20 : vector<16xf32> to vector<16xf32>
    %swap3A_22 = vector.shape_cast %broadcast_in_dim3A_3 : vector<16xf32> to vector<16xf32>
    tpu.vector_store %arg14[%swap3A_19], %swap3A_22 {strides = array<i32>} : memref<128xf32, #tpu.memory_space<vmem>>, vector<16xf32>,
    %swap3A_23 = arith.constant 80 : index
    %swap3A_24 = tpu.vector_load %arg14[%swap3A_23] {strides = array<i32>} : memref<128xf32, #tpu.memory_space<vmem>>, vector<16xf32>,
    %swap3A_25 = vector.shape_cast %swap3A_24 : vector<16xf32> to vector<16xf32>
    %swap3A_26 = vector.shape_cast %broadcast_in_dim3A_3 : vector<16xf32> to vector<16xf32>
    tpu.vector_store %arg14[%swap3A_23], %swap3A_26 {strides = array<i32>} : memref<128xf32, #tpu.memory_space<vmem>>, vector<16xf32>,
    %swap3A_27 = arith.constant 96 : index
    %swap3A_28 = tpu.vector_load %arg14[%swap3A_27] {strides = array<i32>} : memref<128xf32, #tpu.memory_space<vmem>>, vector<16xf32>,
    %swap3A_29 = vector.shape_cast %swap3A_28 : vector<16xf32> to vector<16xf32>
    %swap3A_30 = vector.shape_cast %broadcast_in_dim3A_3 : vector<16xf32> to vector<16xf32>
    tpu.vector_store %arg14[%swap3A_27], %swap3A_30 {strides = array<i32>} : memref<128xf32, #tpu.memory_space<vmem>>, vector<16xf32>,
    %swap3A_31 = arith.constant 112 : index
    %swap3A_32 = tpu.vector_load %arg14[%swap3A_31] {strides = array<i32>} : memref<128xf32, #tpu.memory_space<vmem>>, vector<16xf32>,
    %swap3A_33 = vector.shape_cast %swap3A_32 : vector<16xf32> to vector<16xf32>
    %swap3A_34 = vector.shape_cast %broadcast_in_dim3A_3 : vector<16xf32> to vector<16xf32>
    tpu.vector_store %arg14[%swap3A_31], %swap3A_34 {strides = array<i32>} : memref<128xf32, #tpu.memory_space<vmem>>, vector<16xf32>,
    %barrier3A = arith.constant 0 : index
    tpu.barrier barrier_id(%barrier3A)
    %dma_start3A = arith.constant 0 : i32
    %dma_start3A_35 = arith.constant 0 : i32
    %dma_start3A_36 = arith.constant 0 : i32
    %dma_start3A_37 = arith.constant 0 : i32
    %dma_start3A_38 = arith.constant 0 : i32
    %dma_start3A_39 = arith.constant 0 : i32
    %dma_start3A_40 = tpu.memref_slice %arg3[%dma_start3A, %dma_start3A_36, %dma_start3A_37, %dma_start3A_38, %dma_start3A_39] : memref<2x32x20x4x125xi32, #tpu.memory_space<hbm>> -> memref<1x32x20x4x125xi32, #tpu.memory_space<hbm>>
    %dma_start3A_41 = tpu.memref_squeeze %dma_start3A_40 : memref<1x32x20x4x125xi32, #tpu.memory_space<hbm>> -> memref<32x20x4x125xi32, #tpu.memory_space<hbm>>
    %dma_start3A_42 = arith.constant 0 : i32
    %dma_start3A_43 = arith.constant 0 : i32
    %dma_start3A_44 = arith.constant 0 : i32
    %dma_start3A_45 = tpu.memref_slice %dma_start3A_41[%add3A, %dma_start3A_42, %dma_start3A_43, %dma_start3A_44] : memref<32x20x4x125xi32, #tpu.memory_space<hbm>> -> memref<1x20x4x125xi32, #tpu.memory_space<hbm>>
    %dma_start3A_46 = tpu.memref_squeeze %dma_start3A_45 : memref<1x20x4x125xi32, #tpu.memory_space<hbm>> -> memref<20x4x125xi32, #tpu.memory_space<hbm>>
    %dma_start3A_47 = arith.constant 0 : i32
    %dma_start3A_48 = arith.constant 0 : i32
    %dma_start3A_49 = tpu.memref_slice %dma_start3A_46[%dma_start3A_35, %dma_start3A_47, %dma_start3A_48] : memref<20x4x125xi32, #tpu.memory_space<hbm>> -> memref<1x4x125xi32, #tpu.memory_space<hbm>>
    %dma_start3A_50 = tpu.memref_squeeze %dma_start3A_49 : memref<1x4x125xi32, #tpu.memory_space<hbm>> -> memref<4x125xi32, #tpu.memory_space<hbm>>
    %dma_start3A_51 = arith.constant 0 : i32
    %dma_start3A_52 = arith.constant 0 : i32
    %dma_start3A_53 = arith.constant 0 : i32
    %dma_start3A_54 = arith.constant 0 : i32
    %dma_start3A_55 = tpu.memref_slice %arg3[%dma_start3A, %dma_start3A_51, %dma_start3A_52, %dma_start3A_53, %dma_start3A_54] : memref<2x32x20x4x125xi32, #tpu.memory_space<hbm>> -> memref<1x32x20x4x125xi32, #tpu.memory_space<hbm>>
    %dma_start3A_56 = tpu.memref_squeeze %dma_start3A_55 : memref<1x32x20x4x125xi32, #tpu.memory_space<hbm>> -> memref<32x20x4x125xi32, #tpu.memory_space<hbm>>
    %dma_start3A_57 = arith.constant 0 : i32
    %dma_start3A_58 = arith.constant 0 : i32
    %dma_start3A_59 = arith.constant 0 : i32
    %dma_start3A_60 = tpu.memref_slice %dma_start3A_56[%add3A, %dma_start3A_57, %dma_start3A_58, %dma_start3A_59] : memref<32x20x4x125xi32, #tpu.memory_space<hbm>> -> memref<1x20x4x125xi32, #tpu.memory_space<hbm>>
    %dma_start3A_61 = tpu.memref_squeeze %dma_start3A_60 : memref<1x20x4x125xi32, #tpu.memory_space<hbm>> -> memref<20x4x125xi32, #tpu.memory_space<hbm>>
    %dma_start3A_62 = arith.constant 0 : i32
    %dma_start3A_63 = arith.constant 0 : i32
    %dma_start3A_64 = tpu.memref_slice %dma_start3A_61[%dma_start3A_35, %dma_start3A_62, %dma_start3A_63] : memref<20x4x125xi32, #tpu.memory_space<hbm>> -> memref<1x4x125xi32, #tpu.memory_space<hbm>>
    %dma_start3A_65 = tpu.memref_squeeze %dma_start3A_64 : memref<1x4x125xi32, #tpu.memory_space<hbm>> -> memref<4x125xi32, #tpu.memory_space<hbm>>
    tpu.enqueue_dma source(%dma_start3A_65 : memref<4x125xi32, #tpu.memory_space<hbm>>) target(%arg8 : memref<4x125xi32, #tpu.memory_space<vmem>>) target_semaphore(%arg21 : memref<!tpu.dma_semaphore, #tpu.memory_space<semaphore_mem>>)
    %dma_start3A_66 = arith.constant 1 : i32
    %dma_start3A_67 = arith.constant 0 : i32
    %dma_start3A_68 = arith.constant 0 : i32
    %dma_start3A_69 = arith.constant 0 : i32
    %dma_start3A_70 = arith.constant 0 : i32
    %dma_start3A_71 = arith.constant 0 : i32
    %dma_start3A_72 = tpu.memref_slice %arg3[%dma_start3A_66, %dma_start3A_68, %dma_start3A_69, %dma_start3A_70, %dma_start3A_71] : memref<2x32x20x4x125xi32, #tpu.memory_space<hbm>> -> memref<1x32x20x4x125xi32, #tpu.memory_space<hbm>>
    %dma_start3A_73 = tpu.memref_squeeze %dma_start3A_72 : memref<1x32x20x4x125xi32, #tpu.memory_space<hbm>> -> memref<32x20x4x125xi32, #tpu.memory_space<hbm>>
    %dma_start3A_74 = arith.constant 0 : i32
    %dma_start3A_75 = arith.constant 0 : i32
    %dma_start3A_76 = arith.constant 0 : i32
    %dma_start3A_77 = tpu.memref_slice %dma_start3A_73[%add3A, %dma_start3A_74, %dma_start3A_75, %dma_start3A_76] : memref<32x20x4x125xi32, #tpu.memory_space<hbm>> -> memref<1x20x4x125xi32, #tpu.memory_space<hbm>>
    %dma_start3A_78 = tpu.memref_squeeze %dma_start3A_77 : memref<1x20x4x125xi32, #tpu.memory_space<hbm>> -> memref<20x4x125xi32, #tpu.memory_space<hbm>>
    %dma_start3A_79 = arith.constant 0 : i32
    %dma_start3A_80 = arith.constant 0 : i32
    %dma_start3A_81 = tpu.memref_slice %dma_start3A_78[%dma_start3A_67, %dma_start3A_79, %dma_start3A_80] : memref<20x4x125xi32, #tpu.memory_space<hbm>> -> memref<1x4x125xi32, #tpu.memory_space<hbm>>
    %dma_start3A_82 = tpu.memref_squeeze %dma_start3A_81 : memref<1x4x125xi32, #tpu.memory_space<hbm>> -> memref<4x125xi32, #tpu.memory_space<hbm>>
    %dma_start3A_83 = arith.constant 0 : i32
    %dma_start3A_84 = arith.constant 0 : i32
    %dma_start3A_85 = arith.constant 0 : i32
    %dma_start3A_86 = arith.constant 0 : i32
    %dma_start3A_87 = tpu.memref_slice %arg3[%dma_start3A_66, %dma_start3A_83, %dma_start3A_84, %dma_start3A_85, %dma_start3A_86] : memref<2x32x20x4x125xi32, #tpu.memory_space<hbm>> -> memref<1x32x20x4x125xi32, #tpu.memory_space<hbm>>
    %dma_start3A_88 = tpu.memref_squeeze %dma_start3A_87 : memref<1x32x20x4x125xi32, #tpu.memory_space<hbm>> -> memref<32x20x4x125xi32, #tpu.memory_space<hbm>>
    %dma_start3A_89 = arith.constant 0 : i32
    %dma_start3A_90 = arith.constant 0 : i32
    %dma_start3A_91 = arith.constant 0 : i32
    %dma_start3A_92 = tpu.memref_slice %dma_start3A_88[%add3A, %dma_start3A_89, %dma_start3A_90, %dma_start3A_91] : memref<32x20x4x125xi32, #tpu.memory_space<hbm>> -> memref<1x20x4x125xi32, #tpu.memory_space<hbm>>
    %dma_start3A_93 = tpu.memref_squeeze %dma_start3A_92 : memref<1x20x4x125xi32, #tpu.memory_space<hbm>> -> memref<20x4x125xi32, #tpu.memory_space<hbm>>
    %dma_start3A_94 = arith.constant 0 : i32
    %dma_start3A_95 = arith.constant 0 : i32
    %dma_start3A_96 = tpu.memref_slice %dma_start3A_93[%dma_start3A_67, %dma_start3A_94, %dma_start3A_95] : memref<20x4x125xi32, #tpu.memory_space<hbm>> -> memref<1x4x125xi32, #tpu.memory_space<hbm>>
    %dma_start3A_97 = tpu.memref_squeeze %dma_start3A_96 : memref<1x4x125xi32, #tpu.memory_space<hbm>> -> memref<4x125xi32, #tpu.memory_space<hbm>>
    tpu.enqueue_dma source(%dma_start3A_97 : memref<4x125xi32, #tpu.memory_space<hbm>>) target(%arg10 : memref<4x125xi32, #tpu.memory_space<vmem>>) target_semaphore(%arg21 : memref<!tpu.dma_semaphore, #tpu.memory_space<semaphore_mem>>)
    %dma_wait3A = arith.constant 0 : i32
    %dma_wait3A_98 = arith.constant 0 : i32
    %dma_wait3A_99 = arith.constant 0 : i32
    %dma_wait3A_100 = arith.constant 0 : i32
    %dma_wait3A_101 = arith.constant 0 : i32
    %dma_wait3A_102 = arith.constant 0 : i32
    %dma_wait3A_103 = arith.constant 0 : i32
    %dma_wait3A_104 = tpu.memref_slice %arg3[%dma_wait3A, %dma_wait3A_100, %dma_wait3A_101, %dma_wait3A_102, %dma_wait3A_103] : memref<2x32x20x4x125xi32, #tpu.memory_space<hbm>> -> memref<1x32x20x4x125xi32, #tpu.memory_space<hbm>>
    %dma_wait3A_105 = tpu.memref_squeeze %dma_wait3A_104 : memref<1x32x20x4x125xi32, #tpu.memory_space<hbm>> -> memref<32x20x4x125xi32, #tpu.memory_space<hbm>>
    %dma_wait3A_106 = arith.constant 0 : i32
    %dma_wait3A_107 = arith.constant 0 : i32
    %dma_wait3A_108 = arith.constant 0 : i32
    %dma_wait3A_109 = tpu.memref_slice %dma_wait3A_105[%dma_wait3A_98, %dma_wait3A_106, %dma_wait3A_107, %dma_wait3A_108] : memref<32x20x4x125xi32, #tpu.memory_space<hbm>> -> memref<1x20x4x125xi32, #tpu.memory_space<hbm>>
    %dma_wait3A_110 = tpu.memref_squeeze %dma_wait3A_109 : memref<1x20x4x125xi32, #tpu.memory_space<hbm>> -> memref<20x4x125xi32, #tpu.memory_space<hbm>>
    %dma_wait3A_111 = arith.constant 0 : i32
    %dma_wait3A_112 = arith.constant 0 : i32
    %dma_wait3A_113 = tpu.memref_slice %dma_wait3A_110[%dma_wait3A_99, %dma_wait3A_111, %dma_wait3A_112] : memref<20x4x125xi32, #tpu.memory_space<hbm>> -> memref<1x4x125xi32, #tpu.memory_space<hbm>>
    %dma_wait3A_114 = tpu.memref_squeeze %dma_wait3A_113 : memref<1x4x125xi32, #tpu.memory_space<hbm>> -> memref<4x125xi32, #tpu.memory_space<hbm>>
    %dma_wait3A_115 = arith.constant 0 : i32
    %dma_wait3A_116 = arith.constant 0 : i32
    %dma_wait3A_117 = arith.constant 0 : i32
    %dma_wait3A_118 = arith.constant 0 : i32
    %dma_wait3A_119 = tpu.memref_slice %arg3[%dma_wait3A, %dma_wait3A_115, %dma_wait3A_116, %dma_wait3A_117, %dma_wait3A_118] : memref<2x32x20x4x125xi32, #tpu.memory_space<hbm>> -> memref<1x32x20x4x125xi32, #tpu.memory_space<hbm>>
    %dma_wait3A_120 = tpu.memref_squeeze %dma_wait3A_119 : memref<1x32x20x4x125xi32, #tpu.memory_space<hbm>> -> memref<32x20x4x125xi32, #tpu.memory_space<hbm>>
    %dma_wait3A_121 = arith.constant 0 : i32
    %dma_wait3A_122 = arith.constant 0 : i32
    %dma_wait3A_123 = arith.constant 0 : i32
    %dma_wait3A_124 = tpu.memref_slice %dma_wait3A_120[%dma_wait3A_98, %dma_wait3A_121, %dma_wait3A_122, %dma_wait3A_123] : memref<32x20x4x125xi32, #tpu.memory_space<hbm>> -> memref<1x20x4x125xi32, #tpu.memory_space<hbm>>
    %dma_wait3A_125 = tpu.memref_squeeze %dma_wait3A_124 : memref<1x20x4x125xi32, #tpu.memory_space<hbm>> -> memref<20x4x125xi32, #tpu.memory_space<hbm>>
    %dma_wait3A_126 = arith.constant 0 : i32
    %dma_wait3A_127 = arith.constant 0 : i32
    %dma_wait3A_128 = tpu.memref_slice %dma_wait3A_125[%dma_wait3A_99, %dma_wait3A_126, %dma_wait3A_127] : memref<20x4x125xi32, #tpu.memory_space<hbm>> -> memref<1x4x125xi32, #tpu.memory_space<hbm>>
    %dma_wait3A_129 = tpu.memref_squeeze %dma_wait3A_128 : memref<1x4x125xi32, #tpu.memory_space<hbm>> -> memref<4x125xi32, #tpu.memory_space<hbm>>
    tpu.wait_dma2 semaphore(%arg21 : memref<!tpu.dma_semaphore, #tpu.memory_space<semaphore_mem>>) src(%dma_wait3A_129 : memref<4x125xi32, #tpu.memory_space<hbm>>) dst(%arg8 : memref<4x125xi32, #tpu.memory_space<vmem>>)
    %dma_wait3A_130 = arith.constant 1 : i32
    %dma_wait3A_131 = arith.constant 0 : i32
    %dma_wait3A_132 = arith.constant 0 : i32
    %dma_wait3A_133 = arith.constant 0 : i32
    %dma_wait3A_134 = arith.constant 0 : i32
    %dma_wait3A_135 = arith.constant 0 : i32
    %dma_wait3A_136 = arith.constant 0 : i32
    %dma_wait3A_137 = tpu.memref_slice %arg3[%dma_wait3A_130, %dma_wait3A_133, %dma_wait3A_134, %dma_wait3A_135, %dma_wait3A_136] : memref<2x32x20x4x125xi32, #tpu.memory_space<hbm>> -> memref<1x32x20x4x125xi32, #tpu.memory_space<hbm>>
    %dma_wait3A_138 = tpu.memref_squeeze %dma_wait3A_137 : memref<1x32x20x4x125xi32, #tpu.memory_space<hbm>> -> memref<32x20x4x125xi32, #tpu.memory_space<hbm>>
    %dma_wait3A_139 = arith.constant 0 : i32
    %dma_wait3A_140 = arith.constant 0 : i32
    %dma_wait3A_141 = arith.constant 0 : i32
    %dma_wait3A_142 = tpu.memref_slice %dma_wait3A_138[%dma_wait3A_131, %dma_wait3A_139, %dma_wait3A_140, %dma_wait3A_141] : memref<32x20x4x125xi32, #tpu.memory_space<hbm>> -> memref<1x20x4x125xi32, #tpu.memory_space<hbm>>
    %dma_wait3A_143 = tpu.memref_squeeze %dma_wait3A_142 : memref<1x20x4x125xi32, #tpu.memory_space<hbm>> -> memref<20x4x125xi32, #tpu.memory_space<hbm>>
    %dma_wait3A_144 = arith.constant 0 : i32
    %dma_wait3A_145 = arith.constant 0 : i32
    %dma_wait3A_146 = tpu.memref_slice %dma_wait3A_143[%dma_wait3A_132, %dma_wait3A_144, %dma_wait3A_145] : memref<20x4x125xi32, #tpu.memory_space<hbm>> -> memref<1x4x125xi32, #tpu.memory_space<hbm>>
    %dma_wait3A_147 = tpu.memref_squeeze %dma_wait3A_146 : memref<1x4x125xi32, #tpu.memory_space<hbm>> -> memref<4x125xi32, #tpu.memory_space<hbm>>
    %dma_wait3A_148 = arith.constant 0 : i32
    %dma_wait3A_149 = arith.constant 0 : i32
    %dma_wait3A_150 = arith.constant 0 : i32
    %dma_wait3A_151 = arith.constant 0 : i32
    %dma_wait3A_152 = tpu.memref_slice %arg3[%dma_wait3A_130, %dma_wait3A_148, %dma_wait3A_149, %dma_wait3A_150, %dma_wait3A_151] : memref<2x32x20x4x125xi32, #tpu.memory_space<hbm>> -> memref<1x32x20x4x125xi32, #tpu.memory_space<hbm>>
    %dma_wait3A_153 = tpu.memref_squeeze %dma_wait3A_152 : memref<1x32x20x4x125xi32, #tpu.memory_space<hbm>> -> memref<32x20x4x125xi32, #tpu.memory_space<hbm>>
    %dma_wait3A_154 = arith.constant 0 : i32
    %dma_wait3A_155 = arith.constant 0 : i32
    %dma_wait3A_156 = arith.constant 0 : i32
    %dma_wait3A_157 = tpu.memref_slice %dma_wait3A_153[%dma_wait3A_131, %dma_wait3A_154, %dma_wait3A_155, %dma_wait3A_156] : memref<32x20x4x125xi32, #tpu.memory_space<hbm>> -> memref<1x20x4x125xi32, #tpu.memory_space<hbm>>
    %dma_wait3A_158 = tpu.memref_squeeze %dma_wait3A_157 : memref<1x20x4x125xi32, #tpu.memory_space<hbm>> -> memref<20x4x125xi32, #tpu.memory_space<hbm>>
    %dma_wait3A_159 = arith.constant 0 : i32
    %dma_wait3A_160 = arith.constant 0 : i32
    %dma_wait3A_161 = tpu.memref_slice %dma_wait3A_158[%dma_wait3A_132, %dma_wait3A_159, %dma_wait3A_160] : memref<20x4x125xi32, #tpu.memory_space<hbm>> -> memref<1x4x125xi32, #tpu.memory_space<hbm>>
    %dma_wait3A_162 = tpu.memref_squeeze %dma_wait3A_161 : memref<1x4x125xi32, #tpu.memory_space<hbm>> -> memref<4x125xi32, #tpu.memory_space<hbm>>
    tpu.wait_dma2 semaphore(%arg21 : memref<!tpu.dma_semaphore, #tpu.memory_space<semaphore_mem>>) src(%dma_wait3A_162 : memref<4x125xi32, #tpu.memory_space<hbm>>) dst(%arg10 : memref<4x125xi32, #tpu.memory_space<vmem>>)
    %dma_start3A_163 = arith.constant 0 : i32
    %dma_start3A_164 = arith.constant 0 : i32
    %dma_start3A_165 = tpu.memref_slice %arg8[%dma_start3A_163, %dma_start3A_164] : memref<4x125xi32, #tpu.memory_space<vmem>> -> memref<1x125xi32, #tpu.memory_space<vmem>>
    %dma_start3A_166 = tpu.memref_squeeze %dma_start3A_165 : memref<1x125xi32, #tpu.memory_space<vmem>> -> memref<125xi32, #tpu.memory_space<vmem>>
    %dma_start3A_167 = arith.constant 0 : i32
    %dma_start3A_168 = arith.constant 0 : i32
    %dma_start3A_169 = tpu.memref_slice %arg2[%dma_start3A_167, %dma_start3A_168] : memref<10000x128xf32, #tpu.memory_space<hbm>> -> memref<10000x128xf32, #tpu.memory_space<hbm>>
    tpu.enqueue_indirect_dma source(%dma_start3A_169 : memref<10000x128xf32, #tpu.memory_space<hbm>>) target(%arg12 : memref<125x128xf32, #tpu.memory_space<vmem>>) offsets(%dma_start3A_166 : memref<125xi32, #tpu.memory_space<vmem>>) semaphore(%arg17 : memref<!tpu.dma_semaphore, #tpu.memory_space<semaphore_mem>>)
    %dma_start3A_170 = arith.constant 1 : i32
    %dma_start3A_171 = arith.constant 0 : i32
    %dma_start3A_172 = tpu.memref_slice %arg8[%dma_start3A_170, %dma_start3A_171] : memref<4x125xi32, #tpu.memory_space<vmem>> -> memref<1x125xi32, #tpu.memory_space<vmem>>
    %dma_start3A_173 = tpu.memref_squeeze %dma_start3A_172 : memref<1x125xi32, #tpu.memory_space<vmem>> -> memref<125xi32, #tpu.memory_space<vmem>>
    %dma_start3A_174 = arith.constant 0 : i32
    %dma_start3A_175 = arith.constant 0 : i32
    %dma_start3A_176 = tpu.memref_slice %arg2[%dma_start3A_174, %dma_start3A_175] : memref<10000x128xf32, #tpu.memory_space<hbm>> -> memref<10000x128xf32, #tpu.memory_space<hbm>>
    tpu.enqueue_indirect_dma source(%dma_start3A_176 : memref<10000x128xf32, #tpu.memory_space<hbm>>) target(%arg13 : memref<125x128xf32, #tpu.memory_space<vmem>>) offsets(%dma_start3A_173 : memref<125xi32, #tpu.memory_space<vmem>>) semaphore(%arg18 : memref<!tpu.dma_semaphore, #tpu.memory_space<semaphore_mem>>)
    %dma_wait3A_177 = arith.constant 0 : i32
    %dma_wait3A_178 = arith.constant 0 : i32
    %dma_wait3A_179 = tpu.memref_slice %arg8[%dma_wait3A_177, %dma_wait3A_178] : memref<4x125xi32, #tpu.memory_space<vmem>> -> memref<1x125xi32, #tpu.memory_space<vmem>>
    %dma_wait3A_180 = tpu.memref_squeeze %dma_wait3A_179 : memref<1x125xi32, #tpu.memory_space<vmem>> -> memref<125xi32, #tpu.memory_space<vmem>>
    %dma_wait3A_181 = arith.constant 0 : i32
    %dma_wait3A_182 = arith.constant 0 : i32
    %dma_wait3A_183 = tpu.memref_slice %arg2[%dma_wait3A_181, %dma_wait3A_182] : memref<10000x128xf32, #tpu.memory_space<hbm>> -> memref<10000x128xf32, #tpu.memory_space<hbm>>
    tpu.wait_indirect_dma semaphore(%arg17 : memref<!tpu.dma_semaphore, #tpu.memory_space<semaphore_mem>>) src(%dma_wait3A_183 : memref<10000x128xf32, #tpu.memory_space<hbm>>) dst(%arg12 : memref<125x128xf32, #tpu.memory_space<vmem>>)
    %dma_start3A_184 = arith.constant 0 : i32
    %dma_start3A_185 = arith.constant 0 : i32
    %dma_start3A_186 = tpu.memref_slice %arg10[%dma_start3A_184, %dma_start3A_185] : memref<4x125xi32, #tpu.memory_space<vmem>> -> memref<1x125xi32, #tpu.memory_space<vmem>>
    %dma_start3A_187 = tpu.memref_squeeze %dma_start3A_186 : memref<1x125xi32, #tpu.memory_space<vmem>> -> memref<125xi32, #tpu.memory_space<vmem>>
    %dma_start3A_188 = arith.constant 0 : i32
    %dma_start3A_189 = arith.constant 0 : i32
    %dma_start3A_190 = tpu.memref_slice %arg15[%dma_start3A_188, %dma_start3A_189] : memref<10240x128xf32, #tpu.memory_space<vmem_shared>> -> memref<10240x128xf32, #tpu.memory_space<vmem_shared>>
    tpu.enqueue_indirect_dma source(%arg12 : memref<125x128xf32, #tpu.memory_space<vmem>>) target(%dma_start3A_190 : memref<10240x128xf32, #tpu.memory_space<vmem_shared>>) offsets(%dma_start3A_187 : memref<125xi32, #tpu.memory_space<vmem>>) semaphore(%arg19 : memref<!tpu.dma_semaphore, #tpu.memory_space<semaphore_mem>>) {add = true}
    %dma_start3A_191 = arith.constant 0 : i32
    %dma_start3A_192 = arith.constant 0 : i32
    %dma_start3A_193 = tpu.memref_slice %arg14[%dma_start3A_192] : memref<128xf32, #tpu.memory_space<vmem>> -> memref<125xf32, #tpu.memory_space<vmem>>
    %dma_start3A_194 = arith.constant 0 : i32
    %dma_start3A_195 = tpu.memref_slice %arg10[%dma_start3A_191, %dma_start3A_194] : memref<4x125xi32, #tpu.memory_space<vmem>> -> memref<1x125xi32, #tpu.memory_space<vmem>>
    %dma_start3A_196 = tpu.memref_squeeze %dma_start3A_195 : memref<1x125xi32, #tpu.memory_space<vmem>> -> memref<125xi32, #tpu.memory_space<vmem>>
    %dma_start3A_197 = arith.constant 0 : i32
    %dma_start3A_198 = tpu.memref_slice %arg16[%dma_start3A_197] : memref<10240xf32, #tpu.memory_space<vmem_shared>> -> memref<10240xf32, #tpu.memory_space<vmem_shared>>
    tpu.enqueue_indirect_dma source(%dma_start3A_193 : memref<125xf32, #tpu.memory_space<vmem>>) target(%dma_start3A_198 : memref<10240xf32, #tpu.memory_space<vmem_shared>>) offsets(%dma_start3A_196 : memref<125xi32, #tpu.memory_space<vmem>>) semaphore(%arg19 : memref<!tpu.dma_semaphore, #tpu.memory_space<semaphore_mem>>) {add = true}
    %dma_wait3A_199 = arith.constant 0 : i32
    %dma_wait3A_200 = arith.constant 0 : i32
    %dma_wait3A_201 = tpu.memref_slice %arg10[%dma_wait3A_199, %dma_wait3A_200] : memref<4x125xi32, #tpu.memory_space<vmem>> -> memref<1x125xi32, #tpu.memory_space<vmem>>
    %dma_wait3A_202 = tpu.memref_squeeze %dma_wait3A_201 : memref<1x125xi32, #tpu.memory_space<vmem>> -> memref<125xi32, #tpu.memory_space<vmem>>
    %dma_wait3A_203 = arith.constant 0 : i32
    %dma_wait3A_204 = arith.constant 0 : i32
    %dma_wait3A_205 = tpu.memref_slice %arg15[%dma_wait3A_203, %dma_wait3A_204] : memref<10240x128xf32, #tpu.memory_space<vmem_shared>> -> memref<10240x128xf32, #tpu.memory_space<vmem_shared>>
    tpu.wait_indirect_dma semaphore(%arg19 : memref<!tpu.dma_semaphore, #tpu.memory_space<semaphore_mem>>) src(%arg12 : memref<125x128xf32, #tpu.memory_space<vmem>>) dst(%dma_wait3A_205 : memref<10240x128xf32, #tpu.memory_space<vmem_shared>>)
    %dma_wait3A_206 = arith.constant 0 : i32
    %dma_wait3A_207 = arith.constant 0 : i32
    %dma_wait3A_208 = tpu.memref_slice %arg14[%dma_wait3A_207] : memref<128xf32, #tpu.memory_space<vmem>> -> memref<125xf32, #tpu.memory_space<vmem>>
    %dma_wait3A_209 = arith.constant 0 : i32
    %dma_wait3A_210 = tpu.memref_slice %arg10[%dma_wait3A_206, %dma_wait3A_209] : memref<4x125xi32, #tpu.memory_space<vmem>> -> memref<1x125xi32, #tpu.memory_space<vmem>>
    %dma_wait3A_211 = tpu.memref_squeeze %dma_wait3A_210 : memref<1x125xi32, #tpu.memory_space<vmem>> -> memref<125xi32, #tpu.memory_space<vmem>>
    %dma_wait3A_212 = arith.constant 0 : i32
    %dma_wait3A_213 = tpu.memref_slice %arg16[%dma_wait3A_212] : memref<10240xf32, #tpu.memory_space<vmem_shared>> -> memref<10240xf32, #tpu.memory_space<vmem_shared>>
    tpu.wait_indirect_dma semaphore(%arg19 : memref<!tpu.dma_semaphore, #tpu.memory_space<semaphore_mem>>) src(%dma_wait3A_208 : memref<125xf32, #tpu.memory_space<vmem>>) dst(%dma_wait3A_213 : memref<10240xf32, #tpu.memory_space<vmem_shared>>)
    %dma_start3A_214 = arith.constant 0 : i32
    %dma_start3A_215 = arith.constant 1 : i32
    %dma_start3A_216 = arith.constant 0 : i32
    %dma_start3A_217 = arith.constant 0 : i32
    %dma_start3A_218 = arith.constant 0 : i32
    %dma_start3A_219 = arith.constant 0 : i32
    %dma_start3A_220 = tpu.memref_slice %arg3[%dma_start3A_214, %dma_start3A_216, %dma_start3A_217, %dma_start3A_218, %dma_start3A_219] : memref<2x32x20x4x125xi32, #tpu.memory_space<hbm>> -> memref<1x32x20x4x125xi32, #tpu.memory_space<hbm>>
    %dma_start3A_221 = tpu.memref_squeeze %dma_start3A_220 : memref<1x32x20x4x125xi32, #tpu.memory_space<hbm>> -> memref<32x20x4x125xi32, #tpu.memory_space<hbm>>
    %dma_start3A_222 = arith.constant 0 : i32
    %dma_start3A_223 = arith.constant 0 : i32
    %dma_start3A_224 = arith.constant 0 : i32
    %dma_start3A_225 = tpu.memref_slice %dma_start3A_221[%add3A, %dma_start3A_222, %dma_start3A_223, %dma_start3A_224] : memref<32x20x4x125xi32, #tpu.memory_space<hbm>> -> memref<1x20x4x125xi32, #tpu.memory_space<hbm>>
    %dma_start3A_226 = tpu.memref_squeeze %dma_start3A_225 : memref<1x20x4x125xi32, #tpu.memory_space<hbm>> -> memref<20x4x125xi32, #tpu.memory_space<hbm>>
    %dma_start3A_227 = arith.constant 0 : i32
    %dma_start3A_228 = arith.constant 0 : i32
    %dma_start3A_229 = tpu.memref_slice %dma_start3A_226[%dma_start3A_215, %dma_start3A_227, %dma_start3A_228] : memref<20x4x125xi32, #tpu.memory_space<hbm>> -> memref<1x4x125xi32, #tpu.memory_space<hbm>>
    %dma_start3A_230 = tpu.memref_squeeze %dma_start3A_229 : memref<1x4x125xi32, #tpu.memory_space<hbm>> -> memref<4x125xi32, #tpu.memory_space<hbm>>
    %dma_start3A_231 = arith.constant 0 : i32
    %dma_start3A_232 = arith.constant 0 : i32
    %dma_start3A_233 = arith.constant 0 : i32
    %dma_start3A_234 = arith.constant 0 : i32
    %dma_start3A_235 = tpu.memref_slice %arg3[%dma_start3A_214, %dma_start3A_231, %dma_start3A_232, %dma_start3A_233, %dma_start3A_234] : memref<2x32x20x4x125xi32, #tpu.memory_space<hbm>> -> memref<1x32x20x4x125xi32, #tpu.memory_space<hbm>>
    %dma_start3A_236 = tpu.memref_squeeze %dma_start3A_235 : memref<1x32x20x4x125xi32, #tpu.memory_space<hbm>> -> memref<32x20x4x125xi32, #tpu.memory_space<hbm>>
    %dma_start3A_237 = arith.constant 0 : i32
    %dma_start3A_238 = arith.constant 0 : i32
    %dma_start3A_239 = arith.constant 0 : i32
    %dma_start3A_240 = tpu.memref_slice %dma_start3A_236[%add3A, %dma_start3A_237, %dma_start3A_238, %dma_start3A_239] : memref<32x20x4x125xi32, #tpu.memory_space<hbm>> -> memref<1x20x4x125xi32, #tpu.memory_space<hbm>>
    %dma_start3A_241 = tpu.memref_squeeze %dma_start3A_240 : memref<1x20x4x125xi32, #tpu.memory_space<hbm>> -> memref<20x4x125xi32, #tpu.memory_space<hbm>>
    %dma_start3A_242 = arith.constant 0 : i32
    %dma_start3A_243 = arith.constant 0 : i32
    %dma_start3A_244 = tpu.memref_slice %dma_start3A_241[%dma_start3A_215, %dma_start3A_242, %dma_start3A_243] : memref<20x4x125xi32, #tpu.memory_space<hbm>> -> memref<1x4x125xi32, #tpu.memory_space<hbm>>
    %dma_start3A_245 = tpu.memref_squeeze %dma_start3A_244 : memref<1x4x125xi32, #tpu.memory_space<hbm>> -> memref<4x125xi32, #tpu.memory_space<hbm>>
    tpu.enqueue_dma source(%dma_start3A_245 : memref<4x125xi32, #tpu.memory_space<hbm>>) target(%arg9 : memref<4x125xi32, #tpu.memory_space<vmem>>) target_semaphore(%arg22 : memref<!tpu.dma_semaphore, #tpu.memory_space<semaphore_mem>>)
    %dma_start3A_246 = arith.constant 1 : i32
    %dma_start3A_247 = arith.constant 1 : i32
    %dma_start3A_248 = arith.constant 0 : i32
    %dma_start3A_249 = arith.constant 0 : i32
    %dma_start3A_250 = arith.constant 0 : i32
    %dma_start3A_251 = arith.constant 0 : i32
    %dma_start3A_252 = tpu.memref_slice %arg3[%dma_start3A_246, %dma_start3A_248, %dma_start3A_249, %dma_start3A_250, %dma_start3A_251] : memref<2x32x20x4x125xi32, #tpu.memory_space<hbm>> -> memref<1x32x20x4x125xi32, #tpu.memory_space<hbm>>
    %dma_start3A_253 = tpu.memref_squeeze %dma_start3A_252 : memref<1x32x20x4x125xi32, #tpu.memory_space<hbm>> -> memref<32x20x4x125xi32, #tpu.memory_space<hbm>>
    %dma_start3A_254 = arith.constant 0 : i32
    %dma_start3A_255 = arith.constant 0 : i32
    %dma_start3A_256 = arith.constant 0 : i32
    %dma_start3A_257 = tpu.memref_slice %dma_start3A_253[%add3A, %dma_start3A_254, %dma_start3A_255, %dma_start3A_256] : memref<32x20x4x125xi32, #tpu.memory_space<hbm>> -> memref<1x20x4x125xi32, #tpu.memory_space<hbm>>
    %dma_start3A_258 = tpu.memref_squeeze %dma_start3A_257 : memref<1x20x4x125xi32, #tpu.memory_space<hbm>> -> memref<20x4x125xi32, #tpu.memory_space<hbm>>
    %dma_start3A_259 = arith.constant 0 : i32
    %dma_start3A_260 = arith.constant 0 : i32
    %dma_start3A_261 = tpu.memref_slice %dma_start3A_258[%dma_start3A_247, %dma_start3A_259, %dma_start3A_260] : memref<20x4x125xi32, #tpu.memory_space<hbm>> -> memref<1x4x125xi32, #tpu.memory_space<hbm>>
    %dma_start3A_262 = tpu.memref_squeeze %dma_start3A_261 : memref<1x4x125xi32, #tpu.memory_space<hbm>> -> memref<4x125xi32, #tpu.memory_space<hbm>>
    %dma_start3A_263 = arith.constant 0 : i32
    %dma_start3A_264 = arith.constant 0 : i32
    %dma_start3A_265 = arith.constant 0 : i32
    %dma_start3A_266 = arith.constant 0 : i32
    %dma_start3A_267 = tpu.memref_slice %arg3[%dma_start3A_246, %dma_start3A_263, %dma_start3A_264, %dma_start3A_265, %dma_start3A_266] : memref<2x32x20x4x125xi32, #tpu.memory_space<hbm>> -> memref<1x32x20x4x125xi32, #tpu.memory_space<hbm>>
    %dma_start3A_268 = tpu.memref_squeeze %dma_start3A_267 : memref<1x32x20x4x125xi32, #tpu.memory_space<hbm>> -> memref<32x20x4x125xi32, #tpu.memory_space<hbm>>
    %dma_start3A_269 = arith.constant 0 : i32
    %dma_start3A_270 = arith.constant 0 : i32
    %dma_start3A_271 = arith.constant 0 : i32
    %dma_start3A_272 = tpu.memref_slice %dma_start3A_268[%add3A, %dma_start3A_269, %dma_start3A_270, %dma_start3A_271] : memref<32x20x4x125xi32, #tpu.memory_space<hbm>> -> memref<1x20x4x125xi32, #tpu.memory_space<hbm>>
    %dma_start3A_273 = tpu.memref_squeeze %dma_start3A_272 : memref<1x20x4x125xi32, #tpu.memory_space<hbm>> -> memref<20x4x125xi32, #tpu.memory_space<hbm>>
    %dma_start3A_274 = arith.constant 0 : i32
    %dma_start3A_275 = arith.constant 0 : i32
    %dma_start3A_276 = tpu.memref_slice %dma_start3A_273[%dma_start3A_247, %dma_start3A_274, %dma_start3A_275] : memref<20x4x125xi32, #tpu.memory_space<hbm>> -> memref<1x4x125xi32, #tpu.memory_space<hbm>>
    %dma_start3A_277 = tpu.memref_squeeze %dma_start3A_276 : memref<1x4x125xi32, #tpu.memory_space<hbm>> -> memref<4x125xi32, #tpu.memory_space<hbm>>
    tpu.enqueue_dma source(%dma_start3A_277 : memref<4x125xi32, #tpu.memory_space<hbm>>) target(%arg11 : memref<4x125xi32, #tpu.memory_space<vmem>>) target_semaphore(%arg22 : memref<!tpu.dma_semaphore, #tpu.memory_space<semaphore_mem>>)
    %dma_start3A_278 = arith.constant 2 : i32
    %dma_start3A_279 = arith.constant 0 : i32
    %dma_start3A_280 = tpu.memref_slice %arg8[%dma_start3A_278, %dma_start3A_279] : memref<4x125xi32, #tpu.memory_space<vmem>> -> memref<1x125xi32, #tpu.memory_space<vmem>>
    %dma_start3A_281 = tpu.memref_squeeze %dma_start3A_280 : memref<1x125xi32, #tpu.memory_space<vmem>> -> memref<125xi32, #tpu.memory_space<vmem>>
    %dma_start3A_282 = arith.constant 0 : i32
    %dma_start3A_283 = arith.constant 0 : i32
    %dma_start3A_284 = tpu.memref_slice %arg2[%dma_start3A_282, %dma_start3A_283] : memref<10000x128xf32, #tpu.memory_space<hbm>> -> memref<10000x128xf32, #tpu.memory_space<hbm>>
    tpu.enqueue_indirect_dma source(%dma_start3A_284 : memref<10000x128xf32, #tpu.memory_space<hbm>>) target(%arg12 : memref<125x128xf32, #tpu.memory_space<vmem>>) offsets(%dma_start3A_281 : memref<125xi32, #tpu.memory_space<vmem>>) semaphore(%arg17 : memref<!tpu.dma_semaphore, #tpu.memory_space<semaphore_mem>>)
    %dma_wait3A_285 = arith.constant 1 : i32
    %dma_wait3A_286 = arith.constant 0 : i32
    %dma_wait3A_287 = tpu.memref_slice %arg8[%dma_wait3A_285, %dma_wait3A_286] : memref<4x125xi32, #tpu.memory_space<vmem>> -> memref<1x125xi32, #tpu.memory_space<vmem>>
    %dma_wait3A_288 = tpu.memref_squeeze %dma_wait3A_287 : memref<1x125xi32, #tpu.memory_space<vmem>> -> memref<125xi32, #tpu.memory_space<vmem>>
    %dma_wait3A_289 = arith.constant 0 : i32
    %dma_wait3A_290 = arith.constant 0 : i32
    %dma_wait3A_291 = tpu.memref_slice %arg2[%dma_wait3A_289, %dma_wait3A_290] : memref<10000x128xf32, #tpu.memory_space<hbm>> -> memref<10000x128xf32, #tpu.memory_space<hbm>>
    tpu.wait_indirect_dma semaphore(%arg18 : memref<!tpu.dma_semaphore, #tpu.memory_space<semaphore_mem>>) src(%dma_wait3A_291 : memref<10000x128xf32, #tpu.memory_space<hbm>>) dst(%arg13 : memref<125x128xf32, #tpu.memory_space<vmem>>)
    %dma_start3A_292 = arith.constant 1 : i32
    %dma_start3A_293 = arith.constant 0 : i32
    %dma_start3A_294 = tpu.memref_slice %arg10[%dma_start3A_292, %dma_start3A_293] : memref<4x125xi32, #tpu.memory_space<vmem>> -> memref<1x125xi32, #tpu.memory_space<vmem>>
    %dma_start3A_295 = tpu.memref_squeeze %dma_start3A_294 : memref<1x125xi32, #tpu.memory_space<vmem>> -> memref<125xi32, #tpu.memory_space<vmem>>
    %dma_start3A_296 = arith.constant 0 : i32
    %dma_start3A_297 = arith.constant 0 : i32
    %dma_start3A_298 = tpu.memref_slice %arg15[%dma_start3A_296, %dma_start3A_297] : memref<10240x128xf32, #tpu.memory_space<vmem_shared>> -> memref<10240x128xf32, #tpu.memory_space<vmem_shared>>
    tpu.enqueue_indirect_dma source(%arg13 : memref<125x128xf32, #tpu.memory_space<vmem>>) target(%dma_start3A_298 : memref<10240x128xf32, #tpu.memory_space<vmem_shared>>) offsets(%dma_start3A_295 : memref<125xi32, #tpu.memory_space<vmem>>) semaphore(%arg20 : memref<!tpu.dma_semaphore, #tpu.memory_space<semaphore_mem>>) {add = true}
    %dma_start3A_299 = arith.constant 1 : i32
    %dma_start3A_300 = arith.constant 0 : i32
    %dma_start3A_301 = tpu.memref_slice %arg14[%dma_start3A_300] : memref<128xf32, #tpu.memory_space<vmem>> -> memref<125xf32, #tpu.memory_space<vmem>>
    %dma_start3A_302 = arith.constant 0 : i32
    %dma_start3A_303 = tpu.memref_slice %arg10[%dma_start3A_299, %dma_start3A_302] : memref<4x125xi32, #tpu.memory_space<vmem>> -> memref<1x125xi32, #tpu.memory_space<vmem>>
    %dma_start3A_304 = tpu.memref_squeeze %dma_start3A_303 : memref<1x125xi32, #tpu.memory_space<vmem>> -> memref<125xi32, #tpu.memory_space<vmem>>
    %dma_start3A_305 = arith.constant 0 : i32
    %dma_start3A_306 = tpu.memref_slice %arg16[%dma_start3A_305] : memref<10240xf32, #tpu.memory_space<vmem_shared>> -> memref<10240xf32, #tpu.memory_space<vmem_shared>>
    tpu.enqueue_indirect_dma source(%dma_start3A_301 : memref<125xf32, #tpu.memory_space<vmem>>) target(%dma_start3A_306 : memref<10240xf32, #tpu.memory_space<vmem_shared>>) offsets(%dma_start3A_304 : memref<125xi32, #tpu.memory_space<vmem>>) semaphore(%arg20 : memref<!tpu.dma_semaphore, #tpu.memory_space<semaphore_mem>>) {add = true}
    %dma_wait3A_307 = arith.constant 1 : i32
    %dma_wait3A_308 = arith.constant 0 : i32
    %dma_wait3A_309 = tpu.memref_slice %arg10[%dma_wait3A_307, %dma_wait3A_308] : memref<4x125xi32, #tpu.memory_space<vmem>> -> memref<1x125xi32, #tpu.memory_space<vmem>>
    %dma_wait3A_310 = tpu.memref_squeeze %dma_wait3A_309 : memref<1x125xi32, #tpu.memory_space<vmem>> -> memref<125xi32, #tpu.memory_space<vmem>>
    %dma_wait3A_311 = arith.constant 0 : i32
    %dma_wait3A_312 = arith.constant 0 : i32
    %dma_wait3A_313 = tpu.memref_slice %arg15[%dma_wait3A_311, %dma_wait3A_312] : memref<10240x128xf32, #tpu.memory_space<vmem_shared>> -> memref<10240x128xf32, #tpu.memory_space<vmem_shared>>
    tpu.wait_indirect_dma semaphore(%arg20 : memref<!tpu.dma_semaphore, #tpu.memory_space<semaphore_mem>>) src(%arg13 : memref<125x128xf32, #tpu.memory_space<vmem>>) dst(%dma_wait3A_313 : memref<10240x128xf32, #tpu.memory_space<vmem_shared>>)
    %dma_wait3A_314 = arith.constant 1 : i32
    %dma_wait3A_315 = arith.constant 0 : i32
    %dma_wait3A_316 = tpu.memref_slice %arg14[%dma_wait3A_315] : memref<128xf32, #tpu.memory_space<vmem>> -> memref<125xf32, #tpu.memory_space<vmem>>
    %dma_wait3A_317 = arith.constant 0 : i32
    %dma_wait3A_318 = tpu.memref_slice %arg10[%dma_wait3A_314, %dma_wait3A_317] : memref<4x125xi32, #tpu.memory_space<vmem>> -> memref<1x125xi32, #tpu.memory_space<vmem>>
    %dma_wait3A_319 = tpu.memref_squeeze %dma_wait3A_318 : memref<1x125xi32, #tpu.memory_space<vmem>> -> memref<125xi32, #tpu.memory_space<vmem>>
    %dma_wait3A_320 = arith.constant 0 : i32
    %dma_wait3A_321 = tpu.memref_slice %arg16[%dma_wait3A_320] : memref<10240xf32, #tpu.memory_space<vmem_shared>> -> memref<10240xf32, #tpu.memory_space<vmem_shared>>
    tpu.wait_indirect_dma semaphore(%arg20 : memref<!tpu.dma_semaphore, #tpu.memory_space<semaphore_mem>>) src(%dma_wait3A_316 : memref<125xf32, #tpu.memory_space<vmem>>) dst(%dma_wait3A_321 : memref<10240xf32, #tpu.memory_space<vmem_shared>>)
    %dma_start3A_322 = arith.constant 3 : i32
    %dma_start3A_323 = arith.constant 0 : i32
    %dma_start3A_324 = tpu.memref_slice %arg8[%dma_start3A_322, %dma_start3A_323] : memref<4x125xi32, #tpu.memory_space<vmem>> -> memref<1x125xi32, #tpu.memory_space<vmem>>
    %dma_start3A_325 = tpu.memref_squeeze %dma_start3A_324 : memref<1x125xi32, #tpu.memory_space<vmem>> -> memref<125xi32, #tpu.memory_space<vmem>>
    %dma_start3A_326 = arith.constant 0 : i32
    %dma_start3A_327 = arith.constant 0 : i32
    %dma_start3A_328 = tpu.memref_slice %arg2[%dma_start3A_326, %dma_start3A_327] : memref<10000x128xf32, #tpu.memory_space<hbm>> -> memref<10000x128xf32, #tpu.memory_space<hbm>>
    tpu.enqueue_indirect_dma source(%dma_start3A_328 : memref<10000x128xf32, #tpu.memory_space<hbm>>) target(%arg13 : memref<125x128xf32, #tpu.memory_space<vmem>>) offsets(%dma_start3A_325 : memref<125xi32, #tpu.memory_space<vmem>>) semaphore(%arg18 : memref<!tpu.dma_semaphore, #tpu.memory_space<semaphore_mem>>)
    %dma_wait3A_329 = arith.constant 2 : i32
    %dma_wait3A_330 = arith.constant 0 : i32
    %dma_wait3A_331 = tpu.memref_slice %arg8[%dma_wait3A_329, %dma_wait3A_330] : memref<4x125xi32, #tpu.memory_space<vmem>> -> memref<1x125xi32, #tpu.memory_space<vmem>>
    %dma_wait3A_332 = tpu.memref_squeeze %dma_wait3A_331 : memref<1x125xi32, #tpu.memory_space<vmem>> -> memref<125xi32, #tpu.memory_space<vmem>>
    %dma_wait3A_333 = arith.constant 0 : i32
    %dma_wait3A_334 = arith.constant 0 : i32
    %dma_wait3A_335 = tpu.memref_slice %arg2[%dma_wait3A_333, %dma_wait3A_334] : memref<10000x128xf32, #tpu.memory_space<hbm>> -> memref<10000x128xf32, #tpu.memory_space<hbm>>
    tpu.wait_indirect_dma semaphore(%arg17 : memref<!tpu.dma_semaphore, #tpu.memory_space<semaphore_mem>>) src(%dma_wait3A_335 : memref<10000x128xf32, #tpu.memory_space<hbm>>) dst(%arg12 : memref<125x128xf32, #tpu.memory_space<vmem>>)
    %dma_start3A_336 = arith.constant 2 : i32
    %dma_start3A_337 = arith.constant 0 : i32
    %dma_start3A_338 = tpu.memref_slice %arg10[%dma_start3A_336, %dma_start3A_337] : memref<4x125xi32, #tpu.memory_space<vmem>> -> memref<1x125xi32, #tpu.memory_space<vmem>>
    %dma_start3A_339 = tpu.memref_squeeze %dma_start3A_338 : memref<1x125xi32, #tpu.memory_space<vmem>> -> memref<125xi32, #tpu.memory_space<vmem>>
    %dma_start3A_340 = arith.constant 0 : i32
    %dma_start3A_341 = arith.constant 0 : i32
    %dma_start3A_342 = tpu.memref_slice %arg15[%dma_start3A_340, %dma_start3A_341] : memref<10240x128xf32, #tpu.memory_space<vmem_shared>> -> memref<10240x128xf32, #tpu.memory_space<vmem_shared>>
    tpu.enqueue_indirect_dma source(%arg12 : memref<125x128xf32, #tpu.memory_space<vmem>>) target(%dma_start3A_342 : memref<10240x128xf32, #tpu.memory_space<vmem_shared>>) offsets(%dma_start3A_339 : memref<125xi32, #tpu.memory_space<vmem>>) semaphore(%arg19 : memref<!tpu.dma_semaphore, #tpu.memory_space<semaphore_mem>>) {add = true}
    %dma_start3A_343 = arith.constant 2 : i32
    %dma_start3A_344 = arith.constant 0 : i32
    %dma_start3A_345 = tpu.memref_slice %arg14[%dma_start3A_344] : memref<128xf32, #tpu.memory_space<vmem>> -> memref<125xf32, #tpu.memory_space<vmem>>
    %dma_start3A_346 = arith.constant 0 : i32
    %dma_start3A_347 = tpu.memref_slice %arg10[%dma_start3A_343, %dma_start3A_346] : memref<4x125xi32, #tpu.memory_space<vmem>> -> memref<1x125xi32, #tpu.memory_space<vmem>>
    %dma_start3A_348 = tpu.memref_squeeze %dma_start3A_347 : memref<1x125xi32, #tpu.memory_space<vmem>> -> memref<125xi32, #tpu.memory_space<vmem>>
    %dma_start3A_349 = arith.constant 0 : i32
    %dma_start3A_350 = tpu.memref_slice %arg16[%dma_start3A_349] : memref<10240xf32, #tpu.memory_space<vmem_shared>> -> memref<10240xf32, #tpu.memory_space<vmem_shared>>
    tpu.enqueue_indirect_dma source(%dma_start3A_345 : memref<125xf32, #tpu.memory_space<vmem>>) target(%dma_start3A_350 : memref<10240xf32, #tpu.memory_space<vmem_shared>>) offsets(%dma_start3A_348 : memref<125xi32, #tpu.memory_space<vmem>>) semaphore(%arg19 : memref<!tpu.dma_semaphore, #tpu.memory_space<semaphore_mem>>) {add = true}
    %scan3A = arith.constant 0 : i32
    %scan3A_351 = arith.constant 0 : i32
    %scan3A_352 = arith.constant 9 : i32
    %scan3A_353 = arith.addi %scan3A_351, %scan3A_352 : i32
    %scan3A_354 = arith.constant 1 : i32
    scf.for %scan3A_651 = %scan3A_351 to %scan3A_353 step %scan3A_354  : i32 {
      %mul3A_652 = arith.constant 2 : i32
      %mul3A_653 = arith.muli %mul3A_652, %scan3A_651 : i32
      %add3A_654 = arith.constant 1 : i32
      %add3A_655 = arith.addi %mul3A_653, %add3A_654 : i32
      %dma_wait3A_656 = arith.constant 0 : i32
      %dma_wait3A_657 = arith.constant 0 : i32
      %dma_wait3A_658 = arith.constant 0 : i32
      %dma_wait3A_659 = arith.constant 0 : i32
      %dma_wait3A_660 = arith.constant 0 : i32
      %dma_wait3A_661 = arith.constant 0 : i32
      %dma_wait3A_662 = arith.constant 0 : i32
      %dma_wait3A_663 = tpu.memref_slice %arg3[%dma_wait3A_656, %dma_wait3A_659, %dma_wait3A_660, %dma_wait3A_661, %dma_wait3A_662] : memref<2x32x20x4x125xi32, #tpu.memory_space<hbm>> -> memref<1x32x20x4x125xi32, #tpu.memory_space<hbm>>
      %dma_wait3A_664 = tpu.memref_squeeze %dma_wait3A_663 : memref<1x32x20x4x125xi32, #tpu.memory_space<hbm>> -> memref<32x20x4x125xi32, #tpu.memory_space<hbm>>
      %dma_wait3A_665 = arith.constant 0 : i32
      %dma_wait3A_666 = arith.constant 0 : i32
      %dma_wait3A_667 = arith.constant 0 : i32
      %dma_wait3A_668 = tpu.memref_slice %dma_wait3A_664[%dma_wait3A_657, %dma_wait3A_665, %dma_wait3A_666, %dma_wait3A_667] : memref<32x20x4x125xi32, #tpu.memory_space<hbm>> -> memref<1x20x4x125xi32, #tpu.memory_space<hbm>>
      %dma_wait3A_669 = tpu.memref_squeeze %dma_wait3A_668 : memref<1x20x4x125xi32, #tpu.memory_space<hbm>> -> memref<20x4x125xi32, #tpu.memory_space<hbm>>
      %dma_wait3A_670 = arith.constant 0 : i32
      %dma_wait3A_671 = arith.constant 0 : i32
      %dma_wait3A_672 = tpu.memref_slice %dma_wait3A_669[%dma_wait3A_658, %dma_wait3A_670, %dma_wait3A_671] : memref<20x4x125xi32, #tpu.memory_space<hbm>> -> memref<1x4x125xi32, #tpu.memory_space<hbm>>
      %dma_wait3A_673 = tpu.memref_squeeze %dma_wait3A_672 : memref<1x4x125xi32, #tpu.memory_space<hbm>> -> memref<4x125xi32, #tpu.memory_space<hbm>>
      %dma_wait3A_674 = arith.constant 0 : i32
      %dma_wait3A_675 = arith.constant 0 : i32
      %dma_wait3A_676 = arith.constant 0 : i32
      %dma_wait3A_677 = arith.constant 0 : i32
      %dma_wait3A_678 = tpu.memref_slice %arg3[%dma_wait3A_656, %dma_wait3A_674, %dma_wait3A_675, %dma_wait3A_676, %dma_wait3A_677] : memref<2x32x20x4x125xi32, #tpu.memory_space<hbm>> -> memref<1x32x20x4x125xi32, #tpu.memory_space<hbm>>
      %dma_wait3A_679 = tpu.memref_squeeze %dma_wait3A_678 : memref<1x32x20x4x125xi32, #tpu.memory_space<hbm>> -> memref<32x20x4x125xi32, #tpu.memory_space<hbm>>
      %dma_wait3A_680 = arith.constant 0 : i32
      %dma_wait3A_681 = arith.constant 0 : i32
      %dma_wait3A_682 = arith.constant 0 : i32
      %dma_wait3A_683 = tpu.memref_slice %dma_wait3A_679[%dma_wait3A_657, %dma_wait3A_680, %dma_wait3A_681, %dma_wait3A_682] : memref<32x20x4x125xi32, #tpu.memory_space<hbm>> -> memref<1x20x4x125xi32, #tpu.memory_space<hbm>>
      %dma_wait3A_684 = tpu.memref_squeeze %dma_wait3A_683 : memref<1x20x4x125xi32, #tpu.memory_space<hbm>> -> memref<20x4x125xi32, #tpu.memory_space<hbm>>
      %dma_wait3A_685 = arith.constant 0 : i32
      %dma_wait3A_686 = arith.constant 0 : i32
      %dma_wait3A_687 = tpu.memref_slice %dma_wait3A_684[%dma_wait3A_658, %dma_wait3A_685, %dma_wait3A_686] : memref<20x4x125xi32, #tpu.memory_space<hbm>> -> memref<1x4x125xi32, #tpu.memory_space<hbm>>
      %dma_wait3A_688 = tpu.memref_squeeze %dma_wait3A_687 : memref<1x4x125xi32, #tpu.memory_space<hbm>> -> memref<4x125xi32, #tpu.memory_space<hbm>>
      tpu.wait_dma2 semaphore(%arg22 : memref<!tpu.dma_semaphore, #tpu.memory_space<semaphore_mem>>) src(%dma_wait3A_688 : memref<4x125xi32, #tpu.memory_space<hbm>>) dst(%arg9 : memref<4x125xi32, #tpu.memory_space<vmem>>)
      %dma_wait3A_689 = arith.constant 1 : i32
      %dma_wait3A_690 = arith.constant 0 : i32
      %dma_wait3A_691 = arith.constant 0 : i32
      %dma_wait3A_692 = arith.constant 0 : i32
      %dma_wait3A_693 = arith.constant 0 : i32
      %dma_wait3A_694 = arith.constant 0 : i32
      %dma_wait3A_695 = arith.constant 0 : i32
      %dma_wait3A_696 = tpu.memref_slice %arg3[%dma_wait3A_689, %dma_wait3A_692, %dma_wait3A_693, %dma_wait3A_694, %dma_wait3A_695] : memref<2x32x20x4x125xi32, #tpu.memory_space<hbm>> -> memref<1x32x20x4x125xi32, #tpu.memory_space<hbm>>
      %dma_wait3A_697 = tpu.memref_squeeze %dma_wait3A_696 : memref<1x32x20x4x125xi32, #tpu.memory_space<hbm>> -> memref<32x20x4x125xi32, #tpu.memory_space<hbm>>
      %dma_wait3A_698 = arith.constant 0 : i32
      %dma_wait3A_699 = arith.constant 0 : i32
      %dma_wait3A_700 = arith.constant 0 : i32
      %dma_wait3A_701 = tpu.memref_slice %dma_wait3A_697[%dma_wait3A_690, %dma_wait3A_698, %dma_wait3A_699, %dma_wait3A_700] : memref<32x20x4x125xi32, #tpu.memory_space<hbm>> -> memref<1x20x4x125xi32, #tpu.memory_space<hbm>>
      %dma_wait3A_702 = tpu.memref_squeeze %dma_wait3A_701 : memref<1x20x4x125xi32, #tpu.memory_space<hbm>> -> memref<20x4x125xi32, #tpu.memory_space<hbm>>
      %dma_wait3A_703 = arith.constant 0 : i32
      %dma_wait3A_704 = arith.constant 0 : i32
      %dma_wait3A_705 = tpu.memref_slice %dma_wait3A_702[%dma_wait3A_691, %dma_wait3A_703, %dma_wait3A_704] : memref<20x4x125xi32, #tpu.memory_space<hbm>> -> memref<1x4x125xi32, #tpu.memory_space<hbm>>
      %dma_wait3A_706 = tpu.memref_squeeze %dma_wait3A_705 : memref<1x4x125xi32, #tpu.memory_space<hbm>> -> memref<4x125xi32, #tpu.memory_space<hbm>>
      %dma_wait3A_707 = arith.constant 0 : i32
      %dma_wait3A_708 = arith.constant 0 : i32
      %dma_wait3A_709 = arith.constant 0 : i32
      %dma_wait3A_710 = arith.constant 0 : i32
      %dma_wait3A_711 = tpu.memref_slice %arg3[%dma_wait3A_689, %dma_wait3A_707, %dma_wait3A_708, %dma_wait3A_709, %dma_wait3A_710] : memref<2x32x20x4x125xi32, #tpu.memory_space<hbm>> -> memref<1x32x20x4x125xi32, #tpu.memory_space<hbm>>
      %dma_wait3A_712 = tpu.memref_squeeze %dma_wait3A_711 : memref<1x32x20x4x125xi32, #tpu.memory_space<hbm>> -> memref<32x20x4x125xi32, #tpu.memory_space<hbm>>
      %dma_wait3A_713 = arith.constant 0 : i32
      %dma_wait3A_714 = arith.constant 0 : i32
      %dma_wait3A_715 = arith.constant 0 : i32
      %dma_wait3A_716 = tpu.memref_slice %dma_wait3A_712[%dma_wait3A_690, %dma_wait3A_713, %dma_wait3A_714, %dma_wait3A_715] : memref<32x20x4x125xi32, #tpu.memory_space<hbm>> -> memref<1x20x4x125xi32, #tpu.memory_space<hbm>>
      %dma_wait3A_717 = tpu.memref_squeeze %dma_wait3A_716 : memref<1x20x4x125xi32, #tpu.memory_space<hbm>> -> memref<20x4x125xi32, #tpu.memory_space<hbm>>
      %dma_wait3A_718 = arith.constant 0 : i32
      %dma_wait3A_719 = arith.constant 0 : i32
      %dma_wait3A_720 = tpu.memref_slice %dma_wait3A_717[%dma_wait3A_691, %dma_wait3A_718, %dma_wait3A_719] : memref<20x4x125xi32, #tpu.memory_space<hbm>> -> memref<1x4x125xi32, #tpu.memory_space<hbm>>
      %dma_wait3A_721 = tpu.memref_squeeze %dma_wait3A_720 : memref<1x4x125xi32, #tpu.memory_space<hbm>> -> memref<4x125xi32, #tpu.memory_space<hbm>>
      tpu.wait_dma2 semaphore(%arg22 : memref<!tpu.dma_semaphore, #tpu.memory_space<semaphore_mem>>) src(%dma_wait3A_721 : memref<4x125xi32, #tpu.memory_space<hbm>>) dst(%arg11 : memref<4x125xi32, #tpu.memory_space<vmem>>)
      %dma_wait3A_722 = arith.constant 2 : i32
      %dma_wait3A_723 = arith.constant 0 : i32
      %dma_wait3A_724 = tpu.memref_slice %arg10[%dma_wait3A_722, %dma_wait3A_723] : memref<4x125xi32, #tpu.memory_space<vmem>> -> memref<1x125xi32, #tpu.memory_space<vmem>>
      %dma_wait3A_725 = tpu.memref_squeeze %dma_wait3A_724 : memref<1x125xi32, #tpu.memory_space<vmem>> -> memref<125xi32, #tpu.memory_space<vmem>>
      %dma_wait3A_726 = arith.constant 0 : i32
      %dma_wait3A_727 = arith.constant 0 : i32
      %dma_wait3A_728 = tpu.memref_slice %arg15[%dma_wait3A_726, %dma_wait3A_727] : memref<10240x128xf32, #tpu.memory_space<vmem_shared>> -> memref<10240x128xf32, #tpu.memory_space<vmem_shared>>
      tpu.wait_indirect_dma semaphore(%arg19 : memref<!tpu.dma_semaphore, #tpu.memory_space<semaphore_mem>>) src(%arg12 : memref<125x128xf32, #tpu.memory_space<vmem>>) dst(%dma_wait3A_728 : memref<10240x128xf32, #tpu.memory_space<vmem_shared>>)
      %dma_wait3A_729 = arith.constant 2 : i32
      %dma_wait3A_730 = arith.constant 0 : i32
      %dma_wait3A_731 = tpu.memref_slice %arg14[%dma_wait3A_730] : memref<128xf32, #tpu.memory_space<vmem>> -> memref<125xf32, #tpu.memory_space<vmem>>
      %dma_wait3A_732 = arith.constant 0 : i32
      %dma_wait3A_733 = tpu.memref_slice %arg10[%dma_wait3A_729, %dma_wait3A_732] : memref<4x125xi32, #tpu.memory_space<vmem>> -> memref<1x125xi32, #tpu.memory_space<vmem>>
      %dma_wait3A_734 = tpu.memref_squeeze %dma_wait3A_733 : memref<1x125xi32, #tpu.memory_space<vmem>> -> memref<125xi32, #tpu.memory_space<vmem>>
      %dma_wait3A_735 = arith.constant 0 : i32
      %dma_wait3A_736 = tpu.memref_slice %arg16[%dma_wait3A_735] : memref<10240xf32, #tpu.memory_space<vmem_shared>> -> memref<10240xf32, #tpu.memory_space<vmem_shared>>
      tpu.wait_indirect_dma semaphore(%arg19 : memref<!tpu.dma_semaphore, #tpu.memory_space<semaphore_mem>>) src(%dma_wait3A_731 : memref<125xf32, #tpu.memory_space<vmem>>) dst(%dma_wait3A_736 : memref<10240xf32, #tpu.memory_space<vmem_shared>>)
      %dma_start3A_737 = arith.constant 0 : i32
      %dma_start3A_738 = arith.constant 0 : i32
      %dma_start3A_739 = tpu.memref_slice %arg9[%dma_start3A_737, %dma_start3A_738] : memref<4x125xi32, #tpu.memory_space<vmem>> -> memref<1x125xi32, #tpu.memory_space<vmem>>
      %dma_start3A_740 = tpu.memref_squeeze %dma_start3A_739 : memref<1x125xi32, #tpu.memory_space<vmem>> -> memref<125xi32, #tpu.memory_space<vmem>>
      %dma_start3A_741 = arith.constant 0 : i32
      %dma_start3A_742 = arith.constant 0 : i32
      %dma_start3A_743 = tpu.memref_slice %arg2[%dma_start3A_741, %dma_start3A_742] : memref<10000x128xf32, #tpu.memory_space<hbm>> -> memref<10000x128xf32, #tpu.memory_space<hbm>>
      tpu.enqueue_indirect_dma source(%dma_start3A_743 : memref<10000x128xf32, #tpu.memory_space<hbm>>) target(%arg12 : memref<125x128xf32, #tpu.memory_space<vmem>>) offsets(%dma_start3A_740 : memref<125xi32, #tpu.memory_space<vmem>>) semaphore(%arg17 : memref<!tpu.dma_semaphore, #tpu.memory_space<semaphore_mem>>)
      %dma_wait3A_744 = arith.constant 3 : i32
      %dma_wait3A_745 = arith.constant 0 : i32
      %dma_wait3A_746 = tpu.memref_slice %arg8[%dma_wait3A_744, %dma_wait3A_745] : memref<4x125xi32, #tpu.memory_space<vmem>> -> memref<1x125xi32, #tpu.memory_space<vmem>>
      %dma_wait3A_747 = tpu.memref_squeeze %dma_wait3A_746 : memref<1x125xi32, #tpu.memory_space<vmem>> -> memref<125xi32, #tpu.memory_space<vmem>>
      %dma_wait3A_748 = arith.constant 0 : i32
      %dma_wait3A_749 = arith.constant 0 : i32
      %dma_wait3A_750 = tpu.memref_slice %arg2[%dma_wait3A_748, %dma_wait3A_749] : memref<10000x128xf32, #tpu.memory_space<hbm>> -> memref<10000x128xf32, #tpu.memory_space<hbm>>
      tpu.wait_indirect_dma semaphore(%arg18 : memref<!tpu.dma_semaphore, #tpu.memory_space<semaphore_mem>>) src(%dma_wait3A_750 : memref<10000x128xf32, #tpu.memory_space<hbm>>) dst(%arg13 : memref<125x128xf32, #tpu.memory_space<vmem>>)
      %dma_start3A_751 = arith.constant 3 : i32
      %dma_start3A_752 = arith.constant 0 : i32
      %dma_start3A_753 = tpu.memref_slice %arg10[%dma_start3A_751, %dma_start3A_752] : memref<4x125xi32, #tpu.memory_space<vmem>> -> memref<1x125xi32, #tpu.memory_space<vmem>>
      %dma_start3A_754 = tpu.memref_squeeze %dma_start3A_753 : memref<1x125xi32, #tpu.memory_space<vmem>> -> memref<125xi32, #tpu.memory_space<vmem>>
      %dma_start3A_755 = arith.constant 0 : i32
      %dma_start3A_756 = arith.constant 0 : i32
      %dma_start3A_757 = tpu.memref_slice %arg15[%dma_start3A_755, %dma_start3A_756] : memref<10240x128xf32, #tpu.memory_space<vmem_shared>> -> memref<10240x128xf32, #tpu.memory_space<vmem_shared>>
      tpu.enqueue_indirect_dma source(%arg13 : memref<125x128xf32, #tpu.memory_space<vmem>>) target(%dma_start3A_757 : memref<10240x128xf32, #tpu.memory_space<vmem_shared>>) offsets(%dma_start3A_754 : memref<125xi32, #tpu.memory_space<vmem>>) semaphore(%arg20 : memref<!tpu.dma_semaphore, #tpu.memory_space<semaphore_mem>>) {add = true}
      %dma_start3A_758 = arith.constant 3 : i32
      %dma_start3A_759 = arith.constant 0 : i32
      %dma_start3A_760 = tpu.memref_slice %arg14[%dma_start3A_759] : memref<128xf32, #tpu.memory_space<vmem>> -> memref<125xf32, #tpu.memory_space<vmem>>
      %dma_start3A_761 = arith.constant 0 : i32
      %dma_start3A_762 = tpu.memref_slice %arg10[%dma_start3A_758, %dma_start3A_761] : memref<4x125xi32, #tpu.memory_space<vmem>> -> memref<1x125xi32, #tpu.memory_space<vmem>>
      %dma_start3A_763 = tpu.memref_squeeze %dma_start3A_762 : memref<1x125xi32, #tpu.memory_space<vmem>> -> memref<125xi32, #tpu.memory_space<vmem>>
      %dma_start3A_764 = arith.constant 0 : i32
      %dma_start3A_765 = tpu.memref_slice %arg16[%dma_start3A_764] : memref<10240xf32, #tpu.memory_space<vmem_shared>> -> memref<10240xf32, #tpu.memory_space<vmem_shared>>
      tpu.enqueue_indirect_dma source(%dma_start3A_760 : memref<125xf32, #tpu.memory_space<vmem>>) target(%dma_start3A_765 : memref<10240xf32, #tpu.memory_space<vmem_shared>>) offsets(%dma_start3A_763 : memref<125xi32, #tpu.memory_space<vmem>>) semaphore(%arg20 : memref<!tpu.dma_semaphore, #tpu.memory_space<semaphore_mem>>) {add = true}
      %dma_wait3A_766 = arith.constant 3 : i32
      %dma_wait3A_767 = arith.constant 0 : i32
      %dma_wait3A_768 = tpu.memref_slice %arg10[%dma_wait3A_766, %dma_wait3A_767] : memref<4x125xi32, #tpu.memory_space<vmem>> -> memref<1x125xi32, #tpu.memory_space<vmem>>
      %dma_wait3A_769 = tpu.memref_squeeze %dma_wait3A_768 : memref<1x125xi32, #tpu.memory_space<vmem>> -> memref<125xi32, #tpu.memory_space<vmem>>
      %dma_wait3A_770 = arith.constant 0 : i32
      %dma_wait3A_771 = arith.constant 0 : i32
      %dma_wait3A_772 = tpu.memref_slice %arg15[%dma_wait3A_770, %dma_wait3A_771] : memref<10240x128xf32, #tpu.memory_space<vmem_shared>> -> memref<10240x128xf32, #tpu.memory_space<vmem_shared>>
      tpu.wait_indirect_dma semaphore(%arg20 : memref<!tpu.dma_semaphore, #tpu.memory_space<semaphore_mem>>) src(%arg13 : memref<125x128xf32, #tpu.memory_space<vmem>>) dst(%dma_wait3A_772 : memref<10240x128xf32, #tpu.memory_space<vmem_shared>>)
      %dma_wait3A_773 = arith.constant 3 : i32
      %dma_wait3A_774 = arith.constant 0 : i32
      %dma_wait3A_775 = tpu.memref_slice %arg14[%dma_wait3A_774] : memref<128xf32, #tpu.memory_space<vmem>> -> memref<125xf32, #tpu.memory_space<vmem>>
      %dma_wait3A_776 = arith.constant 0 : i32
      %dma_wait3A_777 = tpu.memref_slice %arg10[%dma_wait3A_773, %dma_wait3A_776] : memref<4x125xi32, #tpu.memory_space<vmem>> -> memref<1x125xi32, #tpu.memory_space<vmem>>
      %dma_wait3A_778 = tpu.memref_squeeze %dma_wait3A_777 : memref<1x125xi32, #tpu.memory_space<vmem>> -> memref<125xi32, #tpu.memory_space<vmem>>
      %dma_wait3A_779 = arith.constant 0 : i32
      %dma_wait3A_780 = tpu.memref_slice %arg16[%dma_wait3A_779] : memref<10240xf32, #tpu.memory_space<vmem_shared>> -> memref<10240xf32, #tpu.memory_space<vmem_shared>>
      tpu.wait_indirect_dma semaphore(%arg20 : memref<!tpu.dma_semaphore, #tpu.memory_space<semaphore_mem>>) src(%dma_wait3A_775 : memref<125xf32, #tpu.memory_space<vmem>>) dst(%dma_wait3A_780 : memref<10240xf32, #tpu.memory_space<vmem_shared>>)
      %dma_start3A_781 = arith.constant 1 : i32
      %dma_start3A_782 = arith.constant 0 : i32
      %dma_start3A_783 = tpu.memref_slice %arg9[%dma_start3A_781, %dma_start3A_782] : memref<4x125xi32, #tpu.memory_space<vmem>> -> memref<1x125xi32, #tpu.memory_space<vmem>>
      %dma_start3A_784 = tpu.memref_squeeze %dma_start3A_783 : memref<1x125xi32, #tpu.memory_space<vmem>> -> memref<125xi32, #tpu.memory_space<vmem>>
      %dma_start3A_785 = arith.constant 0 : i32
      %dma_start3A_786 = arith.constant 0 : i32
      %dma_start3A_787 = tpu.memref_slice %arg2[%dma_start3A_785, %dma_start3A_786] : memref<10000x128xf32, #tpu.memory_space<hbm>> -> memref<10000x128xf32, #tpu.memory_space<hbm>>
      tpu.enqueue_indirect_dma source(%dma_start3A_787 : memref<10000x128xf32, #tpu.memory_space<hbm>>) target(%arg13 : memref<125x128xf32, #tpu.memory_space<vmem>>) offsets(%dma_start3A_784 : memref<125xi32, #tpu.memory_space<vmem>>) semaphore(%arg18 : memref<!tpu.dma_semaphore, #tpu.memory_space<semaphore_mem>>)
      %dma_wait3A_788 = arith.constant 0 : i32
      %dma_wait3A_789 = arith.constant 0 : i32
      %dma_wait3A_790 = tpu.memref_slice %arg9[%dma_wait3A_788, %dma_wait3A_789] : memref<4x125xi32, #tpu.memory_space<vmem>> -> memref<1x125xi32, #tpu.memory_space<vmem>>
      %dma_wait3A_791 = tpu.memref_squeeze %dma_wait3A_790 : memref<1x125xi32, #tpu.memory_space<vmem>> -> memref<125xi32, #tpu.memory_space<vmem>>
      %dma_wait3A_792 = arith.constant 0 : i32
      %dma_wait3A_793 = arith.constant 0 : i32
      %dma_wait3A_794 = tpu.memref_slice %arg2[%dma_wait3A_792, %dma_wait3A_793] : memref<10000x128xf32, #tpu.memory_space<hbm>> -> memref<10000x128xf32, #tpu.memory_space<hbm>>
      tpu.wait_indirect_dma semaphore(%arg17 : memref<!tpu.dma_semaphore, #tpu.memory_space<semaphore_mem>>) src(%dma_wait3A_794 : memref<10000x128xf32, #tpu.memory_space<hbm>>) dst(%arg12 : memref<125x128xf32, #tpu.memory_space<vmem>>)
      %dma_start3A_795 = arith.constant 0 : i32
      %dma_start3A_796 = arith.constant 0 : i32
      %dma_start3A_797 = tpu.memref_slice %arg11[%dma_start3A_795, %dma_start3A_796] : memref<4x125xi32, #tpu.memory_space<vmem>> -> memref<1x125xi32, #tpu.memory_space<vmem>>
      %dma_start3A_798 = tpu.memref_squeeze %dma_start3A_797 : memref<1x125xi32, #tpu.memory_space<vmem>> -> memref<125xi32, #tpu.memory_space<vmem>>
      %dma_start3A_799 = arith.constant 0 : i32
      %dma_start3A_800 = arith.constant 0 : i32
      %dma_start3A_801 = tpu.memref_slice %arg15[%dma_start3A_799, %dma_start3A_800] : memref<10240x128xf32, #tpu.memory_space<vmem_shared>> -> memref<10240x128xf32, #tpu.memory_space<vmem_shared>>
      tpu.enqueue_indirect_dma source(%arg12 : memref<125x128xf32, #tpu.memory_space<vmem>>) target(%dma_start3A_801 : memref<10240x128xf32, #tpu.memory_space<vmem_shared>>) offsets(%dma_start3A_798 : memref<125xi32, #tpu.memory_space<vmem>>) semaphore(%arg19 : memref<!tpu.dma_semaphore, #tpu.memory_space<semaphore_mem>>) {add = true}
      %dma_start3A_802 = arith.constant 0 : i32
      %dma_start3A_803 = arith.constant 0 : i32
      %dma_start3A_804 = tpu.memref_slice %arg14[%dma_start3A_803] : memref<128xf32, #tpu.memory_space<vmem>> -> memref<125xf32, #tpu.memory_space<vmem>>
      %dma_start3A_805 = arith.constant 0 : i32
      %dma_start3A_806 = tpu.memref_slice %arg11[%dma_start3A_802, %dma_start3A_805] : memref<4x125xi32, #tpu.memory_space<vmem>> -> memref<1x125xi32, #tpu.memory_space<vmem>>
      %dma_start3A_807 = tpu.memref_squeeze %dma_start3A_806 : memref<1x125xi32, #tpu.memory_space<vmem>> -> memref<125xi32, #tpu.memory_space<vmem>>
      %dma_start3A_808 = arith.constant 0 : i32
      %dma_start3A_809 = tpu.memref_slice %arg16[%dma_start3A_808] : memref<10240xf32, #tpu.memory_space<vmem_shared>> -> memref<10240xf32, #tpu.memory_space<vmem_shared>>
      tpu.enqueue_indirect_dma source(%dma_start3A_804 : memref<125xf32, #tpu.memory_space<vmem>>) target(%dma_start3A_809 : memref<10240xf32, #tpu.memory_space<vmem_shared>>) offsets(%dma_start3A_807 : memref<125xi32, #tpu.memory_space<vmem>>) semaphore(%arg19 : memref<!tpu.dma_semaphore, #tpu.memory_space<semaphore_mem>>) {add = true}
      %dma_wait3A_810 = arith.constant 0 : i32
      %dma_wait3A_811 = arith.constant 0 : i32
      %dma_wait3A_812 = tpu.memref_slice %arg11[%dma_wait3A_810, %dma_wait3A_811] : memref<4x125xi32, #tpu.memory_space<vmem>> -> memref<1x125xi32, #tpu.memory_space<vmem>>
      %dma_wait3A_813 = tpu.memref_squeeze %dma_wait3A_812 : memref<1x125xi32, #tpu.memory_space<vmem>> -> memref<125xi32, #tpu.memory_space<vmem>>
      %dma_wait3A_814 = arith.constant 0 : i32
      %dma_wait3A_815 = arith.constant 0 : i32
      %dma_wait3A_816 = tpu.memref_slice %arg15[%dma_wait3A_814, %dma_wait3A_815] : memref<10240x128xf32, #tpu.memory_space<vmem_shared>> -> memref<10240x128xf32, #tpu.memory_space<vmem_shared>>
      tpu.wait_indirect_dma semaphore(%arg19 : memref<!tpu.dma_semaphore, #tpu.memory_space<semaphore_mem>>) src(%arg12 : memref<125x128xf32, #tpu.memory_space<vmem>>) dst(%dma_wait3A_816 : memref<10240x128xf32, #tpu.memory_space<vmem_shared>>)
      %dma_wait3A_817 = arith.constant 0 : i32
      %dma_wait3A_818 = arith.constant 0 : i32
      %dma_wait3A_819 = tpu.memref_slice %arg14[%dma_wait3A_818] : memref<128xf32, #tpu.memory_space<vmem>> -> memref<125xf32, #tpu.memory_space<vmem>>
      %dma_wait3A_820 = arith.constant 0 : i32
      %dma_wait3A_821 = tpu.memref_slice %arg11[%dma_wait3A_817, %dma_wait3A_820] : memref<4x125xi32, #tpu.memory_space<vmem>> -> memref<1x125xi32, #tpu.memory_space<vmem>>
      %dma_wait3A_822 = tpu.memref_squeeze %dma_wait3A_821 : memref<1x125xi32, #tpu.memory_space<vmem>> -> memref<125xi32, #tpu.memory_space<vmem>>
      %dma_wait3A_823 = arith.constant 0 : i32
      %dma_wait3A_824 = tpu.memref_slice %arg16[%dma_wait3A_823] : memref<10240xf32, #tpu.memory_space<vmem_shared>> -> memref<10240xf32, #tpu.memory_space<vmem_shared>>
      tpu.wait_indirect_dma semaphore(%arg19 : memref<!tpu.dma_semaphore, #tpu.memory_space<semaphore_mem>>) src(%dma_wait3A_819 : memref<125xf32, #tpu.memory_space<vmem>>) dst(%dma_wait3A_824 : memref<10240xf32, #tpu.memory_space<vmem_shared>>)
      %add3A_825 = arith.constant 1 : i32
      %add3A_826 = arith.addi %add3A_655, %add3A_825 : i32
      %dma_start3A_827 = arith.constant 0 : i32
      %dma_start3A_828 = arith.constant 0 : i32
      %dma_start3A_829 = arith.constant 0 : i32
      %dma_start3A_830 = arith.constant 0 : i32
      %dma_start3A_831 = arith.constant 0 : i32
      %dma_start3A_832 = tpu.memref_slice %arg3[%dma_start3A_827, %dma_start3A_828, %dma_start3A_829, %dma_start3A_830, %dma_start3A_831] : memref<2x32x20x4x125xi32, #tpu.memory_space<hbm>> -> memref<1x32x20x4x125xi32, #tpu.memory_space<hbm>>
      %dma_start3A_833 = tpu.memref_squeeze %dma_start3A_832 : memref<1x32x20x4x125xi32, #tpu.memory_space<hbm>> -> memref<32x20x4x125xi32, #tpu.memory_space<hbm>>
      %dma_start3A_834 = arith.constant 0 : i32
      %dma_start3A_835 = arith.constant 0 : i32
      %dma_start3A_836 = arith.constant 0 : i32
      %dma_start3A_837 = tpu.memref_slice %dma_start3A_833[%add3A, %dma_start3A_834, %dma_start3A_835, %dma_start3A_836] : memref<32x20x4x125xi32, #tpu.memory_space<hbm>> -> memref<1x20x4x125xi32, #tpu.memory_space<hbm>>
      %dma_start3A_838 = tpu.memref_squeeze %dma_start3A_837 : memref<1x20x4x125xi32, #tpu.memory_space<hbm>> -> memref<20x4x125xi32, #tpu.memory_space<hbm>>
      %dma_start3A_839 = arith.constant 0 : i32
      %dma_start3A_840 = arith.constant 0 : i32
      %dma_start3A_841 = tpu.memref_slice %dma_start3A_838[%add3A_826, %dma_start3A_839, %dma_start3A_840] : memref<20x4x125xi32, #tpu.memory_space<hbm>> -> memref<1x4x125xi32, #tpu.memory_space<hbm>>
      %dma_start3A_842 = tpu.memref_squeeze %dma_start3A_841 : memref<1x4x125xi32, #tpu.memory_space<hbm>> -> memref<4x125xi32, #tpu.memory_space<hbm>>
      %dma_start3A_843 = arith.constant 0 : i32
      %dma_start3A_844 = arith.constant 0 : i32
      %dma_start3A_845 = arith.constant 0 : i32
      %dma_start3A_846 = arith.constant 0 : i32
      %dma_start3A_847 = tpu.memref_slice %arg3[%dma_start3A_827, %dma_start3A_843, %dma_start3A_844, %dma_start3A_845, %dma_start3A_846] : memref<2x32x20x4x125xi32, #tpu.memory_space<hbm>> -> memref<1x32x20x4x125xi32, #tpu.memory_space<hbm>>
      %dma_start3A_848 = tpu.memref_squeeze %dma_start3A_847 : memref<1x32x20x4x125xi32, #tpu.memory_space<hbm>> -> memref<32x20x4x125xi32, #tpu.memory_space<hbm>>
      %dma_start3A_849 = arith.constant 0 : i32
      %dma_start3A_850 = arith.constant 0 : i32
      %dma_start3A_851 = arith.constant 0 : i32
      %dma_start3A_852 = tpu.memref_slice %dma_start3A_848[%add3A, %dma_start3A_849, %dma_start3A_850, %dma_start3A_851] : memref<32x20x4x125xi32, #tpu.memory_space<hbm>> -> memref<1x20x4x125xi32, #tpu.memory_space<hbm>>
      %dma_start3A_853 = tpu.memref_squeeze %dma_start3A_852 : memref<1x20x4x125xi32, #tpu.memory_space<hbm>> -> memref<20x4x125xi32, #tpu.memory_space<hbm>>
      %dma_start3A_854 = arith.constant 0 : i32
      %dma_start3A_855 = arith.constant 0 : i32
      %dma_start3A_856 = tpu.memref_slice %dma_start3A_853[%add3A_826, %dma_start3A_854, %dma_start3A_855] : memref<20x4x125xi32, #tpu.memory_space<hbm>> -> memref<1x4x125xi32, #tpu.memory_space<hbm>>
      %dma_start3A_857 = tpu.memref_squeeze %dma_start3A_856 : memref<1x4x125xi32, #tpu.memory_space<hbm>> -> memref<4x125xi32, #tpu.memory_space<hbm>>
      tpu.enqueue_dma source(%dma_start3A_857 : memref<4x125xi32, #tpu.memory_space<hbm>>) target(%arg8 : memref<4x125xi32, #tpu.memory_space<vmem>>) target_semaphore(%arg21 : memref<!tpu.dma_semaphore, #tpu.memory_space<semaphore_mem>>)
      %dma_start3A_858 = arith.constant 1 : i32
      %dma_start3A_859 = arith.constant 0 : i32
      %dma_start3A_860 = arith.constant 0 : i32
      %dma_start3A_861 = arith.constant 0 : i32
      %dma_start3A_862 = arith.constant 0 : i32
      %dma_start3A_863 = tpu.memref_slice %arg3[%dma_start3A_858, %dma_start3A_859, %dma_start3A_860, %dma_start3A_861, %dma_start3A_862] : memref<2x32x20x4x125xi32, #tpu.memory_space<hbm>> -> memref<1x32x20x4x125xi32, #tpu.memory_space<hbm>>
      %dma_start3A_864 = tpu.memref_squeeze %dma_start3A_863 : memref<1x32x20x4x125xi32, #tpu.memory_space<hbm>> -> memref<32x20x4x125xi32, #tpu.memory_space<hbm>>
      %dma_start3A_865 = arith.constant 0 : i32
      %dma_start3A_866 = arith.constant 0 : i32
      %dma_start3A_867 = arith.constant 0 : i32
      %dma_start3A_868 = tpu.memref_slice %dma_start3A_864[%add3A, %dma_start3A_865, %dma_start3A_866, %dma_start3A_867] : memref<32x20x4x125xi32, #tpu.memory_space<hbm>> -> memref<1x20x4x125xi32, #tpu.memory_space<hbm>>
      %dma_start3A_869 = tpu.memref_squeeze %dma_start3A_868 : memref<1x20x4x125xi32, #tpu.memory_space<hbm>> -> memref<20x4x125xi32, #tpu.memory_space<hbm>>
      %dma_start3A_870 = arith.constant 0 : i32
      %dma_start3A_871 = arith.constant 0 : i32
      %dma_start3A_872 = tpu.memref_slice %dma_start3A_869[%add3A_826, %dma_start3A_870, %dma_start3A_871] : memref<20x4x125xi32, #tpu.memory_space<hbm>> -> memref<1x4x125xi32, #tpu.memory_space<hbm>>
      %dma_start3A_873 = tpu.memref_squeeze %dma_start3A_872 : memref<1x4x125xi32, #tpu.memory_space<hbm>> -> memref<4x125xi32, #tpu.memory_space<hbm>>
      %dma_start3A_874 = arith.constant 0 : i32
      %dma_start3A_875 = arith.constant 0 : i32
      %dma_start3A_876 = arith.constant 0 : i32
      %dma_start3A_877 = arith.constant 0 : i32
      %dma_start3A_878 = tpu.memref_slice %arg3[%dma_start3A_858, %dma_start3A_874, %dma_start3A_875, %dma_start3A_876, %dma_start3A_877] : memref<2x32x20x4x125xi32, #tpu.memory_space<hbm>> -> memref<1x32x20x4x125xi32, #tpu.memory_space<hbm>>
      %dma_start3A_879 = tpu.memref_squeeze %dma_start3A_878 : memref<1x32x20x4x125xi32, #tpu.memory_space<hbm>> -> memref<32x20x4x125xi32, #tpu.memory_space<hbm>>
      %dma_start3A_880 = arith.constant 0 : i32
      %dma_start3A_881 = arith.constant 0 : i32
      %dma_start3A_882 = arith.constant 0 : i32
      %dma_start3A_883 = tpu.memref_slice %dma_start3A_879[%add3A, %dma_start3A_880, %dma_start3A_881, %dma_start3A_882] : memref<32x20x4x125xi32, #tpu.memory_space<hbm>> -> memref<1x20x4x125xi32, #tpu.memory_space<hbm>>
      %dma_start3A_884 = tpu.memref_squeeze %dma_start3A_883 : memref<1x20x4x125xi32, #tpu.memory_space<hbm>> -> memref<20x4x125xi32, #tpu.memory_space<hbm>>
      %dma_start3A_885 = arith.constant 0 : i32
      %dma_start3A_886 = arith.constant 0 : i32
      %dma_start3A_887 = tpu.memref_slice %dma_start3A_884[%add3A_826, %dma_start3A_885, %dma_start3A_886] : memref<20x4x125xi32, #tpu.memory_space<hbm>> -> memref<1x4x125xi32, #tpu.memory_space<hbm>>
      %dma_start3A_888 = tpu.memref_squeeze %dma_start3A_887 : memref<1x4x125xi32, #tpu.memory_space<hbm>> -> memref<4x125xi32, #tpu.memory_space<hbm>>
      tpu.enqueue_dma source(%dma_start3A_888 : memref<4x125xi32, #tpu.memory_space<hbm>>) target(%arg10 : memref<4x125xi32, #tpu.memory_space<vmem>>) target_semaphore(%arg21 : memref<!tpu.dma_semaphore, #tpu.memory_space<semaphore_mem>>)
      %dma_start3A_889 = arith.constant 2 : i32
      %dma_start3A_890 = arith.constant 0 : i32
      %dma_start3A_891 = tpu.memref_slice %arg9[%dma_start3A_889, %dma_start3A_890] : memref<4x125xi32, #tpu.memory_space<vmem>> -> memref<1x125xi32, #tpu.memory_space<vmem>>
      %dma_start3A_892 = tpu.memref_squeeze %dma_start3A_891 : memref<1x125xi32, #tpu.memory_space<vmem>> -> memref<125xi32, #tpu.memory_space<vmem>>
      %dma_start3A_893 = arith.constant 0 : i32
      %dma_start3A_894 = arith.constant 0 : i32
      %dma_start3A_895 = tpu.memref_slice %arg2[%dma_start3A_893, %dma_start3A_894] : memref<10000x128xf32, #tpu.memory_space<hbm>> -> memref<10000x128xf32, #tpu.memory_space<hbm>>
      tpu.enqueue_indirect_dma source(%dma_start3A_895 : memref<10000x128xf32, #tpu.memory_space<hbm>>) target(%arg12 : memref<125x128xf32, #tpu.memory_space<vmem>>) offsets(%dma_start3A_892 : memref<125xi32, #tpu.memory_space<vmem>>) semaphore(%arg17 : memref<!tpu.dma_semaphore, #tpu.memory_space<semaphore_mem>>)
      %dma_wait3A_896 = arith.constant 1 : i32
      %dma_wait3A_897 = arith.constant 0 : i32
      %dma_wait3A_898 = tpu.memref_slice %arg9[%dma_wait3A_896, %dma_wait3A_897] : memref<4x125xi32, #tpu.memory_space<vmem>> -> memref<1x125xi32, #tpu.memory_space<vmem>>
      %dma_wait3A_899 = tpu.memref_squeeze %dma_wait3A_898 : memref<1x125xi32, #tpu.memory_space<vmem>> -> memref<125xi32, #tpu.memory_space<vmem>>
      %dma_wait3A_900 = arith.constant 0 : i32
      %dma_wait3A_901 = arith.constant 0 : i32
      %dma_wait3A_902 = tpu.memref_slice %arg2[%dma_wait3A_900, %dma_wait3A_901] : memref<10000x128xf32, #tpu.memory_space<hbm>> -> memref<10000x128xf32, #tpu.memory_space<hbm>>
      tpu.wait_indirect_dma semaphore(%arg18 : memref<!tpu.dma_semaphore, #tpu.memory_space<semaphore_mem>>) src(%dma_wait3A_902 : memref<10000x128xf32, #tpu.memory_space<hbm>>) dst(%arg13 : memref<125x128xf32, #tpu.memory_space<vmem>>)
      %dma_start3A_903 = arith.constant 1 : i32
      %dma_start3A_904 = arith.constant 0 : i32
      %dma_start3A_905 = tpu.memref_slice %arg11[%dma_start3A_903, %dma_start3A_904] : memref<4x125xi32, #tpu.memory_space<vmem>> -> memref<1x125xi32, #tpu.memory_space<vmem>>
      %dma_start3A_906 = tpu.memref_squeeze %dma_start3A_905 : memref<1x125xi32, #tpu.memory_space<vmem>> -> memref<125xi32, #tpu.memory_space<vmem>>
      %dma_start3A_907 = arith.constant 0 : i32
      %dma_start3A_908 = arith.constant 0 : i32
      %dma_start3A_909 = tpu.memref_slice %arg15[%dma_start3A_907, %dma_start3A_908] : memref<10240x128xf32, #tpu.memory_space<vmem_shared>> -> memref<10240x128xf32, #tpu.memory_space<vmem_shared>>
      tpu.enqueue_indirect_dma source(%arg13 : memref<125x128xf32, #tpu.memory_space<vmem>>) target(%dma_start3A_909 : memref<10240x128xf32, #tpu.memory_space<vmem_shared>>) offsets(%dma_start3A_906 : memref<125xi32, #tpu.memory_space<vmem>>) semaphore(%arg20 : memref<!tpu.dma_semaphore, #tpu.memory_space<semaphore_mem>>) {add = true}
      %dma_start3A_910 = arith.constant 1 : i32
      %dma_start3A_911 = arith.constant 0 : i32
      %dma_start3A_912 = tpu.memref_slice %arg14[%dma_start3A_911] : memref<128xf32, #tpu.memory_space<vmem>> -> memref<125xf32, #tpu.memory_space<vmem>>
      %dma_start3A_913 = arith.constant 0 : i32
      %dma_start3A_914 = tpu.memref_slice %arg11[%dma_start3A_910, %dma_start3A_913] : memref<4x125xi32, #tpu.memory_space<vmem>> -> memref<1x125xi32, #tpu.memory_space<vmem>>
      %dma_start3A_915 = tpu.memref_squeeze %dma_start3A_914 : memref<1x125xi32, #tpu.memory_space<vmem>> -> memref<125xi32, #tpu.memory_space<vmem>>
      %dma_start3A_916 = arith.constant 0 : i32
      %dma_start3A_917 = tpu.memref_slice %arg16[%dma_start3A_916] : memref<10240xf32, #tpu.memory_space<vmem_shared>> -> memref<10240xf32, #tpu.memory_space<vmem_shared>>
      tpu.enqueue_indirect_dma source(%dma_start3A_912 : memref<125xf32, #tpu.memory_space<vmem>>) target(%dma_start3A_917 : memref<10240xf32, #tpu.memory_space<vmem_shared>>) offsets(%dma_start3A_915 : memref<125xi32, #tpu.memory_space<vmem>>) semaphore(%arg20 : memref<!tpu.dma_semaphore, #tpu.memory_space<semaphore_mem>>) {add = true}
      %dma_wait3A_918 = arith.constant 1 : i32
      %dma_wait3A_919 = arith.constant 0 : i32
      %dma_wait3A_920 = tpu.memref_slice %arg11[%dma_wait3A_918, %dma_wait3A_919] : memref<4x125xi32, #tpu.memory_space<vmem>> -> memref<1x125xi32, #tpu.memory_space<vmem>>
      %dma_wait3A_921 = tpu.memref_squeeze %dma_wait3A_920 : memref<1x125xi32, #tpu.memory_space<vmem>> -> memref<125xi32, #tpu.memory_space<vmem>>
      %dma_wait3A_922 = arith.constant 0 : i32
      %dma_wait3A_923 = arith.constant 0 : i32
      %dma_wait3A_924 = tpu.memref_slice %arg15[%dma_wait3A_922, %dma_wait3A_923] : memref<10240x128xf32, #tpu.memory_space<vmem_shared>> -> memref<10240x128xf32, #tpu.memory_space<vmem_shared>>
      tpu.wait_indirect_dma semaphore(%arg20 : memref<!tpu.dma_semaphore, #tpu.memory_space<semaphore_mem>>) src(%arg13 : memref<125x128xf32, #tpu.memory_space<vmem>>) dst(%dma_wait3A_924 : memref<10240x128xf32, #tpu.memory_space<vmem_shared>>)
      %dma_wait3A_925 = arith.constant 1 : i32
      %dma_wait3A_926 = arith.constant 0 : i32
      %dma_wait3A_927 = tpu.memref_slice %arg14[%dma_wait3A_926] : memref<128xf32, #tpu.memory_space<vmem>> -> memref<125xf32, #tpu.memory_space<vmem>>
      %dma_wait3A_928 = arith.constant 0 : i32
      %dma_wait3A_929 = tpu.memref_slice %arg11[%dma_wait3A_925, %dma_wait3A_928] : memref<4x125xi32, #tpu.memory_space<vmem>> -> memref<1x125xi32, #tpu.memory_space<vmem>>
      %dma_wait3A_930 = tpu.memref_squeeze %dma_wait3A_929 : memref<1x125xi32, #tpu.memory_space<vmem>> -> memref<125xi32, #tpu.memory_space<vmem>>
      %dma_wait3A_931 = arith.constant 0 : i32
      %dma_wait3A_932 = tpu.memref_slice %arg16[%dma_wait3A_931] : memref<10240xf32, #tpu.memory_space<vmem_shared>> -> memref<10240xf32, #tpu.memory_space<vmem_shared>>
      tpu.wait_indirect_dma semaphore(%arg20 : memref<!tpu.dma_semaphore, #tpu.memory_space<semaphore_mem>>) src(%dma_wait3A_927 : memref<125xf32, #tpu.memory_space<vmem>>) dst(%dma_wait3A_932 : memref<10240xf32, #tpu.memory_space<vmem_shared>>)
      %dma_start3A_933 = arith.constant 3 : i32
      %dma_start3A_934 = arith.constant 0 : i32
      %dma_start3A_935 = tpu.memref_slice %arg9[%dma_start3A_933, %dma_start3A_934] : memref<4x125xi32, #tpu.memory_space<vmem>> -> memref<1x125xi32, #tpu.memory_space<vmem>>
      %dma_start3A_936 = tpu.memref_squeeze %dma_start3A_935 : memref<1x125xi32, #tpu.memory_space<vmem>> -> memref<125xi32, #tpu.memory_space<vmem>>
      %dma_start3A_937 = arith.constant 0 : i32
      %dma_start3A_938 = arith.constant 0 : i32
      %dma_start3A_939 = tpu.memref_slice %arg2[%dma_start3A_937, %dma_start3A_938] : memref<10000x128xf32, #tpu.memory_space<hbm>> -> memref<10000x128xf32, #tpu.memory_space<hbm>>
      tpu.enqueue_indirect_dma source(%dma_start3A_939 : memref<10000x128xf32, #tpu.memory_space<hbm>>) target(%arg13 : memref<125x128xf32, #tpu.memory_space<vmem>>) offsets(%dma_start3A_936 : memref<125xi32, #tpu.memory_space<vmem>>) semaphore(%arg18 : memref<!tpu.dma_semaphore, #tpu.memory_space<semaphore_mem>>)
      %dma_wait3A_940 = arith.constant 2 : i32
      %dma_wait3A_941 = arith.constant 0 : i32
      %dma_wait3A_942 = tpu.memref_slice %arg9[%dma_wait3A_940, %dma_wait3A_941] : memref<4x125xi32, #tpu.memory_space<vmem>> -> memref<1x125xi32, #tpu.memory_space<vmem>>
      %dma_wait3A_943 = tpu.memref_squeeze %dma_wait3A_942 : memref<1x125xi32, #tpu.memory_space<vmem>> -> memref<125xi32, #tpu.memory_space<vmem>>
      %dma_wait3A_944 = arith.constant 0 : i32
      %dma_wait3A_945 = arith.constant 0 : i32
      %dma_wait3A_946 = tpu.memref_slice %arg2[%dma_wait3A_944, %dma_wait3A_945] : memref<10000x128xf32, #tpu.memory_space<hbm>> -> memref<10000x128xf32, #tpu.memory_space<hbm>>
      tpu.wait_indirect_dma semaphore(%arg17 : memref<!tpu.dma_semaphore, #tpu.memory_space<semaphore_mem>>) src(%dma_wait3A_946 : memref<10000x128xf32, #tpu.memory_space<hbm>>) dst(%arg12 : memref<125x128xf32, #tpu.memory_space<vmem>>)
      %dma_start3A_947 = arith.constant 2 : i32
      %dma_start3A_948 = arith.constant 0 : i32
      %dma_start3A_949 = tpu.memref_slice %arg11[%dma_start3A_947, %dma_start3A_948] : memref<4x125xi32, #tpu.memory_space<vmem>> -> memref<1x125xi32, #tpu.memory_space<vmem>>
      %dma_start3A_950 = tpu.memref_squeeze %dma_start3A_949 : memref<1x125xi32, #tpu.memory_space<vmem>> -> memref<125xi32, #tpu.memory_space<vmem>>
      %dma_start3A_951 = arith.constant 0 : i32
      %dma_start3A_952 = arith.constant 0 : i32
      %dma_start3A_953 = tpu.memref_slice %arg15[%dma_start3A_951, %dma_start3A_952] : memref<10240x128xf32, #tpu.memory_space<vmem_shared>> -> memref<10240x128xf32, #tpu.memory_space<vmem_shared>>
      tpu.enqueue_indirect_dma source(%arg12 : memref<125x128xf32, #tpu.memory_space<vmem>>) target(%dma_start3A_953 : memref<10240x128xf32, #tpu.memory_space<vmem_shared>>) offsets(%dma_start3A_950 : memref<125xi32, #tpu.memory_space<vmem>>) semaphore(%arg19 : memref<!tpu.dma_semaphore, #tpu.memory_space<semaphore_mem>>) {add = true}
      %dma_start3A_954 = arith.constant 2 : i32
      %dma_start3A_955 = arith.constant 0 : i32
      %dma_start3A_956 = tpu.memref_slice %arg14[%dma_start3A_955] : memref<128xf32, #tpu.memory_space<vmem>> -> memref<125xf32, #tpu.memory_space<vmem>>
      %dma_start3A_957 = arith.constant 0 : i32
      %dma_start3A_958 = tpu.memref_slice %arg11[%dma_start3A_954, %dma_start3A_957] : memref<4x125xi32, #tpu.memory_space<vmem>> -> memref<1x125xi32, #tpu.memory_space<vmem>>
      %dma_start3A_959 = tpu.memref_squeeze %dma_start3A_958 : memref<1x125xi32, #tpu.memory_space<vmem>> -> memref<125xi32, #tpu.memory_space<vmem>>
      %dma_start3A_960 = arith.constant 0 : i32
      %dma_start3A_961 = tpu.memref_slice %arg16[%dma_start3A_960] : memref<10240xf32, #tpu.memory_space<vmem_shared>> -> memref<10240xf32, #tpu.memory_space<vmem_shared>>
      tpu.enqueue_indirect_dma source(%dma_start3A_956 : memref<125xf32, #tpu.memory_space<vmem>>) target(%dma_start3A_961 : memref<10240xf32, #tpu.memory_space<vmem_shared>>) offsets(%dma_start3A_959 : memref<125xi32, #tpu.memory_space<vmem>>) semaphore(%arg19 : memref<!tpu.dma_semaphore, #tpu.memory_space<semaphore_mem>>) {add = true}
      %mul3A_962 = arith.constant 2 : i32
      %mul3A_963 = arith.muli %mul3A_962, %scan3A_651 : i32
      %add3A_964 = arith.constant 2 : i32
      %add3A_965 = arith.addi %mul3A_963, %add3A_964 : i32
      %dma_wait3A_966 = arith.constant 0 : i32
      %dma_wait3A_967 = arith.constant 0 : i32
      %dma_wait3A_968 = arith.constant 0 : i32
      %dma_wait3A_969 = arith.constant 0 : i32
      %dma_wait3A_970 = arith.constant 0 : i32
      %dma_wait3A_971 = arith.constant 0 : i32
      %dma_wait3A_972 = arith.constant 0 : i32
      %dma_wait3A_973 = tpu.memref_slice %arg3[%dma_wait3A_966, %dma_wait3A_969, %dma_wait3A_970, %dma_wait3A_971, %dma_wait3A_972] : memref<2x32x20x4x125xi32, #tpu.memory_space<hbm>> -> memref<1x32x20x4x125xi32, #tpu.memory_space<hbm>>
      %dma_wait3A_974 = tpu.memref_squeeze %dma_wait3A_973 : memref<1x32x20x4x125xi32, #tpu.memory_space<hbm>> -> memref<32x20x4x125xi32, #tpu.memory_space<hbm>>
      %dma_wait3A_975 = arith.constant 0 : i32
      %dma_wait3A_976 = arith.constant 0 : i32
      %dma_wait3A_977 = arith.constant 0 : i32
      %dma_wait3A_978 = tpu.memref_slice %dma_wait3A_974[%dma_wait3A_967, %dma_wait3A_975, %dma_wait3A_976, %dma_wait3A_977] : memref<32x20x4x125xi32, #tpu.memory_space<hbm>> -> memref<1x20x4x125xi32, #tpu.memory_space<hbm>>
      %dma_wait3A_979 = tpu.memref_squeeze %dma_wait3A_978 : memref<1x20x4x125xi32, #tpu.memory_space<hbm>> -> memref<20x4x125xi32, #tpu.memory_space<hbm>>
      %dma_wait3A_980 = arith.constant 0 : i32
      %dma_wait3A_981 = arith.constant 0 : i32
      %dma_wait3A_982 = tpu.memref_slice %dma_wait3A_979[%dma_wait3A_968, %dma_wait3A_980, %dma_wait3A_981] : memref<20x4x125xi32, #tpu.memory_space<hbm>> -> memref<1x4x125xi32, #tpu.memory_space<hbm>>
      %dma_wait3A_983 = tpu.memref_squeeze %dma_wait3A_982 : memref<1x4x125xi32, #tpu.memory_space<hbm>> -> memref<4x125xi32, #tpu.memory_space<hbm>>
      %dma_wait3A_984 = arith.constant 0 : i32
      %dma_wait3A_985 = arith.constant 0 : i32
      %dma_wait3A_986 = arith.constant 0 : i32
      %dma_wait3A_987 = arith.constant 0 : i32
      %dma_wait3A_988 = tpu.memref_slice %arg3[%dma_wait3A_966, %dma_wait3A_984, %dma_wait3A_985, %dma_wait3A_986, %dma_wait3A_987] : memref<2x32x20x4x125xi32, #tpu.memory_space<hbm>> -> memref<1x32x20x4x125xi32, #tpu.memory_space<hbm>>
      %dma_wait3A_989 = tpu.memref_squeeze %dma_wait3A_988 : memref<1x32x20x4x125xi32, #tpu.memory_space<hbm>> -> memref<32x20x4x125xi32, #tpu.memory_space<hbm>>
      %dma_wait3A_990 = arith.constant 0 : i32
      %dma_wait3A_991 = arith.constant 0 : i32
      %dma_wait3A_992 = arith.constant 0 : i32
      %dma_wait3A_993 = tpu.memref_slice %dma_wait3A_989[%dma_wait3A_967, %dma_wait3A_990, %dma_wait3A_991, %dma_wait3A_992] : memref<32x20x4x125xi32, #tpu.memory_space<hbm>> -> memref<1x20x4x125xi32, #tpu.memory_space<hbm>>
      %dma_wait3A_994 = tpu.memref_squeeze %dma_wait3A_993 : memref<1x20x4x125xi32, #tpu.memory_space<hbm>> -> memref<20x4x125xi32, #tpu.memory_space<hbm>>
      %dma_wait3A_995 = arith.constant 0 : i32
      %dma_wait3A_996 = arith.constant 0 : i32
      %dma_wait3A_997 = tpu.memref_slice %dma_wait3A_994[%dma_wait3A_968, %dma_wait3A_995, %dma_wait3A_996] : memref<20x4x125xi32, #tpu.memory_space<hbm>> -> memref<1x4x125xi32, #tpu.memory_space<hbm>>
      %dma_wait3A_998 = tpu.memref_squeeze %dma_wait3A_997 : memref<1x4x125xi32, #tpu.memory_space<hbm>> -> memref<4x125xi32, #tpu.memory_space<hbm>>
      tpu.wait_dma2 semaphore(%arg21 : memref<!tpu.dma_semaphore, #tpu.memory_space<semaphore_mem>>) src(%dma_wait3A_998 : memref<4x125xi32, #tpu.memory_space<hbm>>) dst(%arg8 : memref<4x125xi32, #tpu.memory_space<vmem>>)
      %dma_wait3A_999 = arith.constant 1 : i32
      %dma_wait3A_1000 = arith.constant 0 : i32
      %dma_wait3A_1001 = arith.constant 0 : i32
      %dma_wait3A_1002 = arith.constant 0 : i32
      %dma_wait3A_1003 = arith.constant 0 : i32
      %dma_wait3A_1004 = arith.constant 0 : i32
      %dma_wait3A_1005 = arith.constant 0 : i32
      %dma_wait3A_1006 = tpu.memref_slice %arg3[%dma_wait3A_999, %dma_wait3A_1002, %dma_wait3A_1003, %dma_wait3A_1004, %dma_wait3A_1005] : memref<2x32x20x4x125xi32, #tpu.memory_space<hbm>> -> memref<1x32x20x4x125xi32, #tpu.memory_space<hbm>>
      %dma_wait3A_1007 = tpu.memref_squeeze %dma_wait3A_1006 : memref<1x32x20x4x125xi32, #tpu.memory_space<hbm>> -> memref<32x20x4x125xi32, #tpu.memory_space<hbm>>
      %dma_wait3A_1008 = arith.constant 0 : i32
      %dma_wait3A_1009 = arith.constant 0 : i32
      %dma_wait3A_1010 = arith.constant 0 : i32
      %dma_wait3A_1011 = tpu.memref_slice %dma_wait3A_1007[%dma_wait3A_1000, %dma_wait3A_1008, %dma_wait3A_1009, %dma_wait3A_1010] : memref<32x20x4x125xi32, #tpu.memory_space<hbm>> -> memref<1x20x4x125xi32, #tpu.memory_space<hbm>>
      %dma_wait3A_1012 = tpu.memref_squeeze %dma_wait3A_1011 : memref<1x20x4x125xi32, #tpu.memory_space<hbm>> -> memref<20x4x125xi32, #tpu.memory_space<hbm>>
      %dma_wait3A_1013 = arith.constant 0 : i32
      %dma_wait3A_1014 = arith.constant 0 : i32
      %dma_wait3A_1015 = tpu.memref_slice %dma_wait3A_1012[%dma_wait3A_1001, %dma_wait3A_1013, %dma_wait3A_1014] : memref<20x4x125xi32, #tpu.memory_space<hbm>> -> memref<1x4x125xi32, #tpu.memory_space<hbm>>
      %dma_wait3A_1016 = tpu.memref_squeeze %dma_wait3A_1015 : memref<1x4x125xi32, #tpu.memory_space<hbm>> -> memref<4x125xi32, #tpu.memory_space<hbm>>
      %dma_wait3A_1017 = arith.constant 0 : i32
      %dma_wait3A_1018 = arith.constant 0 : i32
      %dma_wait3A_1019 = arith.constant 0 : i32
      %dma_wait3A_1020 = arith.constant 0 : i32
      %dma_wait3A_1021 = tpu.memref_slice %arg3[%dma_wait3A_999, %dma_wait3A_1017, %dma_wait3A_1018, %dma_wait3A_1019, %dma_wait3A_1020] : memref<2x32x20x4x125xi32, #tpu.memory_space<hbm>> -> memref<1x32x20x4x125xi32, #tpu.memory_space<hbm>>
      %dma_wait3A_1022 = tpu.memref_squeeze %dma_wait3A_1021 : memref<1x32x20x4x125xi32, #tpu.memory_space<hbm>> -> memref<32x20x4x125xi32, #tpu.memory_space<hbm>>
      %dma_wait3A_1023 = arith.constant 0 : i32
      %dma_wait3A_1024 = arith.constant 0 : i32
      %dma_wait3A_1025 = arith.constant 0 : i32
      %dma_wait3A_1026 = tpu.memref_slice %dma_wait3A_1022[%dma_wait3A_1000, %dma_wait3A_1023, %dma_wait3A_1024, %dma_wait3A_1025] : memref<32x20x4x125xi32, #tpu.memory_space<hbm>> -> memref<1x20x4x125xi32, #tpu.memory_space<hbm>>
      %dma_wait3A_1027 = tpu.memref_squeeze %dma_wait3A_1026 : memref<1x20x4x125xi32, #tpu.memory_space<hbm>> -> memref<20x4x125xi32, #tpu.memory_space<hbm>>
      %dma_wait3A_1028 = arith.constant 0 : i32
      %dma_wait3A_1029 = arith.constant 0 : i32
      %dma_wait3A_1030 = tpu.memref_slice %dma_wait3A_1027[%dma_wait3A_1001, %dma_wait3A_1028, %dma_wait3A_1029] : memref<20x4x125xi32, #tpu.memory_space<hbm>> -> memref<1x4x125xi32, #tpu.memory_space<hbm>>
      %dma_wait3A_1031 = tpu.memref_squeeze %dma_wait3A_1030 : memref<1x4x125xi32, #tpu.memory_space<hbm>> -> memref<4x125xi32, #tpu.memory_space<hbm>>
      tpu.wait_dma2 semaphore(%arg21 : memref<!tpu.dma_semaphore, #tpu.memory_space<semaphore_mem>>) src(%dma_wait3A_1031 : memref<4x125xi32, #tpu.memory_space<hbm>>) dst(%arg10 : memref<4x125xi32, #tpu.memory_space<vmem>>)
      %dma_wait3A_1032 = arith.constant 2 : i32
      %dma_wait3A_1033 = arith.constant 0 : i32
      %dma_wait3A_1034 = tpu.memref_slice %arg11[%dma_wait3A_1032, %dma_wait3A_1033] : memref<4x125xi32, #tpu.memory_space<vmem>> -> memref<1x125xi32, #tpu.memory_space<vmem>>
      %dma_wait3A_1035 = tpu.memref_squeeze %dma_wait3A_1034 : memref<1x125xi32, #tpu.memory_space<vmem>> -> memref<125xi32, #tpu.memory_space<vmem>>
      %dma_wait3A_1036 = arith.constant 0 : i32
      %dma_wait3A_1037 = arith.constant 0 : i32
      %dma_wait3A_1038 = tpu.memref_slice %arg15[%dma_wait3A_1036, %dma_wait3A_1037] : memref<10240x128xf32, #tpu.memory_space<vmem_shared>> -> memref<10240x128xf32, #tpu.memory_space<vmem_shared>>
      tpu.wait_indirect_dma semaphore(%arg19 : memref<!tpu.dma_semaphore, #tpu.memory_space<semaphore_mem>>) src(%arg12 : memref<125x128xf32, #tpu.memory_space<vmem>>) dst(%dma_wait3A_1038 : memref<10240x128xf32, #tpu.memory_space<vmem_shared>>)
      %dma_wait3A_1039 = arith.constant 2 : i32
      %dma_wait3A_1040 = arith.constant 0 : i32
      %dma_wait3A_1041 = tpu.memref_slice %arg14[%dma_wait3A_1040] : memref<128xf32, #tpu.memory_space<vmem>> -> memref<125xf32, #tpu.memory_space<vmem>>
      %dma_wait3A_1042 = arith.constant 0 : i32
      %dma_wait3A_1043 = tpu.memref_slice %arg11[%dma_wait3A_1039, %dma_wait3A_1042] : memref<4x125xi32, #tpu.memory_space<vmem>> -> memref<1x125xi32, #tpu.memory_space<vmem>>
      %dma_wait3A_1044 = tpu.memref_squeeze %dma_wait3A_1043 : memref<1x125xi32, #tpu.memory_space<vmem>> -> memref<125xi32, #tpu.memory_space<vmem>>
      %dma_wait3A_1045 = arith.constant 0 : i32
      %dma_wait3A_1046 = tpu.memref_slice %arg16[%dma_wait3A_1045] : memref<10240xf32, #tpu.memory_space<vmem_shared>> -> memref<10240xf32, #tpu.memory_space<vmem_shared>>
      tpu.wait_indirect_dma semaphore(%arg19 : memref<!tpu.dma_semaphore, #tpu.memory_space<semaphore_mem>>) src(%dma_wait3A_1041 : memref<125xf32, #tpu.memory_space<vmem>>) dst(%dma_wait3A_1046 : memref<10240xf32, #tpu.memory_space<vmem_shared>>)
      %dma_start3A_1047 = arith.constant 0 : i32
      %dma_start3A_1048 = arith.constant 0 : i32
      %dma_start3A_1049 = tpu.memref_slice %arg8[%dma_start3A_1047, %dma_start3A_1048] : memref<4x125xi32, #tpu.memory_space<vmem>> -> memref<1x125xi32, #tpu.memory_space<vmem>>
      %dma_start3A_1050 = tpu.memref_squeeze %dma_start3A_1049 : memref<1x125xi32, #tpu.memory_space<vmem>> -> memref<125xi32, #tpu.memory_space<vmem>>
      %dma_start3A_1051 = arith.constant 0 : i32
      %dma_start3A_1052 = arith.constant 0 : i32
      %dma_start3A_1053 = tpu.memref_slice %arg2[%dma_start3A_1051, %dma_start3A_1052] : memref<10000x128xf32, #tpu.memory_space<hbm>> -> memref<10000x128xf32, #tpu.memory_space<hbm>>
      tpu.enqueue_indirect_dma source(%dma_start3A_1053 : memref<10000x128xf32, #tpu.memory_space<hbm>>) target(%arg12 : memref<125x128xf32, #tpu.memory_space<vmem>>) offsets(%dma_start3A_1050 : memref<125xi32, #tpu.memory_space<vmem>>) semaphore(%arg17 : memref<!tpu.dma_semaphore, #tpu.memory_space<semaphore_mem>>)
      %dma_wait3A_1054 = arith.constant 3 : i32
      %dma_wait3A_1055 = arith.constant 0 : i32
      %dma_wait3A_1056 = tpu.memref_slice %arg9[%dma_wait3A_1054, %dma_wait3A_1055] : memref<4x125xi32, #tpu.memory_space<vmem>> -> memref<1x125xi32, #tpu.memory_space<vmem>>
      %dma_wait3A_1057 = tpu.memref_squeeze %dma_wait3A_1056 : memref<1x125xi32, #tpu.memory_space<vmem>> -> memref<125xi32, #tpu.memory_space<vmem>>
      %dma_wait3A_1058 = arith.constant 0 : i32
      %dma_wait3A_1059 = arith.constant 0 : i32
      %dma_wait3A_1060 = tpu.memref_slice %arg2[%dma_wait3A_1058, %dma_wait3A_1059] : memref<10000x128xf32, #tpu.memory_space<hbm>> -> memref<10000x128xf32, #tpu.memory_space<hbm>>
      tpu.wait_indirect_dma semaphore(%arg18 : memref<!tpu.dma_semaphore, #tpu.memory_space<semaphore_mem>>) src(%dma_wait3A_1060 : memref<10000x128xf32, #tpu.memory_space<hbm>>) dst(%arg13 : memref<125x128xf32, #tpu.memory_space<vmem>>)
      %dma_start3A_1061 = arith.constant 3 : i32
      %dma_start3A_1062 = arith.constant 0 : i32
      %dma_start3A_1063 = tpu.memref_slice %arg11[%dma_start3A_1061, %dma_start3A_1062] : memref<4x125xi32, #tpu.memory_space<vmem>> -> memref<1x125xi32, #tpu.memory_space<vmem>>
      %dma_start3A_1064 = tpu.memref_squeeze %dma_start3A_1063 : memref<1x125xi32, #tpu.memory_space<vmem>> -> memref<125xi32, #tpu.memory_space<vmem>>
      %dma_start3A_1065 = arith.constant 0 : i32
      %dma_start3A_1066 = arith.constant 0 : i32
      %dma_start3A_1067 = tpu.memref_slice %arg15[%dma_start3A_1065, %dma_start3A_1066] : memref<10240x128xf32, #tpu.memory_space<vmem_shared>> -> memref<10240x128xf32, #tpu.memory_space<vmem_shared>>
      tpu.enqueue_indirect_dma source(%arg13 : memref<125x128xf32, #tpu.memory_space<vmem>>) target(%dma_start3A_1067 : memref<10240x128xf32, #tpu.memory_space<vmem_shared>>) offsets(%dma_start3A_1064 : memref<125xi32, #tpu.memory_space<vmem>>) semaphore(%arg20 : memref<!tpu.dma_semaphore, #tpu.memory_space<semaphore_mem>>) {add = true}
      %dma_start3A_1068 = arith.constant 3 : i32
      %dma_start3A_1069 = arith.constant 0 : i32
      %dma_start3A_1070 = tpu.memref_slice %arg14[%dma_start3A_1069] : memref<128xf32, #tpu.memory_space<vmem>> -> memref<125xf32, #tpu.memory_space<vmem>>
      %dma_start3A_1071 = arith.constant 0 : i32
      %dma_start3A_1072 = tpu.memref_slice %arg11[%dma_start3A_1068, %dma_start3A_1071] : memref<4x125xi32, #tpu.memory_space<vmem>> -> memref<1x125xi32, #tpu.memory_space<vmem>>
      %dma_start3A_1073 = tpu.memref_squeeze %dma_start3A_1072 : memref<1x125xi32, #tpu.memory_space<vmem>> -> memref<125xi32, #tpu.memory_space<vmem>>
      %dma_start3A_1074 = arith.constant 0 : i32
      %dma_start3A_1075 = tpu.memref_slice %arg16[%dma_start3A_1074] : memref<10240xf32, #tpu.memory_space<vmem_shared>> -> memref<10240xf32, #tpu.memory_space<vmem_shared>>
      tpu.enqueue_indirect_dma source(%dma_start3A_1070 : memref<125xf32, #tpu.memory_space<vmem>>) target(%dma_start3A_1075 : memref<10240xf32, #tpu.memory_space<vmem_shared>>) offsets(%dma_start3A_1073 : memref<125xi32, #tpu.memory_space<vmem>>) semaphore(%arg20 : memref<!tpu.dma_semaphore, #tpu.memory_space<semaphore_mem>>) {add = true}
      %dma_wait3A_1076 = arith.constant 3 : i32
      %dma_wait3A_1077 = arith.constant 0 : i32
      %dma_wait3A_1078 = tpu.memref_slice %arg11[%dma_wait3A_1076, %dma_wait3A_1077] : memref<4x125xi32, #tpu.memory_space<vmem>> -> memref<1x125xi32, #tpu.memory_space<vmem>>
      %dma_wait3A_1079 = tpu.memref_squeeze %dma_wait3A_1078 : memref<1x125xi32, #tpu.memory_space<vmem>> -> memref<125xi32, #tpu.memory_space<vmem>>
      %dma_wait3A_1080 = arith.constant 0 : i32
      %dma_wait3A_1081 = arith.constant 0 : i32
      %dma_wait3A_1082 = tpu.memref_slice %arg15[%dma_wait3A_1080, %dma_wait3A_1081] : memref<10240x128xf32, #tpu.memory_space<vmem_shared>> -> memref<10240x128xf32, #tpu.memory_space<vmem_shared>>
      tpu.wait_indirect_dma semaphore(%arg20 : memref<!tpu.dma_semaphore, #tpu.memory_space<semaphore_mem>>) src(%arg13 : memref<125x128xf32, #tpu.memory_space<vmem>>) dst(%dma_wait3A_1082 : memref<10240x128xf32, #tpu.memory_space<vmem_shared>>)
      %dma_wait3A_1083 = arith.constant 3 : i32
      %dma_wait3A_1084 = arith.constant 0 : i32
      %dma_wait3A_1085 = tpu.memref_slice %arg14[%dma_wait3A_1084] : memref<128xf32, #tpu.memory_space<vmem>> -> memref<125xf32, #tpu.memory_space<vmem>>
      %dma_wait3A_1086 = arith.constant 0 : i32
      %dma_wait3A_1087 = tpu.memref_slice %arg11[%dma_wait3A_1083, %dma_wait3A_1086] : memref<4x125xi32, #tpu.memory_space<vmem>> -> memref<1x125xi32, #tpu.memory_space<vmem>>
      %dma_wait3A_1088 = tpu.memref_squeeze %dma_wait3A_1087 : memref<1x125xi32, #tpu.memory_space<vmem>> -> memref<125xi32, #tpu.memory_space<vmem>>
      %dma_wait3A_1089 = arith.constant 0 : i32
      %dma_wait3A_1090 = tpu.memref_slice %arg16[%dma_wait3A_1089] : memref<10240xf32, #tpu.memory_space<vmem_shared>> -> memref<10240xf32, #tpu.memory_space<vmem_shared>>
      tpu.wait_indirect_dma semaphore(%arg20 : memref<!tpu.dma_semaphore, #tpu.memory_space<semaphore_mem>>) src(%dma_wait3A_1085 : memref<125xf32, #tpu.memory_space<vmem>>) dst(%dma_wait3A_1090 : memref<10240xf32, #tpu.memory_space<vmem_shared>>)
      %dma_start3A_1091 = arith.constant 1 : i32
      %dma_start3A_1092 = arith.constant 0 : i32
      %dma_start3A_1093 = tpu.memref_slice %arg8[%dma_start3A_1091, %dma_start3A_1092] : memref<4x125xi32, #tpu.memory_space<vmem>> -> memref<1x125xi32, #tpu.memory_space<vmem>>
      %dma_start3A_1094 = tpu.memref_squeeze %dma_start3A_1093 : memref<1x125xi32, #tpu.memory_space<vmem>> -> memref<125xi32, #tpu.memory_space<vmem>>
      %dma_start3A_1095 = arith.constant 0 : i32
      %dma_start3A_1096 = arith.constant 0 : i32
      %dma_start3A_1097 = tpu.memref_slice %arg2[%dma_start3A_1095, %dma_start3A_1096] : memref<10000x128xf32, #tpu.memory_space<hbm>> -> memref<10000x128xf32, #tpu.memory_space<hbm>>
      tpu.enqueue_indirect_dma source(%dma_start3A_1097 : memref<10000x128xf32, #tpu.memory_space<hbm>>) target(%arg13 : memref<125x128xf32, #tpu.memory_space<vmem>>) offsets(%dma_start3A_1094 : memref<125xi32, #tpu.memory_space<vmem>>) semaphore(%arg18 : memref<!tpu.dma_semaphore, #tpu.memory_space<semaphore_mem>>)
      %dma_wait3A_1098 = arith.constant 0 : i32
      %dma_wait3A_1099 = arith.constant 0 : i32
      %dma_wait3A_1100 = tpu.memref_slice %arg8[%dma_wait3A_1098, %dma_wait3A_1099] : memref<4x125xi32, #tpu.memory_space<vmem>> -> memref<1x125xi32, #tpu.memory_space<vmem>>
      %dma_wait3A_1101 = tpu.memref_squeeze %dma_wait3A_1100 : memref<1x125xi32, #tpu.memory_space<vmem>> -> memref<125xi32, #tpu.memory_space<vmem>>
      %dma_wait3A_1102 = arith.constant 0 : i32
      %dma_wait3A_1103 = arith.constant 0 : i32
      %dma_wait3A_1104 = tpu.memref_slice %arg2[%dma_wait3A_1102, %dma_wait3A_1103] : memref<10000x128xf32, #tpu.memory_space<hbm>> -> memref<10000x128xf32, #tpu.memory_space<hbm>>
      tpu.wait_indirect_dma semaphore(%arg17 : memref<!tpu.dma_semaphore, #tpu.memory_space<semaphore_mem>>) src(%dma_wait3A_1104 : memref<10000x128xf32, #tpu.memory_space<hbm>>) dst(%arg12 : memref<125x128xf32, #tpu.memory_space<vmem>>)
      %dma_start3A_1105 = arith.constant 0 : i32
      %dma_start3A_1106 = arith.constant 0 : i32
      %dma_start3A_1107 = tpu.memref_slice %arg10[%dma_start3A_1105, %dma_start3A_1106] : memref<4x125xi32, #tpu.memory_space<vmem>> -> memref<1x125xi32, #tpu.memory_space<vmem>>
      %dma_start3A_1108 = tpu.memref_squeeze %dma_start3A_1107 : memref<1x125xi32, #tpu.memory_space<vmem>> -> memref<125xi32, #tpu.memory_space<vmem>>
      %dma_start3A_1109 = arith.constant 0 : i32
      %dma_start3A_1110 = arith.constant 0 : i32
      %dma_start3A_1111 = tpu.memref_slice %arg15[%dma_start3A_1109, %dma_start3A_1110] : memref<10240x128xf32, #tpu.memory_space<vmem_shared>> -> memref<10240x128xf32, #tpu.memory_space<vmem_shared>>
      tpu.enqueue_indirect_dma source(%arg12 : memref<125x128xf32, #tpu.memory_space<vmem>>) target(%dma_start3A_1111 : memref<10240x128xf32, #tpu.memory_space<vmem_shared>>) offsets(%dma_start3A_1108 : memref<125xi32, #tpu.memory_space<vmem>>) semaphore(%arg19 : memref<!tpu.dma_semaphore, #tpu.memory_space<semaphore_mem>>) {add = true}
      %dma_start3A_1112 = arith.constant 0 : i32
      %dma_start3A_1113 = arith.constant 0 : i32
      %dma_start3A_1114 = tpu.memref_slice %arg14[%dma_start3A_1113] : memref<128xf32, #tpu.memory_space<vmem>> -> memref<125xf32, #tpu.memory_space<vmem>>
      %dma_start3A_1115 = arith.constant 0 : i32
      %dma_start3A_1116 = tpu.memref_slice %arg10[%dma_start3A_1112, %dma_start3A_1115] : memref<4x125xi32, #tpu.memory_space<vmem>> -> memref<1x125xi32, #tpu.memory_space<vmem>>
      %dma_start3A_1117 = tpu.memref_squeeze %dma_start3A_1116 : memref<1x125xi32, #tpu.memory_space<vmem>> -> memref<125xi32, #tpu.memory_space<vmem>>
      %dma_start3A_1118 = arith.constant 0 : i32
      %dma_start3A_1119 = tpu.memref_slice %arg16[%dma_start3A_1118] : memref<10240xf32, #tpu.memory_space<vmem_shared>> -> memref<10240xf32, #tpu.memory_space<vmem_shared>>
      tpu.enqueue_indirect_dma source(%dma_start3A_1114 : memref<125xf32, #tpu.memory_space<vmem>>) target(%dma_start3A_1119 : memref<10240xf32, #tpu.memory_space<vmem_shared>>) offsets(%dma_start3A_1117 : memref<125xi32, #tpu.memory_space<vmem>>) semaphore(%arg19 : memref<!tpu.dma_semaphore, #tpu.memory_space<semaphore_mem>>) {add = true}
      %dma_wait3A_1120 = arith.constant 0 : i32
      %dma_wait3A_1121 = arith.constant 0 : i32
      %dma_wait3A_1122 = tpu.memref_slice %arg10[%dma_wait3A_1120, %dma_wait3A_1121] : memref<4x125xi32, #tpu.memory_space<vmem>> -> memref<1x125xi32, #tpu.memory_space<vmem>>
      %dma_wait3A_1123 = tpu.memref_squeeze %dma_wait3A_1122 : memref<1x125xi32, #tpu.memory_space<vmem>> -> memref<125xi32, #tpu.memory_space<vmem>>
      %dma_wait3A_1124 = arith.constant 0 : i32
      %dma_wait3A_1125 = arith.constant 0 : i32
      %dma_wait3A_1126 = tpu.memref_slice %arg15[%dma_wait3A_1124, %dma_wait3A_1125] : memref<10240x128xf32, #tpu.memory_space<vmem_shared>> -> memref<10240x128xf32, #tpu.memory_space<vmem_shared>>
      tpu.wait_indirect_dma semaphore(%arg19 : memref<!tpu.dma_semaphore, #tpu.memory_space<semaphore_mem>>) src(%arg12 : memref<125x128xf32, #tpu.memory_space<vmem>>) dst(%dma_wait3A_1126 : memref<10240x128xf32, #tpu.memory_space<vmem_shared>>)
      %dma_wait3A_1127 = arith.constant 0 : i32
      %dma_wait3A_1128 = arith.constant 0 : i32
      %dma_wait3A_1129 = tpu.memref_slice %arg14[%dma_wait3A_1128] : memref<128xf32, #tpu.memory_space<vmem>> -> memref<125xf32, #tpu.memory_space<vmem>>
      %dma_wait3A_1130 = arith.constant 0 : i32
      %dma_wait3A_1131 = tpu.memref_slice %arg10[%dma_wait3A_1127, %dma_wait3A_1130] : memref<4x125xi32, #tpu.memory_space<vmem>> -> memref<1x125xi32, #tpu.memory_space<vmem>>
      %dma_wait3A_1132 = tpu.memref_squeeze %dma_wait3A_1131 : memref<1x125xi32, #tpu.memory_space<vmem>> -> memref<125xi32, #tpu.memory_space<vmem>>
      %dma_wait3A_1133 = arith.constant 0 : i32
      %dma_wait3A_1134 = tpu.memref_slice %arg16[%dma_wait3A_1133] : memref<10240xf32, #tpu.memory_space<vmem_shared>> -> memref<10240xf32, #tpu.memory_space<vmem_shared>>
      tpu.wait_indirect_dma semaphore(%arg19 : memref<!tpu.dma_semaphore, #tpu.memory_space<semaphore_mem>>) src(%dma_wait3A_1129 : memref<125xf32, #tpu.memory_space<vmem>>) dst(%dma_wait3A_1134 : memref<10240xf32, #tpu.memory_space<vmem_shared>>)
      %add3A_1135 = arith.constant 1 : i32
      %add3A_1136 = arith.addi %add3A_965, %add3A_1135 : i32
      %dma_start3A_1137 = arith.constant 0 : i32
      %dma_start3A_1138 = arith.constant 0 : i32
      %dma_start3A_1139 = arith.constant 0 : i32
      %dma_start3A_1140 = arith.constant 0 : i32
      %dma_start3A_1141 = arith.constant 0 : i32
      %dma_start3A_1142 = tpu.memref_slice %arg3[%dma_start3A_1137, %dma_start3A_1138, %dma_start3A_1139, %dma_start3A_1140, %dma_start3A_1141] : memref<2x32x20x4x125xi32, #tpu.memory_space<hbm>> -> memref<1x32x20x4x125xi32, #tpu.memory_space<hbm>>
      %dma_start3A_1143 = tpu.memref_squeeze %dma_start3A_1142 : memref<1x32x20x4x125xi32, #tpu.memory_space<hbm>> -> memref<32x20x4x125xi32, #tpu.memory_space<hbm>>
      %dma_start3A_1144 = arith.constant 0 : i32
      %dma_start3A_1145 = arith.constant 0 : i32
      %dma_start3A_1146 = arith.constant 0 : i32
      %dma_start3A_1147 = tpu.memref_slice %dma_start3A_1143[%add3A, %dma_start3A_1144, %dma_start3A_1145, %dma_start3A_1146] : memref<32x20x4x125xi32, #tpu.memory_space<hbm>> -> memref<1x20x4x125xi32, #tpu.memory_space<hbm>>
      %dma_start3A_1148 = tpu.memref_squeeze %dma_start3A_1147 : memref<1x20x4x125xi32, #tpu.memory_space<hbm>> -> memref<20x4x125xi32, #tpu.memory_space<hbm>>
      %dma_start3A_1149 = arith.constant 0 : i32
      %dma_start3A_1150 = arith.constant 0 : i32
      %dma_start3A_1151 = tpu.memref_slice %dma_start3A_1148[%add3A_1136, %dma_start3A_1149, %dma_start3A_1150] : memref<20x4x125xi32, #tpu.memory_space<hbm>> -> memref<1x4x125xi32, #tpu.memory_space<hbm>>
      %dma_start3A_1152 = tpu.memref_squeeze %dma_start3A_1151 : memref<1x4x125xi32, #tpu.memory_space<hbm>> -> memref<4x125xi32, #tpu.memory_space<hbm>>
      %dma_start3A_1153 = arith.constant 0 : i32
      %dma_start3A_1154 = arith.constant 0 : i32
      %dma_start3A_1155 = arith.constant 0 : i32
      %dma_start3A_1156 = arith.constant 0 : i32
      %dma_start3A_1157 = tpu.memref_slice %arg3[%dma_start3A_1137, %dma_start3A_1153, %dma_start3A_1154, %dma_start3A_1155, %dma_start3A_1156] : memref<2x32x20x4x125xi32, #tpu.memory_space<hbm>> -> memref<1x32x20x4x125xi32, #tpu.memory_space<hbm>>
      %dma_start3A_1158 = tpu.memref_squeeze %dma_start3A_1157 : memref<1x32x20x4x125xi32, #tpu.memory_space<hbm>> -> memref<32x20x4x125xi32, #tpu.memory_space<hbm>>
      %dma_start3A_1159 = arith.constant 0 : i32
      %dma_start3A_1160 = arith.constant 0 : i32
      %dma_start3A_1161 = arith.constant 0 : i32
      %dma_start3A_1162 = tpu.memref_slice %dma_start3A_1158[%add3A, %dma_start3A_1159, %dma_start3A_1160, %dma_start3A_1161] : memref<32x20x4x125xi32, #tpu.memory_space<hbm>> -> memref<1x20x4x125xi32, #tpu.memory_space<hbm>>
      %dma_start3A_1163 = tpu.memref_squeeze %dma_start3A_1162 : memref<1x20x4x125xi32, #tpu.memory_space<hbm>> -> memref<20x4x125xi32, #tpu.memory_space<hbm>>
      %dma_start3A_1164 = arith.constant 0 : i32
      %dma_start3A_1165 = arith.constant 0 : i32
      %dma_start3A_1166 = tpu.memref_slice %dma_start3A_1163[%add3A_1136, %dma_start3A_1164, %dma_start3A_1165] : memref<20x4x125xi32, #tpu.memory_space<hbm>> -> memref<1x4x125xi32, #tpu.memory_space<hbm>>
      %dma_start3A_1167 = tpu.memref_squeeze %dma_start3A_1166 : memref<1x4x125xi32, #tpu.memory_space<hbm>> -> memref<4x125xi32, #tpu.memory_space<hbm>>
      tpu.enqueue_dma source(%dma_start3A_1167 : memref<4x125xi32, #tpu.memory_space<hbm>>) target(%arg9 : memref<4x125xi32, #tpu.memory_space<vmem>>) target_semaphore(%arg22 : memref<!tpu.dma_semaphore, #tpu.memory_space<semaphore_mem>>)
      %dma_start3A_1168 = arith.constant 1 : i32
      %dma_start3A_1169 = arith.constant 0 : i32
      %dma_start3A_1170 = arith.constant 0 : i32
      %dma_start3A_1171 = arith.constant 0 : i32
      %dma_start3A_1172 = arith.constant 0 : i32
      %dma_start3A_1173 = tpu.memref_slice %arg3[%dma_start3A_1168, %dma_start3A_1169, %dma_start3A_1170, %dma_start3A_1171, %dma_start3A_1172] : memref<2x32x20x4x125xi32, #tpu.memory_space<hbm>> -> memref<1x32x20x4x125xi32, #tpu.memory_space<hbm>>
      %dma_start3A_1174 = tpu.memref_squeeze %dma_start3A_1173 : memref<1x32x20x4x125xi32, #tpu.memory_space<hbm>> -> memref<32x20x4x125xi32, #tpu.memory_space<hbm>>
      %dma_start3A_1175 = arith.constant 0 : i32
      %dma_start3A_1176 = arith.constant 0 : i32
      %dma_start3A_1177 = arith.constant 0 : i32
      %dma_start3A_1178 = tpu.memref_slice %dma_start3A_1174[%add3A, %dma_start3A_1175, %dma_start3A_1176, %dma_start3A_1177] : memref<32x20x4x125xi32, #tpu.memory_space<hbm>> -> memref<1x20x4x125xi32, #tpu.memory_space<hbm>>
      %dma_start3A_1179 = tpu.memref_squeeze %dma_start3A_1178 : memref<1x20x4x125xi32, #tpu.memory_space<hbm>> -> memref<20x4x125xi32, #tpu.memory_space<hbm>>
      %dma_start3A_1180 = arith.constant 0 : i32
      %dma_start3A_1181 = arith.constant 0 : i32
      %dma_start3A_1182 = tpu.memref_slice %dma_start3A_1179[%add3A_1136, %dma_start3A_1180, %dma_start3A_1181] : memref<20x4x125xi32, #tpu.memory_space<hbm>> -> memref<1x4x125xi32, #tpu.memory_space<hbm>>
      %dma_start3A_1183 = tpu.memref_squeeze %dma_start3A_1182 : memref<1x4x125xi32, #tpu.memory_space<hbm>> -> memref<4x125xi32, #tpu.memory_space<hbm>>
      %dma_start3A_1184 = arith.constant 0 : i32
      %dma_start3A_1185 = arith.constant 0 : i32
      %dma_start3A_1186 = arith.constant 0 : i32
      %dma_start3A_1187 = arith.constant 0 : i32
      %dma_start3A_1188 = tpu.memref_slice %arg3[%dma_start3A_1168, %dma_start3A_1184, %dma_start3A_1185, %dma_start3A_1186, %dma_start3A_1187] : memref<2x32x20x4x125xi32, #tpu.memory_space<hbm>> -> memref<1x32x20x4x125xi32, #tpu.memory_space<hbm>>
      %dma_start3A_1189 = tpu.memref_squeeze %dma_start3A_1188 : memref<1x32x20x4x125xi32, #tpu.memory_space<hbm>> -> memref<32x20x4x125xi32, #tpu.memory_space<hbm>>
      %dma_start3A_1190 = arith.constant 0 : i32
      %dma_start3A_1191 = arith.constant 0 : i32
      %dma_start3A_1192 = arith.constant 0 : i32
      %dma_start3A_1193 = tpu.memref_slice %dma_start3A_1189[%add3A, %dma_start3A_1190, %dma_start3A_1191, %dma_start3A_1192] : memref<32x20x4x125xi32, #tpu.memory_space<hbm>> -> memref<1x20x4x125xi32, #tpu.memory_space<hbm>>
      %dma_start3A_1194 = tpu.memref_squeeze %dma_start3A_1193 : memref<1x20x4x125xi32, #tpu.memory_space<hbm>> -> memref<20x4x125xi32, #tpu.memory_space<hbm>>
      %dma_start3A_1195 = arith.constant 0 : i32
      %dma_start3A_1196 = arith.constant 0 : i32
      %dma_start3A_1197 = tpu.memref_slice %dma_start3A_1194[%add3A_1136, %dma_start3A_1195, %dma_start3A_1196] : memref<20x4x125xi32, #tpu.memory_space<hbm>> -> memref<1x4x125xi32, #tpu.memory_space<hbm>>
      %dma_start3A_1198 = tpu.memref_squeeze %dma_start3A_1197 : memref<1x4x125xi32, #tpu.memory_space<hbm>> -> memref<4x125xi32, #tpu.memory_space<hbm>>
      tpu.enqueue_dma source(%dma_start3A_1198 : memref<4x125xi32, #tpu.memory_space<hbm>>) target(%arg11 : memref<4x125xi32, #tpu.memory_space<vmem>>) target_semaphore(%arg22 : memref<!tpu.dma_semaphore, #tpu.memory_space<semaphore_mem>>)
      %dma_start3A_1199 = arith.constant 2 : i32
      %dma_start3A_1200 = arith.constant 0 : i32
      %dma_start3A_1201 = tpu.memref_slice %arg8[%dma_start3A_1199, %dma_start3A_1200] : memref<4x125xi32, #tpu.memory_space<vmem>> -> memref<1x125xi32, #tpu.memory_space<vmem>>
      %dma_start3A_1202 = tpu.memref_squeeze %dma_start3A_1201 : memref<1x125xi32, #tpu.memory_space<vmem>> -> memref<125xi32, #tpu.memory_space<vmem>>
      %dma_start3A_1203 = arith.constant 0 : i32
      %dma_start3A_1204 = arith.constant 0 : i32
      %dma_start3A_1205 = tpu.memref_slice %arg2[%dma_start3A_1203, %dma_start3A_1204] : memref<10000x128xf32, #tpu.memory_space<hbm>> -> memref<10000x128xf32, #tpu.memory_space<hbm>>
      tpu.enqueue_indirect_dma source(%dma_start3A_1205 : memref<10000x128xf32, #tpu.memory_space<hbm>>) target(%arg12 : memref<125x128xf32, #tpu.memory_space<vmem>>) offsets(%dma_start3A_1202 : memref<125xi32, #tpu.memory_space<vmem>>) semaphore(%arg17 : memref<!tpu.dma_semaphore, #tpu.memory_space<semaphore_mem>>)
      %dma_wait3A_1206 = arith.constant 1 : i32
      %dma_wait3A_1207 = arith.constant 0 : i32
      %dma_wait3A_1208 = tpu.memref_slice %arg8[%dma_wait3A_1206, %dma_wait3A_1207] : memref<4x125xi32, #tpu.memory_space<vmem>> -> memref<1x125xi32, #tpu.memory_space<vmem>>
      %dma_wait3A_1209 = tpu.memref_squeeze %dma_wait3A_1208 : memref<1x125xi32, #tpu.memory_space<vmem>> -> memref<125xi32, #tpu.memory_space<vmem>>
      %dma_wait3A_1210 = arith.constant 0 : i32
      %dma_wait3A_1211 = arith.constant 0 : i32
      %dma_wait3A_1212 = tpu.memref_slice %arg2[%dma_wait3A_1210, %dma_wait3A_1211] : memref<10000x128xf32, #tpu.memory_space<hbm>> -> memref<10000x128xf32, #tpu.memory_space<hbm>>
      tpu.wait_indirect_dma semaphore(%arg18 : memref<!tpu.dma_semaphore, #tpu.memory_space<semaphore_mem>>) src(%dma_wait3A_1212 : memref<10000x128xf32, #tpu.memory_space<hbm>>) dst(%arg13 : memref<125x128xf32, #tpu.memory_space<vmem>>)
      %dma_start3A_1213 = arith.constant 1 : i32
      %dma_start3A_1214 = arith.constant 0 : i32
      %dma_start3A_1215 = tpu.memref_slice %arg10[%dma_start3A_1213, %dma_start3A_1214] : memref<4x125xi32, #tpu.memory_space<vmem>> -> memref<1x125xi32, #tpu.memory_space<vmem>>
      %dma_start3A_1216 = tpu.memref_squeeze %dma_start3A_1215 : memref<1x125xi32, #tpu.memory_space<vmem>> -> memref<125xi32, #tpu.memory_space<vmem>>
      %dma_start3A_1217 = arith.constant 0 : i32
      %dma_start3A_1218 = arith.constant 0 : i32
      %dma_start3A_1219 = tpu.memref_slice %arg15[%dma_start3A_1217, %dma_start3A_1218] : memref<10240x128xf32, #tpu.memory_space<vmem_shared>> -> memref<10240x128xf32, #tpu.memory_space<vmem_shared>>
      tpu.enqueue_indirect_dma source(%arg13 : memref<125x128xf32, #tpu.memory_space<vmem>>) target(%dma_start3A_1219 : memref<10240x128xf32, #tpu.memory_space<vmem_shared>>) offsets(%dma_start3A_1216 : memref<125xi32, #tpu.memory_space<vmem>>) semaphore(%arg20 : memref<!tpu.dma_semaphore, #tpu.memory_space<semaphore_mem>>) {add = true}
      %dma_start3A_1220 = arith.constant 1 : i32
      %dma_start3A_1221 = arith.constant 0 : i32
      %dma_start3A_1222 = tpu.memref_slice %arg14[%dma_start3A_1221] : memref<128xf32, #tpu.memory_space<vmem>> -> memref<125xf32, #tpu.memory_space<vmem>>
      %dma_start3A_1223 = arith.constant 0 : i32
      %dma_start3A_1224 = tpu.memref_slice %arg10[%dma_start3A_1220, %dma_start3A_1223] : memref<4x125xi32, #tpu.memory_space<vmem>> -> memref<1x125xi32, #tpu.memory_space<vmem>>
      %dma_start3A_1225 = tpu.memref_squeeze %dma_start3A_1224 : memref<1x125xi32, #tpu.memory_space<vmem>> -> memref<125xi32, #tpu.memory_space<vmem>>
      %dma_start3A_1226 = arith.constant 0 : i32
      %dma_start3A_1227 = tpu.memref_slice %arg16[%dma_start3A_1226] : memref<10240xf32, #tpu.memory_space<vmem_shared>> -> memref<10240xf32, #tpu.memory_space<vmem_shared>>
      tpu.enqueue_indirect_dma source(%dma_start3A_1222 : memref<125xf32, #tpu.memory_space<vmem>>) target(%dma_start3A_1227 : memref<10240xf32, #tpu.memory_space<vmem_shared>>) offsets(%dma_start3A_1225 : memref<125xi32, #tpu.memory_space<vmem>>) semaphore(%arg20 : memref<!tpu.dma_semaphore, #tpu.memory_space<semaphore_mem>>) {add = true}
      %dma_wait3A_1228 = arith.constant 1 : i32
      %dma_wait3A_1229 = arith.constant 0 : i32
      %dma_wait3A_1230 = tpu.memref_slice %arg10[%dma_wait3A_1228, %dma_wait3A_1229] : memref<4x125xi32, #tpu.memory_space<vmem>> -> memref<1x125xi32, #tpu.memory_space<vmem>>
      %dma_wait3A_1231 = tpu.memref_squeeze %dma_wait3A_1230 : memref<1x125xi32, #tpu.memory_space<vmem>> -> memref<125xi32, #tpu.memory_space<vmem>>
      %dma_wait3A_1232 = arith.constant 0 : i32
      %dma_wait3A_1233 = arith.constant 0 : i32
      %dma_wait3A_1234 = tpu.memref_slice %arg15[%dma_wait3A_1232, %dma_wait3A_1233] : memref<10240x128xf32, #tpu.memory_space<vmem_shared>> -> memref<10240x128xf32, #tpu.memory_space<vmem_shared>>
      tpu.wait_indirect_dma semaphore(%arg20 : memref<!tpu.dma_semaphore, #tpu.memory_space<semaphore_mem>>) src(%arg13 : memref<125x128xf32, #tpu.memory_space<vmem>>) dst(%dma_wait3A_1234 : memref<10240x128xf32, #tpu.memory_space<vmem_shared>>)
      %dma_wait3A_1235 = arith.constant 1 : i32
      %dma_wait3A_1236 = arith.constant 0 : i32
      %dma_wait3A_1237 = tpu.memref_slice %arg14[%dma_wait3A_1236] : memref<128xf32, #tpu.memory_space<vmem>> -> memref<125xf32, #tpu.memory_space<vmem>>
      %dma_wait3A_1238 = arith.constant 0 : i32
      %dma_wait3A_1239 = tpu.memref_slice %arg10[%dma_wait3A_1235, %dma_wait3A_1238] : memref<4x125xi32, #tpu.memory_space<vmem>> -> memref<1x125xi32, #tpu.memory_space<vmem>>
      %dma_wait3A_1240 = tpu.memref_squeeze %dma_wait3A_1239 : memref<1x125xi32, #tpu.memory_space<vmem>> -> memref<125xi32, #tpu.memory_space<vmem>>
      %dma_wait3A_1241 = arith.constant 0 : i32
      %dma_wait3A_1242 = tpu.memref_slice %arg16[%dma_wait3A_1241] : memref<10240xf32, #tpu.memory_space<vmem_shared>> -> memref<10240xf32, #tpu.memory_space<vmem_shared>>
      tpu.wait_indirect_dma semaphore(%arg20 : memref<!tpu.dma_semaphore, #tpu.memory_space<semaphore_mem>>) src(%dma_wait3A_1237 : memref<125xf32, #tpu.memory_space<vmem>>) dst(%dma_wait3A_1242 : memref<10240xf32, #tpu.memory_space<vmem_shared>>)
      %dma_start3A_1243 = arith.constant 3 : i32
      %dma_start3A_1244 = arith.constant 0 : i32
      %dma_start3A_1245 = tpu.memref_slice %arg8[%dma_start3A_1243, %dma_start3A_1244] : memref<4x125xi32, #tpu.memory_space<vmem>> -> memref<1x125xi32, #tpu.memory_space<vmem>>
      %dma_start3A_1246 = tpu.memref_squeeze %dma_start3A_1245 : memref<1x125xi32, #tpu.memory_space<vmem>> -> memref<125xi32, #tpu.memory_space<vmem>>
      %dma_start3A_1247 = arith.constant 0 : i32
      %dma_start3A_1248 = arith.constant 0 : i32
      %dma_start3A_1249 = tpu.memref_slice %arg2[%dma_start3A_1247, %dma_start3A_1248] : memref<10000x128xf32, #tpu.memory_space<hbm>> -> memref<10000x128xf32, #tpu.memory_space<hbm>>
      tpu.enqueue_indirect_dma source(%dma_start3A_1249 : memref<10000x128xf32, #tpu.memory_space<hbm>>) target(%arg13 : memref<125x128xf32, #tpu.memory_space<vmem>>) offsets(%dma_start3A_1246 : memref<125xi32, #tpu.memory_space<vmem>>) semaphore(%arg18 : memref<!tpu.dma_semaphore, #tpu.memory_space<semaphore_mem>>)
      %dma_wait3A_1250 = arith.constant 2 : i32
      %dma_wait3A_1251 = arith.constant 0 : i32
      %dma_wait3A_1252 = tpu.memref_slice %arg8[%dma_wait3A_1250, %dma_wait3A_1251] : memref<4x125xi32, #tpu.memory_space<vmem>> -> memref<1x125xi32, #tpu.memory_space<vmem>>
      %dma_wait3A_1253 = tpu.memref_squeeze %dma_wait3A_1252 : memref<1x125xi32, #tpu.memory_space<vmem>> -> memref<125xi32, #tpu.memory_space<vmem>>
      %dma_wait3A_1254 = arith.constant 0 : i32
      %dma_wait3A_1255 = arith.constant 0 : i32
      %dma_wait3A_1256 = tpu.memref_slice %arg2[%dma_wait3A_1254, %dma_wait3A_1255] : memref<10000x128xf32, #tpu.memory_space<hbm>> -> memref<10000x128xf32, #tpu.memory_space<hbm>>
      tpu.wait_indirect_dma semaphore(%arg17 : memref<!tpu.dma_semaphore, #tpu.memory_space<semaphore_mem>>) src(%dma_wait3A_1256 : memref<10000x128xf32, #tpu.memory_space<hbm>>) dst(%arg12 : memref<125x128xf32, #tpu.memory_space<vmem>>)
      %dma_start3A_1257 = arith.constant 2 : i32
      %dma_start3A_1258 = arith.constant 0 : i32
      %dma_start3A_1259 = tpu.memref_slice %arg10[%dma_start3A_1257, %dma_start3A_1258] : memref<4x125xi32, #tpu.memory_space<vmem>> -> memref<1x125xi32, #tpu.memory_space<vmem>>
      %dma_start3A_1260 = tpu.memref_squeeze %dma_start3A_1259 : memref<1x125xi32, #tpu.memory_space<vmem>> -> memref<125xi32, #tpu.memory_space<vmem>>
      %dma_start3A_1261 = arith.constant 0 : i32
      %dma_start3A_1262 = arith.constant 0 : i32
      %dma_start3A_1263 = tpu.memref_slice %arg15[%dma_start3A_1261, %dma_start3A_1262] : memref<10240x128xf32, #tpu.memory_space<vmem_shared>> -> memref<10240x128xf32, #tpu.memory_space<vmem_shared>>
      tpu.enqueue_indirect_dma source(%arg12 : memref<125x128xf32, #tpu.memory_space<vmem>>) target(%dma_start3A_1263 : memref<10240x128xf32, #tpu.memory_space<vmem_shared>>) offsets(%dma_start3A_1260 : memref<125xi32, #tpu.memory_space<vmem>>) semaphore(%arg19 : memref<!tpu.dma_semaphore, #tpu.memory_space<semaphore_mem>>) {add = true}
      %dma_start3A_1264 = arith.constant 2 : i32
      %dma_start3A_1265 = arith.constant 0 : i32
      %dma_start3A_1266 = tpu.memref_slice %arg14[%dma_start3A_1265] : memref<128xf32, #tpu.memory_space<vmem>> -> memref<125xf32, #tpu.memory_space<vmem>>
      %dma_start3A_1267 = arith.constant 0 : i32
      %dma_start3A_1268 = tpu.memref_slice %arg10[%dma_start3A_1264, %dma_start3A_1267] : memref<4x125xi32, #tpu.memory_space<vmem>> -> memref<1x125xi32, #tpu.memory_space<vmem>>
      %dma_start3A_1269 = tpu.memref_squeeze %dma_start3A_1268 : memref<1x125xi32, #tpu.memory_space<vmem>> -> memref<125xi32, #tpu.memory_space<vmem>>
      %dma_start3A_1270 = arith.constant 0 : i32
      %dma_start3A_1271 = tpu.memref_slice %arg16[%dma_start3A_1270] : memref<10240xf32, #tpu.memory_space<vmem_shared>> -> memref<10240xf32, #tpu.memory_space<vmem_shared>>
      tpu.enqueue_indirect_dma source(%dma_start3A_1266 : memref<125xf32, #tpu.memory_space<vmem>>) target(%dma_start3A_1271 : memref<10240xf32, #tpu.memory_space<vmem_shared>>) offsets(%dma_start3A_1269 : memref<125xi32, #tpu.memory_space<vmem>>) semaphore(%arg19 : memref<!tpu.dma_semaphore, #tpu.memory_space<semaphore_mem>>) {add = true}
    }
    %scan3A_355 = arith.constant 9 : i32
    %dma_wait3A_356 = arith.constant 0 : i32
    %dma_wait3A_357 = arith.constant 0 : i32
    %dma_wait3A_358 = arith.constant 0 : i32
    %dma_wait3A_359 = arith.constant 0 : i32
    %dma_wait3A_360 = arith.constant 0 : i32
    %dma_wait3A_361 = arith.constant 0 : i32
    %dma_wait3A_362 = arith.constant 0 : i32
    %dma_wait3A_363 = tpu.memref_slice %arg3[%dma_wait3A_356, %dma_wait3A_359, %dma_wait3A_360, %dma_wait3A_361, %dma_wait3A_362] : memref<2x32x20x4x125xi32, #tpu.memory_space<hbm>> -> memref<1x32x20x4x125xi32, #tpu.memory_space<hbm>>
    %dma_wait3A_364 = tpu.memref_squeeze %dma_wait3A_363 : memref<1x32x20x4x125xi32, #tpu.memory_space<hbm>> -> memref<32x20x4x125xi32, #tpu.memory_space<hbm>>
    %dma_wait3A_365 = arith.constant 0 : i32
    %dma_wait3A_366 = arith.constant 0 : i32
    %dma_wait3A_367 = arith.constant 0 : i32
    %dma_wait3A_368 = tpu.memref_slice %dma_wait3A_364[%dma_wait3A_357, %dma_wait3A_365, %dma_wait3A_366, %dma_wait3A_367] : memref<32x20x4x125xi32, #tpu.memory_space<hbm>> -> memref<1x20x4x125xi32, #tpu.memory_space<hbm>>
    %dma_wait3A_369 = tpu.memref_squeeze %dma_wait3A_368 : memref<1x20x4x125xi32, #tpu.memory_space<hbm>> -> memref<20x4x125xi32, #tpu.memory_space<hbm>>
    %dma_wait3A_370 = arith.constant 0 : i32
    %dma_wait3A_371 = arith.constant 0 : i32
    %dma_wait3A_372 = tpu.memref_slice %dma_wait3A_369[%dma_wait3A_358, %dma_wait3A_370, %dma_wait3A_371] : memref<20x4x125xi32, #tpu.memory_space<hbm>> -> memref<1x4x125xi32, #tpu.memory_space<hbm>>
    %dma_wait3A_373 = tpu.memref_squeeze %dma_wait3A_372 : memref<1x4x125xi32, #tpu.memory_space<hbm>> -> memref<4x125xi32, #tpu.memory_space<hbm>>
    %dma_wait3A_374 = arith.constant 0 : i32
    %dma_wait3A_375 = arith.constant 0 : i32
    %dma_wait3A_376 = arith.constant 0 : i32
    %dma_wait3A_377 = arith.constant 0 : i32
    %dma_wait3A_378 = tpu.memref_slice %arg3[%dma_wait3A_356, %dma_wait3A_374, %dma_wait3A_375, %dma_wait3A_376, %dma_wait3A_377] : memref<2x32x20x4x125xi32, #tpu.memory_space<hbm>> -> memref<1x32x20x4x125xi32, #tpu.memory_space<hbm>>
    %dma_wait3A_379 = tpu.memref_squeeze %dma_wait3A_378 : memref<1x32x20x4x125xi32, #tpu.memory_space<hbm>> -> memref<32x20x4x125xi32, #tpu.memory_space<hbm>>
    %dma_wait3A_380 = arith.constant 0 : i32
    %dma_wait3A_381 = arith.constant 0 : i32
    %dma_wait3A_382 = arith.constant 0 : i32
    %dma_wait3A_383 = tpu.memref_slice %dma_wait3A_379[%dma_wait3A_357, %dma_wait3A_380, %dma_wait3A_381, %dma_wait3A_382] : memref<32x20x4x125xi32, #tpu.memory_space<hbm>> -> memref<1x20x4x125xi32, #tpu.memory_space<hbm>>
    %dma_wait3A_384 = tpu.memref_squeeze %dma_wait3A_383 : memref<1x20x4x125xi32, #tpu.memory_space<hbm>> -> memref<20x4x125xi32, #tpu.memory_space<hbm>>
    %dma_wait3A_385 = arith.constant 0 : i32
    %dma_wait3A_386 = arith.constant 0 : i32
    %dma_wait3A_387 = tpu.memref_slice %dma_wait3A_384[%dma_wait3A_358, %dma_wait3A_385, %dma_wait3A_386] : memref<20x4x125xi32, #tpu.memory_space<hbm>> -> memref<1x4x125xi32, #tpu.memory_space<hbm>>
    %dma_wait3A_388 = tpu.memref_squeeze %dma_wait3A_387 : memref<1x4x125xi32, #tpu.memory_space<hbm>> -> memref<4x125xi32, #tpu.memory_space<hbm>>
    tpu.wait_dma2 semaphore(%arg22 : memref<!tpu.dma_semaphore, #tpu.memory_space<semaphore_mem>>) src(%dma_wait3A_388 : memref<4x125xi32, #tpu.memory_space<hbm>>) dst(%arg9 : memref<4x125xi32, #tpu.memory_space<vmem>>)
    %dma_wait3A_389 = arith.constant 1 : i32
    %dma_wait3A_390 = arith.constant 0 : i32
    %dma_wait3A_391 = arith.constant 0 : i32
    %dma_wait3A_392 = arith.constant 0 : i32
    %dma_wait3A_393 = arith.constant 0 : i32
    %dma_wait3A_394 = arith.constant 0 : i32
    %dma_wait3A_395 = arith.constant 0 : i32
    %dma_wait3A_396 = tpu.memref_slice %arg3[%dma_wait3A_389, %dma_wait3A_392, %dma_wait3A_393, %dma_wait3A_394, %dma_wait3A_395] : memref<2x32x20x4x125xi32, #tpu.memory_space<hbm>> -> memref<1x32x20x4x125xi32, #tpu.memory_space<hbm>>
    %dma_wait3A_397 = tpu.memref_squeeze %dma_wait3A_396 : memref<1x32x20x4x125xi32, #tpu.memory_space<hbm>> -> memref<32x20x4x125xi32, #tpu.memory_space<hbm>>
    %dma_wait3A_398 = arith.constant 0 : i32
    %dma_wait3A_399 = arith.constant 0 : i32
    %dma_wait3A_400 = arith.constant 0 : i32
    %dma_wait3A_401 = tpu.memref_slice %dma_wait3A_397[%dma_wait3A_390, %dma_wait3A_398, %dma_wait3A_399, %dma_wait3A_400] : memref<32x20x4x125xi32, #tpu.memory_space<hbm>> -> memref<1x20x4x125xi32, #tpu.memory_space<hbm>>
    %dma_wait3A_402 = tpu.memref_squeeze %dma_wait3A_401 : memref<1x20x4x125xi32, #tpu.memory_space<hbm>> -> memref<20x4x125xi32, #tpu.memory_space<hbm>>
    %dma_wait3A_403 = arith.constant 0 : i32
    %dma_wait3A_404 = arith.constant 0 : i32
    %dma_wait3A_405 = tpu.memref_slice %dma_wait3A_402[%dma_wait3A_391, %dma_wait3A_403, %dma_wait3A_404] : memref<20x4x125xi32, #tpu.memory_space<hbm>> -> memref<1x4x125xi32, #tpu.memory_space<hbm>>
    %dma_wait3A_406 = tpu.memref_squeeze %dma_wait3A_405 : memref<1x4x125xi32, #tpu.memory_space<hbm>> -> memref<4x125xi32, #tpu.memory_space<hbm>>
    %dma_wait3A_407 = arith.constant 0 : i32
    %dma_wait3A_408 = arith.constant 0 : i32
    %dma_wait3A_409 = arith.constant 0 : i32
    %dma_wait3A_410 = arith.constant 0 : i32
    %dma_wait3A_411 = tpu.memref_slice %arg3[%dma_wait3A_389, %dma_wait3A_407, %dma_wait3A_408, %dma_wait3A_409, %dma_wait3A_410] : memref<2x32x20x4x125xi32, #tpu.memory_space<hbm>> -> memref<1x32x20x4x125xi32, #tpu.memory_space<hbm>>
    %dma_wait3A_412 = tpu.memref_squeeze %dma_wait3A_411 : memref<1x32x20x4x125xi32, #tpu.memory_space<hbm>> -> memref<32x20x4x125xi32, #tpu.memory_space<hbm>>
    %dma_wait3A_413 = arith.constant 0 : i32
    %dma_wait3A_414 = arith.constant 0 : i32
    %dma_wait3A_415 = arith.constant 0 : i32
    %dma_wait3A_416 = tpu.memref_slice %dma_wait3A_412[%dma_wait3A_390, %dma_wait3A_413, %dma_wait3A_414, %dma_wait3A_415] : memref<32x20x4x125xi32, #tpu.memory_space<hbm>> -> memref<1x20x4x125xi32, #tpu.memory_space<hbm>>
    %dma_wait3A_417 = tpu.memref_squeeze %dma_wait3A_416 : memref<1x20x4x125xi32, #tpu.memory_space<hbm>> -> memref<20x4x125xi32, #tpu.memory_space<hbm>>
    %dma_wait3A_418 = arith.constant 0 : i32
    %dma_wait3A_419 = arith.constant 0 : i32
    %dma_wait3A_420 = tpu.memref_slice %dma_wait3A_417[%dma_wait3A_391, %dma_wait3A_418, %dma_wait3A_419] : memref<20x4x125xi32, #tpu.memory_space<hbm>> -> memref<1x4x125xi32, #tpu.memory_space<hbm>>
    %dma_wait3A_421 = tpu.memref_squeeze %dma_wait3A_420 : memref<1x4x125xi32, #tpu.memory_space<hbm>> -> memref<4x125xi32, #tpu.memory_space<hbm>>
    tpu.wait_dma2 semaphore(%arg22 : memref<!tpu.dma_semaphore, #tpu.memory_space<semaphore_mem>>) src(%dma_wait3A_421 : memref<4x125xi32, #tpu.memory_space<hbm>>) dst(%arg11 : memref<4x125xi32, #tpu.memory_space<vmem>>)
    %dma_wait3A_422 = arith.constant 2 : i32
    %dma_wait3A_423 = arith.constant 0 : i32
    %dma_wait3A_424 = tpu.memref_slice %arg10[%dma_wait3A_422, %dma_wait3A_423] : memref<4x125xi32, #tpu.memory_space<vmem>> -> memref<1x125xi32, #tpu.memory_space<vmem>>
    %dma_wait3A_425 = tpu.memref_squeeze %dma_wait3A_424 : memref<1x125xi32, #tpu.memory_space<vmem>> -> memref<125xi32, #tpu.memory_space<vmem>>
    %dma_wait3A_426 = arith.constant 0 : i32
    %dma_wait3A_427 = arith.constant 0 : i32
    %dma_wait3A_428 = tpu.memref_slice %arg15[%dma_wait3A_426, %dma_wait3A_427] : memref<10240x128xf32, #tpu.memory_space<vmem_shared>> -> memref<10240x128xf32, #tpu.memory_space<vmem_shared>>
    tpu.wait_indirect_dma semaphore(%arg19 : memref<!tpu.dma_semaphore, #tpu.memory_space<semaphore_mem>>) src(%arg12 : memref<125x128xf32, #tpu.memory_space<vmem>>) dst(%dma_wait3A_428 : memref<10240x128xf32, #tpu.memory_space<vmem_shared>>)
    %dma_wait3A_429 = arith.constant 2 : i32
    %dma_wait3A_430 = arith.constant 0 : i32
    %dma_wait3A_431 = tpu.memref_slice %arg14[%dma_wait3A_430] : memref<128xf32, #tpu.memory_space<vmem>> -> memref<125xf32, #tpu.memory_space<vmem>>
    %dma_wait3A_432 = arith.constant 0 : i32
    %dma_wait3A_433 = tpu.memref_slice %arg10[%dma_wait3A_429, %dma_wait3A_432] : memref<4x125xi32, #tpu.memory_space<vmem>> -> memref<1x125xi32, #tpu.memory_space<vmem>>
    %dma_wait3A_434 = tpu.memref_squeeze %dma_wait3A_433 : memref<1x125xi32, #tpu.memory_space<vmem>> -> memref<125xi32, #tpu.memory_space<vmem>>
    %dma_wait3A_435 = arith.constant 0 : i32
    %dma_wait3A_436 = tpu.memref_slice %arg16[%dma_wait3A_435] : memref<10240xf32, #tpu.memory_space<vmem_shared>> -> memref<10240xf32, #tpu.memory_space<vmem_shared>>
    tpu.wait_indirect_dma semaphore(%arg19 : memref<!tpu.dma_semaphore, #tpu.memory_space<semaphore_mem>>) src(%dma_wait3A_431 : memref<125xf32, #tpu.memory_space<vmem>>) dst(%dma_wait3A_436 : memref<10240xf32, #tpu.memory_space<vmem_shared>>)
    %dma_start3A_437 = arith.constant 0 : i32
    %dma_start3A_438 = arith.constant 0 : i32
    %dma_start3A_439 = tpu.memref_slice %arg9[%dma_start3A_437, %dma_start3A_438] : memref<4x125xi32, #tpu.memory_space<vmem>> -> memref<1x125xi32, #tpu.memory_space<vmem>>
    %dma_start3A_440 = tpu.memref_squeeze %dma_start3A_439 : memref<1x125xi32, #tpu.memory_space<vmem>> -> memref<125xi32, #tpu.memory_space<vmem>>
    %dma_start3A_441 = arith.constant 0 : i32
    %dma_start3A_442 = arith.constant 0 : i32
    %dma_start3A_443 = tpu.memref_slice %arg2[%dma_start3A_441, %dma_start3A_442] : memref<10000x128xf32, #tpu.memory_space<hbm>> -> memref<10000x128xf32, #tpu.memory_space<hbm>>
    tpu.enqueue_indirect_dma source(%dma_start3A_443 : memref<10000x128xf32, #tpu.memory_space<hbm>>) target(%arg12 : memref<125x128xf32, #tpu.memory_space<vmem>>) offsets(%dma_start3A_440 : memref<125xi32, #tpu.memory_space<vmem>>) semaphore(%arg17 : memref<!tpu.dma_semaphore, #tpu.memory_space<semaphore_mem>>)
    %dma_wait3A_444 = arith.constant 3 : i32
    %dma_wait3A_445 = arith.constant 0 : i32
    %dma_wait3A_446 = tpu.memref_slice %arg8[%dma_wait3A_444, %dma_wait3A_445] : memref<4x125xi32, #tpu.memory_space<vmem>> -> memref<1x125xi32, #tpu.memory_space<vmem>>
    %dma_wait3A_447 = tpu.memref_squeeze %dma_wait3A_446 : memref<1x125xi32, #tpu.memory_space<vmem>> -> memref<125xi32, #tpu.memory_space<vmem>>
    %dma_wait3A_448 = arith.constant 0 : i32
    %dma_wait3A_449 = arith.constant 0 : i32
    %dma_wait3A_450 = tpu.memref_slice %arg2[%dma_wait3A_448, %dma_wait3A_449] : memref<10000x128xf32, #tpu.memory_space<hbm>> -> memref<10000x128xf32, #tpu.memory_space<hbm>>
    tpu.wait_indirect_dma semaphore(%arg18 : memref<!tpu.dma_semaphore, #tpu.memory_space<semaphore_mem>>) src(%dma_wait3A_450 : memref<10000x128xf32, #tpu.memory_space<hbm>>) dst(%arg13 : memref<125x128xf32, #tpu.memory_space<vmem>>)
    %dma_start3A_451 = arith.constant 3 : i32
    %dma_start3A_452 = arith.constant 0 : i32
    %dma_start3A_453 = tpu.memref_slice %arg10[%dma_start3A_451, %dma_start3A_452] : memref<4x125xi32, #tpu.memory_space<vmem>> -> memref<1x125xi32, #tpu.memory_space<vmem>>
    %dma_start3A_454 = tpu.memref_squeeze %dma_start3A_453 : memref<1x125xi32, #tpu.memory_space<vmem>> -> memref<125xi32, #tpu.memory_space<vmem>>
    %dma_start3A_455 = arith.constant 0 : i32
    %dma_start3A_456 = arith.constant 0 : i32
    %dma_start3A_457 = tpu.memref_slice %arg15[%dma_start3A_455, %dma_start3A_456] : memref<10240x128xf32, #tpu.memory_space<vmem_shared>> -> memref<10240x128xf32, #tpu.memory_space<vmem_shared>>
    tpu.enqueue_indirect_dma source(%arg13 : memref<125x128xf32, #tpu.memory_space<vmem>>) target(%dma_start3A_457 : memref<10240x128xf32, #tpu.memory_space<vmem_shared>>) offsets(%dma_start3A_454 : memref<125xi32, #tpu.memory_space<vmem>>) semaphore(%arg20 : memref<!tpu.dma_semaphore, #tpu.memory_space<semaphore_mem>>) {add = true}
    %dma_start3A_458 = arith.constant 3 : i32
    %dma_start3A_459 = arith.constant 0 : i32
    %dma_start3A_460 = tpu.memref_slice %arg14[%dma_start3A_459] : memref<128xf32, #tpu.memory_space<vmem>> -> memref<125xf32, #tpu.memory_space<vmem>>
    %dma_start3A_461 = arith.constant 0 : i32
    %dma_start3A_462 = tpu.memref_slice %arg10[%dma_start3A_458, %dma_start3A_461] : memref<4x125xi32, #tpu.memory_space<vmem>> -> memref<1x125xi32, #tpu.memory_space<vmem>>
    %dma_start3A_463 = tpu.memref_squeeze %dma_start3A_462 : memref<1x125xi32, #tpu.memory_space<vmem>> -> memref<125xi32, #tpu.memory_space<vmem>>
    %dma_start3A_464 = arith.constant 0 : i32
    %dma_start3A_465 = tpu.memref_slice %arg16[%dma_start3A_464] : memref<10240xf32, #tpu.memory_space<vmem_shared>> -> memref<10240xf32, #tpu.memory_space<vmem_shared>>
    tpu.enqueue_indirect_dma source(%dma_start3A_460 : memref<125xf32, #tpu.memory_space<vmem>>) target(%dma_start3A_465 : memref<10240xf32, #tpu.memory_space<vmem_shared>>) offsets(%dma_start3A_463 : memref<125xi32, #tpu.memory_space<vmem>>) semaphore(%arg20 : memref<!tpu.dma_semaphore, #tpu.memory_space<semaphore_mem>>) {add = true}
    %dma_wait3A_466 = arith.constant 3 : i32
    %dma_wait3A_467 = arith.constant 0 : i32
    %dma_wait3A_468 = tpu.memref_slice %arg10[%dma_wait3A_466, %dma_wait3A_467] : memref<4x125xi32, #tpu.memory_space<vmem>> -> memref<1x125xi32, #tpu.memory_space<vmem>>
    %dma_wait3A_469 = tpu.memref_squeeze %dma_wait3A_468 : memref<1x125xi32, #tpu.memory_space<vmem>> -> memref<125xi32, #tpu.memory_space<vmem>>
    %dma_wait3A_470 = arith.constant 0 : i32
    %dma_wait3A_471 = arith.constant 0 : i32
    %dma_wait3A_472 = tpu.memref_slice %arg15[%dma_wait3A_470, %dma_wait3A_471] : memref<10240x128xf32, #tpu.memory_space<vmem_shared>> -> memref<10240x128xf32, #tpu.memory_space<vmem_shared>>
    tpu.wait_indirect_dma semaphore(%arg20 : memref<!tpu.dma_semaphore, #tpu.memory_space<semaphore_mem>>) src(%arg13 : memref<125x128xf32, #tpu.memory_space<vmem>>) dst(%dma_wait3A_472 : memref<10240x128xf32, #tpu.memory_space<vmem_shared>>)
    %dma_wait3A_473 = arith.constant 3 : i32
    %dma_wait3A_474 = arith.constant 0 : i32
    %dma_wait3A_475 = tpu.memref_slice %arg14[%dma_wait3A_474] : memref<128xf32, #tpu.memory_space<vmem>> -> memref<125xf32, #tpu.memory_space<vmem>>
    %dma_wait3A_476 = arith.constant 0 : i32
    %dma_wait3A_477 = tpu.memref_slice %arg10[%dma_wait3A_473, %dma_wait3A_476] : memref<4x125xi32, #tpu.memory_space<vmem>> -> memref<1x125xi32, #tpu.memory_space<vmem>>
    %dma_wait3A_478 = tpu.memref_squeeze %dma_wait3A_477 : memref<1x125xi32, #tpu.memory_space<vmem>> -> memref<125xi32, #tpu.memory_space<vmem>>
    %dma_wait3A_479 = arith.constant 0 : i32
    %dma_wait3A_480 = tpu.memref_slice %arg16[%dma_wait3A_479] : memref<10240xf32, #tpu.memory_space<vmem_shared>> -> memref<10240xf32, #tpu.memory_space<vmem_shared>>
    tpu.wait_indirect_dma semaphore(%arg20 : memref<!tpu.dma_semaphore, #tpu.memory_space<semaphore_mem>>) src(%dma_wait3A_475 : memref<125xf32, #tpu.memory_space<vmem>>) dst(%dma_wait3A_480 : memref<10240xf32, #tpu.memory_space<vmem_shared>>)
    %dma_start3A_481 = arith.constant 1 : i32
    %dma_start3A_482 = arith.constant 0 : i32
    %dma_start3A_483 = tpu.memref_slice %arg9[%dma_start3A_481, %dma_start3A_482] : memref<4x125xi32, #tpu.memory_space<vmem>> -> memref<1x125xi32, #tpu.memory_space<vmem>>
    %dma_start3A_484 = tpu.memref_squeeze %dma_start3A_483 : memref<1x125xi32, #tpu.memory_space<vmem>> -> memref<125xi32, #tpu.memory_space<vmem>>
    %dma_start3A_485 = arith.constant 0 : i32
    %dma_start3A_486 = arith.constant 0 : i32
    %dma_start3A_487 = tpu.memref_slice %arg2[%dma_start3A_485, %dma_start3A_486] : memref<10000x128xf32, #tpu.memory_space<hbm>> -> memref<10000x128xf32, #tpu.memory_space<hbm>>
    tpu.enqueue_indirect_dma source(%dma_start3A_487 : memref<10000x128xf32, #tpu.memory_space<hbm>>) target(%arg13 : memref<125x128xf32, #tpu.memory_space<vmem>>) offsets(%dma_start3A_484 : memref<125xi32, #tpu.memory_space<vmem>>) semaphore(%arg18 : memref<!tpu.dma_semaphore, #tpu.memory_space<semaphore_mem>>)
    %dma_wait3A_488 = arith.constant 0 : i32
    %dma_wait3A_489 = arith.constant 0 : i32
    %dma_wait3A_490 = tpu.memref_slice %arg9[%dma_wait3A_488, %dma_wait3A_489] : memref<4x125xi32, #tpu.memory_space<vmem>> -> memref<1x125xi32, #tpu.memory_space<vmem>>
    %dma_wait3A_491 = tpu.memref_squeeze %dma_wait3A_490 : memref<1x125xi32, #tpu.memory_space<vmem>> -> memref<125xi32, #tpu.memory_space<vmem>>
    %dma_wait3A_492 = arith.constant 0 : i32
    %dma_wait3A_493 = arith.constant 0 : i32
    %dma_wait3A_494 = tpu.memref_slice %arg2[%dma_wait3A_492, %dma_wait3A_493] : memref<10000x128xf32, #tpu.memory_space<hbm>> -> memref<10000x128xf32, #tpu.memory_space<hbm>>
    tpu.wait_indirect_dma semaphore(%arg17 : memref<!tpu.dma_semaphore, #tpu.memory_space<semaphore_mem>>) src(%dma_wait3A_494 : memref<10000x128xf32, #tpu.memory_space<hbm>>) dst(%arg12 : memref<125x128xf32, #tpu.memory_space<vmem>>)
    %dma_start3A_495 = arith.constant 0 : i32
    %dma_start3A_496 = arith.constant 0 : i32
    %dma_start3A_497 = tpu.memref_slice %arg11[%dma_start3A_495, %dma_start3A_496] : memref<4x125xi32, #tpu.memory_space<vmem>> -> memref<1x125xi32, #tpu.memory_space<vmem>>
    %dma_start3A_498 = tpu.memref_squeeze %dma_start3A_497 : memref<1x125xi32, #tpu.memory_space<vmem>> -> memref<125xi32, #tpu.memory_space<vmem>>
    %dma_start3A_499 = arith.constant 0 : i32
    %dma_start3A_500 = arith.constant 0 : i32
    %dma_start3A_501 = tpu.memref_slice %arg15[%dma_start3A_499, %dma_start3A_500] : memref<10240x128xf32, #tpu.memory_space<vmem_shared>> -> memref<10240x128xf32, #tpu.memory_space<vmem_shared>>
    tpu.enqueue_indirect_dma source(%arg12 : memref<125x128xf32, #tpu.memory_space<vmem>>) target(%dma_start3A_501 : memref<10240x128xf32, #tpu.memory_space<vmem_shared>>) offsets(%dma_start3A_498 : memref<125xi32, #tpu.memory_space<vmem>>) semaphore(%arg19 : memref<!tpu.dma_semaphore, #tpu.memory_space<semaphore_mem>>) {add = true}
    %dma_start3A_502 = arith.constant 0 : i32
    %dma_start3A_503 = arith.constant 0 : i32
    %dma_start3A_504 = tpu.memref_slice %arg14[%dma_start3A_503] : memref<128xf32, #tpu.memory_space<vmem>> -> memref<125xf32, #tpu.memory_space<vmem>>
    %dma_start3A_505 = arith.constant 0 : i32
    %dma_start3A_506 = tpu.memref_slice %arg11[%dma_start3A_502, %dma_start3A_505] : memref<4x125xi32, #tpu.memory_space<vmem>> -> memref<1x125xi32, #tpu.memory_space<vmem>>
    %dma_start3A_507 = tpu.memref_squeeze %dma_start3A_506 : memref<1x125xi32, #tpu.memory_space<vmem>> -> memref<125xi32, #tpu.memory_space<vmem>>
    %dma_start3A_508 = arith.constant 0 : i32
    %dma_start3A_509 = tpu.memref_slice %arg16[%dma_start3A_508] : memref<10240xf32, #tpu.memory_space<vmem_shared>> -> memref<10240xf32, #tpu.memory_space<vmem_shared>>
    tpu.enqueue_indirect_dma source(%dma_start3A_504 : memref<125xf32, #tpu.memory_space<vmem>>) target(%dma_start3A_509 : memref<10240xf32, #tpu.memory_space<vmem_shared>>) offsets(%dma_start3A_507 : memref<125xi32, #tpu.memory_space<vmem>>) semaphore(%arg19 : memref<!tpu.dma_semaphore, #tpu.memory_space<semaphore_mem>>) {add = true}
    %dma_wait3A_510 = arith.constant 0 : i32
    %dma_wait3A_511 = arith.constant 0 : i32
    %dma_wait3A_512 = tpu.memref_slice %arg11[%dma_wait3A_510, %dma_wait3A_511] : memref<4x125xi32, #tpu.memory_space<vmem>> -> memref<1x125xi32, #tpu.memory_space<vmem>>
    %dma_wait3A_513 = tpu.memref_squeeze %dma_wait3A_512 : memref<1x125xi32, #tpu.memory_space<vmem>> -> memref<125xi32, #tpu.memory_space<vmem>>
    %dma_wait3A_514 = arith.constant 0 : i32
    %dma_wait3A_515 = arith.constant 0 : i32
    %dma_wait3A_516 = tpu.memref_slice %arg15[%dma_wait3A_514, %dma_wait3A_515] : memref<10240x128xf32, #tpu.memory_space<vmem_shared>> -> memref<10240x128xf32, #tpu.memory_space<vmem_shared>>
    tpu.wait_indirect_dma semaphore(%arg19 : memref<!tpu.dma_semaphore, #tpu.memory_space<semaphore_mem>>) src(%arg12 : memref<125x128xf32, #tpu.memory_space<vmem>>) dst(%dma_wait3A_516 : memref<10240x128xf32, #tpu.memory_space<vmem_shared>>)
    %dma_wait3A_517 = arith.constant 0 : i32
    %dma_wait3A_518 = arith.constant 0 : i32
    %dma_wait3A_519 = tpu.memref_slice %arg14[%dma_wait3A_518] : memref<128xf32, #tpu.memory_space<vmem>> -> memref<125xf32, #tpu.memory_space<vmem>>
    %dma_wait3A_520 = arith.constant 0 : i32
    %dma_wait3A_521 = tpu.memref_slice %arg11[%dma_wait3A_517, %dma_wait3A_520] : memref<4x125xi32, #tpu.memory_space<vmem>> -> memref<1x125xi32, #tpu.memory_space<vmem>>
    %dma_wait3A_522 = tpu.memref_squeeze %dma_wait3A_521 : memref<1x125xi32, #tpu.memory_space<vmem>> -> memref<125xi32, #tpu.memory_space<vmem>>
    %dma_wait3A_523 = arith.constant 0 : i32
    %dma_wait3A_524 = tpu.memref_slice %arg16[%dma_wait3A_523] : memref<10240xf32, #tpu.memory_space<vmem_shared>> -> memref<10240xf32, #tpu.memory_space<vmem_shared>>
    tpu.wait_indirect_dma semaphore(%arg19 : memref<!tpu.dma_semaphore, #tpu.memory_space<semaphore_mem>>) src(%dma_wait3A_519 : memref<125xf32, #tpu.memory_space<vmem>>) dst(%dma_wait3A_524 : memref<10240xf32, #tpu.memory_space<vmem_shared>>)
    %dma_start3A_525 = arith.constant 2 : i32
    %dma_start3A_526 = arith.constant 0 : i32
    %dma_start3A_527 = tpu.memref_slice %arg9[%dma_start3A_525, %dma_start3A_526] : memref<4x125xi32, #tpu.memory_space<vmem>> -> memref<1x125xi32, #tpu.memory_space<vmem>>
    %dma_start3A_528 = tpu.memref_squeeze %dma_start3A_527 : memref<1x125xi32, #tpu.memory_space<vmem>> -> memref<125xi32, #tpu.memory_space<vmem>>
    %dma_start3A_529 = arith.constant 0 : i32
    %dma_start3A_530 = arith.constant 0 : i32
    %dma_start3A_531 = tpu.memref_slice %arg2[%dma_start3A_529, %dma_start3A_530] : memref<10000x128xf32, #tpu.memory_space<hbm>> -> memref<10000x128xf32, #tpu.memory_space<hbm>>
    tpu.enqueue_indirect_dma source(%dma_start3A_531 : memref<10000x128xf32, #tpu.memory_space<hbm>>) target(%arg12 : memref<125x128xf32, #tpu.memory_space<vmem>>) offsets(%dma_start3A_528 : memref<125xi32, #tpu.memory_space<vmem>>) semaphore(%arg17 : memref<!tpu.dma_semaphore, #tpu.memory_space<semaphore_mem>>)
    %dma_wait3A_532 = arith.constant 1 : i32
    %dma_wait3A_533 = arith.constant 0 : i32
    %dma_wait3A_534 = tpu.memref_slice %arg9[%dma_wait3A_532, %dma_wait3A_533] : memref<4x125xi32, #tpu.memory_space<vmem>> -> memref<1x125xi32, #tpu.memory_space<vmem>>
    %dma_wait3A_535 = tpu.memref_squeeze %dma_wait3A_534 : memref<1x125xi32, #tpu.memory_space<vmem>> -> memref<125xi32, #tpu.memory_space<vmem>>
    %dma_wait3A_536 = arith.constant 0 : i32
    %dma_wait3A_537 = arith.constant 0 : i32
    %dma_wait3A_538 = tpu.memref_slice %arg2[%dma_wait3A_536, %dma_wait3A_537] : memref<10000x128xf32, #tpu.memory_space<hbm>> -> memref<10000x128xf32, #tpu.memory_space<hbm>>
    tpu.wait_indirect_dma semaphore(%arg18 : memref<!tpu.dma_semaphore, #tpu.memory_space<semaphore_mem>>) src(%dma_wait3A_538 : memref<10000x128xf32, #tpu.memory_space<hbm>>) dst(%arg13 : memref<125x128xf32, #tpu.memory_space<vmem>>)
    %dma_start3A_539 = arith.constant 1 : i32
    %dma_start3A_540 = arith.constant 0 : i32
    %dma_start3A_541 = tpu.memref_slice %arg11[%dma_start3A_539, %dma_start3A_540] : memref<4x125xi32, #tpu.memory_space<vmem>> -> memref<1x125xi32, #tpu.memory_space<vmem>>
    %dma_start3A_542 = tpu.memref_squeeze %dma_start3A_541 : memref<1x125xi32, #tpu.memory_space<vmem>> -> memref<125xi32, #tpu.memory_space<vmem>>
    %dma_start3A_543 = arith.constant 0 : i32
    %dma_start3A_544 = arith.constant 0 : i32
    %dma_start3A_545 = tpu.memref_slice %arg15[%dma_start3A_543, %dma_start3A_544] : memref<10240x128xf32, #tpu.memory_space<vmem_shared>> -> memref<10240x128xf32, #tpu.memory_space<vmem_shared>>
    tpu.enqueue_indirect_dma source(%arg13 : memref<125x128xf32, #tpu.memory_space<vmem>>) target(%dma_start3A_545 : memref<10240x128xf32, #tpu.memory_space<vmem_shared>>) offsets(%dma_start3A_542 : memref<125xi32, #tpu.memory_space<vmem>>) semaphore(%arg20 : memref<!tpu.dma_semaphore, #tpu.memory_space<semaphore_mem>>) {add = true}
    %dma_start3A_546 = arith.constant 1 : i32
    %dma_start3A_547 = arith.constant 0 : i32
    %dma_start3A_548 = tpu.memref_slice %arg14[%dma_start3A_547] : memref<128xf32, #tpu.memory_space<vmem>> -> memref<125xf32, #tpu.memory_space<vmem>>
    %dma_start3A_549 = arith.constant 0 : i32
    %dma_start3A_550 = tpu.memref_slice %arg11[%dma_start3A_546, %dma_start3A_549] : memref<4x125xi32, #tpu.memory_space<vmem>> -> memref<1x125xi32, #tpu.memory_space<vmem>>
    %dma_start3A_551 = tpu.memref_squeeze %dma_start3A_550 : memref<1x125xi32, #tpu.memory_space<vmem>> -> memref<125xi32, #tpu.memory_space<vmem>>
    %dma_start3A_552 = arith.constant 0 : i32
    %dma_start3A_553 = tpu.memref_slice %arg16[%dma_start3A_552] : memref<10240xf32, #tpu.memory_space<vmem_shared>> -> memref<10240xf32, #tpu.memory_space<vmem_shared>>
    tpu.enqueue_indirect_dma source(%dma_start3A_548 : memref<125xf32, #tpu.memory_space<vmem>>) target(%dma_start3A_553 : memref<10240xf32, #tpu.memory_space<vmem_shared>>) offsets(%dma_start3A_551 : memref<125xi32, #tpu.memory_space<vmem>>) semaphore(%arg20 : memref<!tpu.dma_semaphore, #tpu.memory_space<semaphore_mem>>) {add = true}
    %dma_wait3A_554 = arith.constant 1 : i32
    %dma_wait3A_555 = arith.constant 0 : i32
    %dma_wait3A_556 = tpu.memref_slice %arg11[%dma_wait3A_554, %dma_wait3A_555] : memref<4x125xi32, #tpu.memory_space<vmem>> -> memref<1x125xi32, #tpu.memory_space<vmem>>
    %dma_wait3A_557 = tpu.memref_squeeze %dma_wait3A_556 : memref<1x125xi32, #tpu.memory_space<vmem>> -> memref<125xi32, #tpu.memory_space<vmem>>
    %dma_wait3A_558 = arith.constant 0 : i32
    %dma_wait3A_559 = arith.constant 0 : i32
    %dma_wait3A_560 = tpu.memref_slice %arg15[%dma_wait3A_558, %dma_wait3A_559] : memref<10240x128xf32, #tpu.memory_space<vmem_shared>> -> memref<10240x128xf32, #tpu.memory_space<vmem_shared>>
    tpu.wait_indirect_dma semaphore(%arg20 : memref<!tpu.dma_semaphore, #tpu.memory_space<semaphore_mem>>) src(%arg13 : memref<125x128xf32, #tpu.memory_space<vmem>>) dst(%dma_wait3A_560 : memref<10240x128xf32, #tpu.memory_space<vmem_shared>>)
    %dma_wait3A_561 = arith.constant 1 : i32
    %dma_wait3A_562 = arith.constant 0 : i32
    %dma_wait3A_563 = tpu.memref_slice %arg14[%dma_wait3A_562] : memref<128xf32, #tpu.memory_space<vmem>> -> memref<125xf32, #tpu.memory_space<vmem>>
    %dma_wait3A_564 = arith.constant 0 : i32
    %dma_wait3A_565 = tpu.memref_slice %arg11[%dma_wait3A_561, %dma_wait3A_564] : memref<4x125xi32, #tpu.memory_space<vmem>> -> memref<1x125xi32, #tpu.memory_space<vmem>>
    %dma_wait3A_566 = tpu.memref_squeeze %dma_wait3A_565 : memref<1x125xi32, #tpu.memory_space<vmem>> -> memref<125xi32, #tpu.memory_space<vmem>>
    %dma_wait3A_567 = arith.constant 0 : i32
    %dma_wait3A_568 = tpu.memref_slice %arg16[%dma_wait3A_567] : memref<10240xf32, #tpu.memory_space<vmem_shared>> -> memref<10240xf32, #tpu.memory_space<vmem_shared>>
    tpu.wait_indirect_dma semaphore(%arg20 : memref<!tpu.dma_semaphore, #tpu.memory_space<semaphore_mem>>) src(%dma_wait3A_563 : memref<125xf32, #tpu.memory_space<vmem>>) dst(%dma_wait3A_568 : memref<10240xf32, #tpu.memory_space<vmem_shared>>)
    %dma_start3A_569 = arith.constant 3 : i32
    %dma_start3A_570 = arith.constant 0 : i32
    %dma_start3A_571 = tpu.memref_slice %arg9[%dma_start3A_569, %dma_start3A_570] : memref<4x125xi32, #tpu.memory_space<vmem>> -> memref<1x125xi32, #tpu.memory_space<vmem>>
    %dma_start3A_572 = tpu.memref_squeeze %dma_start3A_571 : memref<1x125xi32, #tpu.memory_space<vmem>> -> memref<125xi32, #tpu.memory_space<vmem>>
    %dma_start3A_573 = arith.constant 0 : i32
    %dma_start3A_574 = arith.constant 0 : i32
    %dma_start3A_575 = tpu.memref_slice %arg2[%dma_start3A_573, %dma_start3A_574] : memref<10000x128xf32, #tpu.memory_space<hbm>> -> memref<10000x128xf32, #tpu.memory_space<hbm>>
    tpu.enqueue_indirect_dma source(%dma_start3A_575 : memref<10000x128xf32, #tpu.memory_space<hbm>>) target(%arg13 : memref<125x128xf32, #tpu.memory_space<vmem>>) offsets(%dma_start3A_572 : memref<125xi32, #tpu.memory_space<vmem>>) semaphore(%arg18 : memref<!tpu.dma_semaphore, #tpu.memory_space<semaphore_mem>>)
    %dma_wait3A_576 = arith.constant 2 : i32
    %dma_wait3A_577 = arith.constant 0 : i32
    %dma_wait3A_578 = tpu.memref_slice %arg9[%dma_wait3A_576, %dma_wait3A_577] : memref<4x125xi32, #tpu.memory_space<vmem>> -> memref<1x125xi32, #tpu.memory_space<vmem>>
    %dma_wait3A_579 = tpu.memref_squeeze %dma_wait3A_578 : memref<1x125xi32, #tpu.memory_space<vmem>> -> memref<125xi32, #tpu.memory_space<vmem>>
    %dma_wait3A_580 = arith.constant 0 : i32
    %dma_wait3A_581 = arith.constant 0 : i32
    %dma_wait3A_582 = tpu.memref_slice %arg2[%dma_wait3A_580, %dma_wait3A_581] : memref<10000x128xf32, #tpu.memory_space<hbm>> -> memref<10000x128xf32, #tpu.memory_space<hbm>>
    tpu.wait_indirect_dma semaphore(%arg17 : memref<!tpu.dma_semaphore, #tpu.memory_space<semaphore_mem>>) src(%dma_wait3A_582 : memref<10000x128xf32, #tpu.memory_space<hbm>>) dst(%arg12 : memref<125x128xf32, #tpu.memory_space<vmem>>)
    %dma_start3A_583 = arith.constant 2 : i32
    %dma_start3A_584 = arith.constant 0 : i32
    %dma_start3A_585 = tpu.memref_slice %arg11[%dma_start3A_583, %dma_start3A_584] : memref<4x125xi32, #tpu.memory_space<vmem>> -> memref<1x125xi32, #tpu.memory_space<vmem>>
    %dma_start3A_586 = tpu.memref_squeeze %dma_start3A_585 : memref<1x125xi32, #tpu.memory_space<vmem>> -> memref<125xi32, #tpu.memory_space<vmem>>
    %dma_start3A_587 = arith.constant 0 : i32
    %dma_start3A_588 = arith.constant 0 : i32
    %dma_start3A_589 = tpu.memref_slice %arg15[%dma_start3A_587, %dma_start3A_588] : memref<10240x128xf32, #tpu.memory_space<vmem_shared>> -> memref<10240x128xf32, #tpu.memory_space<vmem_shared>>
    tpu.enqueue_indirect_dma source(%arg12 : memref<125x128xf32, #tpu.memory_space<vmem>>) target(%dma_start3A_589 : memref<10240x128xf32, #tpu.memory_space<vmem_shared>>) offsets(%dma_start3A_586 : memref<125xi32, #tpu.memory_space<vmem>>) semaphore(%arg19 : memref<!tpu.dma_semaphore, #tpu.memory_space<semaphore_mem>>) {add = true}
    %dma_start3A_590 = arith.constant 2 : i32
    %dma_start3A_591 = arith.constant 0 : i32
    %dma_start3A_592 = tpu.memref_slice %arg14[%dma_start3A_591] : memref<128xf32, #tpu.memory_space<vmem>> -> memref<125xf32, #tpu.memory_space<vmem>>
    %dma_start3A_593 = arith.constant 0 : i32
    %dma_start3A_594 = tpu.memref_slice %arg11[%dma_start3A_590, %dma_start3A_593] : memref<4x125xi32, #tpu.memory_space<vmem>> -> memref<1x125xi32, #tpu.memory_space<vmem>>
    %dma_start3A_595 = tpu.memref_squeeze %dma_start3A_594 : memref<1x125xi32, #tpu.memory_space<vmem>> -> memref<125xi32, #tpu.memory_space<vmem>>
    %dma_start3A_596 = arith.constant 0 : i32
    %dma_start3A_597 = tpu.memref_slice %arg16[%dma_start3A_596] : memref<10240xf32, #tpu.memory_space<vmem_shared>> -> memref<10240xf32, #tpu.memory_space<vmem_shared>>
    tpu.enqueue_indirect_dma source(%dma_start3A_592 : memref<125xf32, #tpu.memory_space<vmem>>) target(%dma_start3A_597 : memref<10240xf32, #tpu.memory_space<vmem_shared>>) offsets(%dma_start3A_595 : memref<125xi32, #tpu.memory_space<vmem>>) semaphore(%arg19 : memref<!tpu.dma_semaphore, #tpu.memory_space<semaphore_mem>>) {add = true}
    %dma_wait3A_598 = arith.constant 3 : i32
    %dma_wait3A_599 = arith.constant 0 : i32
    %dma_wait3A_600 = tpu.memref_slice %arg9[%dma_wait3A_598, %dma_wait3A_599] : memref<4x125xi32, #tpu.memory_space<vmem>> -> memref<1x125xi32, #tpu.memory_space<vmem>>
    %dma_wait3A_601 = tpu.memref_squeeze %dma_wait3A_600 : memref<1x125xi32, #tpu.memory_space<vmem>> -> memref<125xi32, #tpu.memory_space<vmem>>
    %dma_wait3A_602 = arith.constant 0 : i32
    %dma_wait3A_603 = arith.constant 0 : i32
    %dma_wait3A_604 = tpu.memref_slice %arg2[%dma_wait3A_602, %dma_wait3A_603] : memref<10000x128xf32, #tpu.memory_space<hbm>> -> memref<10000x128xf32, #tpu.memory_space<hbm>>
    tpu.wait_indirect_dma semaphore(%arg18 : memref<!tpu.dma_semaphore, #tpu.memory_space<semaphore_mem>>) src(%dma_wait3A_604 : memref<10000x128xf32, #tpu.memory_space<hbm>>) dst(%arg13 : memref<125x128xf32, #tpu.memory_space<vmem>>)
    %dma_start3A_605 = arith.constant 3 : i32
    %dma_start3A_606 = arith.constant 0 : i32
    %dma_start3A_607 = tpu.memref_slice %arg11[%dma_start3A_605, %dma_start3A_606] : memref<4x125xi32, #tpu.memory_space<vmem>> -> memref<1x125xi32, #tpu.memory_space<vmem>>
    %dma_start3A_608 = tpu.memref_squeeze %dma_start3A_607 : memref<1x125xi32, #tpu.memory_space<vmem>> -> memref<125xi32, #tpu.memory_space<vmem>>
    %dma_start3A_609 = arith.constant 0 : i32
    %dma_start3A_610 = arith.constant 0 : i32
    %dma_start3A_611 = tpu.memref_slice %arg15[%dma_start3A_609, %dma_start3A_610] : memref<10240x128xf32, #tpu.memory_space<vmem_shared>> -> memref<10240x128xf32, #tpu.memory_space<vmem_shared>>
    tpu.enqueue_indirect_dma source(%arg13 : memref<125x128xf32, #tpu.memory_space<vmem>>) target(%dma_start3A_611 : memref<10240x128xf32, #tpu.memory_space<vmem_shared>>) offsets(%dma_start3A_608 : memref<125xi32, #tpu.memory_space<vmem>>) semaphore(%arg20 : memref<!tpu.dma_semaphore, #tpu.memory_space<semaphore_mem>>) {add = true}
    %dma_start3A_612 = arith.constant 3 : i32
    %dma_start3A_613 = arith.constant 0 : i32
    %dma_start3A_614 = tpu.memref_slice %arg14[%dma_start3A_613] : memref<128xf32, #tpu.memory_space<vmem>> -> memref<125xf32, #tpu.memory_space<vmem>>
    %dma_start3A_615 = arith.constant 0 : i32
    %dma_start3A_616 = tpu.memref_slice %arg11[%dma_start3A_612, %dma_start3A_615] : memref<4x125xi32, #tpu.memory_space<vmem>> -> memref<1x125xi32, #tpu.memory_space<vmem>>
    %dma_start3A_617 = tpu.memref_squeeze %dma_start3A_616 : memref<1x125xi32, #tpu.memory_space<vmem>> -> memref<125xi32, #tpu.memory_space<vmem>>
    %dma_start3A_618 = arith.constant 0 : i32
    %dma_start3A_619 = tpu.memref_slice %arg16[%dma_start3A_618] : memref<10240xf32, #tpu.memory_space<vmem_shared>> -> memref<10240xf32, #tpu.memory_space<vmem_shared>>
    tpu.enqueue_indirect_dma source(%dma_start3A_614 : memref<125xf32, #tpu.memory_space<vmem>>) target(%dma_start3A_619 : memref<10240xf32, #tpu.memory_space<vmem_shared>>) offsets(%dma_start3A_617 : memref<125xi32, #tpu.memory_space<vmem>>) semaphore(%arg20 : memref<!tpu.dma_semaphore, #tpu.memory_space<semaphore_mem>>) {add = true}
    %dma_wait3A_620 = arith.constant 2 : i32
    %dma_wait3A_621 = arith.constant 0 : i32
    %dma_wait3A_622 = tpu.memref_slice %arg11[%dma_wait3A_620, %dma_wait3A_621] : memref<4x125xi32, #tpu.memory_space<vmem>> -> memref<1x125xi32, #tpu.memory_space<vmem>>
    %dma_wait3A_623 = tpu.memref_squeeze %dma_wait3A_622 : memref<1x125xi32, #tpu.memory_space<vmem>> -> memref<125xi32, #tpu.memory_space<vmem>>
    %dma_wait3A_624 = arith.constant 0 : i32
    %dma_wait3A_625 = arith.constant 0 : i32
    %dma_wait3A_626 = tpu.memref_slice %arg15[%dma_wait3A_624, %dma_wait3A_625] : memref<10240x128xf32, #tpu.memory_space<vmem_shared>> -> memref<10240x128xf32, #tpu.memory_space<vmem_shared>>
    tpu.wait_indirect_dma semaphore(%arg19 : memref<!tpu.dma_semaphore, #tpu.memory_space<semaphore_mem>>) src(%arg12 : memref<125x128xf32, #tpu.memory_space<vmem>>) dst(%dma_wait3A_626 : memref<10240x128xf32, #tpu.memory_space<vmem_shared>>)
    %dma_wait3A_627 = arith.constant 2 : i32
    %dma_wait3A_628 = arith.constant 0 : i32
    %dma_wait3A_629 = tpu.memref_slice %arg14[%dma_wait3A_628] : memref<128xf32, #tpu.memory_space<vmem>> -> memref<125xf32, #tpu.memory_space<vmem>>
    %dma_wait3A_630 = arith.constant 0 : i32
    %dma_wait3A_631 = tpu.memref_slice %arg11[%dma_wait3A_627, %dma_wait3A_630] : memref<4x125xi32, #tpu.memory_space<vmem>> -> memref<1x125xi32, #tpu.memory_space<vmem>>
    %dma_wait3A_632 = tpu.memref_squeeze %dma_wait3A_631 : memref<1x125xi32, #tpu.memory_space<vmem>> -> memref<125xi32, #tpu.memory_space<vmem>>
    %dma_wait3A_633 = arith.constant 0 : i32
    %dma_wait3A_634 = tpu.memref_slice %arg16[%dma_wait3A_633] : memref<10240xf32, #tpu.memory_space<vmem_shared>> -> memref<10240xf32, #tpu.memory_space<vmem_shared>>
    tpu.wait_indirect_dma semaphore(%arg19 : memref<!tpu.dma_semaphore, #tpu.memory_space<semaphore_mem>>) src(%dma_wait3A_629 : memref<125xf32, #tpu.memory_space<vmem>>) dst(%dma_wait3A_634 : memref<10240xf32, #tpu.memory_space<vmem_shared>>)
    %dma_wait3A_635 = arith.constant 3 : i32
    %dma_wait3A_636 = arith.constant 0 : i32
    %dma_wait3A_637 = tpu.memref_slice %arg11[%dma_wait3A_635, %dma_wait3A_636] : memref<4x125xi32, #tpu.memory_space<vmem>> -> memref<1x125xi32, #tpu.memory_space<vmem>>
    %dma_wait3A_638 = tpu.memref_squeeze %dma_wait3A_637 : memref<1x125xi32, #tpu.memory_space<vmem>> -> memref<125xi32, #tpu.memory_space<vmem>>
    %dma_wait3A_639 = arith.constant 0 : i32
    %dma_wait3A_640 = arith.constant 0 : i32
    %dma_wait3A_641 = tpu.memref_slice %arg15[%dma_wait3A_639, %dma_wait3A_640] : memref<10240x128xf32, #tpu.memory_space<vmem_shared>> -> memref<10240x128xf32, #tpu.memory_space<vmem_shared>>
    tpu.wait_indirect_dma semaphore(%arg20 : memref<!tpu.dma_semaphore, #tpu.memory_space<semaphore_mem>>) src(%arg13 : memref<125x128xf32, #tpu.memory_space<vmem>>) dst(%dma_wait3A_641 : memref<10240x128xf32, #tpu.memory_space<vmem_shared>>)
    %dma_wait3A_642 = arith.constant 3 : i32
    %dma_wait3A_643 = arith.constant 0 : i32
    %dma_wait3A_644 = tpu.memref_slice %arg14[%dma_wait3A_643] : memref<128xf32, #tpu.memory_space<vmem>> -> memref<125xf32, #tpu.memory_space<vmem>>
    %dma_wait3A_645 = arith.constant 0 : i32
    %dma_wait3A_646 = tpu.memref_slice %arg11[%dma_wait3A_642, %dma_wait3A_645] : memref<4x125xi32, #tpu.memory_space<vmem>> -> memref<1x125xi32, #tpu.memory_space<vmem>>
    %dma_wait3A_647 = tpu.memref_squeeze %dma_wait3A_646 : memref<1x125xi32, #tpu.memory_space<vmem>> -> memref<125xi32, #tpu.memory_space<vmem>>
    %dma_wait3A_648 = arith.constant 0 : i32
    %dma_wait3A_649 = tpu.memref_slice %arg16[%dma_wait3A_648] : memref<10240xf32, #tpu.memory_space<vmem_shared>> -> memref<10240xf32, #tpu.memory_space<vmem_shared>>
    tpu.wait_indirect_dma semaphore(%arg20 : memref<!tpu.dma_semaphore, #tpu.memory_space<semaphore_mem>>) src(%dma_wait3A_644 : memref<125xf32, #tpu.memory_space<vmem>>) dst(%dma_wait3A_649 : memref<10240xf32, #tpu.memory_space<vmem_shared>>)
    %barrier3A_650 = arith.constant 0 : index
    tpu.barrier barrier_id(%barrier3A_650)
    "tpu.region"() ({
      %run_scoped3A = tpu.sem_alloc : memref<!tpu.dma_semaphore, #tpu.memory_space<semaphore_mem>>
      %dma_start3A_651 = arith.constant 0 : i32
      %dma_start3A_652 = arith.constant 0 : i32
      %dma_start3A_653 = tpu.memref_slice %arg6[%arg0, %dma_start3A_651, %dma_start3A_652] : memref<2x10240x128xf32, #tpu.memory_space<hbm>> -> memref<1x10240x128xf32, #tpu.memory_space<hbm>>
      %dma_start3A_654 = tpu.memref_squeeze %dma_start3A_653 : memref<1x10240x128xf32, #tpu.memory_space<hbm>> -> memref<10240x128xf32, #tpu.memory_space<hbm>>
      %dma_start3A_655 = arith.constant 0 : i32
      %dma_start3A_656 = tpu.memref_slice %dma_start3A_654[%mul3A_2, %dma_start3A_655] : memref<10240x128xf32, #tpu.memory_space<hbm>> -> memref<640x128xf32, #tpu.memory_space<hbm>>
      %dma_start3A_657 = arith.constant 0 : i32
      %dma_start3A_658 = tpu.memref_slice %arg15[%mul3A_2, %dma_start3A_657] : memref<10240x128xf32, #tpu.memory_space<vmem_shared>> -> memref<640x128xf32, #tpu.memory_space<vmem_shared>>
      tpu.enqueue_dma source(%dma_start3A_658 : memref<640x128xf32, #tpu.memory_space<vmem_shared>>) target(%dma_start3A_656 : memref<640x128xf32, #tpu.memory_space<hbm>>) target_semaphore(%run_scoped3A : memref<!tpu.dma_semaphore, #tpu.memory_space<semaphore_mem>>)
      %dma_wait3A_659 = arith.constant 0 : i32
      %dma_wait3A_660 = arith.constant 0 : i32
      %dma_wait3A_661 = tpu.memref_slice %arg6[%arg0, %dma_wait3A_659, %dma_wait3A_660] : memref<2x10240x128xf32, #tpu.memory_space<hbm>> -> memref<1x10240x128xf32, #tpu.memory_space<hbm>>
      %dma_wait3A_662 = tpu.memref_squeeze %dma_wait3A_661 : memref<1x10240x128xf32, #tpu.memory_space<hbm>> -> memref<10240x128xf32, #tpu.memory_space<hbm>>
      %dma_wait3A_663 = arith.constant 0 : i32
      %dma_wait3A_664 = tpu.memref_slice %dma_wait3A_662[%mul3A_2, %dma_wait3A_663] : memref<10240x128xf32, #tpu.memory_space<hbm>> -> memref<640x128xf32, #tpu.memory_space<hbm>>
      %dma_wait3A_665 = arith.constant 0 : i32
      %dma_wait3A_666 = tpu.memref_slice %arg15[%mul3A_2, %dma_wait3A_665] : memref<10240x128xf32, #tpu.memory_space<vmem_shared>> -> memref<640x128xf32, #tpu.memory_space<vmem_shared>>
      tpu.wait_dma2 semaphore(%run_scoped3A : memref<!tpu.dma_semaphore, #tpu.memory_space<semaphore_mem>>) src(%dma_wait3A_666 : memref<640x128xf32, #tpu.memory_space<vmem_shared>>) dst(%dma_wait3A_664 : memref<640x128xf32, #tpu.memory_space<hbm>>)
      tpu.yield
    }) : () -> ()
    "tpu.region"() ({
      %run_scoped3A = tpu.sem_alloc : memref<!tpu.dma_semaphore, #tpu.memory_space<semaphore_mem>>
      %dma_start3A_651 = arith.constant 0 : i32
      %dma_start3A_652 = tpu.memref_slice %arg7[%arg0, %dma_start3A_651] : memref<2x10240xf32, #tpu.memory_space<hbm>> -> memref<1x10240xf32, #tpu.memory_space<hbm>>
      %dma_start3A_653 = tpu.memref_squeeze %dma_start3A_652 : memref<1x10240xf32, #tpu.memory_space<hbm>> -> memref<10240xf32, #tpu.memory_space<hbm>>
      %dma_start3A_654 = tpu.memref_slice %dma_start3A_653[%mul3A_2] : memref<10240xf32, #tpu.memory_space<hbm>> -> memref<640xf32, #tpu.memory_space<hbm>>
      %dma_start3A_655 = tpu.memref_slice %arg16[%mul3A_2] : memref<10240xf32, #tpu.memory_space<vmem_shared>> -> memref<640xf32, #tpu.memory_space<vmem_shared>>
      tpu.enqueue_dma source(%dma_start3A_655 : memref<640xf32, #tpu.memory_space<vmem_shared>>) target(%dma_start3A_654 : memref<640xf32, #tpu.memory_space<hbm>>) target_semaphore(%run_scoped3A : memref<!tpu.dma_semaphore, #tpu.memory_space<semaphore_mem>>)
      %dma_wait3A_656 = arith.constant 0 : i32
      %dma_wait3A_657 = tpu.memref_slice %arg7[%arg0, %dma_wait3A_656] : memref<2x10240xf32, #tpu.memory_space<hbm>> -> memref<1x10240xf32, #tpu.memory_space<hbm>>
      %dma_wait3A_658 = tpu.memref_squeeze %dma_wait3A_657 : memref<1x10240xf32, #tpu.memory_space<hbm>> -> memref<10240xf32, #tpu.memory_space<hbm>>
      %dma_wait3A_659 = tpu.memref_slice %dma_wait3A_658[%mul3A_2] : memref<10240xf32, #tpu.memory_space<hbm>> -> memref<640xf32, #tpu.memory_space<hbm>>
      %dma_wait3A_660 = tpu.memref_slice %arg16[%mul3A_2] : memref<10240xf32, #tpu.memory_space<vmem_shared>> -> memref<640xf32, #tpu.memory_space<vmem_shared>>
      tpu.wait_dma2 semaphore(%run_scoped3A : memref<!tpu.dma_semaphore, #tpu.memory_space<semaphore_mem>>) src(%dma_wait3A_660 : memref<640xf32, #tpu.memory_space<vmem_shared>>) dst(%dma_wait3A_659 : memref<640xf32, #tpu.memory_space<hbm>>)
      tpu.yield
    }) : () -> ()
    return
  }
}

#map = affine_map<(d0, d1) -> (0, 0, 0)>
#map1 = affine_map<(d0, d1) -> (0, 0, 0, 0, 0)>
#map2 = affine_map<(d0, d1) -> (0, 0)>
module attributes {stable_mosaic.version = 14 : i64} {
  func.func @sc_layer2(%arg0: i32, %arg1: i32, %arg2: memref<2x10000x128xf32, #tpu.memory_space<hbm>>, %arg3: memref<2x32x20x4x125xi32, #tpu.memory_space<hbm>>, %arg4: memref<640x128xf32, #tpu.memory_space<hbm>>, %arg5: memref<2x10240x128xf32, #tpu.memory_space<hbm>>, %arg6: memref<4x125xi32, #tpu.memory_space<vmem>>, %arg7: memref<4x125xi32, #tpu.memory_space<vmem>>, %arg8: memref<4x125xi32, #tpu.memory_space<vmem>>, %arg9: memref<4x125xi32, #tpu.memory_space<vmem>>, %arg10: memref<125x128xf32, #tpu.memory_space<vmem>>, %arg11: memref<125x128xf32, #tpu.memory_space<vmem>>, %arg12: memref<10240x128xf32, #tpu.memory_space<vmem_shared>>, %arg13: memref<!tpu.dma_semaphore, #tpu.memory_space<semaphore_mem>>, %arg14: memref<!tpu.dma_semaphore, #tpu.memory_space<semaphore_mem>>, %arg15: memref<!tpu.dma_semaphore, #tpu.memory_space<semaphore_mem>>, %arg16: memref<!tpu.dma_semaphore, #tpu.memory_space<semaphore_mem>>, %arg17: memref<!tpu.dma_semaphore, #tpu.memory_space<semaphore_mem>>, %arg18: memref<!tpu.dma_semaphore, #tpu.memory_space<semaphore_mem>>) attributes {dimension_semantics = [#tpu.dimension_semantics<core_parallel>, #tpu.dimension_semantics<subcore_parallel>], iteration_bounds = array<i64: 2, 16>, scalar_prefetch = 0 : i64, scratch_operands = 13 : i64, tpu.core_type = #tpu.core_type<sc_vector_subcore>, window_params = [{transform_indices = #map}, {transform_indices = #map1}, {transform_indices = #map2}, {transform_indices = #map}]} {
    %mul3A = arith.constant 640 : i32
    %mul3A_0 = arith.muli %arg1, %mul3A : i32
    "tpu.region"() ({
      %run_scoped3A = tpu.sem_alloc : memref<!tpu.dma_semaphore, #tpu.memory_space<semaphore_mem>>
      %dma_start3A_560 = arith.constant 0 : i32
      %dma_start3A_561 = tpu.memref_slice %arg12[%mul3A_0, %dma_start3A_560] : memref<10240x128xf32, #tpu.memory_space<vmem_shared>> -> memref<640x128xf32, #tpu.memory_space<vmem_shared>>
      tpu.enqueue_dma source(%arg4 : memref<640x128xf32, #tpu.memory_space<hbm>>) target(%dma_start3A_561 : memref<640x128xf32, #tpu.memory_space<vmem_shared>>) target_semaphore(%run_scoped3A : memref<!tpu.dma_semaphore, #tpu.memory_space<semaphore_mem>>)
      %dma_wait3A_562 = arith.constant 0 : i32
      %dma_wait3A_563 = tpu.memref_slice %arg12[%mul3A_0, %dma_wait3A_562] : memref<10240x128xf32, #tpu.memory_space<vmem_shared>> -> memref<640x128xf32, #tpu.memory_space<vmem_shared>>
      tpu.wait_dma2 semaphore(%run_scoped3A : memref<!tpu.dma_semaphore, #tpu.memory_space<semaphore_mem>>) src(%arg4 : memref<640x128xf32, #tpu.memory_space<hbm>>) dst(%dma_wait3A_563 : memref<640x128xf32, #tpu.memory_space<vmem_shared>>)
      tpu.yield
    }) : () -> ()
    %barrier3A = arith.constant 0 : index
    tpu.barrier barrier_id(%barrier3A)
    %mul3A_1 = arith.constant 2 : i32
    %mul3A_2 = arith.muli %mul3A_1, %arg1 : i32
    %add3A = arith.constant 0 : i32
    %add3A_3 = arith.addi %mul3A_2, %add3A : i32
    %dma_start3A = arith.constant 0 : i32
    %dma_start3A_4 = arith.constant 0 : i32
    %dma_start3A_5 = arith.constant 0 : i32
    %dma_start3A_6 = arith.constant 0 : i32
    %dma_start3A_7 = arith.constant 0 : i32
    %dma_start3A_8 = arith.constant 0 : i32
    %dma_start3A_9 = tpu.memref_slice %arg3[%dma_start3A, %dma_start3A_5, %dma_start3A_6, %dma_start3A_7, %dma_start3A_8] : memref<2x32x20x4x125xi32, #tpu.memory_space<hbm>> -> memref<1x32x20x4x125xi32, #tpu.memory_space<hbm>>
    %dma_start3A_10 = tpu.memref_squeeze %dma_start3A_9 : memref<1x32x20x4x125xi32, #tpu.memory_space<hbm>> -> memref<32x20x4x125xi32, #tpu.memory_space<hbm>>
    %dma_start3A_11 = arith.constant 0 : i32
    %dma_start3A_12 = arith.constant 0 : i32
    %dma_start3A_13 = arith.constant 0 : i32
    %dma_start3A_14 = tpu.memref_slice %dma_start3A_10[%add3A_3, %dma_start3A_11, %dma_start3A_12, %dma_start3A_13] : memref<32x20x4x125xi32, #tpu.memory_space<hbm>> -> memref<1x20x4x125xi32, #tpu.memory_space<hbm>>
    %dma_start3A_15 = tpu.memref_squeeze %dma_start3A_14 : memref<1x20x4x125xi32, #tpu.memory_space<hbm>> -> memref<20x4x125xi32, #tpu.memory_space<hbm>>
    %dma_start3A_16 = arith.constant 0 : i32
    %dma_start3A_17 = arith.constant 0 : i32
    %dma_start3A_18 = tpu.memref_slice %dma_start3A_15[%dma_start3A_4, %dma_start3A_16, %dma_start3A_17] : memref<20x4x125xi32, #tpu.memory_space<hbm>> -> memref<1x4x125xi32, #tpu.memory_space<hbm>>
    %dma_start3A_19 = tpu.memref_squeeze %dma_start3A_18 : memref<1x4x125xi32, #tpu.memory_space<hbm>> -> memref<4x125xi32, #tpu.memory_space<hbm>>
    %dma_start3A_20 = arith.constant 0 : i32
    %dma_start3A_21 = arith.constant 0 : i32
    %dma_start3A_22 = arith.constant 0 : i32
    %dma_start3A_23 = arith.constant 0 : i32
    %dma_start3A_24 = tpu.memref_slice %arg3[%dma_start3A, %dma_start3A_20, %dma_start3A_21, %dma_start3A_22, %dma_start3A_23] : memref<2x32x20x4x125xi32, #tpu.memory_space<hbm>> -> memref<1x32x20x4x125xi32, #tpu.memory_space<hbm>>
    %dma_start3A_25 = tpu.memref_squeeze %dma_start3A_24 : memref<1x32x20x4x125xi32, #tpu.memory_space<hbm>> -> memref<32x20x4x125xi32, #tpu.memory_space<hbm>>
    %dma_start3A_26 = arith.constant 0 : i32
    %dma_start3A_27 = arith.constant 0 : i32
    %dma_start3A_28 = arith.constant 0 : i32
    %dma_start3A_29 = tpu.memref_slice %dma_start3A_25[%add3A_3, %dma_start3A_26, %dma_start3A_27, %dma_start3A_28] : memref<32x20x4x125xi32, #tpu.memory_space<hbm>> -> memref<1x20x4x125xi32, #tpu.memory_space<hbm>>
    %dma_start3A_30 = tpu.memref_squeeze %dma_start3A_29 : memref<1x20x4x125xi32, #tpu.memory_space<hbm>> -> memref<20x4x125xi32, #tpu.memory_space<hbm>>
    %dma_start3A_31 = arith.constant 0 : i32
    %dma_start3A_32 = arith.constant 0 : i32
    %dma_start3A_33 = tpu.memref_slice %dma_start3A_30[%dma_start3A_4, %dma_start3A_31, %dma_start3A_32] : memref<20x4x125xi32, #tpu.memory_space<hbm>> -> memref<1x4x125xi32, #tpu.memory_space<hbm>>
    %dma_start3A_34 = tpu.memref_squeeze %dma_start3A_33 : memref<1x4x125xi32, #tpu.memory_space<hbm>> -> memref<4x125xi32, #tpu.memory_space<hbm>>
    tpu.enqueue_dma source(%dma_start3A_34 : memref<4x125xi32, #tpu.memory_space<hbm>>) target(%arg6 : memref<4x125xi32, #tpu.memory_space<vmem>>) target_semaphore(%arg17 : memref<!tpu.dma_semaphore, #tpu.memory_space<semaphore_mem>>)
    %dma_start3A_35 = arith.constant 1 : i32
    %dma_start3A_36 = arith.constant 0 : i32
    %dma_start3A_37 = arith.constant 0 : i32
    %dma_start3A_38 = arith.constant 0 : i32
    %dma_start3A_39 = arith.constant 0 : i32
    %dma_start3A_40 = arith.constant 0 : i32
    %dma_start3A_41 = tpu.memref_slice %arg3[%dma_start3A_35, %dma_start3A_37, %dma_start3A_38, %dma_start3A_39, %dma_start3A_40] : memref<2x32x20x4x125xi32, #tpu.memory_space<hbm>> -> memref<1x32x20x4x125xi32, #tpu.memory_space<hbm>>
    %dma_start3A_42 = tpu.memref_squeeze %dma_start3A_41 : memref<1x32x20x4x125xi32, #tpu.memory_space<hbm>> -> memref<32x20x4x125xi32, #tpu.memory_space<hbm>>
    %dma_start3A_43 = arith.constant 0 : i32
    %dma_start3A_44 = arith.constant 0 : i32
    %dma_start3A_45 = arith.constant 0 : i32
    %dma_start3A_46 = tpu.memref_slice %dma_start3A_42[%add3A_3, %dma_start3A_43, %dma_start3A_44, %dma_start3A_45] : memref<32x20x4x125xi32, #tpu.memory_space<hbm>> -> memref<1x20x4x125xi32, #tpu.memory_space<hbm>>
    %dma_start3A_47 = tpu.memref_squeeze %dma_start3A_46 : memref<1x20x4x125xi32, #tpu.memory_space<hbm>> -> memref<20x4x125xi32, #tpu.memory_space<hbm>>
    %dma_start3A_48 = arith.constant 0 : i32
    %dma_start3A_49 = arith.constant 0 : i32
    %dma_start3A_50 = tpu.memref_slice %dma_start3A_47[%dma_start3A_36, %dma_start3A_48, %dma_start3A_49] : memref<20x4x125xi32, #tpu.memory_space<hbm>> -> memref<1x4x125xi32, #tpu.memory_space<hbm>>
    %dma_start3A_51 = tpu.memref_squeeze %dma_start3A_50 : memref<1x4x125xi32, #tpu.memory_space<hbm>> -> memref<4x125xi32, #tpu.memory_space<hbm>>
    %dma_start3A_52 = arith.constant 0 : i32
    %dma_start3A_53 = arith.constant 0 : i32
    %dma_start3A_54 = arith.constant 0 : i32
    %dma_start3A_55 = arith.constant 0 : i32
    %dma_start3A_56 = tpu.memref_slice %arg3[%dma_start3A_35, %dma_start3A_52, %dma_start3A_53, %dma_start3A_54, %dma_start3A_55] : memref<2x32x20x4x125xi32, #tpu.memory_space<hbm>> -> memref<1x32x20x4x125xi32, #tpu.memory_space<hbm>>
    %dma_start3A_57 = tpu.memref_squeeze %dma_start3A_56 : memref<1x32x20x4x125xi32, #tpu.memory_space<hbm>> -> memref<32x20x4x125xi32, #tpu.memory_space<hbm>>
    %dma_start3A_58 = arith.constant 0 : i32
    %dma_start3A_59 = arith.constant 0 : i32
    %dma_start3A_60 = arith.constant 0 : i32
    %dma_start3A_61 = tpu.memref_slice %dma_start3A_57[%add3A_3, %dma_start3A_58, %dma_start3A_59, %dma_start3A_60] : memref<32x20x4x125xi32, #tpu.memory_space<hbm>> -> memref<1x20x4x125xi32, #tpu.memory_space<hbm>>
    %dma_start3A_62 = tpu.memref_squeeze %dma_start3A_61 : memref<1x20x4x125xi32, #tpu.memory_space<hbm>> -> memref<20x4x125xi32, #tpu.memory_space<hbm>>
    %dma_start3A_63 = arith.constant 0 : i32
    %dma_start3A_64 = arith.constant 0 : i32
    %dma_start3A_65 = tpu.memref_slice %dma_start3A_62[%dma_start3A_36, %dma_start3A_63, %dma_start3A_64] : memref<20x4x125xi32, #tpu.memory_space<hbm>> -> memref<1x4x125xi32, #tpu.memory_space<hbm>>
    %dma_start3A_66 = tpu.memref_squeeze %dma_start3A_65 : memref<1x4x125xi32, #tpu.memory_space<hbm>> -> memref<4x125xi32, #tpu.memory_space<hbm>>
    tpu.enqueue_dma source(%dma_start3A_66 : memref<4x125xi32, #tpu.memory_space<hbm>>) target(%arg8 : memref<4x125xi32, #tpu.memory_space<vmem>>) target_semaphore(%arg17 : memref<!tpu.dma_semaphore, #tpu.memory_space<semaphore_mem>>)
    %dma_wait3A = arith.constant 0 : i32
    %dma_wait3A_67 = arith.constant 0 : i32
    %dma_wait3A_68 = arith.constant 0 : i32
    %dma_wait3A_69 = arith.constant 0 : i32
    %dma_wait3A_70 = arith.constant 0 : i32
    %dma_wait3A_71 = arith.constant 0 : i32
    %dma_wait3A_72 = arith.constant 0 : i32
    %dma_wait3A_73 = tpu.memref_slice %arg3[%dma_wait3A, %dma_wait3A_69, %dma_wait3A_70, %dma_wait3A_71, %dma_wait3A_72] : memref<2x32x20x4x125xi32, #tpu.memory_space<hbm>> -> memref<1x32x20x4x125xi32, #tpu.memory_space<hbm>>
    %dma_wait3A_74 = tpu.memref_squeeze %dma_wait3A_73 : memref<1x32x20x4x125xi32, #tpu.memory_space<hbm>> -> memref<32x20x4x125xi32, #tpu.memory_space<hbm>>
    %dma_wait3A_75 = arith.constant 0 : i32
    %dma_wait3A_76 = arith.constant 0 : i32
    %dma_wait3A_77 = arith.constant 0 : i32
    %dma_wait3A_78 = tpu.memref_slice %dma_wait3A_74[%dma_wait3A_67, %dma_wait3A_75, %dma_wait3A_76, %dma_wait3A_77] : memref<32x20x4x125xi32, #tpu.memory_space<hbm>> -> memref<1x20x4x125xi32, #tpu.memory_space<hbm>>
    %dma_wait3A_79 = tpu.memref_squeeze %dma_wait3A_78 : memref<1x20x4x125xi32, #tpu.memory_space<hbm>> -> memref<20x4x125xi32, #tpu.memory_space<hbm>>
    %dma_wait3A_80 = arith.constant 0 : i32
    %dma_wait3A_81 = arith.constant 0 : i32
    %dma_wait3A_82 = tpu.memref_slice %dma_wait3A_79[%dma_wait3A_68, %dma_wait3A_80, %dma_wait3A_81] : memref<20x4x125xi32, #tpu.memory_space<hbm>> -> memref<1x4x125xi32, #tpu.memory_space<hbm>>
    %dma_wait3A_83 = tpu.memref_squeeze %dma_wait3A_82 : memref<1x4x125xi32, #tpu.memory_space<hbm>> -> memref<4x125xi32, #tpu.memory_space<hbm>>
    %dma_wait3A_84 = arith.constant 0 : i32
    %dma_wait3A_85 = arith.constant 0 : i32
    %dma_wait3A_86 = arith.constant 0 : i32
    %dma_wait3A_87 = arith.constant 0 : i32
    %dma_wait3A_88 = tpu.memref_slice %arg3[%dma_wait3A, %dma_wait3A_84, %dma_wait3A_85, %dma_wait3A_86, %dma_wait3A_87] : memref<2x32x20x4x125xi32, #tpu.memory_space<hbm>> -> memref<1x32x20x4x125xi32, #tpu.memory_space<hbm>>
    %dma_wait3A_89 = tpu.memref_squeeze %dma_wait3A_88 : memref<1x32x20x4x125xi32, #tpu.memory_space<hbm>> -> memref<32x20x4x125xi32, #tpu.memory_space<hbm>>
    %dma_wait3A_90 = arith.constant 0 : i32
    %dma_wait3A_91 = arith.constant 0 : i32
    %dma_wait3A_92 = arith.constant 0 : i32
    %dma_wait3A_93 = tpu.memref_slice %dma_wait3A_89[%dma_wait3A_67, %dma_wait3A_90, %dma_wait3A_91, %dma_wait3A_92] : memref<32x20x4x125xi32, #tpu.memory_space<hbm>> -> memref<1x20x4x125xi32, #tpu.memory_space<hbm>>
    %dma_wait3A_94 = tpu.memref_squeeze %dma_wait3A_93 : memref<1x20x4x125xi32, #tpu.memory_space<hbm>> -> memref<20x4x125xi32, #tpu.memory_space<hbm>>
    %dma_wait3A_95 = arith.constant 0 : i32
    %dma_wait3A_96 = arith.constant 0 : i32
    %dma_wait3A_97 = tpu.memref_slice %dma_wait3A_94[%dma_wait3A_68, %dma_wait3A_95, %dma_wait3A_96] : memref<20x4x125xi32, #tpu.memory_space<hbm>> -> memref<1x4x125xi32, #tpu.memory_space<hbm>>
    %dma_wait3A_98 = tpu.memref_squeeze %dma_wait3A_97 : memref<1x4x125xi32, #tpu.memory_space<hbm>> -> memref<4x125xi32, #tpu.memory_space<hbm>>
    tpu.wait_dma2 semaphore(%arg17 : memref<!tpu.dma_semaphore, #tpu.memory_space<semaphore_mem>>) src(%dma_wait3A_98 : memref<4x125xi32, #tpu.memory_space<hbm>>) dst(%arg6 : memref<4x125xi32, #tpu.memory_space<vmem>>)
    %dma_wait3A_99 = arith.constant 1 : i32
    %dma_wait3A_100 = arith.constant 0 : i32
    %dma_wait3A_101 = arith.constant 0 : i32
    %dma_wait3A_102 = arith.constant 0 : i32
    %dma_wait3A_103 = arith.constant 0 : i32
    %dma_wait3A_104 = arith.constant 0 : i32
    %dma_wait3A_105 = arith.constant 0 : i32
    %dma_wait3A_106 = tpu.memref_slice %arg3[%dma_wait3A_99, %dma_wait3A_102, %dma_wait3A_103, %dma_wait3A_104, %dma_wait3A_105] : memref<2x32x20x4x125xi32, #tpu.memory_space<hbm>> -> memref<1x32x20x4x125xi32, #tpu.memory_space<hbm>>
    %dma_wait3A_107 = tpu.memref_squeeze %dma_wait3A_106 : memref<1x32x20x4x125xi32, #tpu.memory_space<hbm>> -> memref<32x20x4x125xi32, #tpu.memory_space<hbm>>
    %dma_wait3A_108 = arith.constant 0 : i32
    %dma_wait3A_109 = arith.constant 0 : i32
    %dma_wait3A_110 = arith.constant 0 : i32
    %dma_wait3A_111 = tpu.memref_slice %dma_wait3A_107[%dma_wait3A_100, %dma_wait3A_108, %dma_wait3A_109, %dma_wait3A_110] : memref<32x20x4x125xi32, #tpu.memory_space<hbm>> -> memref<1x20x4x125xi32, #tpu.memory_space<hbm>>
    %dma_wait3A_112 = tpu.memref_squeeze %dma_wait3A_111 : memref<1x20x4x125xi32, #tpu.memory_space<hbm>> -> memref<20x4x125xi32, #tpu.memory_space<hbm>>
    %dma_wait3A_113 = arith.constant 0 : i32
    %dma_wait3A_114 = arith.constant 0 : i32
    %dma_wait3A_115 = tpu.memref_slice %dma_wait3A_112[%dma_wait3A_101, %dma_wait3A_113, %dma_wait3A_114] : memref<20x4x125xi32, #tpu.memory_space<hbm>> -> memref<1x4x125xi32, #tpu.memory_space<hbm>>
    %dma_wait3A_116 = tpu.memref_squeeze %dma_wait3A_115 : memref<1x4x125xi32, #tpu.memory_space<hbm>> -> memref<4x125xi32, #tpu.memory_space<hbm>>
    %dma_wait3A_117 = arith.constant 0 : i32
    %dma_wait3A_118 = arith.constant 0 : i32
    %dma_wait3A_119 = arith.constant 0 : i32
    %dma_wait3A_120 = arith.constant 0 : i32
    %dma_wait3A_121 = tpu.memref_slice %arg3[%dma_wait3A_99, %dma_wait3A_117, %dma_wait3A_118, %dma_wait3A_119, %dma_wait3A_120] : memref<2x32x20x4x125xi32, #tpu.memory_space<hbm>> -> memref<1x32x20x4x125xi32, #tpu.memory_space<hbm>>
    %dma_wait3A_122 = tpu.memref_squeeze %dma_wait3A_121 : memref<1x32x20x4x125xi32, #tpu.memory_space<hbm>> -> memref<32x20x4x125xi32, #tpu.memory_space<hbm>>
    %dma_wait3A_123 = arith.constant 0 : i32
    %dma_wait3A_124 = arith.constant 0 : i32
    %dma_wait3A_125 = arith.constant 0 : i32
    %dma_wait3A_126 = tpu.memref_slice %dma_wait3A_122[%dma_wait3A_100, %dma_wait3A_123, %dma_wait3A_124, %dma_wait3A_125] : memref<32x20x4x125xi32, #tpu.memory_space<hbm>> -> memref<1x20x4x125xi32, #tpu.memory_space<hbm>>
    %dma_wait3A_127 = tpu.memref_squeeze %dma_wait3A_126 : memref<1x20x4x125xi32, #tpu.memory_space<hbm>> -> memref<20x4x125xi32, #tpu.memory_space<hbm>>
    %dma_wait3A_128 = arith.constant 0 : i32
    %dma_wait3A_129 = arith.constant 0 : i32
    %dma_wait3A_130 = tpu.memref_slice %dma_wait3A_127[%dma_wait3A_101, %dma_wait3A_128, %dma_wait3A_129] : memref<20x4x125xi32, #tpu.memory_space<hbm>> -> memref<1x4x125xi32, #tpu.memory_space<hbm>>
    %dma_wait3A_131 = tpu.memref_squeeze %dma_wait3A_130 : memref<1x4x125xi32, #tpu.memory_space<hbm>> -> memref<4x125xi32, #tpu.memory_space<hbm>>
    tpu.wait_dma2 semaphore(%arg17 : memref<!tpu.dma_semaphore, #tpu.memory_space<semaphore_mem>>) src(%dma_wait3A_131 : memref<4x125xi32, #tpu.memory_space<hbm>>) dst(%arg8 : memref<4x125xi32, #tpu.memory_space<vmem>>)
    %dma_start3A_132 = arith.constant 0 : i32
    %dma_start3A_133 = arith.constant 0 : i32
    %dma_start3A_134 = tpu.memref_slice %arg6[%dma_start3A_132, %dma_start3A_133] : memref<4x125xi32, #tpu.memory_space<vmem>> -> memref<1x125xi32, #tpu.memory_space<vmem>>
    %dma_start3A_135 = tpu.memref_squeeze %dma_start3A_134 : memref<1x125xi32, #tpu.memory_space<vmem>> -> memref<125xi32, #tpu.memory_space<vmem>>
    %dma_start3A_136 = arith.constant 0 : i32
    %dma_start3A_137 = arith.constant 0 : i32
    %dma_start3A_138 = tpu.memref_slice %arg2[%arg0, %dma_start3A_136, %dma_start3A_137] : memref<2x10000x128xf32, #tpu.memory_space<hbm>> -> memref<1x10000x128xf32, #tpu.memory_space<hbm>>
    %dma_start3A_139 = tpu.memref_squeeze %dma_start3A_138 : memref<1x10000x128xf32, #tpu.memory_space<hbm>> -> memref<10000x128xf32, #tpu.memory_space<hbm>>
    %dma_start3A_140 = arith.constant 0 : i32
    %dma_start3A_141 = arith.constant 0 : i32
    %dma_start3A_142 = tpu.memref_slice %dma_start3A_139[%dma_start3A_140, %dma_start3A_141] : memref<10000x128xf32, #tpu.memory_space<hbm>> -> memref<10000x128xf32, #tpu.memory_space<hbm>>
    tpu.enqueue_indirect_dma source(%dma_start3A_142 : memref<10000x128xf32, #tpu.memory_space<hbm>>) target(%arg10 : memref<125x128xf32, #tpu.memory_space<vmem>>) offsets(%dma_start3A_135 : memref<125xi32, #tpu.memory_space<vmem>>) semaphore(%arg13 : memref<!tpu.dma_semaphore, #tpu.memory_space<semaphore_mem>>)
    %dma_start3A_143 = arith.constant 1 : i32
    %dma_start3A_144 = arith.constant 0 : i32
    %dma_start3A_145 = tpu.memref_slice %arg6[%dma_start3A_143, %dma_start3A_144] : memref<4x125xi32, #tpu.memory_space<vmem>> -> memref<1x125xi32, #tpu.memory_space<vmem>>
    %dma_start3A_146 = tpu.memref_squeeze %dma_start3A_145 : memref<1x125xi32, #tpu.memory_space<vmem>> -> memref<125xi32, #tpu.memory_space<vmem>>
    %dma_start3A_147 = arith.constant 0 : i32
    %dma_start3A_148 = arith.constant 0 : i32
    %dma_start3A_149 = tpu.memref_slice %arg2[%arg0, %dma_start3A_147, %dma_start3A_148] : memref<2x10000x128xf32, #tpu.memory_space<hbm>> -> memref<1x10000x128xf32, #tpu.memory_space<hbm>>
    %dma_start3A_150 = tpu.memref_squeeze %dma_start3A_149 : memref<1x10000x128xf32, #tpu.memory_space<hbm>> -> memref<10000x128xf32, #tpu.memory_space<hbm>>
    %dma_start3A_151 = arith.constant 0 : i32
    %dma_start3A_152 = arith.constant 0 : i32
    %dma_start3A_153 = tpu.memref_slice %dma_start3A_150[%dma_start3A_151, %dma_start3A_152] : memref<10000x128xf32, #tpu.memory_space<hbm>> -> memref<10000x128xf32, #tpu.memory_space<hbm>>
    tpu.enqueue_indirect_dma source(%dma_start3A_153 : memref<10000x128xf32, #tpu.memory_space<hbm>>) target(%arg11 : memref<125x128xf32, #tpu.memory_space<vmem>>) offsets(%dma_start3A_146 : memref<125xi32, #tpu.memory_space<vmem>>) semaphore(%arg14 : memref<!tpu.dma_semaphore, #tpu.memory_space<semaphore_mem>>)
    %dma_wait3A_154 = arith.constant 0 : i32
    %dma_wait3A_155 = arith.constant 0 : i32
    %dma_wait3A_156 = tpu.memref_slice %arg6[%dma_wait3A_154, %dma_wait3A_155] : memref<4x125xi32, #tpu.memory_space<vmem>> -> memref<1x125xi32, #tpu.memory_space<vmem>>
    %dma_wait3A_157 = tpu.memref_squeeze %dma_wait3A_156 : memref<1x125xi32, #tpu.memory_space<vmem>> -> memref<125xi32, #tpu.memory_space<vmem>>
    %dma_wait3A_158 = arith.constant 0 : i32
    %dma_wait3A_159 = arith.constant 0 : i32
    %dma_wait3A_160 = tpu.memref_slice %arg2[%arg0, %dma_wait3A_158, %dma_wait3A_159] : memref<2x10000x128xf32, #tpu.memory_space<hbm>> -> memref<1x10000x128xf32, #tpu.memory_space<hbm>>
    %dma_wait3A_161 = tpu.memref_squeeze %dma_wait3A_160 : memref<1x10000x128xf32, #tpu.memory_space<hbm>> -> memref<10000x128xf32, #tpu.memory_space<hbm>>
    %dma_wait3A_162 = arith.constant 0 : i32
    %dma_wait3A_163 = arith.constant 0 : i32
    %dma_wait3A_164 = tpu.memref_slice %dma_wait3A_161[%dma_wait3A_162, %dma_wait3A_163] : memref<10000x128xf32, #tpu.memory_space<hbm>> -> memref<10000x128xf32, #tpu.memory_space<hbm>>
    tpu.wait_indirect_dma semaphore(%arg13 : memref<!tpu.dma_semaphore, #tpu.memory_space<semaphore_mem>>) src(%dma_wait3A_164 : memref<10000x128xf32, #tpu.memory_space<hbm>>) dst(%arg10 : memref<125x128xf32, #tpu.memory_space<vmem>>)
    %dma_start3A_165 = arith.constant 0 : i32
    %dma_start3A_166 = arith.constant 0 : i32
    %dma_start3A_167 = tpu.memref_slice %arg8[%dma_start3A_165, %dma_start3A_166] : memref<4x125xi32, #tpu.memory_space<vmem>> -> memref<1x125xi32, #tpu.memory_space<vmem>>
    %dma_start3A_168 = tpu.memref_squeeze %dma_start3A_167 : memref<1x125xi32, #tpu.memory_space<vmem>> -> memref<125xi32, #tpu.memory_space<vmem>>
    %dma_start3A_169 = arith.constant 0 : i32
    %dma_start3A_170 = arith.constant 0 : i32
    %dma_start3A_171 = tpu.memref_slice %arg12[%dma_start3A_169, %dma_start3A_170] : memref<10240x128xf32, #tpu.memory_space<vmem_shared>> -> memref<10240x128xf32, #tpu.memory_space<vmem_shared>>
    tpu.enqueue_indirect_dma source(%arg10 : memref<125x128xf32, #tpu.memory_space<vmem>>) target(%dma_start3A_171 : memref<10240x128xf32, #tpu.memory_space<vmem_shared>>) offsets(%dma_start3A_168 : memref<125xi32, #tpu.memory_space<vmem>>) semaphore(%arg15 : memref<!tpu.dma_semaphore, #tpu.memory_space<semaphore_mem>>) {add = true}
    %dma_wait3A_172 = arith.constant 0 : i32
    %dma_wait3A_173 = arith.constant 0 : i32
    %dma_wait3A_174 = tpu.memref_slice %arg8[%dma_wait3A_172, %dma_wait3A_173] : memref<4x125xi32, #tpu.memory_space<vmem>> -> memref<1x125xi32, #tpu.memory_space<vmem>>
    %dma_wait3A_175 = tpu.memref_squeeze %dma_wait3A_174 : memref<1x125xi32, #tpu.memory_space<vmem>> -> memref<125xi32, #tpu.memory_space<vmem>>
    %dma_wait3A_176 = arith.constant 0 : i32
    %dma_wait3A_177 = arith.constant 0 : i32
    %dma_wait3A_178 = tpu.memref_slice %arg12[%dma_wait3A_176, %dma_wait3A_177] : memref<10240x128xf32, #tpu.memory_space<vmem_shared>> -> memref<10240x128xf32, #tpu.memory_space<vmem_shared>>
    tpu.wait_indirect_dma semaphore(%arg15 : memref<!tpu.dma_semaphore, #tpu.memory_space<semaphore_mem>>) src(%arg10 : memref<125x128xf32, #tpu.memory_space<vmem>>) dst(%dma_wait3A_178 : memref<10240x128xf32, #tpu.memory_space<vmem_shared>>)
    %mul3A_179 = arith.constant 2 : i32
    %mul3A_180 = arith.muli %mul3A_179, %arg1 : i32
    %add3A_181 = arith.constant 0 : i32
    %add3A_182 = arith.addi %mul3A_180, %add3A_181 : i32
    %dma_start3A_183 = arith.constant 0 : i32
    %dma_start3A_184 = arith.constant 1 : i32
    %dma_start3A_185 = arith.constant 0 : i32
    %dma_start3A_186 = arith.constant 0 : i32
    %dma_start3A_187 = arith.constant 0 : i32
    %dma_start3A_188 = arith.constant 0 : i32
    %dma_start3A_189 = tpu.memref_slice %arg3[%dma_start3A_183, %dma_start3A_185, %dma_start3A_186, %dma_start3A_187, %dma_start3A_188] : memref<2x32x20x4x125xi32, #tpu.memory_space<hbm>> -> memref<1x32x20x4x125xi32, #tpu.memory_space<hbm>>
    %dma_start3A_190 = tpu.memref_squeeze %dma_start3A_189 : memref<1x32x20x4x125xi32, #tpu.memory_space<hbm>> -> memref<32x20x4x125xi32, #tpu.memory_space<hbm>>
    %dma_start3A_191 = arith.constant 0 : i32
    %dma_start3A_192 = arith.constant 0 : i32
    %dma_start3A_193 = arith.constant 0 : i32
    %dma_start3A_194 = tpu.memref_slice %dma_start3A_190[%add3A_182, %dma_start3A_191, %dma_start3A_192, %dma_start3A_193] : memref<32x20x4x125xi32, #tpu.memory_space<hbm>> -> memref<1x20x4x125xi32, #tpu.memory_space<hbm>>
    %dma_start3A_195 = tpu.memref_squeeze %dma_start3A_194 : memref<1x20x4x125xi32, #tpu.memory_space<hbm>> -> memref<20x4x125xi32, #tpu.memory_space<hbm>>
    %dma_start3A_196 = arith.constant 0 : i32
    %dma_start3A_197 = arith.constant 0 : i32
    %dma_start3A_198 = tpu.memref_slice %dma_start3A_195[%dma_start3A_184, %dma_start3A_196, %dma_start3A_197] : memref<20x4x125xi32, #tpu.memory_space<hbm>> -> memref<1x4x125xi32, #tpu.memory_space<hbm>>
    %dma_start3A_199 = tpu.memref_squeeze %dma_start3A_198 : memref<1x4x125xi32, #tpu.memory_space<hbm>> -> memref<4x125xi32, #tpu.memory_space<hbm>>
    %dma_start3A_200 = arith.constant 0 : i32
    %dma_start3A_201 = arith.constant 0 : i32
    %dma_start3A_202 = arith.constant 0 : i32
    %dma_start3A_203 = arith.constant 0 : i32
    %dma_start3A_204 = tpu.memref_slice %arg3[%dma_start3A_183, %dma_start3A_200, %dma_start3A_201, %dma_start3A_202, %dma_start3A_203] : memref<2x32x20x4x125xi32, #tpu.memory_space<hbm>> -> memref<1x32x20x4x125xi32, #tpu.memory_space<hbm>>
    %dma_start3A_205 = tpu.memref_squeeze %dma_start3A_204 : memref<1x32x20x4x125xi32, #tpu.memory_space<hbm>> -> memref<32x20x4x125xi32, #tpu.memory_space<hbm>>
    %dma_start3A_206 = arith.constant 0 : i32
    %dma_start3A_207 = arith.constant 0 : i32
    %dma_start3A_208 = arith.constant 0 : i32
    %dma_start3A_209 = tpu.memref_slice %dma_start3A_205[%add3A_182, %dma_start3A_206, %dma_start3A_207, %dma_start3A_208] : memref<32x20x4x125xi32, #tpu.memory_space<hbm>> -> memref<1x20x4x125xi32, #tpu.memory_space<hbm>>
    %dma_start3A_210 = tpu.memref_squeeze %dma_start3A_209 : memref<1x20x4x125xi32, #tpu.memory_space<hbm>> -> memref<20x4x125xi32, #tpu.memory_space<hbm>>
    %dma_start3A_211 = arith.constant 0 : i32
    %dma_start3A_212 = arith.constant 0 : i32
    %dma_start3A_213 = tpu.memref_slice %dma_start3A_210[%dma_start3A_184, %dma_start3A_211, %dma_start3A_212] : memref<20x4x125xi32, #tpu.memory_space<hbm>> -> memref<1x4x125xi32, #tpu.memory_space<hbm>>
    %dma_start3A_214 = tpu.memref_squeeze %dma_start3A_213 : memref<1x4x125xi32, #tpu.memory_space<hbm>> -> memref<4x125xi32, #tpu.memory_space<hbm>>
    tpu.enqueue_dma source(%dma_start3A_214 : memref<4x125xi32, #tpu.memory_space<hbm>>) target(%arg7 : memref<4x125xi32, #tpu.memory_space<vmem>>) target_semaphore(%arg18 : memref<!tpu.dma_semaphore, #tpu.memory_space<semaphore_mem>>)
    %dma_start3A_215 = arith.constant 1 : i32
    %dma_start3A_216 = arith.constant 1 : i32
    %dma_start3A_217 = arith.constant 0 : i32
    %dma_start3A_218 = arith.constant 0 : i32
    %dma_start3A_219 = arith.constant 0 : i32
    %dma_start3A_220 = arith.constant 0 : i32
    %dma_start3A_221 = tpu.memref_slice %arg3[%dma_start3A_215, %dma_start3A_217, %dma_start3A_218, %dma_start3A_219, %dma_start3A_220] : memref<2x32x20x4x125xi32, #tpu.memory_space<hbm>> -> memref<1x32x20x4x125xi32, #tpu.memory_space<hbm>>
    %dma_start3A_222 = tpu.memref_squeeze %dma_start3A_221 : memref<1x32x20x4x125xi32, #tpu.memory_space<hbm>> -> memref<32x20x4x125xi32, #tpu.memory_space<hbm>>
    %dma_start3A_223 = arith.constant 0 : i32
    %dma_start3A_224 = arith.constant 0 : i32
    %dma_start3A_225 = arith.constant 0 : i32
    %dma_start3A_226 = tpu.memref_slice %dma_start3A_222[%add3A_182, %dma_start3A_223, %dma_start3A_224, %dma_start3A_225] : memref<32x20x4x125xi32, #tpu.memory_space<hbm>> -> memref<1x20x4x125xi32, #tpu.memory_space<hbm>>
    %dma_start3A_227 = tpu.memref_squeeze %dma_start3A_226 : memref<1x20x4x125xi32, #tpu.memory_space<hbm>> -> memref<20x4x125xi32, #tpu.memory_space<hbm>>
    %dma_start3A_228 = arith.constant 0 : i32
    %dma_start3A_229 = arith.constant 0 : i32
    %dma_start3A_230 = tpu.memref_slice %dma_start3A_227[%dma_start3A_216, %dma_start3A_228, %dma_start3A_229] : memref<20x4x125xi32, #tpu.memory_space<hbm>> -> memref<1x4x125xi32, #tpu.memory_space<hbm>>
    %dma_start3A_231 = tpu.memref_squeeze %dma_start3A_230 : memref<1x4x125xi32, #tpu.memory_space<hbm>> -> memref<4x125xi32, #tpu.memory_space<hbm>>
    %dma_start3A_232 = arith.constant 0 : i32
    %dma_start3A_233 = arith.constant 0 : i32
    %dma_start3A_234 = arith.constant 0 : i32
    %dma_start3A_235 = arith.constant 0 : i32
    %dma_start3A_236 = tpu.memref_slice %arg3[%dma_start3A_215, %dma_start3A_232, %dma_start3A_233, %dma_start3A_234, %dma_start3A_235] : memref<2x32x20x4x125xi32, #tpu.memory_space<hbm>> -> memref<1x32x20x4x125xi32, #tpu.memory_space<hbm>>
    %dma_start3A_237 = tpu.memref_squeeze %dma_start3A_236 : memref<1x32x20x4x125xi32, #tpu.memory_space<hbm>> -> memref<32x20x4x125xi32, #tpu.memory_space<hbm>>
    %dma_start3A_238 = arith.constant 0 : i32
    %dma_start3A_239 = arith.constant 0 : i32
    %dma_start3A_240 = arith.constant 0 : i32
    %dma_start3A_241 = tpu.memref_slice %dma_start3A_237[%add3A_182, %dma_start3A_238, %dma_start3A_239, %dma_start3A_240] : memref<32x20x4x125xi32, #tpu.memory_space<hbm>> -> memref<1x20x4x125xi32, #tpu.memory_space<hbm>>
    %dma_start3A_242 = tpu.memref_squeeze %dma_start3A_241 : memref<1x20x4x125xi32, #tpu.memory_space<hbm>> -> memref<20x4x125xi32, #tpu.memory_space<hbm>>
    %dma_start3A_243 = arith.constant 0 : i32
    %dma_start3A_244 = arith.constant 0 : i32
    %dma_start3A_245 = tpu.memref_slice %dma_start3A_242[%dma_start3A_216, %dma_start3A_243, %dma_start3A_244] : memref<20x4x125xi32, #tpu.memory_space<hbm>> -> memref<1x4x125xi32, #tpu.memory_space<hbm>>
    %dma_start3A_246 = tpu.memref_squeeze %dma_start3A_245 : memref<1x4x125xi32, #tpu.memory_space<hbm>> -> memref<4x125xi32, #tpu.memory_space<hbm>>
    tpu.enqueue_dma source(%dma_start3A_246 : memref<4x125xi32, #tpu.memory_space<hbm>>) target(%arg9 : memref<4x125xi32, #tpu.memory_space<vmem>>) target_semaphore(%arg18 : memref<!tpu.dma_semaphore, #tpu.memory_space<semaphore_mem>>)
    %dma_start3A_247 = arith.constant 2 : i32
    %dma_start3A_248 = arith.constant 0 : i32
    %dma_start3A_249 = tpu.memref_slice %arg6[%dma_start3A_247, %dma_start3A_248] : memref<4x125xi32, #tpu.memory_space<vmem>> -> memref<1x125xi32, #tpu.memory_space<vmem>>
    %dma_start3A_250 = tpu.memref_squeeze %dma_start3A_249 : memref<1x125xi32, #tpu.memory_space<vmem>> -> memref<125xi32, #tpu.memory_space<vmem>>
    %dma_start3A_251 = arith.constant 0 : i32
    %dma_start3A_252 = arith.constant 0 : i32
    %dma_start3A_253 = tpu.memref_slice %arg2[%arg0, %dma_start3A_251, %dma_start3A_252] : memref<2x10000x128xf32, #tpu.memory_space<hbm>> -> memref<1x10000x128xf32, #tpu.memory_space<hbm>>
    %dma_start3A_254 = tpu.memref_squeeze %dma_start3A_253 : memref<1x10000x128xf32, #tpu.memory_space<hbm>> -> memref<10000x128xf32, #tpu.memory_space<hbm>>
    %dma_start3A_255 = arith.constant 0 : i32
    %dma_start3A_256 = arith.constant 0 : i32
    %dma_start3A_257 = tpu.memref_slice %dma_start3A_254[%dma_start3A_255, %dma_start3A_256] : memref<10000x128xf32, #tpu.memory_space<hbm>> -> memref<10000x128xf32, #tpu.memory_space<hbm>>
    tpu.enqueue_indirect_dma source(%dma_start3A_257 : memref<10000x128xf32, #tpu.memory_space<hbm>>) target(%arg10 : memref<125x128xf32, #tpu.memory_space<vmem>>) offsets(%dma_start3A_250 : memref<125xi32, #tpu.memory_space<vmem>>) semaphore(%arg13 : memref<!tpu.dma_semaphore, #tpu.memory_space<semaphore_mem>>)
    %dma_wait3A_258 = arith.constant 1 : i32
    %dma_wait3A_259 = arith.constant 0 : i32
    %dma_wait3A_260 = tpu.memref_slice %arg6[%dma_wait3A_258, %dma_wait3A_259] : memref<4x125xi32, #tpu.memory_space<vmem>> -> memref<1x125xi32, #tpu.memory_space<vmem>>
    %dma_wait3A_261 = tpu.memref_squeeze %dma_wait3A_260 : memref<1x125xi32, #tpu.memory_space<vmem>> -> memref<125xi32, #tpu.memory_space<vmem>>
    %dma_wait3A_262 = arith.constant 0 : i32
    %dma_wait3A_263 = arith.constant 0 : i32
    %dma_wait3A_264 = tpu.memref_slice %arg2[%arg0, %dma_wait3A_262, %dma_wait3A_263] : memref<2x10000x128xf32, #tpu.memory_space<hbm>> -> memref<1x10000x128xf32, #tpu.memory_space<hbm>>
    %dma_wait3A_265 = tpu.memref_squeeze %dma_wait3A_264 : memref<1x10000x128xf32, #tpu.memory_space<hbm>> -> memref<10000x128xf32, #tpu.memory_space<hbm>>
    %dma_wait3A_266 = arith.constant 0 : i32
    %dma_wait3A_267 = arith.constant 0 : i32
    %dma_wait3A_268 = tpu.memref_slice %dma_wait3A_265[%dma_wait3A_266, %dma_wait3A_267] : memref<10000x128xf32, #tpu.memory_space<hbm>> -> memref<10000x128xf32, #tpu.memory_space<hbm>>
    tpu.wait_indirect_dma semaphore(%arg14 : memref<!tpu.dma_semaphore, #tpu.memory_space<semaphore_mem>>) src(%dma_wait3A_268 : memref<10000x128xf32, #tpu.memory_space<hbm>>) dst(%arg11 : memref<125x128xf32, #tpu.memory_space<vmem>>)
    %dma_start3A_269 = arith.constant 1 : i32
    %dma_start3A_270 = arith.constant 0 : i32
    %dma_start3A_271 = tpu.memref_slice %arg8[%dma_start3A_269, %dma_start3A_270] : memref<4x125xi32, #tpu.memory_space<vmem>> -> memref<1x125xi32, #tpu.memory_space<vmem>>
    %dma_start3A_272 = tpu.memref_squeeze %dma_start3A_271 : memref<1x125xi32, #tpu.memory_space<vmem>> -> memref<125xi32, #tpu.memory_space<vmem>>
    %dma_start3A_273 = arith.constant 0 : i32
    %dma_start3A_274 = arith.constant 0 : i32
    %dma_start3A_275 = tpu.memref_slice %arg12[%dma_start3A_273, %dma_start3A_274] : memref<10240x128xf32, #tpu.memory_space<vmem_shared>> -> memref<10240x128xf32, #tpu.memory_space<vmem_shared>>
    tpu.enqueue_indirect_dma source(%arg11 : memref<125x128xf32, #tpu.memory_space<vmem>>) target(%dma_start3A_275 : memref<10240x128xf32, #tpu.memory_space<vmem_shared>>) offsets(%dma_start3A_272 : memref<125xi32, #tpu.memory_space<vmem>>) semaphore(%arg16 : memref<!tpu.dma_semaphore, #tpu.memory_space<semaphore_mem>>) {add = true}
    %dma_wait3A_276 = arith.constant 1 : i32
    %dma_wait3A_277 = arith.constant 0 : i32
    %dma_wait3A_278 = tpu.memref_slice %arg8[%dma_wait3A_276, %dma_wait3A_277] : memref<4x125xi32, #tpu.memory_space<vmem>> -> memref<1x125xi32, #tpu.memory_space<vmem>>
    %dma_wait3A_279 = tpu.memref_squeeze %dma_wait3A_278 : memref<1x125xi32, #tpu.memory_space<vmem>> -> memref<125xi32, #tpu.memory_space<vmem>>
    %dma_wait3A_280 = arith.constant 0 : i32
    %dma_wait3A_281 = arith.constant 0 : i32
    %dma_wait3A_282 = tpu.memref_slice %arg12[%dma_wait3A_280, %dma_wait3A_281] : memref<10240x128xf32, #tpu.memory_space<vmem_shared>> -> memref<10240x128xf32, #tpu.memory_space<vmem_shared>>
    tpu.wait_indirect_dma semaphore(%arg16 : memref<!tpu.dma_semaphore, #tpu.memory_space<semaphore_mem>>) src(%arg11 : memref<125x128xf32, #tpu.memory_space<vmem>>) dst(%dma_wait3A_282 : memref<10240x128xf32, #tpu.memory_space<vmem_shared>>)
    %dma_start3A_283 = arith.constant 3 : i32
    %dma_start3A_284 = arith.constant 0 : i32
    %dma_start3A_285 = tpu.memref_slice %arg6[%dma_start3A_283, %dma_start3A_284] : memref<4x125xi32, #tpu.memory_space<vmem>> -> memref<1x125xi32, #tpu.memory_space<vmem>>
    %dma_start3A_286 = tpu.memref_squeeze %dma_start3A_285 : memref<1x125xi32, #tpu.memory_space<vmem>> -> memref<125xi32, #tpu.memory_space<vmem>>
    %dma_start3A_287 = arith.constant 0 : i32
    %dma_start3A_288 = arith.constant 0 : i32
    %dma_start3A_289 = tpu.memref_slice %arg2[%arg0, %dma_start3A_287, %dma_start3A_288] : memref<2x10000x128xf32, #tpu.memory_space<hbm>> -> memref<1x10000x128xf32, #tpu.memory_space<hbm>>
    %dma_start3A_290 = tpu.memref_squeeze %dma_start3A_289 : memref<1x10000x128xf32, #tpu.memory_space<hbm>> -> memref<10000x128xf32, #tpu.memory_space<hbm>>
    %dma_start3A_291 = arith.constant 0 : i32
    %dma_start3A_292 = arith.constant 0 : i32
    %dma_start3A_293 = tpu.memref_slice %dma_start3A_290[%dma_start3A_291, %dma_start3A_292] : memref<10000x128xf32, #tpu.memory_space<hbm>> -> memref<10000x128xf32, #tpu.memory_space<hbm>>
    tpu.enqueue_indirect_dma source(%dma_start3A_293 : memref<10000x128xf32, #tpu.memory_space<hbm>>) target(%arg11 : memref<125x128xf32, #tpu.memory_space<vmem>>) offsets(%dma_start3A_286 : memref<125xi32, #tpu.memory_space<vmem>>) semaphore(%arg14 : memref<!tpu.dma_semaphore, #tpu.memory_space<semaphore_mem>>)
    %dma_wait3A_294 = arith.constant 2 : i32
    %dma_wait3A_295 = arith.constant 0 : i32
    %dma_wait3A_296 = tpu.memref_slice %arg6[%dma_wait3A_294, %dma_wait3A_295] : memref<4x125xi32, #tpu.memory_space<vmem>> -> memref<1x125xi32, #tpu.memory_space<vmem>>
    %dma_wait3A_297 = tpu.memref_squeeze %dma_wait3A_296 : memref<1x125xi32, #tpu.memory_space<vmem>> -> memref<125xi32, #tpu.memory_space<vmem>>
    %dma_wait3A_298 = arith.constant 0 : i32
    %dma_wait3A_299 = arith.constant 0 : i32
    %dma_wait3A_300 = tpu.memref_slice %arg2[%arg0, %dma_wait3A_298, %dma_wait3A_299] : memref<2x10000x128xf32, #tpu.memory_space<hbm>> -> memref<1x10000x128xf32, #tpu.memory_space<hbm>>
    %dma_wait3A_301 = tpu.memref_squeeze %dma_wait3A_300 : memref<1x10000x128xf32, #tpu.memory_space<hbm>> -> memref<10000x128xf32, #tpu.memory_space<hbm>>
    %dma_wait3A_302 = arith.constant 0 : i32
    %dma_wait3A_303 = arith.constant 0 : i32
    %dma_wait3A_304 = tpu.memref_slice %dma_wait3A_301[%dma_wait3A_302, %dma_wait3A_303] : memref<10000x128xf32, #tpu.memory_space<hbm>> -> memref<10000x128xf32, #tpu.memory_space<hbm>>
    tpu.wait_indirect_dma semaphore(%arg13 : memref<!tpu.dma_semaphore, #tpu.memory_space<semaphore_mem>>) src(%dma_wait3A_304 : memref<10000x128xf32, #tpu.memory_space<hbm>>) dst(%arg10 : memref<125x128xf32, #tpu.memory_space<vmem>>)
    %dma_start3A_305 = arith.constant 2 : i32
    %dma_start3A_306 = arith.constant 0 : i32
    %dma_start3A_307 = tpu.memref_slice %arg8[%dma_start3A_305, %dma_start3A_306] : memref<4x125xi32, #tpu.memory_space<vmem>> -> memref<1x125xi32, #tpu.memory_space<vmem>>
    %dma_start3A_308 = tpu.memref_squeeze %dma_start3A_307 : memref<1x125xi32, #tpu.memory_space<vmem>> -> memref<125xi32, #tpu.memory_space<vmem>>
    %dma_start3A_309 = arith.constant 0 : i32
    %dma_start3A_310 = arith.constant 0 : i32
    %dma_start3A_311 = tpu.memref_slice %arg12[%dma_start3A_309, %dma_start3A_310] : memref<10240x128xf32, #tpu.memory_space<vmem_shared>> -> memref<10240x128xf32, #tpu.memory_space<vmem_shared>>
    tpu.enqueue_indirect_dma source(%arg10 : memref<125x128xf32, #tpu.memory_space<vmem>>) target(%dma_start3A_311 : memref<10240x128xf32, #tpu.memory_space<vmem_shared>>) offsets(%dma_start3A_308 : memref<125xi32, #tpu.memory_space<vmem>>) semaphore(%arg15 : memref<!tpu.dma_semaphore, #tpu.memory_space<semaphore_mem>>) {add = true}
    %scan3A = arith.constant 0 : i32
    %scan3A_312 = arith.constant 0 : i32
    %scan3A_313 = arith.constant 19 : i32
    %scan3A_314 = arith.addi %scan3A_312, %scan3A_313 : i32
    %scan3A_315 = arith.constant 1 : i32
    scf.for %scan3A_560 = %scan3A_312 to %scan3A_314 step %scan3A_315  : i32 {
      %mul3A_561 = arith.constant 2 : i32
      %mul3A_562 = arith.muli %mul3A_561, %scan3A_560 : i32
      %add3A_563 = arith.constant 1 : i32
      %add3A_564 = arith.addi %mul3A_562, %add3A_563 : i32
      %dma_wait3A_565 = arith.constant 0 : i32
      %dma_wait3A_566 = arith.constant 0 : i32
      %dma_wait3A_567 = arith.constant 0 : i32
      %dma_wait3A_568 = arith.constant 0 : i32
      %dma_wait3A_569 = arith.constant 0 : i32
      %dma_wait3A_570 = arith.constant 0 : i32
      %dma_wait3A_571 = arith.constant 0 : i32
      %dma_wait3A_572 = tpu.memref_slice %arg3[%dma_wait3A_565, %dma_wait3A_568, %dma_wait3A_569, %dma_wait3A_570, %dma_wait3A_571] : memref<2x32x20x4x125xi32, #tpu.memory_space<hbm>> -> memref<1x32x20x4x125xi32, #tpu.memory_space<hbm>>
      %dma_wait3A_573 = tpu.memref_squeeze %dma_wait3A_572 : memref<1x32x20x4x125xi32, #tpu.memory_space<hbm>> -> memref<32x20x4x125xi32, #tpu.memory_space<hbm>>
      %dma_wait3A_574 = arith.constant 0 : i32
      %dma_wait3A_575 = arith.constant 0 : i32
      %dma_wait3A_576 = arith.constant 0 : i32
      %dma_wait3A_577 = tpu.memref_slice %dma_wait3A_573[%dma_wait3A_566, %dma_wait3A_574, %dma_wait3A_575, %dma_wait3A_576] : memref<32x20x4x125xi32, #tpu.memory_space<hbm>> -> memref<1x20x4x125xi32, #tpu.memory_space<hbm>>
      %dma_wait3A_578 = tpu.memref_squeeze %dma_wait3A_577 : memref<1x20x4x125xi32, #tpu.memory_space<hbm>> -> memref<20x4x125xi32, #tpu.memory_space<hbm>>
      %dma_wait3A_579 = arith.constant 0 : i32
      %dma_wait3A_580 = arith.constant 0 : i32
      %dma_wait3A_581 = tpu.memref_slice %dma_wait3A_578[%dma_wait3A_567, %dma_wait3A_579, %dma_wait3A_580] : memref<20x4x125xi32, #tpu.memory_space<hbm>> -> memref<1x4x125xi32, #tpu.memory_space<hbm>>
      %dma_wait3A_582 = tpu.memref_squeeze %dma_wait3A_581 : memref<1x4x125xi32, #tpu.memory_space<hbm>> -> memref<4x125xi32, #tpu.memory_space<hbm>>
      %dma_wait3A_583 = arith.constant 0 : i32
      %dma_wait3A_584 = arith.constant 0 : i32
      %dma_wait3A_585 = arith.constant 0 : i32
      %dma_wait3A_586 = arith.constant 0 : i32
      %dma_wait3A_587 = tpu.memref_slice %arg3[%dma_wait3A_565, %dma_wait3A_583, %dma_wait3A_584, %dma_wait3A_585, %dma_wait3A_586] : memref<2x32x20x4x125xi32, #tpu.memory_space<hbm>> -> memref<1x32x20x4x125xi32, #tpu.memory_space<hbm>>
      %dma_wait3A_588 = tpu.memref_squeeze %dma_wait3A_587 : memref<1x32x20x4x125xi32, #tpu.memory_space<hbm>> -> memref<32x20x4x125xi32, #tpu.memory_space<hbm>>
      %dma_wait3A_589 = arith.constant 0 : i32
      %dma_wait3A_590 = arith.constant 0 : i32
      %dma_wait3A_591 = arith.constant 0 : i32
      %dma_wait3A_592 = tpu.memref_slice %dma_wait3A_588[%dma_wait3A_566, %dma_wait3A_589, %dma_wait3A_590, %dma_wait3A_591] : memref<32x20x4x125xi32, #tpu.memory_space<hbm>> -> memref<1x20x4x125xi32, #tpu.memory_space<hbm>>
      %dma_wait3A_593 = tpu.memref_squeeze %dma_wait3A_592 : memref<1x20x4x125xi32, #tpu.memory_space<hbm>> -> memref<20x4x125xi32, #tpu.memory_space<hbm>>
      %dma_wait3A_594 = arith.constant 0 : i32
      %dma_wait3A_595 = arith.constant 0 : i32
      %dma_wait3A_596 = tpu.memref_slice %dma_wait3A_593[%dma_wait3A_567, %dma_wait3A_594, %dma_wait3A_595] : memref<20x4x125xi32, #tpu.memory_space<hbm>> -> memref<1x4x125xi32, #tpu.memory_space<hbm>>
      %dma_wait3A_597 = tpu.memref_squeeze %dma_wait3A_596 : memref<1x4x125xi32, #tpu.memory_space<hbm>> -> memref<4x125xi32, #tpu.memory_space<hbm>>
      tpu.wait_dma2 semaphore(%arg18 : memref<!tpu.dma_semaphore, #tpu.memory_space<semaphore_mem>>) src(%dma_wait3A_597 : memref<4x125xi32, #tpu.memory_space<hbm>>) dst(%arg7 : memref<4x125xi32, #tpu.memory_space<vmem>>)
      %dma_wait3A_598 = arith.constant 1 : i32
      %dma_wait3A_599 = arith.constant 0 : i32
      %dma_wait3A_600 = arith.constant 0 : i32
      %dma_wait3A_601 = arith.constant 0 : i32
      %dma_wait3A_602 = arith.constant 0 : i32
      %dma_wait3A_603 = arith.constant 0 : i32
      %dma_wait3A_604 = arith.constant 0 : i32
      %dma_wait3A_605 = tpu.memref_slice %arg3[%dma_wait3A_598, %dma_wait3A_601, %dma_wait3A_602, %dma_wait3A_603, %dma_wait3A_604] : memref<2x32x20x4x125xi32, #tpu.memory_space<hbm>> -> memref<1x32x20x4x125xi32, #tpu.memory_space<hbm>>
      %dma_wait3A_606 = tpu.memref_squeeze %dma_wait3A_605 : memref<1x32x20x4x125xi32, #tpu.memory_space<hbm>> -> memref<32x20x4x125xi32, #tpu.memory_space<hbm>>
      %dma_wait3A_607 = arith.constant 0 : i32
      %dma_wait3A_608 = arith.constant 0 : i32
      %dma_wait3A_609 = arith.constant 0 : i32
      %dma_wait3A_610 = tpu.memref_slice %dma_wait3A_606[%dma_wait3A_599, %dma_wait3A_607, %dma_wait3A_608, %dma_wait3A_609] : memref<32x20x4x125xi32, #tpu.memory_space<hbm>> -> memref<1x20x4x125xi32, #tpu.memory_space<hbm>>
      %dma_wait3A_611 = tpu.memref_squeeze %dma_wait3A_610 : memref<1x20x4x125xi32, #tpu.memory_space<hbm>> -> memref<20x4x125xi32, #tpu.memory_space<hbm>>
      %dma_wait3A_612 = arith.constant 0 : i32
      %dma_wait3A_613 = arith.constant 0 : i32
      %dma_wait3A_614 = tpu.memref_slice %dma_wait3A_611[%dma_wait3A_600, %dma_wait3A_612, %dma_wait3A_613] : memref<20x4x125xi32, #tpu.memory_space<hbm>> -> memref<1x4x125xi32, #tpu.memory_space<hbm>>
      %dma_wait3A_615 = tpu.memref_squeeze %dma_wait3A_614 : memref<1x4x125xi32, #tpu.memory_space<hbm>> -> memref<4x125xi32, #tpu.memory_space<hbm>>
      %dma_wait3A_616 = arith.constant 0 : i32
      %dma_wait3A_617 = arith.constant 0 : i32
      %dma_wait3A_618 = arith.constant 0 : i32
      %dma_wait3A_619 = arith.constant 0 : i32
      %dma_wait3A_620 = tpu.memref_slice %arg3[%dma_wait3A_598, %dma_wait3A_616, %dma_wait3A_617, %dma_wait3A_618, %dma_wait3A_619] : memref<2x32x20x4x125xi32, #tpu.memory_space<hbm>> -> memref<1x32x20x4x125xi32, #tpu.memory_space<hbm>>
      %dma_wait3A_621 = tpu.memref_squeeze %dma_wait3A_620 : memref<1x32x20x4x125xi32, #tpu.memory_space<hbm>> -> memref<32x20x4x125xi32, #tpu.memory_space<hbm>>
      %dma_wait3A_622 = arith.constant 0 : i32
      %dma_wait3A_623 = arith.constant 0 : i32
      %dma_wait3A_624 = arith.constant 0 : i32
      %dma_wait3A_625 = tpu.memref_slice %dma_wait3A_621[%dma_wait3A_599, %dma_wait3A_622, %dma_wait3A_623, %dma_wait3A_624] : memref<32x20x4x125xi32, #tpu.memory_space<hbm>> -> memref<1x20x4x125xi32, #tpu.memory_space<hbm>>
      %dma_wait3A_626 = tpu.memref_squeeze %dma_wait3A_625 : memref<1x20x4x125xi32, #tpu.memory_space<hbm>> -> memref<20x4x125xi32, #tpu.memory_space<hbm>>
      %dma_wait3A_627 = arith.constant 0 : i32
      %dma_wait3A_628 = arith.constant 0 : i32
      %dma_wait3A_629 = tpu.memref_slice %dma_wait3A_626[%dma_wait3A_600, %dma_wait3A_627, %dma_wait3A_628] : memref<20x4x125xi32, #tpu.memory_space<hbm>> -> memref<1x4x125xi32, #tpu.memory_space<hbm>>
      %dma_wait3A_630 = tpu.memref_squeeze %dma_wait3A_629 : memref<1x4x125xi32, #tpu.memory_space<hbm>> -> memref<4x125xi32, #tpu.memory_space<hbm>>
      tpu.wait_dma2 semaphore(%arg18 : memref<!tpu.dma_semaphore, #tpu.memory_space<semaphore_mem>>) src(%dma_wait3A_630 : memref<4x125xi32, #tpu.memory_space<hbm>>) dst(%arg9 : memref<4x125xi32, #tpu.memory_space<vmem>>)
      %dma_wait3A_631 = arith.constant 2 : i32
      %dma_wait3A_632 = arith.constant 0 : i32
      %dma_wait3A_633 = tpu.memref_slice %arg8[%dma_wait3A_631, %dma_wait3A_632] : memref<4x125xi32, #tpu.memory_space<vmem>> -> memref<1x125xi32, #tpu.memory_space<vmem>>
      %dma_wait3A_634 = tpu.memref_squeeze %dma_wait3A_633 : memref<1x125xi32, #tpu.memory_space<vmem>> -> memref<125xi32, #tpu.memory_space<vmem>>
      %dma_wait3A_635 = arith.constant 0 : i32
      %dma_wait3A_636 = arith.constant 0 : i32
      %dma_wait3A_637 = tpu.memref_slice %arg12[%dma_wait3A_635, %dma_wait3A_636] : memref<10240x128xf32, #tpu.memory_space<vmem_shared>> -> memref<10240x128xf32, #tpu.memory_space<vmem_shared>>
      tpu.wait_indirect_dma semaphore(%arg15 : memref<!tpu.dma_semaphore, #tpu.memory_space<semaphore_mem>>) src(%arg10 : memref<125x128xf32, #tpu.memory_space<vmem>>) dst(%dma_wait3A_637 : memref<10240x128xf32, #tpu.memory_space<vmem_shared>>)
      %dma_start3A_638 = arith.constant 0 : i32
      %dma_start3A_639 = arith.constant 0 : i32
      %dma_start3A_640 = tpu.memref_slice %arg7[%dma_start3A_638, %dma_start3A_639] : memref<4x125xi32, #tpu.memory_space<vmem>> -> memref<1x125xi32, #tpu.memory_space<vmem>>
      %dma_start3A_641 = tpu.memref_squeeze %dma_start3A_640 : memref<1x125xi32, #tpu.memory_space<vmem>> -> memref<125xi32, #tpu.memory_space<vmem>>
      %dma_start3A_642 = arith.constant 0 : i32
      %dma_start3A_643 = arith.constant 0 : i32
      %dma_start3A_644 = tpu.memref_slice %arg2[%arg0, %dma_start3A_642, %dma_start3A_643] : memref<2x10000x128xf32, #tpu.memory_space<hbm>> -> memref<1x10000x128xf32, #tpu.memory_space<hbm>>
      %dma_start3A_645 = tpu.memref_squeeze %dma_start3A_644 : memref<1x10000x128xf32, #tpu.memory_space<hbm>> -> memref<10000x128xf32, #tpu.memory_space<hbm>>
      %dma_start3A_646 = arith.constant 0 : i32
      %dma_start3A_647 = arith.constant 0 : i32
      %dma_start3A_648 = tpu.memref_slice %dma_start3A_645[%dma_start3A_646, %dma_start3A_647] : memref<10000x128xf32, #tpu.memory_space<hbm>> -> memref<10000x128xf32, #tpu.memory_space<hbm>>
      tpu.enqueue_indirect_dma source(%dma_start3A_648 : memref<10000x128xf32, #tpu.memory_space<hbm>>) target(%arg10 : memref<125x128xf32, #tpu.memory_space<vmem>>) offsets(%dma_start3A_641 : memref<125xi32, #tpu.memory_space<vmem>>) semaphore(%arg13 : memref<!tpu.dma_semaphore, #tpu.memory_space<semaphore_mem>>)
      %dma_wait3A_649 = arith.constant 3 : i32
      %dma_wait3A_650 = arith.constant 0 : i32
      %dma_wait3A_651 = tpu.memref_slice %arg6[%dma_wait3A_649, %dma_wait3A_650] : memref<4x125xi32, #tpu.memory_space<vmem>> -> memref<1x125xi32, #tpu.memory_space<vmem>>
      %dma_wait3A_652 = tpu.memref_squeeze %dma_wait3A_651 : memref<1x125xi32, #tpu.memory_space<vmem>> -> memref<125xi32, #tpu.memory_space<vmem>>
      %dma_wait3A_653 = arith.constant 0 : i32
      %dma_wait3A_654 = arith.constant 0 : i32
      %dma_wait3A_655 = tpu.memref_slice %arg2[%arg0, %dma_wait3A_653, %dma_wait3A_654] : memref<2x10000x128xf32, #tpu.memory_space<hbm>> -> memref<1x10000x128xf32, #tpu.memory_space<hbm>>
      %dma_wait3A_656 = tpu.memref_squeeze %dma_wait3A_655 : memref<1x10000x128xf32, #tpu.memory_space<hbm>> -> memref<10000x128xf32, #tpu.memory_space<hbm>>
      %dma_wait3A_657 = arith.constant 0 : i32
      %dma_wait3A_658 = arith.constant 0 : i32
      %dma_wait3A_659 = tpu.memref_slice %dma_wait3A_656[%dma_wait3A_657, %dma_wait3A_658] : memref<10000x128xf32, #tpu.memory_space<hbm>> -> memref<10000x128xf32, #tpu.memory_space<hbm>>
      tpu.wait_indirect_dma semaphore(%arg14 : memref<!tpu.dma_semaphore, #tpu.memory_space<semaphore_mem>>) src(%dma_wait3A_659 : memref<10000x128xf32, #tpu.memory_space<hbm>>) dst(%arg11 : memref<125x128xf32, #tpu.memory_space<vmem>>)
      %dma_start3A_660 = arith.constant 3 : i32
      %dma_start3A_661 = arith.constant 0 : i32
      %dma_start3A_662 = tpu.memref_slice %arg8[%dma_start3A_660, %dma_start3A_661] : memref<4x125xi32, #tpu.memory_space<vmem>> -> memref<1x125xi32, #tpu.memory_space<vmem>>
      %dma_start3A_663 = tpu.memref_squeeze %dma_start3A_662 : memref<1x125xi32, #tpu.memory_space<vmem>> -> memref<125xi32, #tpu.memory_space<vmem>>
      %dma_start3A_664 = arith.constant 0 : i32
      %dma_start3A_665 = arith.constant 0 : i32
      %dma_start3A_666 = tpu.memref_slice %arg12[%dma_start3A_664, %dma_start3A_665] : memref<10240x128xf32, #tpu.memory_space<vmem_shared>> -> memref<10240x128xf32, #tpu.memory_space<vmem_shared>>
      tpu.enqueue_indirect_dma source(%arg11 : memref<125x128xf32, #tpu.memory_space<vmem>>) target(%dma_start3A_666 : memref<10240x128xf32, #tpu.memory_space<vmem_shared>>) offsets(%dma_start3A_663 : memref<125xi32, #tpu.memory_space<vmem>>) semaphore(%arg16 : memref<!tpu.dma_semaphore, #tpu.memory_space<semaphore_mem>>) {add = true}
      %dma_wait3A_667 = arith.constant 3 : i32
      %dma_wait3A_668 = arith.constant 0 : i32
      %dma_wait3A_669 = tpu.memref_slice %arg8[%dma_wait3A_667, %dma_wait3A_668] : memref<4x125xi32, #tpu.memory_space<vmem>> -> memref<1x125xi32, #tpu.memory_space<vmem>>
      %dma_wait3A_670 = tpu.memref_squeeze %dma_wait3A_669 : memref<1x125xi32, #tpu.memory_space<vmem>> -> memref<125xi32, #tpu.memory_space<vmem>>
      %dma_wait3A_671 = arith.constant 0 : i32
      %dma_wait3A_672 = arith.constant 0 : i32
      %dma_wait3A_673 = tpu.memref_slice %arg12[%dma_wait3A_671, %dma_wait3A_672] : memref<10240x128xf32, #tpu.memory_space<vmem_shared>> -> memref<10240x128xf32, #tpu.memory_space<vmem_shared>>
      tpu.wait_indirect_dma semaphore(%arg16 : memref<!tpu.dma_semaphore, #tpu.memory_space<semaphore_mem>>) src(%arg11 : memref<125x128xf32, #tpu.memory_space<vmem>>) dst(%dma_wait3A_673 : memref<10240x128xf32, #tpu.memory_space<vmem_shared>>)
      %dma_start3A_674 = arith.constant 1 : i32
      %dma_start3A_675 = arith.constant 0 : i32
      %dma_start3A_676 = tpu.memref_slice %arg7[%dma_start3A_674, %dma_start3A_675] : memref<4x125xi32, #tpu.memory_space<vmem>> -> memref<1x125xi32, #tpu.memory_space<vmem>>
      %dma_start3A_677 = tpu.memref_squeeze %dma_start3A_676 : memref<1x125xi32, #tpu.memory_space<vmem>> -> memref<125xi32, #tpu.memory_space<vmem>>
      %dma_start3A_678 = arith.constant 0 : i32
      %dma_start3A_679 = arith.constant 0 : i32
      %dma_start3A_680 = tpu.memref_slice %arg2[%arg0, %dma_start3A_678, %dma_start3A_679] : memref<2x10000x128xf32, #tpu.memory_space<hbm>> -> memref<1x10000x128xf32, #tpu.memory_space<hbm>>
      %dma_start3A_681 = tpu.memref_squeeze %dma_start3A_680 : memref<1x10000x128xf32, #tpu.memory_space<hbm>> -> memref<10000x128xf32, #tpu.memory_space<hbm>>
      %dma_start3A_682 = arith.constant 0 : i32
      %dma_start3A_683 = arith.constant 0 : i32
      %dma_start3A_684 = tpu.memref_slice %dma_start3A_681[%dma_start3A_682, %dma_start3A_683] : memref<10000x128xf32, #tpu.memory_space<hbm>> -> memref<10000x128xf32, #tpu.memory_space<hbm>>
      tpu.enqueue_indirect_dma source(%dma_start3A_684 : memref<10000x128xf32, #tpu.memory_space<hbm>>) target(%arg11 : memref<125x128xf32, #tpu.memory_space<vmem>>) offsets(%dma_start3A_677 : memref<125xi32, #tpu.memory_space<vmem>>) semaphore(%arg14 : memref<!tpu.dma_semaphore, #tpu.memory_space<semaphore_mem>>)
      %dma_wait3A_685 = arith.constant 0 : i32
      %dma_wait3A_686 = arith.constant 0 : i32
      %dma_wait3A_687 = tpu.memref_slice %arg7[%dma_wait3A_685, %dma_wait3A_686] : memref<4x125xi32, #tpu.memory_space<vmem>> -> memref<1x125xi32, #tpu.memory_space<vmem>>
      %dma_wait3A_688 = tpu.memref_squeeze %dma_wait3A_687 : memref<1x125xi32, #tpu.memory_space<vmem>> -> memref<125xi32, #tpu.memory_space<vmem>>
      %dma_wait3A_689 = arith.constant 0 : i32
      %dma_wait3A_690 = arith.constant 0 : i32
      %dma_wait3A_691 = tpu.memref_slice %arg2[%arg0, %dma_wait3A_689, %dma_wait3A_690] : memref<2x10000x128xf32, #tpu.memory_space<hbm>> -> memref<1x10000x128xf32, #tpu.memory_space<hbm>>
      %dma_wait3A_692 = tpu.memref_squeeze %dma_wait3A_691 : memref<1x10000x128xf32, #tpu.memory_space<hbm>> -> memref<10000x128xf32, #tpu.memory_space<hbm>>
      %dma_wait3A_693 = arith.constant 0 : i32
      %dma_wait3A_694 = arith.constant 0 : i32
      %dma_wait3A_695 = tpu.memref_slice %dma_wait3A_692[%dma_wait3A_693, %dma_wait3A_694] : memref<10000x128xf32, #tpu.memory_space<hbm>> -> memref<10000x128xf32, #tpu.memory_space<hbm>>
      tpu.wait_indirect_dma semaphore(%arg13 : memref<!tpu.dma_semaphore, #tpu.memory_space<semaphore_mem>>) src(%dma_wait3A_695 : memref<10000x128xf32, #tpu.memory_space<hbm>>) dst(%arg10 : memref<125x128xf32, #tpu.memory_space<vmem>>)
      %dma_start3A_696 = arith.constant 0 : i32
      %dma_start3A_697 = arith.constant 0 : i32
      %dma_start3A_698 = tpu.memref_slice %arg9[%dma_start3A_696, %dma_start3A_697] : memref<4x125xi32, #tpu.memory_space<vmem>> -> memref<1x125xi32, #tpu.memory_space<vmem>>
      %dma_start3A_699 = tpu.memref_squeeze %dma_start3A_698 : memref<1x125xi32, #tpu.memory_space<vmem>> -> memref<125xi32, #tpu.memory_space<vmem>>
      %dma_start3A_700 = arith.constant 0 : i32
      %dma_start3A_701 = arith.constant 0 : i32
      %dma_start3A_702 = tpu.memref_slice %arg12[%dma_start3A_700, %dma_start3A_701] : memref<10240x128xf32, #tpu.memory_space<vmem_shared>> -> memref<10240x128xf32, #tpu.memory_space<vmem_shared>>
      tpu.enqueue_indirect_dma source(%arg10 : memref<125x128xf32, #tpu.memory_space<vmem>>) target(%dma_start3A_702 : memref<10240x128xf32, #tpu.memory_space<vmem_shared>>) offsets(%dma_start3A_699 : memref<125xi32, #tpu.memory_space<vmem>>) semaphore(%arg15 : memref<!tpu.dma_semaphore, #tpu.memory_space<semaphore_mem>>) {add = true}
      %dma_wait3A_703 = arith.constant 0 : i32
      %dma_wait3A_704 = arith.constant 0 : i32
      %dma_wait3A_705 = tpu.memref_slice %arg9[%dma_wait3A_703, %dma_wait3A_704] : memref<4x125xi32, #tpu.memory_space<vmem>> -> memref<1x125xi32, #tpu.memory_space<vmem>>
      %dma_wait3A_706 = tpu.memref_squeeze %dma_wait3A_705 : memref<1x125xi32, #tpu.memory_space<vmem>> -> memref<125xi32, #tpu.memory_space<vmem>>
      %dma_wait3A_707 = arith.constant 0 : i32
      %dma_wait3A_708 = arith.constant 0 : i32
      %dma_wait3A_709 = tpu.memref_slice %arg12[%dma_wait3A_707, %dma_wait3A_708] : memref<10240x128xf32, #tpu.memory_space<vmem_shared>> -> memref<10240x128xf32, #tpu.memory_space<vmem_shared>>
      tpu.wait_indirect_dma semaphore(%arg15 : memref<!tpu.dma_semaphore, #tpu.memory_space<semaphore_mem>>) src(%arg10 : memref<125x128xf32, #tpu.memory_space<vmem>>) dst(%dma_wait3A_709 : memref<10240x128xf32, #tpu.memory_space<vmem_shared>>)
      %add3A_710 = arith.constant 1 : i32
      %add3A_711 = arith.addi %add3A_564, %add3A_710 : i32
      %mul3A_712 = arith.constant 2 : i32
      %mul3A_713 = arith.muli %mul3A_712, %arg1 : i32
      %jit3A = arith.constant 20 : i32
      %div3A = arith.divsi %add3A_711, %jit3A : i32
      %sign3A = arith.constant 0 : i32
      %sign3A_714 = arith.cmpi sgt, %add3A_711, %sign3A : i32
      %sign3A_715 = arith.extui %sign3A_714 : i1 to i32
      %sign3A_716 = arith.constant 0 : i32
      %sign3A_717 = arith.cmpi slt, %add3A_711, %sign3A_716 : i32
      %sign3A_718 = arith.extui %sign3A_717 : i1 to i32
      %sign3A_719 = arith.subi %sign3A_715, %sign3A_718 : i32
      %sign3A_720 = arith.constant 0 : i32
      %sign3A_721 = arith.cmpi sgt, %jit3A, %sign3A_720 : i32
      %sign3A_722 = arith.extui %sign3A_721 : i1 to i32
      %sign3A_723 = arith.constant 0 : i32
      %sign3A_724 = arith.cmpi slt, %jit3A, %sign3A_723 : i32
      %sign3A_725 = arith.extui %sign3A_724 : i1 to i32
      %sign3A_726 = arith.subi %sign3A_722, %sign3A_725 : i32
      %ne3A = arith.cmpi ne, %sign3A_719, %sign3A_726 : i32
      %rem3A = arith.remsi %add3A_711, %jit3A : i32
      %ne3A_727 = arith.constant 0 : i32
      %ne3A_728 = arith.cmpi ne, %rem3A, %ne3A_727 : i32
      %and3A = arith.andi %ne3A, %ne3A_728 : i1
      %sub3A = arith.constant 1 : i32
      %sub3A_729 = arith.subi %div3A, %sub3A : i32
      %select_n3A = arith.select %and3A, %sub3A_729, %div3A : i32
      %add3A_730 = arith.addi %mul3A_713, %select_n3A : i32
      %jit3A_731 = arith.constant 20 : i32
      %eq3A = arith.constant 0 : i32
      %eq3A_732 = arith.cmpi eq, %jit3A_731, %eq3A : i32
      %jit3A_733 = arith.constant 1 : i32
      %select_n3A_734 = arith.select %eq3A_732, %jit3A_733, %jit3A_731 : i32
      %rem3A_735 = arith.remsi %add3A_711, %select_n3A_734 : i32
      %ne3A_736 = arith.constant 0 : i32
      %ne3A_737 = arith.cmpi ne, %rem3A_735, %ne3A_736 : i32
      %lt3A = arith.constant 0 : i32
      %lt3A_738 = arith.cmpi slt, %rem3A_735, %lt3A : i32
      %lt3A_739 = arith.constant 0 : i32
      %lt3A_740 = arith.cmpi slt, %select_n3A_734, %lt3A_739 : i32
      %ne3A_741 = arith.xori %lt3A_738, %lt3A_740 : i1
      %and3A_742 = arith.andi %ne3A_741, %ne3A_737 : i1
      %add3A_743 = arith.addi %rem3A_735, %select_n3A_734 : i32
      %select_n3A_744 = arith.select %and3A_742, %add3A_743, %rem3A_735 : i32
      %dma_start3A_745 = arith.constant 0 : i32
      %dma_start3A_746 = arith.constant 0 : i32
      %dma_start3A_747 = arith.constant 0 : i32
      %dma_start3A_748 = arith.constant 0 : i32
      %dma_start3A_749 = arith.constant 0 : i32
      %dma_start3A_750 = tpu.memref_slice %arg3[%dma_start3A_745, %dma_start3A_746, %dma_start3A_747, %dma_start3A_748, %dma_start3A_749] : memref<2x32x20x4x125xi32, #tpu.memory_space<hbm>> -> memref<1x32x20x4x125xi32, #tpu.memory_space<hbm>>
      %dma_start3A_751 = tpu.memref_squeeze %dma_start3A_750 : memref<1x32x20x4x125xi32, #tpu.memory_space<hbm>> -> memref<32x20x4x125xi32, #tpu.memory_space<hbm>>
      %dma_start3A_752 = arith.constant 0 : i32
      %dma_start3A_753 = arith.constant 0 : i32
      %dma_start3A_754 = arith.constant 0 : i32
      %dma_start3A_755 = tpu.memref_slice %dma_start3A_751[%add3A_730, %dma_start3A_752, %dma_start3A_753, %dma_start3A_754] : memref<32x20x4x125xi32, #tpu.memory_space<hbm>> -> memref<1x20x4x125xi32, #tpu.memory_space<hbm>>
      %dma_start3A_756 = tpu.memref_squeeze %dma_start3A_755 : memref<1x20x4x125xi32, #tpu.memory_space<hbm>> -> memref<20x4x125xi32, #tpu.memory_space<hbm>>
      %dma_start3A_757 = arith.constant 0 : i32
      %dma_start3A_758 = arith.constant 0 : i32
      %dma_start3A_759 = tpu.memref_slice %dma_start3A_756[%select_n3A_744, %dma_start3A_757, %dma_start3A_758] : memref<20x4x125xi32, #tpu.memory_space<hbm>> -> memref<1x4x125xi32, #tpu.memory_space<hbm>>
      %dma_start3A_760 = tpu.memref_squeeze %dma_start3A_759 : memref<1x4x125xi32, #tpu.memory_space<hbm>> -> memref<4x125xi32, #tpu.memory_space<hbm>>
      %dma_start3A_761 = arith.constant 0 : i32
      %dma_start3A_762 = arith.constant 0 : i32
      %dma_start3A_763 = arith.constant 0 : i32
      %dma_start3A_764 = arith.constant 0 : i32
      %dma_start3A_765 = tpu.memref_slice %arg3[%dma_start3A_745, %dma_start3A_761, %dma_start3A_762, %dma_start3A_763, %dma_start3A_764] : memref<2x32x20x4x125xi32, #tpu.memory_space<hbm>> -> memref<1x32x20x4x125xi32, #tpu.memory_space<hbm>>
      %dma_start3A_766 = tpu.memref_squeeze %dma_start3A_765 : memref<1x32x20x4x125xi32, #tpu.memory_space<hbm>> -> memref<32x20x4x125xi32, #tpu.memory_space<hbm>>
      %dma_start3A_767 = arith.constant 0 : i32
      %dma_start3A_768 = arith.constant 0 : i32
      %dma_start3A_769 = arith.constant 0 : i32
      %dma_start3A_770 = tpu.memref_slice %dma_start3A_766[%add3A_730, %dma_start3A_767, %dma_start3A_768, %dma_start3A_769] : memref<32x20x4x125xi32, #tpu.memory_space<hbm>> -> memref<1x20x4x125xi32, #tpu.memory_space<hbm>>
      %dma_start3A_771 = tpu.memref_squeeze %dma_start3A_770 : memref<1x20x4x125xi32, #tpu.memory_space<hbm>> -> memref<20x4x125xi32, #tpu.memory_space<hbm>>
      %dma_start3A_772 = arith.constant 0 : i32
      %dma_start3A_773 = arith.constant 0 : i32
      %dma_start3A_774 = tpu.memref_slice %dma_start3A_771[%select_n3A_744, %dma_start3A_772, %dma_start3A_773] : memref<20x4x125xi32, #tpu.memory_space<hbm>> -> memref<1x4x125xi32, #tpu.memory_space<hbm>>
      %dma_start3A_775 = tpu.memref_squeeze %dma_start3A_774 : memref<1x4x125xi32, #tpu.memory_space<hbm>> -> memref<4x125xi32, #tpu.memory_space<hbm>>
      tpu.enqueue_dma source(%dma_start3A_775 : memref<4x125xi32, #tpu.memory_space<hbm>>) target(%arg6 : memref<4x125xi32, #tpu.memory_space<vmem>>) target_semaphore(%arg17 : memref<!tpu.dma_semaphore, #tpu.memory_space<semaphore_mem>>)
      %dma_start3A_776 = arith.constant 1 : i32
      %dma_start3A_777 = arith.constant 0 : i32
      %dma_start3A_778 = arith.constant 0 : i32
      %dma_start3A_779 = arith.constant 0 : i32
      %dma_start3A_780 = arith.constant 0 : i32
      %dma_start3A_781 = tpu.memref_slice %arg3[%dma_start3A_776, %dma_start3A_777, %dma_start3A_778, %dma_start3A_779, %dma_start3A_780] : memref<2x32x20x4x125xi32, #tpu.memory_space<hbm>> -> memref<1x32x20x4x125xi32, #tpu.memory_space<hbm>>
      %dma_start3A_782 = tpu.memref_squeeze %dma_start3A_781 : memref<1x32x20x4x125xi32, #tpu.memory_space<hbm>> -> memref<32x20x4x125xi32, #tpu.memory_space<hbm>>
      %dma_start3A_783 = arith.constant 0 : i32
      %dma_start3A_784 = arith.constant 0 : i32
      %dma_start3A_785 = arith.constant 0 : i32
      %dma_start3A_786 = tpu.memref_slice %dma_start3A_782[%add3A_730, %dma_start3A_783, %dma_start3A_784, %dma_start3A_785] : memref<32x20x4x125xi32, #tpu.memory_space<hbm>> -> memref<1x20x4x125xi32, #tpu.memory_space<hbm>>
      %dma_start3A_787 = tpu.memref_squeeze %dma_start3A_786 : memref<1x20x4x125xi32, #tpu.memory_space<hbm>> -> memref<20x4x125xi32, #tpu.memory_space<hbm>>
      %dma_start3A_788 = arith.constant 0 : i32
      %dma_start3A_789 = arith.constant 0 : i32
      %dma_start3A_790 = tpu.memref_slice %dma_start3A_787[%select_n3A_744, %dma_start3A_788, %dma_start3A_789] : memref<20x4x125xi32, #tpu.memory_space<hbm>> -> memref<1x4x125xi32, #tpu.memory_space<hbm>>
      %dma_start3A_791 = tpu.memref_squeeze %dma_start3A_790 : memref<1x4x125xi32, #tpu.memory_space<hbm>> -> memref<4x125xi32, #tpu.memory_space<hbm>>
      %dma_start3A_792 = arith.constant 0 : i32
      %dma_start3A_793 = arith.constant 0 : i32
      %dma_start3A_794 = arith.constant 0 : i32
      %dma_start3A_795 = arith.constant 0 : i32
      %dma_start3A_796 = tpu.memref_slice %arg3[%dma_start3A_776, %dma_start3A_792, %dma_start3A_793, %dma_start3A_794, %dma_start3A_795] : memref<2x32x20x4x125xi32, #tpu.memory_space<hbm>> -> memref<1x32x20x4x125xi32, #tpu.memory_space<hbm>>
      %dma_start3A_797 = tpu.memref_squeeze %dma_start3A_796 : memref<1x32x20x4x125xi32, #tpu.memory_space<hbm>> -> memref<32x20x4x125xi32, #tpu.memory_space<hbm>>
      %dma_start3A_798 = arith.constant 0 : i32
      %dma_start3A_799 = arith.constant 0 : i32
      %dma_start3A_800 = arith.constant 0 : i32
      %dma_start3A_801 = tpu.memref_slice %dma_start3A_797[%add3A_730, %dma_start3A_798, %dma_start3A_799, %dma_start3A_800] : memref<32x20x4x125xi32, #tpu.memory_space<hbm>> -> memref<1x20x4x125xi32, #tpu.memory_space<hbm>>
      %dma_start3A_802 = tpu.memref_squeeze %dma_start3A_801 : memref<1x20x4x125xi32, #tpu.memory_space<hbm>> -> memref<20x4x125xi32, #tpu.memory_space<hbm>>
      %dma_start3A_803 = arith.constant 0 : i32
      %dma_start3A_804 = arith.constant 0 : i32
      %dma_start3A_805 = tpu.memref_slice %dma_start3A_802[%select_n3A_744, %dma_start3A_803, %dma_start3A_804] : memref<20x4x125xi32, #tpu.memory_space<hbm>> -> memref<1x4x125xi32, #tpu.memory_space<hbm>>
      %dma_start3A_806 = tpu.memref_squeeze %dma_start3A_805 : memref<1x4x125xi32, #tpu.memory_space<hbm>> -> memref<4x125xi32, #tpu.memory_space<hbm>>
      tpu.enqueue_dma source(%dma_start3A_806 : memref<4x125xi32, #tpu.memory_space<hbm>>) target(%arg8 : memref<4x125xi32, #tpu.memory_space<vmem>>) target_semaphore(%arg17 : memref<!tpu.dma_semaphore, #tpu.memory_space<semaphore_mem>>)
      %dma_start3A_807 = arith.constant 2 : i32
      %dma_start3A_808 = arith.constant 0 : i32
      %dma_start3A_809 = tpu.memref_slice %arg7[%dma_start3A_807, %dma_start3A_808] : memref<4x125xi32, #tpu.memory_space<vmem>> -> memref<1x125xi32, #tpu.memory_space<vmem>>
      %dma_start3A_810 = tpu.memref_squeeze %dma_start3A_809 : memref<1x125xi32, #tpu.memory_space<vmem>> -> memref<125xi32, #tpu.memory_space<vmem>>
      %dma_start3A_811 = arith.constant 0 : i32
      %dma_start3A_812 = arith.constant 0 : i32
      %dma_start3A_813 = tpu.memref_slice %arg2[%arg0, %dma_start3A_811, %dma_start3A_812] : memref<2x10000x128xf32, #tpu.memory_space<hbm>> -> memref<1x10000x128xf32, #tpu.memory_space<hbm>>
      %dma_start3A_814 = tpu.memref_squeeze %dma_start3A_813 : memref<1x10000x128xf32, #tpu.memory_space<hbm>> -> memref<10000x128xf32, #tpu.memory_space<hbm>>
      %dma_start3A_815 = arith.constant 0 : i32
      %dma_start3A_816 = arith.constant 0 : i32
      %dma_start3A_817 = tpu.memref_slice %dma_start3A_814[%dma_start3A_815, %dma_start3A_816] : memref<10000x128xf32, #tpu.memory_space<hbm>> -> memref<10000x128xf32, #tpu.memory_space<hbm>>
      tpu.enqueue_indirect_dma source(%dma_start3A_817 : memref<10000x128xf32, #tpu.memory_space<hbm>>) target(%arg10 : memref<125x128xf32, #tpu.memory_space<vmem>>) offsets(%dma_start3A_810 : memref<125xi32, #tpu.memory_space<vmem>>) semaphore(%arg13 : memref<!tpu.dma_semaphore, #tpu.memory_space<semaphore_mem>>)
      %dma_wait3A_818 = arith.constant 1 : i32
      %dma_wait3A_819 = arith.constant 0 : i32
      %dma_wait3A_820 = tpu.memref_slice %arg7[%dma_wait3A_818, %dma_wait3A_819] : memref<4x125xi32, #tpu.memory_space<vmem>> -> memref<1x125xi32, #tpu.memory_space<vmem>>
      %dma_wait3A_821 = tpu.memref_squeeze %dma_wait3A_820 : memref<1x125xi32, #tpu.memory_space<vmem>> -> memref<125xi32, #tpu.memory_space<vmem>>
      %dma_wait3A_822 = arith.constant 0 : i32
      %dma_wait3A_823 = arith.constant 0 : i32
      %dma_wait3A_824 = tpu.memref_slice %arg2[%arg0, %dma_wait3A_822, %dma_wait3A_823] : memref<2x10000x128xf32, #tpu.memory_space<hbm>> -> memref<1x10000x128xf32, #tpu.memory_space<hbm>>
      %dma_wait3A_825 = tpu.memref_squeeze %dma_wait3A_824 : memref<1x10000x128xf32, #tpu.memory_space<hbm>> -> memref<10000x128xf32, #tpu.memory_space<hbm>>
      %dma_wait3A_826 = arith.constant 0 : i32
      %dma_wait3A_827 = arith.constant 0 : i32
      %dma_wait3A_828 = tpu.memref_slice %dma_wait3A_825[%dma_wait3A_826, %dma_wait3A_827] : memref<10000x128xf32, #tpu.memory_space<hbm>> -> memref<10000x128xf32, #tpu.memory_space<hbm>>
      tpu.wait_indirect_dma semaphore(%arg14 : memref<!tpu.dma_semaphore, #tpu.memory_space<semaphore_mem>>) src(%dma_wait3A_828 : memref<10000x128xf32, #tpu.memory_space<hbm>>) dst(%arg11 : memref<125x128xf32, #tpu.memory_space<vmem>>)
      %dma_start3A_829 = arith.constant 1 : i32
      %dma_start3A_830 = arith.constant 0 : i32
      %dma_start3A_831 = tpu.memref_slice %arg9[%dma_start3A_829, %dma_start3A_830] : memref<4x125xi32, #tpu.memory_space<vmem>> -> memref<1x125xi32, #tpu.memory_space<vmem>>
      %dma_start3A_832 = tpu.memref_squeeze %dma_start3A_831 : memref<1x125xi32, #tpu.memory_space<vmem>> -> memref<125xi32, #tpu.memory_space<vmem>>
      %dma_start3A_833 = arith.constant 0 : i32
      %dma_start3A_834 = arith.constant 0 : i32
      %dma_start3A_835 = tpu.memref_slice %arg12[%dma_start3A_833, %dma_start3A_834] : memref<10240x128xf32, #tpu.memory_space<vmem_shared>> -> memref<10240x128xf32, #tpu.memory_space<vmem_shared>>
      tpu.enqueue_indirect_dma source(%arg11 : memref<125x128xf32, #tpu.memory_space<vmem>>) target(%dma_start3A_835 : memref<10240x128xf32, #tpu.memory_space<vmem_shared>>) offsets(%dma_start3A_832 : memref<125xi32, #tpu.memory_space<vmem>>) semaphore(%arg16 : memref<!tpu.dma_semaphore, #tpu.memory_space<semaphore_mem>>) {add = true}
      %dma_wait3A_836 = arith.constant 1 : i32
      %dma_wait3A_837 = arith.constant 0 : i32
      %dma_wait3A_838 = tpu.memref_slice %arg9[%dma_wait3A_836, %dma_wait3A_837] : memref<4x125xi32, #tpu.memory_space<vmem>> -> memref<1x125xi32, #tpu.memory_space<vmem>>
      %dma_wait3A_839 = tpu.memref_squeeze %dma_wait3A_838 : memref<1x125xi32, #tpu.memory_space<vmem>> -> memref<125xi32, #tpu.memory_space<vmem>>
      %dma_wait3A_840 = arith.constant 0 : i32
      %dma_wait3A_841 = arith.constant 0 : i32
      %dma_wait3A_842 = tpu.memref_slice %arg12[%dma_wait3A_840, %dma_wait3A_841] : memref<10240x128xf32, #tpu.memory_space<vmem_shared>> -> memref<10240x128xf32, #tpu.memory_space<vmem_shared>>
      tpu.wait_indirect_dma semaphore(%arg16 : memref<!tpu.dma_semaphore, #tpu.memory_space<semaphore_mem>>) src(%arg11 : memref<125x128xf32, #tpu.memory_space<vmem>>) dst(%dma_wait3A_842 : memref<10240x128xf32, #tpu.memory_space<vmem_shared>>)
      %dma_start3A_843 = arith.constant 3 : i32
      %dma_start3A_844 = arith.constant 0 : i32
      %dma_start3A_845 = tpu.memref_slice %arg7[%dma_start3A_843, %dma_start3A_844] : memref<4x125xi32, #tpu.memory_space<vmem>> -> memref<1x125xi32, #tpu.memory_space<vmem>>
      %dma_start3A_846 = tpu.memref_squeeze %dma_start3A_845 : memref<1x125xi32, #tpu.memory_space<vmem>> -> memref<125xi32, #tpu.memory_space<vmem>>
      %dma_start3A_847 = arith.constant 0 : i32
      %dma_start3A_848 = arith.constant 0 : i32
      %dma_start3A_849 = tpu.memref_slice %arg2[%arg0, %dma_start3A_847, %dma_start3A_848] : memref<2x10000x128xf32, #tpu.memory_space<hbm>> -> memref<1x10000x128xf32, #tpu.memory_space<hbm>>
      %dma_start3A_850 = tpu.memref_squeeze %dma_start3A_849 : memref<1x10000x128xf32, #tpu.memory_space<hbm>> -> memref<10000x128xf32, #tpu.memory_space<hbm>>
      %dma_start3A_851 = arith.constant 0 : i32
      %dma_start3A_852 = arith.constant 0 : i32
      %dma_start3A_853 = tpu.memref_slice %dma_start3A_850[%dma_start3A_851, %dma_start3A_852] : memref<10000x128xf32, #tpu.memory_space<hbm>> -> memref<10000x128xf32, #tpu.memory_space<hbm>>
      tpu.enqueue_indirect_dma source(%dma_start3A_853 : memref<10000x128xf32, #tpu.memory_space<hbm>>) target(%arg11 : memref<125x128xf32, #tpu.memory_space<vmem>>) offsets(%dma_start3A_846 : memref<125xi32, #tpu.memory_space<vmem>>) semaphore(%arg14 : memref<!tpu.dma_semaphore, #tpu.memory_space<semaphore_mem>>)
      %dma_wait3A_854 = arith.constant 2 : i32
      %dma_wait3A_855 = arith.constant 0 : i32
      %dma_wait3A_856 = tpu.memref_slice %arg7[%dma_wait3A_854, %dma_wait3A_855] : memref<4x125xi32, #tpu.memory_space<vmem>> -> memref<1x125xi32, #tpu.memory_space<vmem>>
      %dma_wait3A_857 = tpu.memref_squeeze %dma_wait3A_856 : memref<1x125xi32, #tpu.memory_space<vmem>> -> memref<125xi32, #tpu.memory_space<vmem>>
      %dma_wait3A_858 = arith.constant 0 : i32
      %dma_wait3A_859 = arith.constant 0 : i32
      %dma_wait3A_860 = tpu.memref_slice %arg2[%arg0, %dma_wait3A_858, %dma_wait3A_859] : memref<2x10000x128xf32, #tpu.memory_space<hbm>> -> memref<1x10000x128xf32, #tpu.memory_space<hbm>>
      %dma_wait3A_861 = tpu.memref_squeeze %dma_wait3A_860 : memref<1x10000x128xf32, #tpu.memory_space<hbm>> -> memref<10000x128xf32, #tpu.memory_space<hbm>>
      %dma_wait3A_862 = arith.constant 0 : i32
      %dma_wait3A_863 = arith.constant 0 : i32
      %dma_wait3A_864 = tpu.memref_slice %dma_wait3A_861[%dma_wait3A_862, %dma_wait3A_863] : memref<10000x128xf32, #tpu.memory_space<hbm>> -> memref<10000x128xf32, #tpu.memory_space<hbm>>
      tpu.wait_indirect_dma semaphore(%arg13 : memref<!tpu.dma_semaphore, #tpu.memory_space<semaphore_mem>>) src(%dma_wait3A_864 : memref<10000x128xf32, #tpu.memory_space<hbm>>) dst(%arg10 : memref<125x128xf32, #tpu.memory_space<vmem>>)
      %dma_start3A_865 = arith.constant 2 : i32
      %dma_start3A_866 = arith.constant 0 : i32
      %dma_start3A_867 = tpu.memref_slice %arg9[%dma_start3A_865, %dma_start3A_866] : memref<4x125xi32, #tpu.memory_space<vmem>> -> memref<1x125xi32, #tpu.memory_space<vmem>>
      %dma_start3A_868 = tpu.memref_squeeze %dma_start3A_867 : memref<1x125xi32, #tpu.memory_space<vmem>> -> memref<125xi32, #tpu.memory_space<vmem>>
      %dma_start3A_869 = arith.constant 0 : i32
      %dma_start3A_870 = arith.constant 0 : i32
      %dma_start3A_871 = tpu.memref_slice %arg12[%dma_start3A_869, %dma_start3A_870] : memref<10240x128xf32, #tpu.memory_space<vmem_shared>> -> memref<10240x128xf32, #tpu.memory_space<vmem_shared>>
      tpu.enqueue_indirect_dma source(%arg10 : memref<125x128xf32, #tpu.memory_space<vmem>>) target(%dma_start3A_871 : memref<10240x128xf32, #tpu.memory_space<vmem_shared>>) offsets(%dma_start3A_868 : memref<125xi32, #tpu.memory_space<vmem>>) semaphore(%arg15 : memref<!tpu.dma_semaphore, #tpu.memory_space<semaphore_mem>>) {add = true}
      %mul3A_872 = arith.constant 2 : i32
      %mul3A_873 = arith.muli %mul3A_872, %scan3A_560 : i32
      %add3A_874 = arith.constant 2 : i32
      %add3A_875 = arith.addi %mul3A_873, %add3A_874 : i32
      %dma_wait3A_876 = arith.constant 0 : i32
      %dma_wait3A_877 = arith.constant 0 : i32
      %dma_wait3A_878 = arith.constant 0 : i32
      %dma_wait3A_879 = arith.constant 0 : i32
      %dma_wait3A_880 = arith.constant 0 : i32
      %dma_wait3A_881 = arith.constant 0 : i32
      %dma_wait3A_882 = arith.constant 0 : i32
      %dma_wait3A_883 = tpu.memref_slice %arg3[%dma_wait3A_876, %dma_wait3A_879, %dma_wait3A_880, %dma_wait3A_881, %dma_wait3A_882] : memref<2x32x20x4x125xi32, #tpu.memory_space<hbm>> -> memref<1x32x20x4x125xi32, #tpu.memory_space<hbm>>
      %dma_wait3A_884 = tpu.memref_squeeze %dma_wait3A_883 : memref<1x32x20x4x125xi32, #tpu.memory_space<hbm>> -> memref<32x20x4x125xi32, #tpu.memory_space<hbm>>
      %dma_wait3A_885 = arith.constant 0 : i32
      %dma_wait3A_886 = arith.constant 0 : i32
      %dma_wait3A_887 = arith.constant 0 : i32
      %dma_wait3A_888 = tpu.memref_slice %dma_wait3A_884[%dma_wait3A_877, %dma_wait3A_885, %dma_wait3A_886, %dma_wait3A_887] : memref<32x20x4x125xi32, #tpu.memory_space<hbm>> -> memref<1x20x4x125xi32, #tpu.memory_space<hbm>>
      %dma_wait3A_889 = tpu.memref_squeeze %dma_wait3A_888 : memref<1x20x4x125xi32, #tpu.memory_space<hbm>> -> memref<20x4x125xi32, #tpu.memory_space<hbm>>
      %dma_wait3A_890 = arith.constant 0 : i32
      %dma_wait3A_891 = arith.constant 0 : i32
      %dma_wait3A_892 = tpu.memref_slice %dma_wait3A_889[%dma_wait3A_878, %dma_wait3A_890, %dma_wait3A_891] : memref<20x4x125xi32, #tpu.memory_space<hbm>> -> memref<1x4x125xi32, #tpu.memory_space<hbm>>
      %dma_wait3A_893 = tpu.memref_squeeze %dma_wait3A_892 : memref<1x4x125xi32, #tpu.memory_space<hbm>> -> memref<4x125xi32, #tpu.memory_space<hbm>>
      %dma_wait3A_894 = arith.constant 0 : i32
      %dma_wait3A_895 = arith.constant 0 : i32
      %dma_wait3A_896 = arith.constant 0 : i32
      %dma_wait3A_897 = arith.constant 0 : i32
      %dma_wait3A_898 = tpu.memref_slice %arg3[%dma_wait3A_876, %dma_wait3A_894, %dma_wait3A_895, %dma_wait3A_896, %dma_wait3A_897] : memref<2x32x20x4x125xi32, #tpu.memory_space<hbm>> -> memref<1x32x20x4x125xi32, #tpu.memory_space<hbm>>
      %dma_wait3A_899 = tpu.memref_squeeze %dma_wait3A_898 : memref<1x32x20x4x125xi32, #tpu.memory_space<hbm>> -> memref<32x20x4x125xi32, #tpu.memory_space<hbm>>
      %dma_wait3A_900 = arith.constant 0 : i32
      %dma_wait3A_901 = arith.constant 0 : i32
      %dma_wait3A_902 = arith.constant 0 : i32
      %dma_wait3A_903 = tpu.memref_slice %dma_wait3A_899[%dma_wait3A_877, %dma_wait3A_900, %dma_wait3A_901, %dma_wait3A_902] : memref<32x20x4x125xi32, #tpu.memory_space<hbm>> -> memref<1x20x4x125xi32, #tpu.memory_space<hbm>>
      %dma_wait3A_904 = tpu.memref_squeeze %dma_wait3A_903 : memref<1x20x4x125xi32, #tpu.memory_space<hbm>> -> memref<20x4x125xi32, #tpu.memory_space<hbm>>
      %dma_wait3A_905 = arith.constant 0 : i32
      %dma_wait3A_906 = arith.constant 0 : i32
      %dma_wait3A_907 = tpu.memref_slice %dma_wait3A_904[%dma_wait3A_878, %dma_wait3A_905, %dma_wait3A_906] : memref<20x4x125xi32, #tpu.memory_space<hbm>> -> memref<1x4x125xi32, #tpu.memory_space<hbm>>
      %dma_wait3A_908 = tpu.memref_squeeze %dma_wait3A_907 : memref<1x4x125xi32, #tpu.memory_space<hbm>> -> memref<4x125xi32, #tpu.memory_space<hbm>>
      tpu.wait_dma2 semaphore(%arg17 : memref<!tpu.dma_semaphore, #tpu.memory_space<semaphore_mem>>) src(%dma_wait3A_908 : memref<4x125xi32, #tpu.memory_space<hbm>>) dst(%arg6 : memref<4x125xi32, #tpu.memory_space<vmem>>)
      %dma_wait3A_909 = arith.constant 1 : i32
      %dma_wait3A_910 = arith.constant 0 : i32
      %dma_wait3A_911 = arith.constant 0 : i32
      %dma_wait3A_912 = arith.constant 0 : i32
      %dma_wait3A_913 = arith.constant 0 : i32
      %dma_wait3A_914 = arith.constant 0 : i32
      %dma_wait3A_915 = arith.constant 0 : i32
      %dma_wait3A_916 = tpu.memref_slice %arg3[%dma_wait3A_909, %dma_wait3A_912, %dma_wait3A_913, %dma_wait3A_914, %dma_wait3A_915] : memref<2x32x20x4x125xi32, #tpu.memory_space<hbm>> -> memref<1x32x20x4x125xi32, #tpu.memory_space<hbm>>
      %dma_wait3A_917 = tpu.memref_squeeze %dma_wait3A_916 : memref<1x32x20x4x125xi32, #tpu.memory_space<hbm>> -> memref<32x20x4x125xi32, #tpu.memory_space<hbm>>
      %dma_wait3A_918 = arith.constant 0 : i32
      %dma_wait3A_919 = arith.constant 0 : i32
      %dma_wait3A_920 = arith.constant 0 : i32
      %dma_wait3A_921 = tpu.memref_slice %dma_wait3A_917[%dma_wait3A_910, %dma_wait3A_918, %dma_wait3A_919, %dma_wait3A_920] : memref<32x20x4x125xi32, #tpu.memory_space<hbm>> -> memref<1x20x4x125xi32, #tpu.memory_space<hbm>>
      %dma_wait3A_922 = tpu.memref_squeeze %dma_wait3A_921 : memref<1x20x4x125xi32, #tpu.memory_space<hbm>> -> memref<20x4x125xi32, #tpu.memory_space<hbm>>
      %dma_wait3A_923 = arith.constant 0 : i32
      %dma_wait3A_924 = arith.constant 0 : i32
      %dma_wait3A_925 = tpu.memref_slice %dma_wait3A_922[%dma_wait3A_911, %dma_wait3A_923, %dma_wait3A_924] : memref<20x4x125xi32, #tpu.memory_space<hbm>> -> memref<1x4x125xi32, #tpu.memory_space<hbm>>
      %dma_wait3A_926 = tpu.memref_squeeze %dma_wait3A_925 : memref<1x4x125xi32, #tpu.memory_space<hbm>> -> memref<4x125xi32, #tpu.memory_space<hbm>>
      %dma_wait3A_927 = arith.constant 0 : i32
      %dma_wait3A_928 = arith.constant 0 : i32
      %dma_wait3A_929 = arith.constant 0 : i32
      %dma_wait3A_930 = arith.constant 0 : i32
      %dma_wait3A_931 = tpu.memref_slice %arg3[%dma_wait3A_909, %dma_wait3A_927, %dma_wait3A_928, %dma_wait3A_929, %dma_wait3A_930] : memref<2x32x20x4x125xi32, #tpu.memory_space<hbm>> -> memref<1x32x20x4x125xi32, #tpu.memory_space<hbm>>
      %dma_wait3A_932 = tpu.memref_squeeze %dma_wait3A_931 : memref<1x32x20x4x125xi32, #tpu.memory_space<hbm>> -> memref<32x20x4x125xi32, #tpu.memory_space<hbm>>
      %dma_wait3A_933 = arith.constant 0 : i32
      %dma_wait3A_934 = arith.constant 0 : i32
      %dma_wait3A_935 = arith.constant 0 : i32
      %dma_wait3A_936 = tpu.memref_slice %dma_wait3A_932[%dma_wait3A_910, %dma_wait3A_933, %dma_wait3A_934, %dma_wait3A_935] : memref<32x20x4x125xi32, #tpu.memory_space<hbm>> -> memref<1x20x4x125xi32, #tpu.memory_space<hbm>>
      %dma_wait3A_937 = tpu.memref_squeeze %dma_wait3A_936 : memref<1x20x4x125xi32, #tpu.memory_space<hbm>> -> memref<20x4x125xi32, #tpu.memory_space<hbm>>
      %dma_wait3A_938 = arith.constant 0 : i32
      %dma_wait3A_939 = arith.constant 0 : i32
      %dma_wait3A_940 = tpu.memref_slice %dma_wait3A_937[%dma_wait3A_911, %dma_wait3A_938, %dma_wait3A_939] : memref<20x4x125xi32, #tpu.memory_space<hbm>> -> memref<1x4x125xi32, #tpu.memory_space<hbm>>
      %dma_wait3A_941 = tpu.memref_squeeze %dma_wait3A_940 : memref<1x4x125xi32, #tpu.memory_space<hbm>> -> memref<4x125xi32, #tpu.memory_space<hbm>>
      tpu.wait_dma2 semaphore(%arg17 : memref<!tpu.dma_semaphore, #tpu.memory_space<semaphore_mem>>) src(%dma_wait3A_941 : memref<4x125xi32, #tpu.memory_space<hbm>>) dst(%arg8 : memref<4x125xi32, #tpu.memory_space<vmem>>)
      %dma_wait3A_942 = arith.constant 2 : i32
      %dma_wait3A_943 = arith.constant 0 : i32
      %dma_wait3A_944 = tpu.memref_slice %arg9[%dma_wait3A_942, %dma_wait3A_943] : memref<4x125xi32, #tpu.memory_space<vmem>> -> memref<1x125xi32, #tpu.memory_space<vmem>>
      %dma_wait3A_945 = tpu.memref_squeeze %dma_wait3A_944 : memref<1x125xi32, #tpu.memory_space<vmem>> -> memref<125xi32, #tpu.memory_space<vmem>>
      %dma_wait3A_946 = arith.constant 0 : i32
      %dma_wait3A_947 = arith.constant 0 : i32
      %dma_wait3A_948 = tpu.memref_slice %arg12[%dma_wait3A_946, %dma_wait3A_947] : memref<10240x128xf32, #tpu.memory_space<vmem_shared>> -> memref<10240x128xf32, #tpu.memory_space<vmem_shared>>
      tpu.wait_indirect_dma semaphore(%arg15 : memref<!tpu.dma_semaphore, #tpu.memory_space<semaphore_mem>>) src(%arg10 : memref<125x128xf32, #tpu.memory_space<vmem>>) dst(%dma_wait3A_948 : memref<10240x128xf32, #tpu.memory_space<vmem_shared>>)
      %dma_start3A_949 = arith.constant 0 : i32
      %dma_start3A_950 = arith.constant 0 : i32
      %dma_start3A_951 = tpu.memref_slice %arg6[%dma_start3A_949, %dma_start3A_950] : memref<4x125xi32, #tpu.memory_space<vmem>> -> memref<1x125xi32, #tpu.memory_space<vmem>>
      %dma_start3A_952 = tpu.memref_squeeze %dma_start3A_951 : memref<1x125xi32, #tpu.memory_space<vmem>> -> memref<125xi32, #tpu.memory_space<vmem>>
      %dma_start3A_953 = arith.constant 0 : i32
      %dma_start3A_954 = arith.constant 0 : i32
      %dma_start3A_955 = tpu.memref_slice %arg2[%arg0, %dma_start3A_953, %dma_start3A_954] : memref<2x10000x128xf32, #tpu.memory_space<hbm>> -> memref<1x10000x128xf32, #tpu.memory_space<hbm>>
      %dma_start3A_956 = tpu.memref_squeeze %dma_start3A_955 : memref<1x10000x128xf32, #tpu.memory_space<hbm>> -> memref<10000x128xf32, #tpu.memory_space<hbm>>
      %dma_start3A_957 = arith.constant 0 : i32
      %dma_start3A_958 = arith.constant 0 : i32
      %dma_start3A_959 = tpu.memref_slice %dma_start3A_956[%dma_start3A_957, %dma_start3A_958] : memref<10000x128xf32, #tpu.memory_space<hbm>> -> memref<10000x128xf32, #tpu.memory_space<hbm>>
      tpu.enqueue_indirect_dma source(%dma_start3A_959 : memref<10000x128xf32, #tpu.memory_space<hbm>>) target(%arg10 : memref<125x128xf32, #tpu.memory_space<vmem>>) offsets(%dma_start3A_952 : memref<125xi32, #tpu.memory_space<vmem>>) semaphore(%arg13 : memref<!tpu.dma_semaphore, #tpu.memory_space<semaphore_mem>>)
      %dma_wait3A_960 = arith.constant 3 : i32
      %dma_wait3A_961 = arith.constant 0 : i32
      %dma_wait3A_962 = tpu.memref_slice %arg7[%dma_wait3A_960, %dma_wait3A_961] : memref<4x125xi32, #tpu.memory_space<vmem>> -> memref<1x125xi32, #tpu.memory_space<vmem>>
      %dma_wait3A_963 = tpu.memref_squeeze %dma_wait3A_962 : memref<1x125xi32, #tpu.memory_space<vmem>> -> memref<125xi32, #tpu.memory_space<vmem>>
      %dma_wait3A_964 = arith.constant 0 : i32
      %dma_wait3A_965 = arith.constant 0 : i32
      %dma_wait3A_966 = tpu.memref_slice %arg2[%arg0, %dma_wait3A_964, %dma_wait3A_965] : memref<2x10000x128xf32, #tpu.memory_space<hbm>> -> memref<1x10000x128xf32, #tpu.memory_space<hbm>>
      %dma_wait3A_967 = tpu.memref_squeeze %dma_wait3A_966 : memref<1x10000x128xf32, #tpu.memory_space<hbm>> -> memref<10000x128xf32, #tpu.memory_space<hbm>>
      %dma_wait3A_968 = arith.constant 0 : i32
      %dma_wait3A_969 = arith.constant 0 : i32
      %dma_wait3A_970 = tpu.memref_slice %dma_wait3A_967[%dma_wait3A_968, %dma_wait3A_969] : memref<10000x128xf32, #tpu.memory_space<hbm>> -> memref<10000x128xf32, #tpu.memory_space<hbm>>
      tpu.wait_indirect_dma semaphore(%arg14 : memref<!tpu.dma_semaphore, #tpu.memory_space<semaphore_mem>>) src(%dma_wait3A_970 : memref<10000x128xf32, #tpu.memory_space<hbm>>) dst(%arg11 : memref<125x128xf32, #tpu.memory_space<vmem>>)
      %dma_start3A_971 = arith.constant 3 : i32
      %dma_start3A_972 = arith.constant 0 : i32
      %dma_start3A_973 = tpu.memref_slice %arg9[%dma_start3A_971, %dma_start3A_972] : memref<4x125xi32, #tpu.memory_space<vmem>> -> memref<1x125xi32, #tpu.memory_space<vmem>>
      %dma_start3A_974 = tpu.memref_squeeze %dma_start3A_973 : memref<1x125xi32, #tpu.memory_space<vmem>> -> memref<125xi32, #tpu.memory_space<vmem>>
      %dma_start3A_975 = arith.constant 0 : i32
      %dma_start3A_976 = arith.constant 0 : i32
      %dma_start3A_977 = tpu.memref_slice %arg12[%dma_start3A_975, %dma_start3A_976] : memref<10240x128xf32, #tpu.memory_space<vmem_shared>> -> memref<10240x128xf32, #tpu.memory_space<vmem_shared>>
      tpu.enqueue_indirect_dma source(%arg11 : memref<125x128xf32, #tpu.memory_space<vmem>>) target(%dma_start3A_977 : memref<10240x128xf32, #tpu.memory_space<vmem_shared>>) offsets(%dma_start3A_974 : memref<125xi32, #tpu.memory_space<vmem>>) semaphore(%arg16 : memref<!tpu.dma_semaphore, #tpu.memory_space<semaphore_mem>>) {add = true}
      %dma_wait3A_978 = arith.constant 3 : i32
      %dma_wait3A_979 = arith.constant 0 : i32
      %dma_wait3A_980 = tpu.memref_slice %arg9[%dma_wait3A_978, %dma_wait3A_979] : memref<4x125xi32, #tpu.memory_space<vmem>> -> memref<1x125xi32, #tpu.memory_space<vmem>>
      %dma_wait3A_981 = tpu.memref_squeeze %dma_wait3A_980 : memref<1x125xi32, #tpu.memory_space<vmem>> -> memref<125xi32, #tpu.memory_space<vmem>>
      %dma_wait3A_982 = arith.constant 0 : i32
      %dma_wait3A_983 = arith.constant 0 : i32
      %dma_wait3A_984 = tpu.memref_slice %arg12[%dma_wait3A_982, %dma_wait3A_983] : memref<10240x128xf32, #tpu.memory_space<vmem_shared>> -> memref<10240x128xf32, #tpu.memory_space<vmem_shared>>
      tpu.wait_indirect_dma semaphore(%arg16 : memref<!tpu.dma_semaphore, #tpu.memory_space<semaphore_mem>>) src(%arg11 : memref<125x128xf32, #tpu.memory_space<vmem>>) dst(%dma_wait3A_984 : memref<10240x128xf32, #tpu.memory_space<vmem_shared>>)
      %dma_start3A_985 = arith.constant 1 : i32
      %dma_start3A_986 = arith.constant 0 : i32
      %dma_start3A_987 = tpu.memref_slice %arg6[%dma_start3A_985, %dma_start3A_986] : memref<4x125xi32, #tpu.memory_space<vmem>> -> memref<1x125xi32, #tpu.memory_space<vmem>>
      %dma_start3A_988 = tpu.memref_squeeze %dma_start3A_987 : memref<1x125xi32, #tpu.memory_space<vmem>> -> memref<125xi32, #tpu.memory_space<vmem>>
      %dma_start3A_989 = arith.constant 0 : i32
      %dma_start3A_990 = arith.constant 0 : i32
      %dma_start3A_991 = tpu.memref_slice %arg2[%arg0, %dma_start3A_989, %dma_start3A_990] : memref<2x10000x128xf32, #tpu.memory_space<hbm>> -> memref<1x10000x128xf32, #tpu.memory_space<hbm>>
      %dma_start3A_992 = tpu.memref_squeeze %dma_start3A_991 : memref<1x10000x128xf32, #tpu.memory_space<hbm>> -> memref<10000x128xf32, #tpu.memory_space<hbm>>
      %dma_start3A_993 = arith.constant 0 : i32
      %dma_start3A_994 = arith.constant 0 : i32
      %dma_start3A_995 = tpu.memref_slice %dma_start3A_992[%dma_start3A_993, %dma_start3A_994] : memref<10000x128xf32, #tpu.memory_space<hbm>> -> memref<10000x128xf32, #tpu.memory_space<hbm>>
      tpu.enqueue_indirect_dma source(%dma_start3A_995 : memref<10000x128xf32, #tpu.memory_space<hbm>>) target(%arg11 : memref<125x128xf32, #tpu.memory_space<vmem>>) offsets(%dma_start3A_988 : memref<125xi32, #tpu.memory_space<vmem>>) semaphore(%arg14 : memref<!tpu.dma_semaphore, #tpu.memory_space<semaphore_mem>>)
      %dma_wait3A_996 = arith.constant 0 : i32
      %dma_wait3A_997 = arith.constant 0 : i32
      %dma_wait3A_998 = tpu.memref_slice %arg6[%dma_wait3A_996, %dma_wait3A_997] : memref<4x125xi32, #tpu.memory_space<vmem>> -> memref<1x125xi32, #tpu.memory_space<vmem>>
      %dma_wait3A_999 = tpu.memref_squeeze %dma_wait3A_998 : memref<1x125xi32, #tpu.memory_space<vmem>> -> memref<125xi32, #tpu.memory_space<vmem>>
      %dma_wait3A_1000 = arith.constant 0 : i32
      %dma_wait3A_1001 = arith.constant 0 : i32
      %dma_wait3A_1002 = tpu.memref_slice %arg2[%arg0, %dma_wait3A_1000, %dma_wait3A_1001] : memref<2x10000x128xf32, #tpu.memory_space<hbm>> -> memref<1x10000x128xf32, #tpu.memory_space<hbm>>
      %dma_wait3A_1003 = tpu.memref_squeeze %dma_wait3A_1002 : memref<1x10000x128xf32, #tpu.memory_space<hbm>> -> memref<10000x128xf32, #tpu.memory_space<hbm>>
      %dma_wait3A_1004 = arith.constant 0 : i32
      %dma_wait3A_1005 = arith.constant 0 : i32
      %dma_wait3A_1006 = tpu.memref_slice %dma_wait3A_1003[%dma_wait3A_1004, %dma_wait3A_1005] : memref<10000x128xf32, #tpu.memory_space<hbm>> -> memref<10000x128xf32, #tpu.memory_space<hbm>>
      tpu.wait_indirect_dma semaphore(%arg13 : memref<!tpu.dma_semaphore, #tpu.memory_space<semaphore_mem>>) src(%dma_wait3A_1006 : memref<10000x128xf32, #tpu.memory_space<hbm>>) dst(%arg10 : memref<125x128xf32, #tpu.memory_space<vmem>>)
      %dma_start3A_1007 = arith.constant 0 : i32
      %dma_start3A_1008 = arith.constant 0 : i32
      %dma_start3A_1009 = tpu.memref_slice %arg8[%dma_start3A_1007, %dma_start3A_1008] : memref<4x125xi32, #tpu.memory_space<vmem>> -> memref<1x125xi32, #tpu.memory_space<vmem>>
      %dma_start3A_1010 = tpu.memref_squeeze %dma_start3A_1009 : memref<1x125xi32, #tpu.memory_space<vmem>> -> memref<125xi32, #tpu.memory_space<vmem>>
      %dma_start3A_1011 = arith.constant 0 : i32
      %dma_start3A_1012 = arith.constant 0 : i32
      %dma_start3A_1013 = tpu.memref_slice %arg12[%dma_start3A_1011, %dma_start3A_1012] : memref<10240x128xf32, #tpu.memory_space<vmem_shared>> -> memref<10240x128xf32, #tpu.memory_space<vmem_shared>>
      tpu.enqueue_indirect_dma source(%arg10 : memref<125x128xf32, #tpu.memory_space<vmem>>) target(%dma_start3A_1013 : memref<10240x128xf32, #tpu.memory_space<vmem_shared>>) offsets(%dma_start3A_1010 : memref<125xi32, #tpu.memory_space<vmem>>) semaphore(%arg15 : memref<!tpu.dma_semaphore, #tpu.memory_space<semaphore_mem>>) {add = true}
      %dma_wait3A_1014 = arith.constant 0 : i32
      %dma_wait3A_1015 = arith.constant 0 : i32
      %dma_wait3A_1016 = tpu.memref_slice %arg8[%dma_wait3A_1014, %dma_wait3A_1015] : memref<4x125xi32, #tpu.memory_space<vmem>> -> memref<1x125xi32, #tpu.memory_space<vmem>>
      %dma_wait3A_1017 = tpu.memref_squeeze %dma_wait3A_1016 : memref<1x125xi32, #tpu.memory_space<vmem>> -> memref<125xi32, #tpu.memory_space<vmem>>
      %dma_wait3A_1018 = arith.constant 0 : i32
      %dma_wait3A_1019 = arith.constant 0 : i32
      %dma_wait3A_1020 = tpu.memref_slice %arg12[%dma_wait3A_1018, %dma_wait3A_1019] : memref<10240x128xf32, #tpu.memory_space<vmem_shared>> -> memref<10240x128xf32, #tpu.memory_space<vmem_shared>>
      tpu.wait_indirect_dma semaphore(%arg15 : memref<!tpu.dma_semaphore, #tpu.memory_space<semaphore_mem>>) src(%arg10 : memref<125x128xf32, #tpu.memory_space<vmem>>) dst(%dma_wait3A_1020 : memref<10240x128xf32, #tpu.memory_space<vmem_shared>>)
      %add3A_1021 = arith.constant 1 : i32
      %add3A_1022 = arith.addi %add3A_875, %add3A_1021 : i32
      %mul3A_1023 = arith.constant 2 : i32
      %mul3A_1024 = arith.muli %mul3A_1023, %arg1 : i32
      %jit3A_1025 = arith.constant 20 : i32
      %div3A_1026 = arith.divsi %add3A_1022, %jit3A_1025 : i32
      %sign3A_1027 = arith.constant 0 : i32
      %sign3A_1028 = arith.cmpi sgt, %add3A_1022, %sign3A_1027 : i32
      %sign3A_1029 = arith.extui %sign3A_1028 : i1 to i32
      %sign3A_1030 = arith.constant 0 : i32
      %sign3A_1031 = arith.cmpi slt, %add3A_1022, %sign3A_1030 : i32
      %sign3A_1032 = arith.extui %sign3A_1031 : i1 to i32
      %sign3A_1033 = arith.subi %sign3A_1029, %sign3A_1032 : i32
      %sign3A_1034 = arith.constant 0 : i32
      %sign3A_1035 = arith.cmpi sgt, %jit3A_1025, %sign3A_1034 : i32
      %sign3A_1036 = arith.extui %sign3A_1035 : i1 to i32
      %sign3A_1037 = arith.constant 0 : i32
      %sign3A_1038 = arith.cmpi slt, %jit3A_1025, %sign3A_1037 : i32
      %sign3A_1039 = arith.extui %sign3A_1038 : i1 to i32
      %sign3A_1040 = arith.subi %sign3A_1036, %sign3A_1039 : i32
      %ne3A_1041 = arith.cmpi ne, %sign3A_1033, %sign3A_1040 : i32
      %rem3A_1042 = arith.remsi %add3A_1022, %jit3A_1025 : i32
      %ne3A_1043 = arith.constant 0 : i32
      %ne3A_1044 = arith.cmpi ne, %rem3A_1042, %ne3A_1043 : i32
      %and3A_1045 = arith.andi %ne3A_1041, %ne3A_1044 : i1
      %sub3A_1046 = arith.constant 1 : i32
      %sub3A_1047 = arith.subi %div3A_1026, %sub3A_1046 : i32
      %select_n3A_1048 = arith.select %and3A_1045, %sub3A_1047, %div3A_1026 : i32
      %add3A_1049 = arith.addi %mul3A_1024, %select_n3A_1048 : i32
      %jit3A_1050 = arith.constant 20 : i32
      %eq3A_1051 = arith.constant 0 : i32
      %eq3A_1052 = arith.cmpi eq, %jit3A_1050, %eq3A_1051 : i32
      %jit3A_1053 = arith.constant 1 : i32
      %select_n3A_1054 = arith.select %eq3A_1052, %jit3A_1053, %jit3A_1050 : i32
      %rem3A_1055 = arith.remsi %add3A_1022, %select_n3A_1054 : i32
      %ne3A_1056 = arith.constant 0 : i32
      %ne3A_1057 = arith.cmpi ne, %rem3A_1055, %ne3A_1056 : i32
      %lt3A_1058 = arith.constant 0 : i32
      %lt3A_1059 = arith.cmpi slt, %rem3A_1055, %lt3A_1058 : i32
      %lt3A_1060 = arith.constant 0 : i32
      %lt3A_1061 = arith.cmpi slt, %select_n3A_1054, %lt3A_1060 : i32
      %ne3A_1062 = arith.xori %lt3A_1059, %lt3A_1061 : i1
      %and3A_1063 = arith.andi %ne3A_1062, %ne3A_1057 : i1
      %add3A_1064 = arith.addi %rem3A_1055, %select_n3A_1054 : i32
      %select_n3A_1065 = arith.select %and3A_1063, %add3A_1064, %rem3A_1055 : i32
      %dma_start3A_1066 = arith.constant 0 : i32
      %dma_start3A_1067 = arith.constant 0 : i32
      %dma_start3A_1068 = arith.constant 0 : i32
      %dma_start3A_1069 = arith.constant 0 : i32
      %dma_start3A_1070 = arith.constant 0 : i32
      %dma_start3A_1071 = tpu.memref_slice %arg3[%dma_start3A_1066, %dma_start3A_1067, %dma_start3A_1068, %dma_start3A_1069, %dma_start3A_1070] : memref<2x32x20x4x125xi32, #tpu.memory_space<hbm>> -> memref<1x32x20x4x125xi32, #tpu.memory_space<hbm>>
      %dma_start3A_1072 = tpu.memref_squeeze %dma_start3A_1071 : memref<1x32x20x4x125xi32, #tpu.memory_space<hbm>> -> memref<32x20x4x125xi32, #tpu.memory_space<hbm>>
      %dma_start3A_1073 = arith.constant 0 : i32
      %dma_start3A_1074 = arith.constant 0 : i32
      %dma_start3A_1075 = arith.constant 0 : i32
      %dma_start3A_1076 = tpu.memref_slice %dma_start3A_1072[%add3A_1049, %dma_start3A_1073, %dma_start3A_1074, %dma_start3A_1075] : memref<32x20x4x125xi32, #tpu.memory_space<hbm>> -> memref<1x20x4x125xi32, #tpu.memory_space<hbm>>
      %dma_start3A_1077 = tpu.memref_squeeze %dma_start3A_1076 : memref<1x20x4x125xi32, #tpu.memory_space<hbm>> -> memref<20x4x125xi32, #tpu.memory_space<hbm>>
      %dma_start3A_1078 = arith.constant 0 : i32
      %dma_start3A_1079 = arith.constant 0 : i32
      %dma_start3A_1080 = tpu.memref_slice %dma_start3A_1077[%select_n3A_1065, %dma_start3A_1078, %dma_start3A_1079] : memref<20x4x125xi32, #tpu.memory_space<hbm>> -> memref<1x4x125xi32, #tpu.memory_space<hbm>>
      %dma_start3A_1081 = tpu.memref_squeeze %dma_start3A_1080 : memref<1x4x125xi32, #tpu.memory_space<hbm>> -> memref<4x125xi32, #tpu.memory_space<hbm>>
      %dma_start3A_1082 = arith.constant 0 : i32
      %dma_start3A_1083 = arith.constant 0 : i32
      %dma_start3A_1084 = arith.constant 0 : i32
      %dma_start3A_1085 = arith.constant 0 : i32
      %dma_start3A_1086 = tpu.memref_slice %arg3[%dma_start3A_1066, %dma_start3A_1082, %dma_start3A_1083, %dma_start3A_1084, %dma_start3A_1085] : memref<2x32x20x4x125xi32, #tpu.memory_space<hbm>> -> memref<1x32x20x4x125xi32, #tpu.memory_space<hbm>>
      %dma_start3A_1087 = tpu.memref_squeeze %dma_start3A_1086 : memref<1x32x20x4x125xi32, #tpu.memory_space<hbm>> -> memref<32x20x4x125xi32, #tpu.memory_space<hbm>>
      %dma_start3A_1088 = arith.constant 0 : i32
      %dma_start3A_1089 = arith.constant 0 : i32
      %dma_start3A_1090 = arith.constant 0 : i32
      %dma_start3A_1091 = tpu.memref_slice %dma_start3A_1087[%add3A_1049, %dma_start3A_1088, %dma_start3A_1089, %dma_start3A_1090] : memref<32x20x4x125xi32, #tpu.memory_space<hbm>> -> memref<1x20x4x125xi32, #tpu.memory_space<hbm>>
      %dma_start3A_1092 = tpu.memref_squeeze %dma_start3A_1091 : memref<1x20x4x125xi32, #tpu.memory_space<hbm>> -> memref<20x4x125xi32, #tpu.memory_space<hbm>>
      %dma_start3A_1093 = arith.constant 0 : i32
      %dma_start3A_1094 = arith.constant 0 : i32
      %dma_start3A_1095 = tpu.memref_slice %dma_start3A_1092[%select_n3A_1065, %dma_start3A_1093, %dma_start3A_1094] : memref<20x4x125xi32, #tpu.memory_space<hbm>> -> memref<1x4x125xi32, #tpu.memory_space<hbm>>
      %dma_start3A_1096 = tpu.memref_squeeze %dma_start3A_1095 : memref<1x4x125xi32, #tpu.memory_space<hbm>> -> memref<4x125xi32, #tpu.memory_space<hbm>>
      tpu.enqueue_dma source(%dma_start3A_1096 : memref<4x125xi32, #tpu.memory_space<hbm>>) target(%arg7 : memref<4x125xi32, #tpu.memory_space<vmem>>) target_semaphore(%arg18 : memref<!tpu.dma_semaphore, #tpu.memory_space<semaphore_mem>>)
      %dma_start3A_1097 = arith.constant 1 : i32
      %dma_start3A_1098 = arith.constant 0 : i32
      %dma_start3A_1099 = arith.constant 0 : i32
      %dma_start3A_1100 = arith.constant 0 : i32
      %dma_start3A_1101 = arith.constant 0 : i32
      %dma_start3A_1102 = tpu.memref_slice %arg3[%dma_start3A_1097, %dma_start3A_1098, %dma_start3A_1099, %dma_start3A_1100, %dma_start3A_1101] : memref<2x32x20x4x125xi32, #tpu.memory_space<hbm>> -> memref<1x32x20x4x125xi32, #tpu.memory_space<hbm>>
      %dma_start3A_1103 = tpu.memref_squeeze %dma_start3A_1102 : memref<1x32x20x4x125xi32, #tpu.memory_space<hbm>> -> memref<32x20x4x125xi32, #tpu.memory_space<hbm>>
      %dma_start3A_1104 = arith.constant 0 : i32
      %dma_start3A_1105 = arith.constant 0 : i32
      %dma_start3A_1106 = arith.constant 0 : i32
      %dma_start3A_1107 = tpu.memref_slice %dma_start3A_1103[%add3A_1049, %dma_start3A_1104, %dma_start3A_1105, %dma_start3A_1106] : memref<32x20x4x125xi32, #tpu.memory_space<hbm>> -> memref<1x20x4x125xi32, #tpu.memory_space<hbm>>
      %dma_start3A_1108 = tpu.memref_squeeze %dma_start3A_1107 : memref<1x20x4x125xi32, #tpu.memory_space<hbm>> -> memref<20x4x125xi32, #tpu.memory_space<hbm>>
      %dma_start3A_1109 = arith.constant 0 : i32
      %dma_start3A_1110 = arith.constant 0 : i32
      %dma_start3A_1111 = tpu.memref_slice %dma_start3A_1108[%select_n3A_1065, %dma_start3A_1109, %dma_start3A_1110] : memref<20x4x125xi32, #tpu.memory_space<hbm>> -> memref<1x4x125xi32, #tpu.memory_space<hbm>>
      %dma_start3A_1112 = tpu.memref_squeeze %dma_start3A_1111 : memref<1x4x125xi32, #tpu.memory_space<hbm>> -> memref<4x125xi32, #tpu.memory_space<hbm>>
      %dma_start3A_1113 = arith.constant 0 : i32
      %dma_start3A_1114 = arith.constant 0 : i32
      %dma_start3A_1115 = arith.constant 0 : i32
      %dma_start3A_1116 = arith.constant 0 : i32
      %dma_start3A_1117 = tpu.memref_slice %arg3[%dma_start3A_1097, %dma_start3A_1113, %dma_start3A_1114, %dma_start3A_1115, %dma_start3A_1116] : memref<2x32x20x4x125xi32, #tpu.memory_space<hbm>> -> memref<1x32x20x4x125xi32, #tpu.memory_space<hbm>>
      %dma_start3A_1118 = tpu.memref_squeeze %dma_start3A_1117 : memref<1x32x20x4x125xi32, #tpu.memory_space<hbm>> -> memref<32x20x4x125xi32, #tpu.memory_space<hbm>>
      %dma_start3A_1119 = arith.constant 0 : i32
      %dma_start3A_1120 = arith.constant 0 : i32
      %dma_start3A_1121 = arith.constant 0 : i32
      %dma_start3A_1122 = tpu.memref_slice %dma_start3A_1118[%add3A_1049, %dma_start3A_1119, %dma_start3A_1120, %dma_start3A_1121] : memref<32x20x4x125xi32, #tpu.memory_space<hbm>> -> memref<1x20x4x125xi32, #tpu.memory_space<hbm>>
      %dma_start3A_1123 = tpu.memref_squeeze %dma_start3A_1122 : memref<1x20x4x125xi32, #tpu.memory_space<hbm>> -> memref<20x4x125xi32, #tpu.memory_space<hbm>>
      %dma_start3A_1124 = arith.constant 0 : i32
      %dma_start3A_1125 = arith.constant 0 : i32
      %dma_start3A_1126 = tpu.memref_slice %dma_start3A_1123[%select_n3A_1065, %dma_start3A_1124, %dma_start3A_1125] : memref<20x4x125xi32, #tpu.memory_space<hbm>> -> memref<1x4x125xi32, #tpu.memory_space<hbm>>
      %dma_start3A_1127 = tpu.memref_squeeze %dma_start3A_1126 : memref<1x4x125xi32, #tpu.memory_space<hbm>> -> memref<4x125xi32, #tpu.memory_space<hbm>>
      tpu.enqueue_dma source(%dma_start3A_1127 : memref<4x125xi32, #tpu.memory_space<hbm>>) target(%arg9 : memref<4x125xi32, #tpu.memory_space<vmem>>) target_semaphore(%arg18 : memref<!tpu.dma_semaphore, #tpu.memory_space<semaphore_mem>>)
      %dma_start3A_1128 = arith.constant 2 : i32
      %dma_start3A_1129 = arith.constant 0 : i32
      %dma_start3A_1130 = tpu.memref_slice %arg6[%dma_start3A_1128, %dma_start3A_1129] : memref<4x125xi32, #tpu.memory_space<vmem>> -> memref<1x125xi32, #tpu.memory_space<vmem>>
      %dma_start3A_1131 = tpu.memref_squeeze %dma_start3A_1130 : memref<1x125xi32, #tpu.memory_space<vmem>> -> memref<125xi32, #tpu.memory_space<vmem>>
      %dma_start3A_1132 = arith.constant 0 : i32
      %dma_start3A_1133 = arith.constant 0 : i32
      %dma_start3A_1134 = tpu.memref_slice %arg2[%arg0, %dma_start3A_1132, %dma_start3A_1133] : memref<2x10000x128xf32, #tpu.memory_space<hbm>> -> memref<1x10000x128xf32, #tpu.memory_space<hbm>>
      %dma_start3A_1135 = tpu.memref_squeeze %dma_start3A_1134 : memref<1x10000x128xf32, #tpu.memory_space<hbm>> -> memref<10000x128xf32, #tpu.memory_space<hbm>>
      %dma_start3A_1136 = arith.constant 0 : i32
      %dma_start3A_1137 = arith.constant 0 : i32
      %dma_start3A_1138 = tpu.memref_slice %dma_start3A_1135[%dma_start3A_1136, %dma_start3A_1137] : memref<10000x128xf32, #tpu.memory_space<hbm>> -> memref<10000x128xf32, #tpu.memory_space<hbm>>
      tpu.enqueue_indirect_dma source(%dma_start3A_1138 : memref<10000x128xf32, #tpu.memory_space<hbm>>) target(%arg10 : memref<125x128xf32, #tpu.memory_space<vmem>>) offsets(%dma_start3A_1131 : memref<125xi32, #tpu.memory_space<vmem>>) semaphore(%arg13 : memref<!tpu.dma_semaphore, #tpu.memory_space<semaphore_mem>>)
      %dma_wait3A_1139 = arith.constant 1 : i32
      %dma_wait3A_1140 = arith.constant 0 : i32
      %dma_wait3A_1141 = tpu.memref_slice %arg6[%dma_wait3A_1139, %dma_wait3A_1140] : memref<4x125xi32, #tpu.memory_space<vmem>> -> memref<1x125xi32, #tpu.memory_space<vmem>>
      %dma_wait3A_1142 = tpu.memref_squeeze %dma_wait3A_1141 : memref<1x125xi32, #tpu.memory_space<vmem>> -> memref<125xi32, #tpu.memory_space<vmem>>
      %dma_wait3A_1143 = arith.constant 0 : i32
      %dma_wait3A_1144 = arith.constant 0 : i32
      %dma_wait3A_1145 = tpu.memref_slice %arg2[%arg0, %dma_wait3A_1143, %dma_wait3A_1144] : memref<2x10000x128xf32, #tpu.memory_space<hbm>> -> memref<1x10000x128xf32, #tpu.memory_space<hbm>>
      %dma_wait3A_1146 = tpu.memref_squeeze %dma_wait3A_1145 : memref<1x10000x128xf32, #tpu.memory_space<hbm>> -> memref<10000x128xf32, #tpu.memory_space<hbm>>
      %dma_wait3A_1147 = arith.constant 0 : i32
      %dma_wait3A_1148 = arith.constant 0 : i32
      %dma_wait3A_1149 = tpu.memref_slice %dma_wait3A_1146[%dma_wait3A_1147, %dma_wait3A_1148] : memref<10000x128xf32, #tpu.memory_space<hbm>> -> memref<10000x128xf32, #tpu.memory_space<hbm>>
      tpu.wait_indirect_dma semaphore(%arg14 : memref<!tpu.dma_semaphore, #tpu.memory_space<semaphore_mem>>) src(%dma_wait3A_1149 : memref<10000x128xf32, #tpu.memory_space<hbm>>) dst(%arg11 : memref<125x128xf32, #tpu.memory_space<vmem>>)
      %dma_start3A_1150 = arith.constant 1 : i32
      %dma_start3A_1151 = arith.constant 0 : i32
      %dma_start3A_1152 = tpu.memref_slice %arg8[%dma_start3A_1150, %dma_start3A_1151] : memref<4x125xi32, #tpu.memory_space<vmem>> -> memref<1x125xi32, #tpu.memory_space<vmem>>
      %dma_start3A_1153 = tpu.memref_squeeze %dma_start3A_1152 : memref<1x125xi32, #tpu.memory_space<vmem>> -> memref<125xi32, #tpu.memory_space<vmem>>
      %dma_start3A_1154 = arith.constant 0 : i32
      %dma_start3A_1155 = arith.constant 0 : i32
      %dma_start3A_1156 = tpu.memref_slice %arg12[%dma_start3A_1154, %dma_start3A_1155] : memref<10240x128xf32, #tpu.memory_space<vmem_shared>> -> memref<10240x128xf32, #tpu.memory_space<vmem_shared>>
      tpu.enqueue_indirect_dma source(%arg11 : memref<125x128xf32, #tpu.memory_space<vmem>>) target(%dma_start3A_1156 : memref<10240x128xf32, #tpu.memory_space<vmem_shared>>) offsets(%dma_start3A_1153 : memref<125xi32, #tpu.memory_space<vmem>>) semaphore(%arg16 : memref<!tpu.dma_semaphore, #tpu.memory_space<semaphore_mem>>) {add = true}
      %dma_wait3A_1157 = arith.constant 1 : i32
      %dma_wait3A_1158 = arith.constant 0 : i32
      %dma_wait3A_1159 = tpu.memref_slice %arg8[%dma_wait3A_1157, %dma_wait3A_1158] : memref<4x125xi32, #tpu.memory_space<vmem>> -> memref<1x125xi32, #tpu.memory_space<vmem>>
      %dma_wait3A_1160 = tpu.memref_squeeze %dma_wait3A_1159 : memref<1x125xi32, #tpu.memory_space<vmem>> -> memref<125xi32, #tpu.memory_space<vmem>>
      %dma_wait3A_1161 = arith.constant 0 : i32
      %dma_wait3A_1162 = arith.constant 0 : i32
      %dma_wait3A_1163 = tpu.memref_slice %arg12[%dma_wait3A_1161, %dma_wait3A_1162] : memref<10240x128xf32, #tpu.memory_space<vmem_shared>> -> memref<10240x128xf32, #tpu.memory_space<vmem_shared>>
      tpu.wait_indirect_dma semaphore(%arg16 : memref<!tpu.dma_semaphore, #tpu.memory_space<semaphore_mem>>) src(%arg11 : memref<125x128xf32, #tpu.memory_space<vmem>>) dst(%dma_wait3A_1163 : memref<10240x128xf32, #tpu.memory_space<vmem_shared>>)
      %dma_start3A_1164 = arith.constant 3 : i32
      %dma_start3A_1165 = arith.constant 0 : i32
      %dma_start3A_1166 = tpu.memref_slice %arg6[%dma_start3A_1164, %dma_start3A_1165] : memref<4x125xi32, #tpu.memory_space<vmem>> -> memref<1x125xi32, #tpu.memory_space<vmem>>
      %dma_start3A_1167 = tpu.memref_squeeze %dma_start3A_1166 : memref<1x125xi32, #tpu.memory_space<vmem>> -> memref<125xi32, #tpu.memory_space<vmem>>
      %dma_start3A_1168 = arith.constant 0 : i32
      %dma_start3A_1169 = arith.constant 0 : i32
      %dma_start3A_1170 = tpu.memref_slice %arg2[%arg0, %dma_start3A_1168, %dma_start3A_1169] : memref<2x10000x128xf32, #tpu.memory_space<hbm>> -> memref<1x10000x128xf32, #tpu.memory_space<hbm>>
      %dma_start3A_1171 = tpu.memref_squeeze %dma_start3A_1170 : memref<1x10000x128xf32, #tpu.memory_space<hbm>> -> memref<10000x128xf32, #tpu.memory_space<hbm>>
      %dma_start3A_1172 = arith.constant 0 : i32
      %dma_start3A_1173 = arith.constant 0 : i32
      %dma_start3A_1174 = tpu.memref_slice %dma_start3A_1171[%dma_start3A_1172, %dma_start3A_1173] : memref<10000x128xf32, #tpu.memory_space<hbm>> -> memref<10000x128xf32, #tpu.memory_space<hbm>>
      tpu.enqueue_indirect_dma source(%dma_start3A_1174 : memref<10000x128xf32, #tpu.memory_space<hbm>>) target(%arg11 : memref<125x128xf32, #tpu.memory_space<vmem>>) offsets(%dma_start3A_1167 : memref<125xi32, #tpu.memory_space<vmem>>) semaphore(%arg14 : memref<!tpu.dma_semaphore, #tpu.memory_space<semaphore_mem>>)
      %dma_wait3A_1175 = arith.constant 2 : i32
      %dma_wait3A_1176 = arith.constant 0 : i32
      %dma_wait3A_1177 = tpu.memref_slice %arg6[%dma_wait3A_1175, %dma_wait3A_1176] : memref<4x125xi32, #tpu.memory_space<vmem>> -> memref<1x125xi32, #tpu.memory_space<vmem>>
      %dma_wait3A_1178 = tpu.memref_squeeze %dma_wait3A_1177 : memref<1x125xi32, #tpu.memory_space<vmem>> -> memref<125xi32, #tpu.memory_space<vmem>>
      %dma_wait3A_1179 = arith.constant 0 : i32
      %dma_wait3A_1180 = arith.constant 0 : i32
      %dma_wait3A_1181 = tpu.memref_slice %arg2[%arg0, %dma_wait3A_1179, %dma_wait3A_1180] : memref<2x10000x128xf32, #tpu.memory_space<hbm>> -> memref<1x10000x128xf32, #tpu.memory_space<hbm>>
      %dma_wait3A_1182 = tpu.memref_squeeze %dma_wait3A_1181 : memref<1x10000x128xf32, #tpu.memory_space<hbm>> -> memref<10000x128xf32, #tpu.memory_space<hbm>>
      %dma_wait3A_1183 = arith.constant 0 : i32
      %dma_wait3A_1184 = arith.constant 0 : i32
      %dma_wait3A_1185 = tpu.memref_slice %dma_wait3A_1182[%dma_wait3A_1183, %dma_wait3A_1184] : memref<10000x128xf32, #tpu.memory_space<hbm>> -> memref<10000x128xf32, #tpu.memory_space<hbm>>
      tpu.wait_indirect_dma semaphore(%arg13 : memref<!tpu.dma_semaphore, #tpu.memory_space<semaphore_mem>>) src(%dma_wait3A_1185 : memref<10000x128xf32, #tpu.memory_space<hbm>>) dst(%arg10 : memref<125x128xf32, #tpu.memory_space<vmem>>)
      %dma_start3A_1186 = arith.constant 2 : i32
      %dma_start3A_1187 = arith.constant 0 : i32
      %dma_start3A_1188 = tpu.memref_slice %arg8[%dma_start3A_1186, %dma_start3A_1187] : memref<4x125xi32, #tpu.memory_space<vmem>> -> memref<1x125xi32, #tpu.memory_space<vmem>>
      %dma_start3A_1189 = tpu.memref_squeeze %dma_start3A_1188 : memref<1x125xi32, #tpu.memory_space<vmem>> -> memref<125xi32, #tpu.memory_space<vmem>>
      %dma_start3A_1190 = arith.constant 0 : i32
      %dma_start3A_1191 = arith.constant 0 : i32
      %dma_start3A_1192 = tpu.memref_slice %arg12[%dma_start3A_1190, %dma_start3A_1191] : memref<10240x128xf32, #tpu.memory_space<vmem_shared>> -> memref<10240x128xf32, #tpu.memory_space<vmem_shared>>
      tpu.enqueue_indirect_dma source(%arg10 : memref<125x128xf32, #tpu.memory_space<vmem>>) target(%dma_start3A_1192 : memref<10240x128xf32, #tpu.memory_space<vmem_shared>>) offsets(%dma_start3A_1189 : memref<125xi32, #tpu.memory_space<vmem>>) semaphore(%arg15 : memref<!tpu.dma_semaphore, #tpu.memory_space<semaphore_mem>>) {add = true}
    }
    %scan3A_316 = arith.constant 19 : i32
    %dma_wait3A_317 = arith.constant 0 : i32
    %dma_wait3A_318 = arith.constant 0 : i32
    %dma_wait3A_319 = arith.constant 0 : i32
    %dma_wait3A_320 = arith.constant 0 : i32
    %dma_wait3A_321 = arith.constant 0 : i32
    %dma_wait3A_322 = arith.constant 0 : i32
    %dma_wait3A_323 = arith.constant 0 : i32
    %dma_wait3A_324 = tpu.memref_slice %arg3[%dma_wait3A_317, %dma_wait3A_320, %dma_wait3A_321, %dma_wait3A_322, %dma_wait3A_323] : memref<2x32x20x4x125xi32, #tpu.memory_space<hbm>> -> memref<1x32x20x4x125xi32, #tpu.memory_space<hbm>>
    %dma_wait3A_325 = tpu.memref_squeeze %dma_wait3A_324 : memref<1x32x20x4x125xi32, #tpu.memory_space<hbm>> -> memref<32x20x4x125xi32, #tpu.memory_space<hbm>>
    %dma_wait3A_326 = arith.constant 0 : i32
    %dma_wait3A_327 = arith.constant 0 : i32
    %dma_wait3A_328 = arith.constant 0 : i32
    %dma_wait3A_329 = tpu.memref_slice %dma_wait3A_325[%dma_wait3A_318, %dma_wait3A_326, %dma_wait3A_327, %dma_wait3A_328] : memref<32x20x4x125xi32, #tpu.memory_space<hbm>> -> memref<1x20x4x125xi32, #tpu.memory_space<hbm>>
    %dma_wait3A_330 = tpu.memref_squeeze %dma_wait3A_329 : memref<1x20x4x125xi32, #tpu.memory_space<hbm>> -> memref<20x4x125xi32, #tpu.memory_space<hbm>>
    %dma_wait3A_331 = arith.constant 0 : i32
    %dma_wait3A_332 = arith.constant 0 : i32
    %dma_wait3A_333 = tpu.memref_slice %dma_wait3A_330[%dma_wait3A_319, %dma_wait3A_331, %dma_wait3A_332] : memref<20x4x125xi32, #tpu.memory_space<hbm>> -> memref<1x4x125xi32, #tpu.memory_space<hbm>>
    %dma_wait3A_334 = tpu.memref_squeeze %dma_wait3A_333 : memref<1x4x125xi32, #tpu.memory_space<hbm>> -> memref<4x125xi32, #tpu.memory_space<hbm>>
    %dma_wait3A_335 = arith.constant 0 : i32
    %dma_wait3A_336 = arith.constant 0 : i32
    %dma_wait3A_337 = arith.constant 0 : i32
    %dma_wait3A_338 = arith.constant 0 : i32
    %dma_wait3A_339 = tpu.memref_slice %arg3[%dma_wait3A_317, %dma_wait3A_335, %dma_wait3A_336, %dma_wait3A_337, %dma_wait3A_338] : memref<2x32x20x4x125xi32, #tpu.memory_space<hbm>> -> memref<1x32x20x4x125xi32, #tpu.memory_space<hbm>>
    %dma_wait3A_340 = tpu.memref_squeeze %dma_wait3A_339 : memref<1x32x20x4x125xi32, #tpu.memory_space<hbm>> -> memref<32x20x4x125xi32, #tpu.memory_space<hbm>>
    %dma_wait3A_341 = arith.constant 0 : i32
    %dma_wait3A_342 = arith.constant 0 : i32
    %dma_wait3A_343 = arith.constant 0 : i32
    %dma_wait3A_344 = tpu.memref_slice %dma_wait3A_340[%dma_wait3A_318, %dma_wait3A_341, %dma_wait3A_342, %dma_wait3A_343] : memref<32x20x4x125xi32, #tpu.memory_space<hbm>> -> memref<1x20x4x125xi32, #tpu.memory_space<hbm>>
    %dma_wait3A_345 = tpu.memref_squeeze %dma_wait3A_344 : memref<1x20x4x125xi32, #tpu.memory_space<hbm>> -> memref<20x4x125xi32, #tpu.memory_space<hbm>>
    %dma_wait3A_346 = arith.constant 0 : i32
    %dma_wait3A_347 = arith.constant 0 : i32
    %dma_wait3A_348 = tpu.memref_slice %dma_wait3A_345[%dma_wait3A_319, %dma_wait3A_346, %dma_wait3A_347] : memref<20x4x125xi32, #tpu.memory_space<hbm>> -> memref<1x4x125xi32, #tpu.memory_space<hbm>>
    %dma_wait3A_349 = tpu.memref_squeeze %dma_wait3A_348 : memref<1x4x125xi32, #tpu.memory_space<hbm>> -> memref<4x125xi32, #tpu.memory_space<hbm>>
    tpu.wait_dma2 semaphore(%arg18 : memref<!tpu.dma_semaphore, #tpu.memory_space<semaphore_mem>>) src(%dma_wait3A_349 : memref<4x125xi32, #tpu.memory_space<hbm>>) dst(%arg7 : memref<4x125xi32, #tpu.memory_space<vmem>>)
    %dma_wait3A_350 = arith.constant 1 : i32
    %dma_wait3A_351 = arith.constant 0 : i32
    %dma_wait3A_352 = arith.constant 0 : i32
    %dma_wait3A_353 = arith.constant 0 : i32
    %dma_wait3A_354 = arith.constant 0 : i32
    %dma_wait3A_355 = arith.constant 0 : i32
    %dma_wait3A_356 = arith.constant 0 : i32
    %dma_wait3A_357 = tpu.memref_slice %arg3[%dma_wait3A_350, %dma_wait3A_353, %dma_wait3A_354, %dma_wait3A_355, %dma_wait3A_356] : memref<2x32x20x4x125xi32, #tpu.memory_space<hbm>> -> memref<1x32x20x4x125xi32, #tpu.memory_space<hbm>>
    %dma_wait3A_358 = tpu.memref_squeeze %dma_wait3A_357 : memref<1x32x20x4x125xi32, #tpu.memory_space<hbm>> -> memref<32x20x4x125xi32, #tpu.memory_space<hbm>>
    %dma_wait3A_359 = arith.constant 0 : i32
    %dma_wait3A_360 = arith.constant 0 : i32
    %dma_wait3A_361 = arith.constant 0 : i32
    %dma_wait3A_362 = tpu.memref_slice %dma_wait3A_358[%dma_wait3A_351, %dma_wait3A_359, %dma_wait3A_360, %dma_wait3A_361] : memref<32x20x4x125xi32, #tpu.memory_space<hbm>> -> memref<1x20x4x125xi32, #tpu.memory_space<hbm>>
    %dma_wait3A_363 = tpu.memref_squeeze %dma_wait3A_362 : memref<1x20x4x125xi32, #tpu.memory_space<hbm>> -> memref<20x4x125xi32, #tpu.memory_space<hbm>>
    %dma_wait3A_364 = arith.constant 0 : i32
    %dma_wait3A_365 = arith.constant 0 : i32
    %dma_wait3A_366 = tpu.memref_slice %dma_wait3A_363[%dma_wait3A_352, %dma_wait3A_364, %dma_wait3A_365] : memref<20x4x125xi32, #tpu.memory_space<hbm>> -> memref<1x4x125xi32, #tpu.memory_space<hbm>>
    %dma_wait3A_367 = tpu.memref_squeeze %dma_wait3A_366 : memref<1x4x125xi32, #tpu.memory_space<hbm>> -> memref<4x125xi32, #tpu.memory_space<hbm>>
    %dma_wait3A_368 = arith.constant 0 : i32
    %dma_wait3A_369 = arith.constant 0 : i32
    %dma_wait3A_370 = arith.constant 0 : i32
    %dma_wait3A_371 = arith.constant 0 : i32
    %dma_wait3A_372 = tpu.memref_slice %arg3[%dma_wait3A_350, %dma_wait3A_368, %dma_wait3A_369, %dma_wait3A_370, %dma_wait3A_371] : memref<2x32x20x4x125xi32, #tpu.memory_space<hbm>> -> memref<1x32x20x4x125xi32, #tpu.memory_space<hbm>>
    %dma_wait3A_373 = tpu.memref_squeeze %dma_wait3A_372 : memref<1x32x20x4x125xi32, #tpu.memory_space<hbm>> -> memref<32x20x4x125xi32, #tpu.memory_space<hbm>>
    %dma_wait3A_374 = arith.constant 0 : i32
    %dma_wait3A_375 = arith.constant 0 : i32
    %dma_wait3A_376 = arith.constant 0 : i32
    %dma_wait3A_377 = tpu.memref_slice %dma_wait3A_373[%dma_wait3A_351, %dma_wait3A_374, %dma_wait3A_375, %dma_wait3A_376] : memref<32x20x4x125xi32, #tpu.memory_space<hbm>> -> memref<1x20x4x125xi32, #tpu.memory_space<hbm>>
    %dma_wait3A_378 = tpu.memref_squeeze %dma_wait3A_377 : memref<1x20x4x125xi32, #tpu.memory_space<hbm>> -> memref<20x4x125xi32, #tpu.memory_space<hbm>>
    %dma_wait3A_379 = arith.constant 0 : i32
    %dma_wait3A_380 = arith.constant 0 : i32
    %dma_wait3A_381 = tpu.memref_slice %dma_wait3A_378[%dma_wait3A_352, %dma_wait3A_379, %dma_wait3A_380] : memref<20x4x125xi32, #tpu.memory_space<hbm>> -> memref<1x4x125xi32, #tpu.memory_space<hbm>>
    %dma_wait3A_382 = tpu.memref_squeeze %dma_wait3A_381 : memref<1x4x125xi32, #tpu.memory_space<hbm>> -> memref<4x125xi32, #tpu.memory_space<hbm>>
    tpu.wait_dma2 semaphore(%arg18 : memref<!tpu.dma_semaphore, #tpu.memory_space<semaphore_mem>>) src(%dma_wait3A_382 : memref<4x125xi32, #tpu.memory_space<hbm>>) dst(%arg9 : memref<4x125xi32, #tpu.memory_space<vmem>>)
    %dma_wait3A_383 = arith.constant 2 : i32
    %dma_wait3A_384 = arith.constant 0 : i32
    %dma_wait3A_385 = tpu.memref_slice %arg8[%dma_wait3A_383, %dma_wait3A_384] : memref<4x125xi32, #tpu.memory_space<vmem>> -> memref<1x125xi32, #tpu.memory_space<vmem>>
    %dma_wait3A_386 = tpu.memref_squeeze %dma_wait3A_385 : memref<1x125xi32, #tpu.memory_space<vmem>> -> memref<125xi32, #tpu.memory_space<vmem>>
    %dma_wait3A_387 = arith.constant 0 : i32
    %dma_wait3A_388 = arith.constant 0 : i32
    %dma_wait3A_389 = tpu.memref_slice %arg12[%dma_wait3A_387, %dma_wait3A_388] : memref<10240x128xf32, #tpu.memory_space<vmem_shared>> -> memref<10240x128xf32, #tpu.memory_space<vmem_shared>>
    tpu.wait_indirect_dma semaphore(%arg15 : memref<!tpu.dma_semaphore, #tpu.memory_space<semaphore_mem>>) src(%arg10 : memref<125x128xf32, #tpu.memory_space<vmem>>) dst(%dma_wait3A_389 : memref<10240x128xf32, #tpu.memory_space<vmem_shared>>)
    %dma_start3A_390 = arith.constant 0 : i32
    %dma_start3A_391 = arith.constant 0 : i32
    %dma_start3A_392 = tpu.memref_slice %arg7[%dma_start3A_390, %dma_start3A_391] : memref<4x125xi32, #tpu.memory_space<vmem>> -> memref<1x125xi32, #tpu.memory_space<vmem>>
    %dma_start3A_393 = tpu.memref_squeeze %dma_start3A_392 : memref<1x125xi32, #tpu.memory_space<vmem>> -> memref<125xi32, #tpu.memory_space<vmem>>
    %dma_start3A_394 = arith.constant 0 : i32
    %dma_start3A_395 = arith.constant 0 : i32
    %dma_start3A_396 = tpu.memref_slice %arg2[%arg0, %dma_start3A_394, %dma_start3A_395] : memref<2x10000x128xf32, #tpu.memory_space<hbm>> -> memref<1x10000x128xf32, #tpu.memory_space<hbm>>
    %dma_start3A_397 = tpu.memref_squeeze %dma_start3A_396 : memref<1x10000x128xf32, #tpu.memory_space<hbm>> -> memref<10000x128xf32, #tpu.memory_space<hbm>>
    %dma_start3A_398 = arith.constant 0 : i32
    %dma_start3A_399 = arith.constant 0 : i32
    %dma_start3A_400 = tpu.memref_slice %dma_start3A_397[%dma_start3A_398, %dma_start3A_399] : memref<10000x128xf32, #tpu.memory_space<hbm>> -> memref<10000x128xf32, #tpu.memory_space<hbm>>
    tpu.enqueue_indirect_dma source(%dma_start3A_400 : memref<10000x128xf32, #tpu.memory_space<hbm>>) target(%arg10 : memref<125x128xf32, #tpu.memory_space<vmem>>) offsets(%dma_start3A_393 : memref<125xi32, #tpu.memory_space<vmem>>) semaphore(%arg13 : memref<!tpu.dma_semaphore, #tpu.memory_space<semaphore_mem>>)
    %dma_wait3A_401 = arith.constant 3 : i32
    %dma_wait3A_402 = arith.constant 0 : i32
    %dma_wait3A_403 = tpu.memref_slice %arg6[%dma_wait3A_401, %dma_wait3A_402] : memref<4x125xi32, #tpu.memory_space<vmem>> -> memref<1x125xi32, #tpu.memory_space<vmem>>
    %dma_wait3A_404 = tpu.memref_squeeze %dma_wait3A_403 : memref<1x125xi32, #tpu.memory_space<vmem>> -> memref<125xi32, #tpu.memory_space<vmem>>
    %dma_wait3A_405 = arith.constant 0 : i32
    %dma_wait3A_406 = arith.constant 0 : i32
    %dma_wait3A_407 = tpu.memref_slice %arg2[%arg0, %dma_wait3A_405, %dma_wait3A_406] : memref<2x10000x128xf32, #tpu.memory_space<hbm>> -> memref<1x10000x128xf32, #tpu.memory_space<hbm>>
    %dma_wait3A_408 = tpu.memref_squeeze %dma_wait3A_407 : memref<1x10000x128xf32, #tpu.memory_space<hbm>> -> memref<10000x128xf32, #tpu.memory_space<hbm>>
    %dma_wait3A_409 = arith.constant 0 : i32
    %dma_wait3A_410 = arith.constant 0 : i32
    %dma_wait3A_411 = tpu.memref_slice %dma_wait3A_408[%dma_wait3A_409, %dma_wait3A_410] : memref<10000x128xf32, #tpu.memory_space<hbm>> -> memref<10000x128xf32, #tpu.memory_space<hbm>>
    tpu.wait_indirect_dma semaphore(%arg14 : memref<!tpu.dma_semaphore, #tpu.memory_space<semaphore_mem>>) src(%dma_wait3A_411 : memref<10000x128xf32, #tpu.memory_space<hbm>>) dst(%arg11 : memref<125x128xf32, #tpu.memory_space<vmem>>)
    %dma_start3A_412 = arith.constant 3 : i32
    %dma_start3A_413 = arith.constant 0 : i32
    %dma_start3A_414 = tpu.memref_slice %arg8[%dma_start3A_412, %dma_start3A_413] : memref<4x125xi32, #tpu.memory_space<vmem>> -> memref<1x125xi32, #tpu.memory_space<vmem>>
    %dma_start3A_415 = tpu.memref_squeeze %dma_start3A_414 : memref<1x125xi32, #tpu.memory_space<vmem>> -> memref<125xi32, #tpu.memory_space<vmem>>
    %dma_start3A_416 = arith.constant 0 : i32
    %dma_start3A_417 = arith.constant 0 : i32
    %dma_start3A_418 = tpu.memref_slice %arg12[%dma_start3A_416, %dma_start3A_417] : memref<10240x128xf32, #tpu.memory_space<vmem_shared>> -> memref<10240x128xf32, #tpu.memory_space<vmem_shared>>
    tpu.enqueue_indirect_dma source(%arg11 : memref<125x128xf32, #tpu.memory_space<vmem>>) target(%dma_start3A_418 : memref<10240x128xf32, #tpu.memory_space<vmem_shared>>) offsets(%dma_start3A_415 : memref<125xi32, #tpu.memory_space<vmem>>) semaphore(%arg16 : memref<!tpu.dma_semaphore, #tpu.memory_space<semaphore_mem>>) {add = true}
    %dma_wait3A_419 = arith.constant 3 : i32
    %dma_wait3A_420 = arith.constant 0 : i32
    %dma_wait3A_421 = tpu.memref_slice %arg8[%dma_wait3A_419, %dma_wait3A_420] : memref<4x125xi32, #tpu.memory_space<vmem>> -> memref<1x125xi32, #tpu.memory_space<vmem>>
    %dma_wait3A_422 = tpu.memref_squeeze %dma_wait3A_421 : memref<1x125xi32, #tpu.memory_space<vmem>> -> memref<125xi32, #tpu.memory_space<vmem>>
    %dma_wait3A_423 = arith.constant 0 : i32
    %dma_wait3A_424 = arith.constant 0 : i32
    %dma_wait3A_425 = tpu.memref_slice %arg12[%dma_wait3A_423, %dma_wait3A_424] : memref<10240x128xf32, #tpu.memory_space<vmem_shared>> -> memref<10240x128xf32, #tpu.memory_space<vmem_shared>>
    tpu.wait_indirect_dma semaphore(%arg16 : memref<!tpu.dma_semaphore, #tpu.memory_space<semaphore_mem>>) src(%arg11 : memref<125x128xf32, #tpu.memory_space<vmem>>) dst(%dma_wait3A_425 : memref<10240x128xf32, #tpu.memory_space<vmem_shared>>)
    %dma_start3A_426 = arith.constant 1 : i32
    %dma_start3A_427 = arith.constant 0 : i32
    %dma_start3A_428 = tpu.memref_slice %arg7[%dma_start3A_426, %dma_start3A_427] : memref<4x125xi32, #tpu.memory_space<vmem>> -> memref<1x125xi32, #tpu.memory_space<vmem>>
    %dma_start3A_429 = tpu.memref_squeeze %dma_start3A_428 : memref<1x125xi32, #tpu.memory_space<vmem>> -> memref<125xi32, #tpu.memory_space<vmem>>
    %dma_start3A_430 = arith.constant 0 : i32
    %dma_start3A_431 = arith.constant 0 : i32
    %dma_start3A_432 = tpu.memref_slice %arg2[%arg0, %dma_start3A_430, %dma_start3A_431] : memref<2x10000x128xf32, #tpu.memory_space<hbm>> -> memref<1x10000x128xf32, #tpu.memory_space<hbm>>
    %dma_start3A_433 = tpu.memref_squeeze %dma_start3A_432 : memref<1x10000x128xf32, #tpu.memory_space<hbm>> -> memref<10000x128xf32, #tpu.memory_space<hbm>>
    %dma_start3A_434 = arith.constant 0 : i32
    %dma_start3A_435 = arith.constant 0 : i32
    %dma_start3A_436 = tpu.memref_slice %dma_start3A_433[%dma_start3A_434, %dma_start3A_435] : memref<10000x128xf32, #tpu.memory_space<hbm>> -> memref<10000x128xf32, #tpu.memory_space<hbm>>
    tpu.enqueue_indirect_dma source(%dma_start3A_436 : memref<10000x128xf32, #tpu.memory_space<hbm>>) target(%arg11 : memref<125x128xf32, #tpu.memory_space<vmem>>) offsets(%dma_start3A_429 : memref<125xi32, #tpu.memory_space<vmem>>) semaphore(%arg14 : memref<!tpu.dma_semaphore, #tpu.memory_space<semaphore_mem>>)
    %dma_wait3A_437 = arith.constant 0 : i32
    %dma_wait3A_438 = arith.constant 0 : i32
    %dma_wait3A_439 = tpu.memref_slice %arg7[%dma_wait3A_437, %dma_wait3A_438] : memref<4x125xi32, #tpu.memory_space<vmem>> -> memref<1x125xi32, #tpu.memory_space<vmem>>
    %dma_wait3A_440 = tpu.memref_squeeze %dma_wait3A_439 : memref<1x125xi32, #tpu.memory_space<vmem>> -> memref<125xi32, #tpu.memory_space<vmem>>
    %dma_wait3A_441 = arith.constant 0 : i32
    %dma_wait3A_442 = arith.constant 0 : i32
    %dma_wait3A_443 = tpu.memref_slice %arg2[%arg0, %dma_wait3A_441, %dma_wait3A_442] : memref<2x10000x128xf32, #tpu.memory_space<hbm>> -> memref<1x10000x128xf32, #tpu.memory_space<hbm>>
    %dma_wait3A_444 = tpu.memref_squeeze %dma_wait3A_443 : memref<1x10000x128xf32, #tpu.memory_space<hbm>> -> memref<10000x128xf32, #tpu.memory_space<hbm>>
    %dma_wait3A_445 = arith.constant 0 : i32
    %dma_wait3A_446 = arith.constant 0 : i32
    %dma_wait3A_447 = tpu.memref_slice %dma_wait3A_444[%dma_wait3A_445, %dma_wait3A_446] : memref<10000x128xf32, #tpu.memory_space<hbm>> -> memref<10000x128xf32, #tpu.memory_space<hbm>>
    tpu.wait_indirect_dma semaphore(%arg13 : memref<!tpu.dma_semaphore, #tpu.memory_space<semaphore_mem>>) src(%dma_wait3A_447 : memref<10000x128xf32, #tpu.memory_space<hbm>>) dst(%arg10 : memref<125x128xf32, #tpu.memory_space<vmem>>)
    %dma_start3A_448 = arith.constant 0 : i32
    %dma_start3A_449 = arith.constant 0 : i32
    %dma_start3A_450 = tpu.memref_slice %arg9[%dma_start3A_448, %dma_start3A_449] : memref<4x125xi32, #tpu.memory_space<vmem>> -> memref<1x125xi32, #tpu.memory_space<vmem>>
    %dma_start3A_451 = tpu.memref_squeeze %dma_start3A_450 : memref<1x125xi32, #tpu.memory_space<vmem>> -> memref<125xi32, #tpu.memory_space<vmem>>
    %dma_start3A_452 = arith.constant 0 : i32
    %dma_start3A_453 = arith.constant 0 : i32
    %dma_start3A_454 = tpu.memref_slice %arg12[%dma_start3A_452, %dma_start3A_453] : memref<10240x128xf32, #tpu.memory_space<vmem_shared>> -> memref<10240x128xf32, #tpu.memory_space<vmem_shared>>
    tpu.enqueue_indirect_dma source(%arg10 : memref<125x128xf32, #tpu.memory_space<vmem>>) target(%dma_start3A_454 : memref<10240x128xf32, #tpu.memory_space<vmem_shared>>) offsets(%dma_start3A_451 : memref<125xi32, #tpu.memory_space<vmem>>) semaphore(%arg15 : memref<!tpu.dma_semaphore, #tpu.memory_space<semaphore_mem>>) {add = true}
    %dma_wait3A_455 = arith.constant 0 : i32
    %dma_wait3A_456 = arith.constant 0 : i32
    %dma_wait3A_457 = tpu.memref_slice %arg9[%dma_wait3A_455, %dma_wait3A_456] : memref<4x125xi32, #tpu.memory_space<vmem>> -> memref<1x125xi32, #tpu.memory_space<vmem>>
    %dma_wait3A_458 = tpu.memref_squeeze %dma_wait3A_457 : memref<1x125xi32, #tpu.memory_space<vmem>> -> memref<125xi32, #tpu.memory_space<vmem>>
    %dma_wait3A_459 = arith.constant 0 : i32
    %dma_wait3A_460 = arith.constant 0 : i32
    %dma_wait3A_461 = tpu.memref_slice %arg12[%dma_wait3A_459, %dma_wait3A_460] : memref<10240x128xf32, #tpu.memory_space<vmem_shared>> -> memref<10240x128xf32, #tpu.memory_space<vmem_shared>>
    tpu.wait_indirect_dma semaphore(%arg15 : memref<!tpu.dma_semaphore, #tpu.memory_space<semaphore_mem>>) src(%arg10 : memref<125x128xf32, #tpu.memory_space<vmem>>) dst(%dma_wait3A_461 : memref<10240x128xf32, #tpu.memory_space<vmem_shared>>)
    %dma_start3A_462 = arith.constant 2 : i32
    %dma_start3A_463 = arith.constant 0 : i32
    %dma_start3A_464 = tpu.memref_slice %arg7[%dma_start3A_462, %dma_start3A_463] : memref<4x125xi32, #tpu.memory_space<vmem>> -> memref<1x125xi32, #tpu.memory_space<vmem>>
    %dma_start3A_465 = tpu.memref_squeeze %dma_start3A_464 : memref<1x125xi32, #tpu.memory_space<vmem>> -> memref<125xi32, #tpu.memory_space<vmem>>
    %dma_start3A_466 = arith.constant 0 : i32
    %dma_start3A_467 = arith.constant 0 : i32
    %dma_start3A_468 = tpu.memref_slice %arg2[%arg0, %dma_start3A_466, %dma_start3A_467] : memref<2x10000x128xf32, #tpu.memory_space<hbm>> -> memref<1x10000x128xf32, #tpu.memory_space<hbm>>
    %dma_start3A_469 = tpu.memref_squeeze %dma_start3A_468 : memref<1x10000x128xf32, #tpu.memory_space<hbm>> -> memref<10000x128xf32, #tpu.memory_space<hbm>>
    %dma_start3A_470 = arith.constant 0 : i32
    %dma_start3A_471 = arith.constant 0 : i32
    %dma_start3A_472 = tpu.memref_slice %dma_start3A_469[%dma_start3A_470, %dma_start3A_471] : memref<10000x128xf32, #tpu.memory_space<hbm>> -> memref<10000x128xf32, #tpu.memory_space<hbm>>
    tpu.enqueue_indirect_dma source(%dma_start3A_472 : memref<10000x128xf32, #tpu.memory_space<hbm>>) target(%arg10 : memref<125x128xf32, #tpu.memory_space<vmem>>) offsets(%dma_start3A_465 : memref<125xi32, #tpu.memory_space<vmem>>) semaphore(%arg13 : memref<!tpu.dma_semaphore, #tpu.memory_space<semaphore_mem>>)
    %dma_wait3A_473 = arith.constant 1 : i32
    %dma_wait3A_474 = arith.constant 0 : i32
    %dma_wait3A_475 = tpu.memref_slice %arg7[%dma_wait3A_473, %dma_wait3A_474] : memref<4x125xi32, #tpu.memory_space<vmem>> -> memref<1x125xi32, #tpu.memory_space<vmem>>
    %dma_wait3A_476 = tpu.memref_squeeze %dma_wait3A_475 : memref<1x125xi32, #tpu.memory_space<vmem>> -> memref<125xi32, #tpu.memory_space<vmem>>
    %dma_wait3A_477 = arith.constant 0 : i32
    %dma_wait3A_478 = arith.constant 0 : i32
    %dma_wait3A_479 = tpu.memref_slice %arg2[%arg0, %dma_wait3A_477, %dma_wait3A_478] : memref<2x10000x128xf32, #tpu.memory_space<hbm>> -> memref<1x10000x128xf32, #tpu.memory_space<hbm>>
    %dma_wait3A_480 = tpu.memref_squeeze %dma_wait3A_479 : memref<1x10000x128xf32, #tpu.memory_space<hbm>> -> memref<10000x128xf32, #tpu.memory_space<hbm>>
    %dma_wait3A_481 = arith.constant 0 : i32
    %dma_wait3A_482 = arith.constant 0 : i32
    %dma_wait3A_483 = tpu.memref_slice %dma_wait3A_480[%dma_wait3A_481, %dma_wait3A_482] : memref<10000x128xf32, #tpu.memory_space<hbm>> -> memref<10000x128xf32, #tpu.memory_space<hbm>>
    tpu.wait_indirect_dma semaphore(%arg14 : memref<!tpu.dma_semaphore, #tpu.memory_space<semaphore_mem>>) src(%dma_wait3A_483 : memref<10000x128xf32, #tpu.memory_space<hbm>>) dst(%arg11 : memref<125x128xf32, #tpu.memory_space<vmem>>)
    %dma_start3A_484 = arith.constant 1 : i32
    %dma_start3A_485 = arith.constant 0 : i32
    %dma_start3A_486 = tpu.memref_slice %arg9[%dma_start3A_484, %dma_start3A_485] : memref<4x125xi32, #tpu.memory_space<vmem>> -> memref<1x125xi32, #tpu.memory_space<vmem>>
    %dma_start3A_487 = tpu.memref_squeeze %dma_start3A_486 : memref<1x125xi32, #tpu.memory_space<vmem>> -> memref<125xi32, #tpu.memory_space<vmem>>
    %dma_start3A_488 = arith.constant 0 : i32
    %dma_start3A_489 = arith.constant 0 : i32
    %dma_start3A_490 = tpu.memref_slice %arg12[%dma_start3A_488, %dma_start3A_489] : memref<10240x128xf32, #tpu.memory_space<vmem_shared>> -> memref<10240x128xf32, #tpu.memory_space<vmem_shared>>
    tpu.enqueue_indirect_dma source(%arg11 : memref<125x128xf32, #tpu.memory_space<vmem>>) target(%dma_start3A_490 : memref<10240x128xf32, #tpu.memory_space<vmem_shared>>) offsets(%dma_start3A_487 : memref<125xi32, #tpu.memory_space<vmem>>) semaphore(%arg16 : memref<!tpu.dma_semaphore, #tpu.memory_space<semaphore_mem>>) {add = true}
    %dma_wait3A_491 = arith.constant 1 : i32
    %dma_wait3A_492 = arith.constant 0 : i32
    %dma_wait3A_493 = tpu.memref_slice %arg9[%dma_wait3A_491, %dma_wait3A_492] : memref<4x125xi32, #tpu.memory_space<vmem>> -> memref<1x125xi32, #tpu.memory_space<vmem>>
    %dma_wait3A_494 = tpu.memref_squeeze %dma_wait3A_493 : memref<1x125xi32, #tpu.memory_space<vmem>> -> memref<125xi32, #tpu.memory_space<vmem>>
    %dma_wait3A_495 = arith.constant 0 : i32
    %dma_wait3A_496 = arith.constant 0 : i32
    %dma_wait3A_497 = tpu.memref_slice %arg12[%dma_wait3A_495, %dma_wait3A_496] : memref<10240x128xf32, #tpu.memory_space<vmem_shared>> -> memref<10240x128xf32, #tpu.memory_space<vmem_shared>>
    tpu.wait_indirect_dma semaphore(%arg16 : memref<!tpu.dma_semaphore, #tpu.memory_space<semaphore_mem>>) src(%arg11 : memref<125x128xf32, #tpu.memory_space<vmem>>) dst(%dma_wait3A_497 : memref<10240x128xf32, #tpu.memory_space<vmem_shared>>)
    %dma_start3A_498 = arith.constant 3 : i32
    %dma_start3A_499 = arith.constant 0 : i32
    %dma_start3A_500 = tpu.memref_slice %arg7[%dma_start3A_498, %dma_start3A_499] : memref<4x125xi32, #tpu.memory_space<vmem>> -> memref<1x125xi32, #tpu.memory_space<vmem>>
    %dma_start3A_501 = tpu.memref_squeeze %dma_start3A_500 : memref<1x125xi32, #tpu.memory_space<vmem>> -> memref<125xi32, #tpu.memory_space<vmem>>
    %dma_start3A_502 = arith.constant 0 : i32
    %dma_start3A_503 = arith.constant 0 : i32
    %dma_start3A_504 = tpu.memref_slice %arg2[%arg0, %dma_start3A_502, %dma_start3A_503] : memref<2x10000x128xf32, #tpu.memory_space<hbm>> -> memref<1x10000x128xf32, #tpu.memory_space<hbm>>
    %dma_start3A_505 = tpu.memref_squeeze %dma_start3A_504 : memref<1x10000x128xf32, #tpu.memory_space<hbm>> -> memref<10000x128xf32, #tpu.memory_space<hbm>>
    %dma_start3A_506 = arith.constant 0 : i32
    %dma_start3A_507 = arith.constant 0 : i32
    %dma_start3A_508 = tpu.memref_slice %dma_start3A_505[%dma_start3A_506, %dma_start3A_507] : memref<10000x128xf32, #tpu.memory_space<hbm>> -> memref<10000x128xf32, #tpu.memory_space<hbm>>
    tpu.enqueue_indirect_dma source(%dma_start3A_508 : memref<10000x128xf32, #tpu.memory_space<hbm>>) target(%arg11 : memref<125x128xf32, #tpu.memory_space<vmem>>) offsets(%dma_start3A_501 : memref<125xi32, #tpu.memory_space<vmem>>) semaphore(%arg14 : memref<!tpu.dma_semaphore, #tpu.memory_space<semaphore_mem>>)
    %dma_wait3A_509 = arith.constant 2 : i32
    %dma_wait3A_510 = arith.constant 0 : i32
    %dma_wait3A_511 = tpu.memref_slice %arg7[%dma_wait3A_509, %dma_wait3A_510] : memref<4x125xi32, #tpu.memory_space<vmem>> -> memref<1x125xi32, #tpu.memory_space<vmem>>
    %dma_wait3A_512 = tpu.memref_squeeze %dma_wait3A_511 : memref<1x125xi32, #tpu.memory_space<vmem>> -> memref<125xi32, #tpu.memory_space<vmem>>
    %dma_wait3A_513 = arith.constant 0 : i32
    %dma_wait3A_514 = arith.constant 0 : i32
    %dma_wait3A_515 = tpu.memref_slice %arg2[%arg0, %dma_wait3A_513, %dma_wait3A_514] : memref<2x10000x128xf32, #tpu.memory_space<hbm>> -> memref<1x10000x128xf32, #tpu.memory_space<hbm>>
    %dma_wait3A_516 = tpu.memref_squeeze %dma_wait3A_515 : memref<1x10000x128xf32, #tpu.memory_space<hbm>> -> memref<10000x128xf32, #tpu.memory_space<hbm>>
    %dma_wait3A_517 = arith.constant 0 : i32
    %dma_wait3A_518 = arith.constant 0 : i32
    %dma_wait3A_519 = tpu.memref_slice %dma_wait3A_516[%dma_wait3A_517, %dma_wait3A_518] : memref<10000x128xf32, #tpu.memory_space<hbm>> -> memref<10000x128xf32, #tpu.memory_space<hbm>>
    tpu.wait_indirect_dma semaphore(%arg13 : memref<!tpu.dma_semaphore, #tpu.memory_space<semaphore_mem>>) src(%dma_wait3A_519 : memref<10000x128xf32, #tpu.memory_space<hbm>>) dst(%arg10 : memref<125x128xf32, #tpu.memory_space<vmem>>)
    %dma_start3A_520 = arith.constant 2 : i32
    %dma_start3A_521 = arith.constant 0 : i32
    %dma_start3A_522 = tpu.memref_slice %arg9[%dma_start3A_520, %dma_start3A_521] : memref<4x125xi32, #tpu.memory_space<vmem>> -> memref<1x125xi32, #tpu.memory_space<vmem>>
    %dma_start3A_523 = tpu.memref_squeeze %dma_start3A_522 : memref<1x125xi32, #tpu.memory_space<vmem>> -> memref<125xi32, #tpu.memory_space<vmem>>
    %dma_start3A_524 = arith.constant 0 : i32
    %dma_start3A_525 = arith.constant 0 : i32
    %dma_start3A_526 = tpu.memref_slice %arg12[%dma_start3A_524, %dma_start3A_525] : memref<10240x128xf32, #tpu.memory_space<vmem_shared>> -> memref<10240x128xf32, #tpu.memory_space<vmem_shared>>
    tpu.enqueue_indirect_dma source(%arg10 : memref<125x128xf32, #tpu.memory_space<vmem>>) target(%dma_start3A_526 : memref<10240x128xf32, #tpu.memory_space<vmem_shared>>) offsets(%dma_start3A_523 : memref<125xi32, #tpu.memory_space<vmem>>) semaphore(%arg15 : memref<!tpu.dma_semaphore, #tpu.memory_space<semaphore_mem>>) {add = true}
    %dma_wait3A_527 = arith.constant 3 : i32
    %dma_wait3A_528 = arith.constant 0 : i32
    %dma_wait3A_529 = tpu.memref_slice %arg7[%dma_wait3A_527, %dma_wait3A_528] : memref<4x125xi32, #tpu.memory_space<vmem>> -> memref<1x125xi32, #tpu.memory_space<vmem>>
    %dma_wait3A_530 = tpu.memref_squeeze %dma_wait3A_529 : memref<1x125xi32, #tpu.memory_space<vmem>> -> memref<125xi32, #tpu.memory_space<vmem>>
    %dma_wait3A_531 = arith.constant 0 : i32
    %dma_wait3A_532 = arith.constant 0 : i32
    %dma_wait3A_533 = tpu.memref_slice %arg2[%arg0, %dma_wait3A_531, %dma_wait3A_532] : memref<2x10000x128xf32, #tpu.memory_space<hbm>> -> memref<1x10000x128xf32, #tpu.memory_space<hbm>>
    %dma_wait3A_534 = tpu.memref_squeeze %dma_wait3A_533 : memref<1x10000x128xf32, #tpu.memory_space<hbm>> -> memref<10000x128xf32, #tpu.memory_space<hbm>>
    %dma_wait3A_535 = arith.constant 0 : i32
    %dma_wait3A_536 = arith.constant 0 : i32
    %dma_wait3A_537 = tpu.memref_slice %dma_wait3A_534[%dma_wait3A_535, %dma_wait3A_536] : memref<10000x128xf32, #tpu.memory_space<hbm>> -> memref<10000x128xf32, #tpu.memory_space<hbm>>
    tpu.wait_indirect_dma semaphore(%arg14 : memref<!tpu.dma_semaphore, #tpu.memory_space<semaphore_mem>>) src(%dma_wait3A_537 : memref<10000x128xf32, #tpu.memory_space<hbm>>) dst(%arg11 : memref<125x128xf32, #tpu.memory_space<vmem>>)
    %dma_start3A_538 = arith.constant 3 : i32
    %dma_start3A_539 = arith.constant 0 : i32
    %dma_start3A_540 = tpu.memref_slice %arg9[%dma_start3A_538, %dma_start3A_539] : memref<4x125xi32, #tpu.memory_space<vmem>> -> memref<1x125xi32, #tpu.memory_space<vmem>>
    %dma_start3A_541 = tpu.memref_squeeze %dma_start3A_540 : memref<1x125xi32, #tpu.memory_space<vmem>> -> memref<125xi32, #tpu.memory_space<vmem>>
    %dma_start3A_542 = arith.constant 0 : i32
    %dma_start3A_543 = arith.constant 0 : i32
    %dma_start3A_544 = tpu.memref_slice %arg12[%dma_start3A_542, %dma_start3A_543] : memref<10240x128xf32, #tpu.memory_space<vmem_shared>> -> memref<10240x128xf32, #tpu.memory_space<vmem_shared>>
    tpu.enqueue_indirect_dma source(%arg11 : memref<125x128xf32, #tpu.memory_space<vmem>>) target(%dma_start3A_544 : memref<10240x128xf32, #tpu.memory_space<vmem_shared>>) offsets(%dma_start3A_541 : memref<125xi32, #tpu.memory_space<vmem>>) semaphore(%arg16 : memref<!tpu.dma_semaphore, #tpu.memory_space<semaphore_mem>>) {add = true}
    %dma_wait3A_545 = arith.constant 2 : i32
    %dma_wait3A_546 = arith.constant 0 : i32
    %dma_wait3A_547 = tpu.memref_slice %arg9[%dma_wait3A_545, %dma_wait3A_546] : memref<4x125xi32, #tpu.memory_space<vmem>> -> memref<1x125xi32, #tpu.memory_space<vmem>>
    %dma_wait3A_548 = tpu.memref_squeeze %dma_wait3A_547 : memref<1x125xi32, #tpu.memory_space<vmem>> -> memref<125xi32, #tpu.memory_space<vmem>>
    %dma_wait3A_549 = arith.constant 0 : i32
    %dma_wait3A_550 = arith.constant 0 : i32
    %dma_wait3A_551 = tpu.memref_slice %arg12[%dma_wait3A_549, %dma_wait3A_550] : memref<10240x128xf32, #tpu.memory_space<vmem_shared>> -> memref<10240x128xf32, #tpu.memory_space<vmem_shared>>
    tpu.wait_indirect_dma semaphore(%arg15 : memref<!tpu.dma_semaphore, #tpu.memory_space<semaphore_mem>>) src(%arg10 : memref<125x128xf32, #tpu.memory_space<vmem>>) dst(%dma_wait3A_551 : memref<10240x128xf32, #tpu.memory_space<vmem_shared>>)
    %dma_wait3A_552 = arith.constant 3 : i32
    %dma_wait3A_553 = arith.constant 0 : i32
    %dma_wait3A_554 = tpu.memref_slice %arg9[%dma_wait3A_552, %dma_wait3A_553] : memref<4x125xi32, #tpu.memory_space<vmem>> -> memref<1x125xi32, #tpu.memory_space<vmem>>
    %dma_wait3A_555 = tpu.memref_squeeze %dma_wait3A_554 : memref<1x125xi32, #tpu.memory_space<vmem>> -> memref<125xi32, #tpu.memory_space<vmem>>
    %dma_wait3A_556 = arith.constant 0 : i32
    %dma_wait3A_557 = arith.constant 0 : i32
    %dma_wait3A_558 = tpu.memref_slice %arg12[%dma_wait3A_556, %dma_wait3A_557] : memref<10240x128xf32, #tpu.memory_space<vmem_shared>> -> memref<10240x128xf32, #tpu.memory_space<vmem_shared>>
    tpu.wait_indirect_dma semaphore(%arg16 : memref<!tpu.dma_semaphore, #tpu.memory_space<semaphore_mem>>) src(%arg11 : memref<125x128xf32, #tpu.memory_space<vmem>>) dst(%dma_wait3A_558 : memref<10240x128xf32, #tpu.memory_space<vmem_shared>>)
    %barrier3A_559 = arith.constant 0 : index
    tpu.barrier barrier_id(%barrier3A_559)
    "tpu.region"() ({
      %run_scoped3A = tpu.sem_alloc : memref<!tpu.dma_semaphore, #tpu.memory_space<semaphore_mem>>
      %dma_start3A_560 = arith.constant 0 : i32
      %dma_start3A_561 = arith.constant 0 : i32
      %dma_start3A_562 = tpu.memref_slice %arg5[%arg0, %dma_start3A_560, %dma_start3A_561] : memref<2x10240x128xf32, #tpu.memory_space<hbm>> -> memref<1x10240x128xf32, #tpu.memory_space<hbm>>
      %dma_start3A_563 = tpu.memref_squeeze %dma_start3A_562 : memref<1x10240x128xf32, #tpu.memory_space<hbm>> -> memref<10240x128xf32, #tpu.memory_space<hbm>>
      %dma_start3A_564 = arith.constant 0 : i32
      %dma_start3A_565 = tpu.memref_slice %dma_start3A_563[%mul3A_0, %dma_start3A_564] : memref<10240x128xf32, #tpu.memory_space<hbm>> -> memref<640x128xf32, #tpu.memory_space<hbm>>
      %dma_start3A_566 = arith.constant 0 : i32
      %dma_start3A_567 = tpu.memref_slice %arg12[%mul3A_0, %dma_start3A_566] : memref<10240x128xf32, #tpu.memory_space<vmem_shared>> -> memref<640x128xf32, #tpu.memory_space<vmem_shared>>
      tpu.enqueue_dma source(%dma_start3A_567 : memref<640x128xf32, #tpu.memory_space<vmem_shared>>) target(%dma_start3A_565 : memref<640x128xf32, #tpu.memory_space<hbm>>) target_semaphore(%run_scoped3A : memref<!tpu.dma_semaphore, #tpu.memory_space<semaphore_mem>>)
      %dma_wait3A_568 = arith.constant 0 : i32
      %dma_wait3A_569 = arith.constant 0 : i32
      %dma_wait3A_570 = tpu.memref_slice %arg5[%arg0, %dma_wait3A_568, %dma_wait3A_569] : memref<2x10240x128xf32, #tpu.memory_space<hbm>> -> memref<1x10240x128xf32, #tpu.memory_space<hbm>>
      %dma_wait3A_571 = tpu.memref_squeeze %dma_wait3A_570 : memref<1x10240x128xf32, #tpu.memory_space<hbm>> -> memref<10240x128xf32, #tpu.memory_space<hbm>>
      %dma_wait3A_572 = arith.constant 0 : i32
      %dma_wait3A_573 = tpu.memref_slice %dma_wait3A_571[%mul3A_0, %dma_wait3A_572] : memref<10240x128xf32, #tpu.memory_space<hbm>> -> memref<640x128xf32, #tpu.memory_space<hbm>>
      %dma_wait3A_574 = arith.constant 0 : i32
      %dma_wait3A_575 = tpu.memref_slice %arg12[%mul3A_0, %dma_wait3A_574] : memref<10240x128xf32, #tpu.memory_space<vmem_shared>> -> memref<640x128xf32, #tpu.memory_space<vmem_shared>>
      tpu.wait_dma2 semaphore(%run_scoped3A : memref<!tpu.dma_semaphore, #tpu.memory_space<semaphore_mem>>) src(%dma_wait3A_575 : memref<640x128xf32, #tpu.memory_space<vmem_shared>>) dst(%dma_wait3A_573 : memref<640x128xf32, #tpu.memory_space<hbm>>)
      tpu.yield
    }) : () -> ()
    return
  }
}

module attributes {stable_mosaic.version = 14 : i64} {
  func.func @_root_body(%arg0: i32, %arg1: memref<2000x128xf32, #tpu.memory_space<vmem>>, %arg2: memref<128x256xf32, #tpu.memory_space<vmem>>, %arg3: memref<1x256xf32, #tpu.memory_space<vmem>>, %arg4: memref<2000x256xf32, #tpu.memory_space<vmem>>) attributes {dimension_semantics = [#tpu.dimension_semantics<arbitrary>], iteration_bounds = array<i64: 5>, scalar_prefetch = 0 : i64, scratch_operands = 0 : i64, tpu.core_type = #tpu.core_type<tc>, window_params = [{transform_indices = @transform_0, window_bounds = array<i64: 2000, 128>}, {pipeline_mode = #tpu.pipeline_mode<synchronous>, transform_indices = @transform_1, window_bounds = array<i64: 128, 256>}, {pipeline_mode = #tpu.pipeline_mode<synchronous>, transform_indices = @transform_2, window_bounds = array<i64: 1, 256>}, {transform_indices = @transform_3, window_bounds = array<i64: 2000, 256>}]} {
    %get3A = arith.constant 0 : index
    %get3A_0 = arith.constant 0 : index
    %get3A_1 = vector.load %arg1[%get3A, %get3A_0] : memref<2000x128xf32, #tpu.memory_space<vmem>>, vector<2000x128xf32>
    %get3A_2 = arith.constant 0 : index
    %get3A_3 = arith.constant 0 : index
    %get3A_4 = vector.load %arg2[%get3A_2, %get3A_3] : memref<128x256xf32, #tpu.memory_space<vmem>>, vector<128x256xf32>
    %dot_general3A = arith.constant dense<0.000000e+00> : vector<2000x256xf32>
    %dot_general3A_5 = tpu.matmul %get3A_1, %get3A_4, %dot_general3A {dimension_numbers = #tpu.dot_dimension_numbers<[1], [0], [0], [1], [0, 0, 1, 1], [], []>, precision = #tpu.contract_precision<fp32>, transpose_lhs_hint = false} : vector<2000x128xf32>, vector<128x256xf32>, vector<2000x256xf32> -> vector<2000x256xf32>
    %get3A_6 = arith.constant 0 : index
    %get3A_7 = arith.constant 0 : index
    %get3A_8 = vector.load %arg3[%get3A_6, %get3A_7] : memref<1x256xf32, #tpu.memory_space<vmem>>, vector<1x256xf32>
    %add3A = vector.broadcast %get3A_8 : vector<1x256xf32> to vector<2000x256xf32>
    %add3A_9 = arith.addf %dot_general3A_5, %add3A : vector<2000x256xf32>
    %swap3A = arith.constant 0 : index
    %swap3A_10 = arith.constant 0 : index
    %swap3A_11 = vector.load %arg4[%swap3A, %swap3A_10] : memref<2000x256xf32, #tpu.memory_space<vmem>>, vector<2000x256xf32>
    tpu.vector_store %arg4[%swap3A, %swap3A_10], %add3A_9 {strides = array<i32>} : memref<2000x256xf32, #tpu.memory_space<vmem>>, vector<2000x256xf32>,
    return
  }
  func.func @transform_0(%arg0: i32) -> (i32, i32) {
    %c0_i32 = arith.constant 0 : i32
    %c0_i32_0 = arith.constant 0 : i32
    return %arg0, %c0_i32 : i32, i32
  }
  func.func @transform_1(%arg0: i32) -> (i32, i32) {
    %c0_i32 = arith.constant 0 : i32
    %c0_i32_0 = arith.constant 0 : i32
    %c0_i32_1 = arith.constant 0 : i32
    return %c0_i32, %c0_i32_0 : i32, i32
  }
  func.func @transform_2(%arg0: i32) -> (i32, i32) {
    %c0_i32 = arith.constant 0 : i32
    %c0_i32_0 = arith.constant 0 : i32
    %c0_i32_1 = arith.constant 0 : i32
    return %c0_i32, %c0_i32_0 : i32, i32
  }
  func.func @transform_3(%arg0: i32) -> (i32, i32) {
    %c0_i32 = arith.constant 0 : i32
    %c0_i32_0 = arith.constant 0 : i32
    return %arg0, %c0_i32 : i32, i32
  }
}

module attributes {stable_mosaic.version = 14 : i64} {
  func.func @_d1_body(%arg0: i32, %arg1: memref<2x2000x128xf32, #tpu.memory_space<vmem>>, %arg2: memref<2000x1xf32, #tpu.memory_space<vmem>>, %arg3: memref<2000x256xf32, #tpu.memory_space<vmem>>, %arg4: memref<128x256xf32, #tpu.memory_space<vmem>>, %arg5: memref<2x2000x128xf32, #tpu.memory_space<vmem>>) attributes {dimension_semantics = [#tpu.dimension_semantics<arbitrary>], iteration_bounds = array<i64: 5>, scalar_prefetch = 0 : i64, scratch_operands = 0 : i64, tpu.core_type = #tpu.core_type<tc>, window_params = [{transform_indices = @transform_0, window_bounds = array<i64: 2, 2000, 128>}, {transform_indices = @transform_1, window_bounds = array<i64: 2000, 1>}, {transform_indices = @transform_2, window_bounds = array<i64: 2000, 256>}, {pipeline_mode = #tpu.pipeline_mode<synchronous>, transform_indices = @transform_3, window_bounds = array<i64: 128, 256>}, {transform_indices = @transform_4, window_bounds = array<i64: 2, 2000, 128>}]} {
    %get3A = arith.constant 0 : index
    %get3A_0 = arith.constant 0 : index
    %get3A_1 = arith.constant 0 : index
    %get3A_2 = vector.load %arg1[%get3A, %get3A_0, %get3A_1] : memref<2x2000x128xf32, #tpu.memory_space<vmem>>, vector<1x2000x128xf32>
    %get3A_3 = vector.shape_cast %get3A_2 : vector<1x2000x128xf32> to vector<2000x128xf32>
    %get3A_4 = arith.constant 1 : index
    %get3A_5 = arith.constant 0 : index
    %get3A_6 = arith.constant 0 : index
    %get3A_7 = vector.load %arg1[%get3A_4, %get3A_5, %get3A_6] : memref<2x2000x128xf32, #tpu.memory_space<vmem>>, vector<1x2000x128xf32>
    %get3A_8 = vector.shape_cast %get3A_7 : vector<1x2000x128xf32> to vector<2000x128xf32>
    %add3A = arith.addf %get3A_3, %get3A_8 : vector<2000x128xf32>
    %get3A_9 = arith.constant 0 : index
    %get3A_10 = arith.constant 0 : index
    %get3A_11 = vector.load %arg4[%get3A_9, %get3A_10] : memref<128x256xf32, #tpu.memory_space<vmem>>, vector<128x256xf32>
    %dot_general3A = arith.constant dense<0.000000e+00> : vector<2000x256xf32>
    %dot_general3A_12 = tpu.matmul %add3A, %get3A_11, %dot_general3A {dimension_numbers = #tpu.dot_dimension_numbers<[1], [0], [0], [1], [0, 0, 1, 1], [], []>, precision = #tpu.contract_precision<fp32>, transpose_lhs_hint = false} : vector<2000x128xf32>, vector<128x256xf32>, vector<2000x256xf32> -> vector<2000x256xf32>
    %get3A_13 = arith.constant 0 : index
    %get3A_14 = arith.constant 0 : index
    %get3A_15 = vector.load %arg2[%get3A_13, %get3A_14] : memref<2000x1xf32, #tpu.memory_space<vmem>>, vector<2000x1xf32>
    %mul3A = vector.broadcast %get3A_15 : vector<2000x1xf32> to vector<2000x256xf32>
    %mul3A_16 = arith.mulf %dot_general3A_12, %mul3A : vector<2000x256xf32>
    %get3A_17 = arith.constant 0 : index
    %get3A_18 = arith.constant 0 : index
    %get3A_19 = vector.load %arg3[%get3A_17, %get3A_18] : memref<2000x256xf32, #tpu.memory_space<vmem>>, vector<2000x256xf32>
    %add3A_20 = arith.addf %mul3A_16, %get3A_19 : vector<2000x256xf32>
    %max3A = arith.constant 0.000000e+00 : f32
    %max3A_21 = vector.broadcast %max3A : f32 to vector<2000x256xf32>
    %max3A_22 = arith.maximumf %add3A_20, %max3A_21 : vector<2000x256xf32>
    %slice3A = vector.extract_strided_slice %max3A_22 {offsets = [0, 0], sizes = [2000, 128], strides = [1, 1]} : vector<2000x256xf32> to vector<2000x128xf32>
    %swap3A = arith.constant 0 : index
    %swap3A_23 = arith.constant 0 : index
    %swap3A_24 = arith.constant 0 : index
    %swap3A_25 = vector.load %arg5[%swap3A, %swap3A_23, %swap3A_24] : memref<2x2000x128xf32, #tpu.memory_space<vmem>>, vector<1x2000x128xf32>
    %swap3A_26 = vector.shape_cast %swap3A_25 : vector<1x2000x128xf32> to vector<2000x128xf32>
    %swap3A_27 = vector.shape_cast %slice3A : vector<2000x128xf32> to vector<1x2000x128xf32>
    tpu.vector_store %arg5[%swap3A, %swap3A_23, %swap3A_24], %swap3A_27 {strides = array<i32>} : memref<2x2000x128xf32, #tpu.memory_space<vmem>>, vector<1x2000x128xf32>,
    %slice3A_28 = vector.extract_strided_slice %max3A_22 {offsets = [0, 128], sizes = [2000, 128], strides = [1, 1]} : vector<2000x256xf32> to vector<2000x128xf32>
    %swap3A_29 = arith.constant 1 : index
    %swap3A_30 = arith.constant 0 : index
    %swap3A_31 = arith.constant 0 : index
    %swap3A_32 = vector.load %arg5[%swap3A_29, %swap3A_30, %swap3A_31] : memref<2x2000x128xf32, #tpu.memory_space<vmem>>, vector<1x2000x128xf32>
    %swap3A_33 = vector.shape_cast %swap3A_32 : vector<1x2000x128xf32> to vector<2000x128xf32>
    %swap3A_34 = vector.shape_cast %slice3A_28 : vector<2000x128xf32> to vector<1x2000x128xf32>
    tpu.vector_store %arg5[%swap3A_29, %swap3A_30, %swap3A_31], %swap3A_34 {strides = array<i32>} : memref<2x2000x128xf32, #tpu.memory_space<vmem>>, vector<1x2000x128xf32>,
    return
  }
  func.func @transform_0(%arg0: i32) -> (i32, i32, i32) {
    %c0_i32 = arith.constant 0 : i32
    %c0_i32_0 = arith.constant 0 : i32
    %c0_i32_1 = arith.constant 0 : i32
    return %c0_i32, %arg0, %c0_i32_0 : i32, i32, i32
  }
  func.func @transform_1(%arg0: i32) -> (i32, i32) {
    %c0_i32 = arith.constant 0 : i32
    %c0_i32_0 = arith.constant 0 : i32
    return %arg0, %c0_i32 : i32, i32
  }
  func.func @transform_2(%arg0: i32) -> (i32, i32) {
    %c0_i32 = arith.constant 0 : i32
    %c0_i32_0 = arith.constant 0 : i32
    return %arg0, %c0_i32 : i32, i32
  }
  func.func @transform_3(%arg0: i32) -> (i32, i32) {
    %c0_i32 = arith.constant 0 : i32
    %c0_i32_0 = arith.constant 0 : i32
    %c0_i32_1 = arith.constant 0 : i32
    return %c0_i32, %c0_i32_0 : i32, i32
  }
  func.func @transform_4(%arg0: i32) -> (i32, i32, i32) {
    %c0_i32 = arith.constant 0 : i32
    %c0_i32_0 = arith.constant 0 : i32
    %c0_i32_1 = arith.constant 0 : i32
    return %c0_i32, %arg0, %c0_i32_0 : i32, i32, i32
  }
}

module attributes {stable_mosaic.version = 14 : i64} {
  func.func @_root2_body(%arg0: i32, %arg1: memref<2x2000x128xf32, #tpu.memory_space<vmem>>, %arg2: memref<256x256xf32, #tpu.memory_space<vmem>>, %arg3: memref<1x256xf32, #tpu.memory_space<vmem>>, %arg4: memref<2000x256xf32, #tpu.memory_space<vmem>>) attributes {dimension_semantics = [#tpu.dimension_semantics<arbitrary>], iteration_bounds = array<i64: 5>, scalar_prefetch = 0 : i64, scratch_operands = 0 : i64, tpu.core_type = #tpu.core_type<tc>, window_params = [{transform_indices = @transform_0, window_bounds = array<i64: 2, 2000, 128>}, {pipeline_mode = #tpu.pipeline_mode<synchronous>, transform_indices = @transform_1, window_bounds = array<i64: 256, 256>}, {pipeline_mode = #tpu.pipeline_mode<synchronous>, transform_indices = @transform_2, window_bounds = array<i64: 1, 256>}, {transform_indices = @transform_3, window_bounds = array<i64: 2000, 256>}]} {
    %get3A = arith.constant 0 : index
    %get3A_0 = arith.constant 0 : index
    %get3A_1 = arith.constant 0 : index
    %get3A_2 = vector.load %arg1[%get3A, %get3A_0, %get3A_1] : memref<2x2000x128xf32, #tpu.memory_space<vmem>>, vector<1x2000x128xf32>
    %get3A_3 = vector.shape_cast %get3A_2 : vector<1x2000x128xf32> to vector<2000x128xf32>
    %get3A_4 = arith.constant 1 : index
    %get3A_5 = arith.constant 0 : index
    %get3A_6 = arith.constant 0 : index
    %get3A_7 = vector.load %arg1[%get3A_4, %get3A_5, %get3A_6] : memref<2x2000x128xf32, #tpu.memory_space<vmem>>, vector<1x2000x128xf32>
    %get3A_8 = vector.shape_cast %get3A_7 : vector<1x2000x128xf32> to vector<2000x128xf32>
    %concatenate3A = tpu.concatenate %get3A_3, %get3A_8 in 1 : vector<2000x128xf32>, vector<2000x128xf32> -> vector<2000x256xf32>
    %get3A_9 = arith.constant 0 : index
    %get3A_10 = arith.constant 0 : index
    %get3A_11 = vector.load %arg2[%get3A_9, %get3A_10] : memref<256x256xf32, #tpu.memory_space<vmem>>, vector<256x256xf32>
    %dot_general3A = arith.constant dense<0.000000e+00> : vector<2000x256xf32>
    %dot_general3A_12 = tpu.matmul %concatenate3A, %get3A_11, %dot_general3A {dimension_numbers = #tpu.dot_dimension_numbers<[1], [0], [0], [1], [0, 0, 1, 1], [], []>, precision = #tpu.contract_precision<fp32>, transpose_lhs_hint = false} : vector<2000x256xf32>, vector<256x256xf32>, vector<2000x256xf32> -> vector<2000x256xf32>
    %get3A_13 = arith.constant 0 : index
    %get3A_14 = arith.constant 0 : index
    %get3A_15 = vector.load %arg3[%get3A_13, %get3A_14] : memref<1x256xf32, #tpu.memory_space<vmem>>, vector<1x256xf32>
    %add3A = vector.broadcast %get3A_15 : vector<1x256xf32> to vector<2000x256xf32>
    %add3A_16 = arith.addf %dot_general3A_12, %add3A : vector<2000x256xf32>
    %swap3A = arith.constant 0 : index
    %swap3A_17 = arith.constant 0 : index
    %swap3A_18 = vector.load %arg4[%swap3A, %swap3A_17] : memref<2000x256xf32, #tpu.memory_space<vmem>>, vector<2000x256xf32>
    tpu.vector_store %arg4[%swap3A, %swap3A_17], %add3A_16 {strides = array<i32>} : memref<2000x256xf32, #tpu.memory_space<vmem>>, vector<2000x256xf32>,
    return
  }
  func.func @transform_0(%arg0: i32) -> (i32, i32, i32) {
    %c0_i32 = arith.constant 0 : i32
    %c0_i32_0 = arith.constant 0 : i32
    %c0_i32_1 = arith.constant 0 : i32
    return %c0_i32, %arg0, %c0_i32_0 : i32, i32, i32
  }
  func.func @transform_1(%arg0: i32) -> (i32, i32) {
    %c0_i32 = arith.constant 0 : i32
    %c0_i32_0 = arith.constant 0 : i32
    %c0_i32_1 = arith.constant 0 : i32
    return %c0_i32, %c0_i32_0 : i32, i32
  }
  func.func @transform_2(%arg0: i32) -> (i32, i32) {
    %c0_i32 = arith.constant 0 : i32
    %c0_i32_0 = arith.constant 0 : i32
    %c0_i32_1 = arith.constant 0 : i32
    return %c0_i32, %c0_i32_0 : i32, i32
  }
  func.func @transform_3(%arg0: i32) -> (i32, i32) {
    %c0_i32 = arith.constant 0 : i32
    %c0_i32_0 = arith.constant 0 : i32
    return %arg0, %c0_i32 : i32, i32
  }
}

module attributes {stable_mosaic.version = 14 : i64} {
  func.func @_d2_body(%arg0: i32, %arg1: memref<2x2000x128xf32, #tpu.memory_space<vmem>>, %arg2: memref<2000x1xf32, #tpu.memory_space<vmem>>, %arg3: memref<2000x256xf32, #tpu.memory_space<vmem>>, %arg4: memref<256x256xf32, #tpu.memory_space<vmem>>, %arg5: memref<256x64xf32, #tpu.memory_space<vmem>>, %arg6: memref<1x64xf32, #tpu.memory_space<vmem>>, %arg7: memref<2000x64xf32, #tpu.memory_space<vmem>>) attributes {dimension_semantics = [#tpu.dimension_semantics<arbitrary>], iteration_bounds = array<i64: 5>, scalar_prefetch = 0 : i64, scratch_operands = 0 : i64, tpu.core_type = #tpu.core_type<tc>, window_params = [{transform_indices = @transform_0, window_bounds = array<i64: 2, 2000, 128>}, {transform_indices = @transform_1, window_bounds = array<i64: 2000, 1>}, {transform_indices = @transform_2, window_bounds = array<i64: 2000, 256>}, {pipeline_mode = #tpu.pipeline_mode<synchronous>, transform_indices = @transform_3, window_bounds = array<i64: 256, 256>}, {pipeline_mode = #tpu.pipeline_mode<synchronous>, transform_indices = @transform_4, window_bounds = array<i64: 256, 64>}, {pipeline_mode = #tpu.pipeline_mode<synchronous>, transform_indices = @transform_5, window_bounds = array<i64: 1, 64>}, {transform_indices = @transform_6, window_bounds = array<i64: 2000, 64>}]} {
    %get3A = arith.constant 0 : index
    %get3A_0 = arith.constant 0 : index
    %get3A_1 = arith.constant 0 : index
    %get3A_2 = vector.load %arg1[%get3A, %get3A_0, %get3A_1] : memref<2x2000x128xf32, #tpu.memory_space<vmem>>, vector<1x2000x128xf32>
    %get3A_3 = vector.shape_cast %get3A_2 : vector<1x2000x128xf32> to vector<2000x128xf32>
    %get3A_4 = arith.constant 1 : index
    %get3A_5 = arith.constant 0 : index
    %get3A_6 = arith.constant 0 : index
    %get3A_7 = vector.load %arg1[%get3A_4, %get3A_5, %get3A_6] : memref<2x2000x128xf32, #tpu.memory_space<vmem>>, vector<1x2000x128xf32>
    %get3A_8 = vector.shape_cast %get3A_7 : vector<1x2000x128xf32> to vector<2000x128xf32>
    %concatenate3A = tpu.concatenate %get3A_3, %get3A_8 in 1 : vector<2000x128xf32>, vector<2000x128xf32> -> vector<2000x256xf32>
    %get3A_9 = arith.constant 0 : index
    %get3A_10 = arith.constant 0 : index
    %get3A_11 = vector.load %arg4[%get3A_9, %get3A_10] : memref<256x256xf32, #tpu.memory_space<vmem>>, vector<256x256xf32>
    %dot_general3A = arith.constant dense<0.000000e+00> : vector<2000x256xf32>
    %dot_general3A_12 = tpu.matmul %concatenate3A, %get3A_11, %dot_general3A {dimension_numbers = #tpu.dot_dimension_numbers<[1], [0], [0], [1], [0, 0, 1, 1], [], []>, precision = #tpu.contract_precision<fp32>, transpose_lhs_hint = false} : vector<2000x256xf32>, vector<256x256xf32>, vector<2000x256xf32> -> vector<2000x256xf32>
    %get3A_13 = arith.constant 0 : index
    %get3A_14 = arith.constant 0 : index
    %get3A_15 = vector.load %arg2[%get3A_13, %get3A_14] : memref<2000x1xf32, #tpu.memory_space<vmem>>, vector<2000x1xf32>
    %mul3A = vector.broadcast %get3A_15 : vector<2000x1xf32> to vector<2000x256xf32>
    %mul3A_16 = arith.mulf %dot_general3A_12, %mul3A : vector<2000x256xf32>
    %get3A_17 = arith.constant 0 : index
    %get3A_18 = arith.constant 0 : index
    %get3A_19 = vector.load %arg3[%get3A_17, %get3A_18] : memref<2000x256xf32, #tpu.memory_space<vmem>>, vector<2000x256xf32>
    %add3A = arith.addf %mul3A_16, %get3A_19 : vector<2000x256xf32>
    %max3A = arith.constant 0.000000e+00 : f32
    %max3A_20 = vector.broadcast %max3A : f32 to vector<2000x256xf32>
    %max3A_21 = arith.maximumf %add3A, %max3A_20 : vector<2000x256xf32>
    %get3A_22 = arith.constant 0 : index
    %get3A_23 = arith.constant 0 : index
    %get3A_24 = vector.load %arg5[%get3A_22, %get3A_23] : memref<256x64xf32, #tpu.memory_space<vmem>>, vector<256x64xf32>
    %dot_general3A_25 = arith.constant dense<0.000000e+00> : vector<2000x64xf32>
    %dot_general3A_26 = tpu.matmul %max3A_21, %get3A_24, %dot_general3A_25 {dimension_numbers = #tpu.dot_dimension_numbers<[1], [0], [0], [1], [0, 0, 1, 1], [], []>, precision = #tpu.contract_precision<fp32>, transpose_lhs_hint = false} : vector<2000x256xf32>, vector<256x64xf32>, vector<2000x64xf32> -> vector<2000x64xf32>
    %get3A_27 = arith.constant 0 : index
    %get3A_28 = arith.constant 0 : index
    %get3A_29 = vector.load %arg6[%get3A_27, %get3A_28] : memref<1x64xf32, #tpu.memory_space<vmem>>, vector<1x64xf32>
    %add3A_30 = vector.broadcast %get3A_29 : vector<1x64xf32> to vector<2000x64xf32>
    %add3A_31 = arith.addf %dot_general3A_26, %add3A_30 : vector<2000x64xf32>
    %reduce_max3A = arith.constant dense<0xFF800000> : vector<2000xf32>
    %reduce_max3A_32 = vector.multi_reduction <maximumf>, %add3A_31, %reduce_max3A [1] : vector<2000x64xf32> to vector<2000xf32>
    %broadcast_in_dim3A = vector.shape_cast %reduce_max3A_32 : vector<2000xf32> to vector<2000x1xf32>
    %sub3A = vector.broadcast %broadcast_in_dim3A : vector<2000x1xf32> to vector<2000x64xf32>
    %sub3A_33 = arith.subf %add3A_31, %sub3A : vector<2000x64xf32>
    %exp3A = math.exp %sub3A_33 : vector<2000x64xf32>
    %reduce_sum3A = arith.constant dense<0.000000e+00> : vector<2000xf32>
    %reduce_sum3A_34 = vector.multi_reduction <add>, %exp3A, %reduce_sum3A [1] : vector<2000x64xf32> to vector<2000xf32>
    %broadcast_in_dim3A_35 = vector.shape_cast %reduce_sum3A_34 : vector<2000xf32> to vector<2000x1xf32>
    %log3A = math.log %broadcast_in_dim3A_35 : vector<2000x1xf32>
    %sub3A_36 = vector.broadcast %log3A : vector<2000x1xf32> to vector<2000x64xf32>
    %sub3A_37 = arith.subf %sub3A_33, %sub3A_36 : vector<2000x64xf32>
    %swap3A = arith.constant 0 : index
    %swap3A_38 = arith.constant 0 : index
    %swap3A_39 = vector.load %arg7[%swap3A, %swap3A_38] : memref<2000x64xf32, #tpu.memory_space<vmem>>, vector<2000x64xf32>
    tpu.vector_store %arg7[%swap3A, %swap3A_38], %sub3A_37 {strides = array<i32>} : memref<2000x64xf32, #tpu.memory_space<vmem>>, vector<2000x64xf32>,
    return
  }
  func.func @transform_0(%arg0: i32) -> (i32, i32, i32) {
    %c0_i32 = arith.constant 0 : i32
    %c0_i32_0 = arith.constant 0 : i32
    %c0_i32_1 = arith.constant 0 : i32
    return %c0_i32, %arg0, %c0_i32_0 : i32, i32, i32
  }
  func.func @transform_1(%arg0: i32) -> (i32, i32) {
    %c0_i32 = arith.constant 0 : i32
    %c0_i32_0 = arith.constant 0 : i32
    return %arg0, %c0_i32 : i32, i32
  }
  func.func @transform_2(%arg0: i32) -> (i32, i32) {
    %c0_i32 = arith.constant 0 : i32
    %c0_i32_0 = arith.constant 0 : i32
    return %arg0, %c0_i32 : i32, i32
  }
  func.func @transform_3(%arg0: i32) -> (i32, i32) {
    %c0_i32 = arith.constant 0 : i32
    %c0_i32_0 = arith.constant 0 : i32
    %c0_i32_1 = arith.constant 0 : i32
    return %c0_i32, %c0_i32_0 : i32, i32
  }
  func.func @transform_4(%arg0: i32) -> (i32, i32) {
    %c0_i32 = arith.constant 0 : i32
    %c0_i32_0 = arith.constant 0 : i32
    %c0_i32_1 = arith.constant 0 : i32
    return %c0_i32, %c0_i32_0 : i32, i32
  }
  func.func @transform_5(%arg0: i32) -> (i32, i32) {
    %c0_i32 = arith.constant 0 : i32
    %c0_i32_0 = arith.constant 0 : i32
    %c0_i32_1 = arith.constant 0 : i32
    return %c0_i32, %c0_i32_0 : i32, i32
  }
  func.func @transform_6(%arg0: i32) -> (i32, i32) {
    %c0_i32 = arith.constant 0 : i32
    %c0_i32_0 = arith.constant 0 : i32
    return %arg0, %c0_i32 : i32, i32
  }
}

</mosaic_0001>

<sc_bundles>
// kernel: kernel.11.cloned.1.call-start
scs
__scs_entry_jumppad:
0x0: {  	(pc) =	sbr.rel $0x88, $3  }
0x1: {  	(tag) =	ssettag $0x0;
	lr =	simm.s32 $0x1  }
0x2: {  	[smem:$0x3F97] =	sst lr;
	_ =	strace $0xD0000000  }
0x3: {  	_ = 	snop  }
0x4: {  	_ = 	snop  }
0x5: {  	_ = 	snop  }
0x6: {  	_ = 	snop  }
0x7: {  	_ = 	snop  }
__scs_overlays_trampoline_lowered:
0x8: {  	[smem:$0x3FA6] =	sst s0  }
0x9: {  	[smem:$0x3FA7] =	sst s1  }
0xa: {  	[smem:$0x3FA8] =	sst s2  }
0xb: {  	[smem:$0x3FA9] =	sst s3  }
0xc: {  	[smem:$0x3FAA] =	sst s4  }
0xd: {  	[smem:$0x3FAB] =	sst s5  }
0xe: {  	[smem:$0x3FAC] =	sst s6  }
0xf: {  	[smem:$0x3FAD] =	sst s7  }
0x10: {  	[smem:$0x3FAE] =	sst s8  }
0x11: {  	[smem:$0x3FAF] =	sst s9;
	s0 =	simm.s32 @!p0 $0x0  }
0x12: {  	s1 =	sld [smem:$0x3F95];
	s0 =	simm.s32 @p0 $0x1  }
0x13: {  	[smem:$0x3FB0] =	sst s0;
	s0 =	simm.s32 @!p1 $0x0  }
0x14: {  	s2 =	sld [smem:$0x3F94];
	s0 =	simm.s32 @p1 $0x1  }
0x15: {  	[smem:$0x3FB1] =	sst s0;
	s0 =	simm.s32 @!p2 $0x0  }
0x16: {  	s3 =	sld [smem:$0x3FDB];
	s0 =	simm.s32 @p2 $0x1  }
0x17: {  	s4 =	simm.s32 $0x1BF5;
	[smem:$0x3FB3] =	sst s0  }
0x18: {  	s0 =	sld [smem:$0x3F96];
	_ =	swait.ge [sflag:s4], $0x0  }
0x19: {  	s7 =	sld [smem:$0x3F97]  }
0x1a: {  	s8 =	sadd.s32 $0xFFFFE003, lr  }
0x1b: {  	s9 =	sadd.s32 $0xFFFFFEF7, lr;
	s5 =	simm.s32 $0xFFFFFFFF;
	p2 =	slt.u32 s8, $0xFFFFF086  }
0x1c: {  	p1 =	slt.u32 s9, $0xF7A;
	s5 =	simm.s32 @!p2 $0x0  }
0x1d: {  	s5 =	simm.s32 @p1 $0x1;
	p0 =	seq.s32 s7, s2  }
0x1e: {  	s7 =	smul.u32 @!p0 $0xF7A, s2;
	p2 =	seq.s32 @!p0 s5, $0x0  }
0x1f: {  	s9 =	smul.u32 $0xF7A, s1;
	s8 =	simm.s32 @!p0 $0x1BF5;
	p2 =	por !p2, p0  }
0x20: {  	[sflag:s8] =	ssyncset.s32 @!p0 $0xFFFFF086;
	s6 =	sadd.s32 @!p0 s3, s7;
	s7 =	simm.s32 @!p0 $0x108  }
0x21: {  	s3 =	sadd.s32 s3, s9;
	s6 =	sadd.s32 @!p0 $0x88, s6;
	s7 =	simm.s32 @p2 $0x1082  }
0x22: {  	[simem:s7], [sflag:s8] =	dma.local @!p0 [hbm:s6], $0xF7A  }
0x23: {  	s9 =	sor.u32 $0xD0000000, s2;
	s6 =	simm.s32 $0x108;
	_ =	swait.ge @!p0 [sflag:s8], $0x0  }
0x24: {  	s3 =	sadd.s32 $0x88, s3;
	s6 =	simm.s32 @!p1 $0x1082;
	[sflag:s4] =	ssyncset.s32 $0xFFFFF086  }
0x25: {  	[simem:s6], [sflag:s4] =	dma.local [hbm:s3], $0xF7A  }
0x26: {  	[smem:$0x3F97] =	sst s1;
	(tag) =	ssettag s2;
	_ =	strace s9  }
0x27: {  	s1 =	sld [smem:$0x3FA7]  }
0x28: {  	s2 =	sld [smem:$0x3FA8]  }
0x29: {  	s4 =	sld [smem:$0x3FAA]  }
0x2a: {  	p0 =	seq.s32 s5, $0x0;
	s5 =	sld [smem:$0x3FAB]  }
0x2b: {  	s6 =	sld [smem:$0x3FAC]  }
0x2c: {  	s7 =	sld [smem:$0x3FAD]  }
0x2d: {  	s3 =	simm.s32 $0x108;
	s8 =	sld [smem:$0x3FAE]  }
0x2e: {  	s3 =	simm.s32 @!p0 $0x1082;
	s9 =	sld [smem:$0x3FAF]  }
0x2f: {  	lr =	sadd.s32 s0, s3;
	s0 =	sld [smem:$0x3FA6]  }
0x30: {  	s3 =	sld [smem:$0x3FA9]  }
0x31: {  	[smem:$0x3FB2] =	sst s10  }
0x32: {  	s10 =	sld [smem:$0x3FB0];
	_ =	sdelay $0x3  }
0x33: {  	p0 =	seq.s32 s10, $0x1;
	s10 =	sld [smem:$0x3FB2];
	_ =	sdelay $0x3  }
0x34: {  	[smem:$0x3FB2] =	sst s10  }
0x35: {  	s10 =	sld [smem:$0x3FB1];
	_ =	sdelay $0x3  }
0x36: {  	p1 =	seq.s32 s10, $0x1;
	s10 =	sld [smem:$0x3FB2];
	_ =	sdelay $0x3  }
0x37: {  	[smem:$0x3FB2] =	sst s10  }
0x38: {  	s10 =	sld [smem:$0x3FB3]  }
0x39: {  	_ = 	snop;
	(pc) =	sbr.ind lr, $3  }
0x3a: {  	_ = 	snop  }
0x3b: {  	_ = 	snop  }
0x3c: {  	p2 =	seq.s32 s10, $0x1;
	s10 =	sld [smem:$0x3FB2]  }
0x3d: {  	_ =	shalt  }
0x3e: {  	_ =	shalt  }
0x3f: {  	_ =	shalt  }
0x40: {  	_ =	shalt  }
0x41: {  	_ =	shalt  }
0x42: {  	_ =	shalt  }
0x43: {  	_ =	shalt  }
0x44: {  	_ =	shalt  }
0x45: {  	_ =	shalt  }
0x46: {  	_ =	shalt  }
0x47: {  	_ =	shalt  }
0x48: {  	_ =	shalt  }
0x49: {  	_ =	shalt  }
0x4a: {  	_ =	shalt  }
0x4b: {  	_ =	shalt  }
0x4c: {  	_ =	shalt  }
0x4d: {  	_ =	shalt  }
0x4e: {  	_ =	shalt  }
0x4f: {  	_ =	shalt  }
0x50: {  	_ =	shalt  }
0x51: {  	_ =	shalt  }
0x52: {  	_ =	shalt  }
0x53: {  	_ =	shalt  }
0x54: {  	_ =	shalt  }
0x55: {  	_ =	shalt  }
0x56: {  	_ =	shalt  }
0x57: {  	_ =	shalt  }
0x58: {  	_ =	shalt  }
0x59: {  	_ =	shalt  }
0x5a: {  	_ =	shalt  }
0x5b: {  	_ =	shalt  }
0x5c: {  	_ =	shalt  }
0x5d: {  	_ =	shalt  }
0x5e: {  	_ =	shalt  }
0x5f: {  	_ =	shalt  }
0x60: {  	_ =	shalt  }
0x61: {  	_ =	shalt  }
0x62: {  	_ =	shalt  }
0x63: {  	_ =	shalt  }
0x64: {  	_ =	shalt  }
0x65: {  	_ =	shalt  }
0x66: {  	_ =	shalt  }
0x67: {  	_ =	shalt  }
0x68: {  	_ =	shalt  }
0x69: {  	_ =	shalt  }
0x6a: {  	_ =	shalt  }
0x6b: {  	_ =	shalt  }
0x6c: {  	_ =	shalt  }
0x6d: {  	_ =	shalt  }
0x6e: {  	_ =	shalt  }
0x6f: {  	_ =	shalt  }
0x70: {  	_ =	shalt  }
0x71: {  	_ =	shalt  }
0x72: {  	_ =	shalt  }
0x73: {  	_ =	shalt  }
0x74: {  	_ =	shalt  }
0x75: {  	_ =	shalt  }
0x76: {  	_ =	shalt  }
0x77: {  	_ =	shalt  }
0x78: {  	_ =	shalt  }
0x79: {  	_ =	shalt  }
0x7a: {  	_ =	shalt  }
0x7b: {  	_ =	shalt  }
0x7c: {  	_ =	shalt  }
0x7d: {  	_ =	shalt  }
0x7e: {  	_ =	shalt  }
0x7f: {  	_ =	shalt  }
0x80: {  	_ =	shalt  }
0x81: {  	_ =	shalt  }
0x82: {  	_ =	shalt  }
0x83: {  	_ =	shalt  }
0x84: {  	_ =	shalt  }
0x85: {  	_ =	shalt  }
0x86: {  	_ =	shalt  }
0x87: {  	_ =	shalt  }
.Lfunc_end0:
.L_simem_size_0:
called_computation.1_lowered:
.L_overlay_start_0:
0x88: {  	s2 =	sld [smem:$0x3FD9]  }
0x89: {  	s3 =	sld [smem:$0x3FFE];
	_ =	sdelay $0x1  }
0x8a: {  	s1 =	srdreg.scid  }
0x8b: {  	s0 =	sand.u32 $0x1, s1  }
0x8c: {  	s17 =	sshll.u32 s0, $0xA;
	s2 =	sadd.s32 s3, s2  }
0x8d: {  	s2 =	sadd.s32 s2, s17  }
0x8e: {  	[smem:$0x3FBE] =	sst s2  }
0x8f: {  	_ = 	snop  }
0x90: {  	s2 =	sld [smem:$0x3FD0];
	(tm) =	ssettm $0x1  }
0x91: {  	s18 =	sld [smem:$0x3FFB];
	_ =	sdelay $0x3  }
0x92: {  	_ =	strace s18  }
0x93: {  	s3 =	sld [smem:$0x3FFC];
	_ =	sdelay $0x3  }
0x94: {  	_ =	strace s3  }
0x95: {  	s3 =	sld [smem:$0x3FFD];
	_ =	sdelay $0x3  }
0x96: {  	_ =	strace s3  }
0x97: {  	_ =	strace $0x8FFFFFFF  }
0x98: {  	s19 =	sld [smem:$0x3FDB];
	_ =	sdelay $0x1  }
0x99: {  	s4 =	simm.s32 $_scs_section_size  }
0x9a: {  	s5 =	simm.s32 $_size__tile_overlayer_lowered;
	s6 =	simm.s32 $_tile_overlayer_lowered  }
0x9b: {  	s22 =	simm.s32 $0x1BFF;
	s21 =	sshll.u32 s6, $0x1;
	s3 =	sadd.s32 s4, s19  }
0x9c: {  	s7 =	simm.s32 $0x0;
	s20 =	sshll.u32 s5, $0x1;
	s5 =	sadd.s32 s21, s3  }
0x9d: {  	[timem:s7], [sflag:s22] =	dma.local [hbm:s5], s20  }
0x9e: {  	_ =	swait.ge [sflag:s22], s20  }
0x9f: {  	s4 =	ssub.s32 $0x0, s20;
	[sflag:s22] =	ssyncset.done $0x0  }
0xa0: {  	[sflag:s22] =	ssyncadd.s32 s4;
	_ =	sdelay $0x1  }
0xa1: {  	s23 =	simm.s32 $0x1B8B  }
0xa2: {  	_ =	swait.ge [sflag:s23], $0x1  }
0xa3: {  	[sflag:s23] =	ssyncset.done $0x0  }
0xa4: {  	s25 =	simm.s32 $0x1B8E;
	s24 =	sld [smem:$0x3FFE];
	[sflag:s23] =	ssyncadd.s32 $0xFFFFFFFF  }
0xa5: {  	s26 =	simm.s32 $execute0_lowered;
	[smem:$0x3FD2] =	sst s25  }
0xa6: {  	s5 =	sshll.u32 s26, $0x1;
	_ =	strace $0x80000049;
	[dreg:$0x1] =	wrdreg $0xFFFFFFFF  }
0xa7: {  	s28 =	simm.s32 $_size_execute0_lowered;
	s3 =	sadd.s32 s3, s5;
	[dreg:$0x0] =	wrdreg $0x0  }
0xa8: {  	s5 =	sshll.u32 s28, $0x1;
	[dreg:$0x2] =	wrdreg s3  }
0xa9: {  	[dreg:$0x3] =	wrdreg s5  }
0xaa: {  	[dreg:$0x4] =	wrdreg $0xC0  }
0xab: {  	_ =	task [dreg:s7], $0x5FFFF  }
0xac: {  	[dreg:$0x1] =	wrdreg $0xFFFFFFFF  }
0xad: {  	[dreg:$0x0] =	wrdreg $0x60  }
0xae: {  	[dreg:$0x2] =	wrdreg s24  }
0xaf: {  	[dreg:$0x3] =	wrdreg s2  }
0xb0: {  	[dreg:$0x4] =	wrdreg $0x88000  }
0xb1: {  	[dreg:$0x5] =	wrdreg $0x9  }
0xb2: {  	_ =	task.clear_ibuf [dreg:s7], $0x6FFFF;
	_ =	strace $0x90000049  }
0xb3: {  	s29 =	simm.s32 $0x9;
	_ =	strace $0x8000004B  }
0xb4: {  	_ =	swait.ge [sflag:s29], $0x1  }
0xb5: {  	[sflag:s29] =	ssyncadd.s32 $0xFFFFFFFF  }
0xb6: {  	_ =	strace $0x9000004B  }
0xb7: {  	_ =	sfence  }
0xb8: {  	s30 =	sld [smem:$0x0];
	_ =	sdelay $0x2  }
0xb9: {  	s31 =	sshll.u32 s1, $0xD;
	s1 =	sshrl.u32 s1, $0x2  }
0xba: {  	s3 =	sand.u32 $0x4000, s31;
	s1 =	sadd.s32 s1, s30  }
0xbb: {  	s0 =	sor.u32 s3, s0;
	s1 =	sshll.u32 s1, $0x11  }
0xbc: {  	s0 =	sor.u32 s1, s0  }
0xbd: {  	s0 =	sadd.s32 $0x8F2B, s0  }
0xbe: {  	[sflag:s0] =	ssyncadd.remote.s32 $0x1  }
0xbf: {  	_ =	sfence.sel $0xFFFF  }
0xc0: {  	[dreg:$0x0] =	wrdreg $0xFFFFFFFF;
	(pc) =	sbr.abs _section_cstart, $3  }
0xc1: {  	[dreg:$0x1] =	wrdreg $0xFFFFFFFF  }
0xc2: {  	_ =	task.clear_ibuf [dreg:s7], $0x2FFFF;
	_ =	strace $0x9FFFFFFF  }
0xc3: {  	(tm) =	ssettm $0x7FFFFFFF  }
tec
execute0_lowered:
.L_overlay_start_1:
0x0: {  	(tag) =	ssettag $0x1  }
0x1: {  	s0 =	rddreg [dreg:$0x0]  }
0x2: {  	s2 =	rddreg [dreg:$0x2];
	s1 =	srdreg.scid;
	s3 =	simm.s32 $0x0  }
0x3: {  	s11 =	stileid.u32;
	s14 =	simm.s32 $0x400;
	s15 =	simm.s32 $0x5  }
0x4: {  	s16 =	simm.s32 $0x7D;
	s17 =	simm.s32 $0x800;
	s29 =	simm.s32 $0x80  }
0x5: {  	s19 =	simm.s32 $0x4800;
	s20 =	simm.s32 $0x1;
	s21 =	simm.s32 $0x3  }
0x6: {  	s23 =	simm.s32 $0x200;
	s31 =	simm.s32 $0x100;
	s7 =	smul.u32 $0x50000, s11  }
0x7: {  	s28 =	simm.s32 $0x2;
	s30 =	simm.s32 $0x4;
	s10 =	smul.u32 $0xA00, s11  }
0x8: {  	s1 =	sand.u32 $0x1, s1;
	[smem:$0x7FF] =	sst s3;
	s22 =	smul.u32 $0x2800, s11  }
0x9: {  	s5 =	sadd.s32 $0x2E00, s0;
	s26 =	sshll.u32 s11, $0x6;
	s4 =	smul.u32 $0x27100, s1  }
0xa: {  	s9 =	sshll.u32 s11, $0x1;
	s11 =	simm.s32 $0x780;
	s6 =	smul.u32 $0x28000, s1  }
0xb: {  	_ =	strace $0x8000004A;
	s1 =	ssub.s32 $0x2, s1;
	s12 =	sor.u32 $0x1C07, s26  }
0xc: {  	[dreg:$0x4] =	wrdreg s9;
	s26 =	simm.s32 $0x7;
	s8 =	sshrl.u32 s1, $0x1  }
0xd: {  	s7 =	sshrl.u32 s7, $0x2;
	s13 =	sadd.s32 s5, s10;
	[dreg:$0x5] =	wrdreg s12  }
0xe: {  	s4 =	sadd.s32 s4, s0;
	s6 =	sadd.s32 s6, s0;
	s1 =	ssub.s32 s1, s8  }
0xf: {  	s7 =	sadd.s32 s7, s2;
	s8 =	sadd.s32 $0xCE00, s0;
	[dreg:$0x6] =	wrdreg s13  }
0x10: {  	s25 =	sadd.s32 $0x40, s13;
	s13 =	simm.s32 $0x0;
	s9 =	sadd.s32 $0x16E00, s4  }
0x11: {  	s6 =	sadd.s32 $0x65000, s6;
	s1 =	smax.u32 s1, $0x1;
	s18 =	sshrl.u32 s7, $0x3  }
0x12: {  	s24 =	sadd.s32 s10, s8;
	[dreg:$0xa] =	wrdreg s25;
	s25 =	simm.s32 $0x600  }
0x13: {  	s10 =	simm.s32 $0x180;
	s4 =	simm.s32 $0x6;
	[dreg:$0x7] =	wrdreg s1  }
0x14: {  	s7 =	simm.s32 $0x300;
	[dreg:$0x9] =	wrdreg s24;
	s0 =	sadd.s32 s22, s6  }
0x15: {  	s1 =	simm.s32 $0x480;
	s22 =	simm.s32 $0x680;
	[dreg:$0x8] =	wrdreg s18  }
0x16: {  	s24 =	simm.s32 $0x380;
	s6 =	simm.s32 $0x700;
	[dreg:$0xb] =	wrdreg s0  }
.LBB2_1:
0x17: {  	[dreg:$0xc] =	wrdreg s13  }
0x18: {  	s0 =	rddreg [dreg:$0x1]  }
0x19: {  	[spmem:s18], [sflag:s12] =	dma.local [hbm:s0], $0x2800  }
0x1a: {  	_ =	swait.ge [sflag:s26], $0x2800  }
0x1b: {  	[sflag:s26] =	ssyncset.done $0x0  }
0x1c: {  	[sflag:s26] =	ssyncadd.s32 $0xFFFFD800  }
0x1d: {  	[bflag:$0x0] =	sbarrier.arrive $0xFFFF  }
0x1e: {  	s13 =	rddreg [dreg:$0x6]  }
0x1f: {  	[tilespmem:s3], [sflag:$0x5] =	stream.linear.gather [hbm4b:s13+s3], $0x200, $0x38;
	[tilespmem:$0x1C800] =	vst v63  }
0x20: {  	s18 =	rddreg [dreg:$0x9]  }
0x21: {  	[tilespmem:s14], [sflag:$0x5] =	stream.linear.gather [hbm4b:s18+s3], $0x200, $0x38;
	[tilespmem:$0x1C800] =	vst v63  }
0x22: {  	_ =	swait.ge [sflag:s15], $0x200  }
0x23: {  	[sflag:s15] =	ssyncset.done $0x0  }
0x24: {  	[sflag:s15] =	ssyncadd.s32 $0xFFFFFE00  }
0x25: {  	_ =	swait.ge [sflag:s15], $0x200  }
0x26: {  	[sflag:s15] =	ssyncset.done $0x0  }
0x27: {  	[sflag:s15] =	ssyncadd.s32 $0xFFFFFE00  }
0x28: {  	[tilespmem:s17], [sflag:$0x1] =	stream.indirect.gather [hbm4b:s9+s16], $0x80, s3, s16, $0xb8;
	[tilespmem:$0x1C800] =	vst v63  }
0x29: {  	_ = 	snop  }
0x2a: {  	[tilespmem:s19], [sflag:$0x2] =	stream.indirect.gather [hbm4b:s9+s16], $0x80, s29, s16, $0xb8;
	[tilespmem:$0x1C800] =	vst v63  }
0x2b: {  	_ =	swait.ge [sflag:s20], $0x3E80  }
0x2c: {  	[sflag:s20] =	ssyncset.done $0x0  }
0x2d: {  	[sflag:s20] =	ssyncadd.s32 $0xFFFFC180  }
0x2e: {  	[spmem:s2] =	stream.indirect.scatter.add.f32 [tilespmem:s17], [sflag:$0x3], $0x80, s14, s16, $0xb8;
	[tilespmem:$0x1C800] =	vst v63  }
0x2f: {  	_ =	swait.ge [sflag:s21], $0x3E80  }
0x30: {  	[sflag:s21] =	ssyncset.done $0x0  }
0x31: {  	s26 =	rddreg [dreg:$0xa];
	[sflag:s21] =	ssyncadd.s32 $0xFFFFC180  }
0x32: {  	[tilespmem:s23], [sflag:$0x6] =	stream.linear.gather [hbm4b:s26+s3], $0x200, $0x38;
	[tilespmem:$0x1C800] =	vst v63  }
0x33: {  	s0 =	sadd.s32 $0x40, s18  }
0x34: {  	[tilespmem:s25], [sflag:$0x6] =	stream.linear.gather [hbm4b:s0+s3], $0x200, $0x38;
	[tilespmem:$0x1C800] =	vst v63  }
0x35: {  	_ = 	snop  }
0x36: {  	[tilespmem:s17], [sflag:$0x1] =	stream.indirect.gather [hbm4b:s9+s16], $0x80, s31, s16, $0xb8;
	[tilespmem:$0x1C800] =	vst v63  }
0x37: {  	_ =	swait.ge [sflag:s28], $0x3E80  }
0x38: {  	[sflag:s28] =	ssyncset.done $0x0  }
0x39: {  	[sflag:s28] =	ssyncadd.s32 $0xFFFFC180  }
0x3a: {  	[spmem:s2] =	stream.indirect.scatter.add.f32 [tilespmem:s19], [sflag:$0x4], $0x80, s1, s16, $0xb8;
	[tilespmem:$0x1C800] =	vst v63  }
0x3b: {  	_ =	swait.ge [sflag:s30], $0x3E80  }
0x3c: {  	[sflag:s30] =	ssyncset.done $0x0  }
0x3d: {  	[sflag:s30] =	ssyncadd.s32 $0xFFFFC180  }
0x3e: {  	[tilespmem:s19], [sflag:$0x2] =	stream.indirect.gather [hbm4b:s9+s16], $0x80, s10, s16, $0xb8;
	[tilespmem:$0x1C800] =	vst v63  }
0x3f: {  	_ =	swait.ge [sflag:s20], $0x3E80  }
0x40: {  	[sflag:s20] =	ssyncset.done $0x0  }
0x41: {  	s12 =	simm.s32 $0x500;
	[sflag:s20] =	ssyncadd.s32 $0xFFFFC180  }
0x42: {  	[spmem:s2] =	stream.indirect.scatter.add.f32 [tilespmem:s17], [sflag:$0x3], $0x80, s12, s16, $0xb8;
	[tilespmem:$0x1C800] =	vst v63  }
0x43: {  	_ =	swait.ge [sflag:s4], $0x200  }
0x44: {  	[sflag:s4] =	ssyncset.done $0x0  }
0x45: {  	[sflag:s4] =	ssyncadd.s32 $0xFFFFFE00  }
0x46: {  	_ =	swait.ge [sflag:s4], $0x200  }
0x47: {  	[sflag:s4] =	ssyncset.done $0x0  }
0x48: {  	[sflag:s4] =	ssyncadd.s32 $0xFFFFFE00  }
0x49: {  	_ =	swait.ge [sflag:s21], $0x3E80  }
0x4a: {  	[sflag:s21] =	ssyncset.done $0x0  }
0x4b: {  	[sflag:s21] =	ssyncadd.s32 $0xFFFFC180  }
0x4c: {  	[tilespmem:s17], [sflag:$0x1] =	stream.indirect.gather [hbm4b:s9+s16], $0x80, s23, s16, $0xb8;
	[tilespmem:$0x1C800] =	vst v63  }
0x4d: {  	_ =	swait.ge [sflag:s28], $0x3E80  }
0x4e: {  	[sflag:s28] =	ssyncset.done $0x0  }
0x4f: {  	s13 =	simm.s32 $0x580;
	[sflag:s28] =	ssyncadd.s32 $0xFFFFC180  }
0x50: {  	[spmem:s2] =	stream.indirect.scatter.add.f32 [tilespmem:s19], [sflag:$0x4], $0x80, s13, s16, $0xb8;
	[tilespmem:$0x1C800] =	vst v63  }
0x51: {  	_ =	swait.ge [sflag:s30], $0x3E80  }
0x52: {  	[sflag:s30] =	ssyncset.done $0x0  }
0x53: {  	s18 =	simm.s32 $0x280;
	[sflag:s30] =	ssyncadd.s32 $0xFFFFC180  }
0x54: {  	[tilespmem:s19], [sflag:$0x2] =	stream.indirect.gather [hbm4b:s9+s16], $0x80, s18, s16, $0xb8;
	[tilespmem:$0x1C800] =	vst v63  }
0x55: {  	_ =	swait.ge [sflag:s20], $0x3E80  }
0x56: {  	[sflag:s20] =	ssyncset.done $0x0  }
0x57: {  	[sflag:s20] =	ssyncadd.s32 $0xFFFFC180  }
0x58: {  	[spmem:s2] =	stream.indirect.scatter.add.f32 [tilespmem:s17], [sflag:$0x3], $0x80, s25, s16, $0xb8;
	[tilespmem:$0x1C800] =	vst v63  }
0x59: {  	p0 =	por $0x0, $0x0;
	s13 =	simm.s32 $0x1;
	_ =	swait.ge [sflag:s21], $0x3E80  }
0x5a: {  	s13 =	simm.s32 @!p0 $0x0;
	s26 =	rddreg [dreg:$0x4]  }
0x5b: {  	p0 =	por $0x1, $0x1;
	s12 =	sor.u32 s13, s26;
	s13 =	simm.s32 $0x2  }
0x5c: {  	s12 =	smul.u32 $0x500, s12;
	s13 =	simm.s32 @!p0 $0xFFFFFFEE  }
0x5d: {  	s13 =	sadd.s32 $0x0, s13  }
0x5e: {  	[sflag:s21] =	ssyncset.done $0x0;
	s18 =	sadd.s32 s5, s12;
	s13 =	sshll.u32 s13, $0x6  }
0x5f: {  	[sflag:s21] =	ssyncadd.s32 $0xFFFFC180;
	s12 =	sadd.s32 s8, s12;
	s0 =	sadd.s32 s13, s18  }
0x60: {  	[tilespmem:s3], [sflag:$0x5] =	stream.linear.gather [hbm4b:s0+s3], $0x200, $0x38;
	[tilespmem:$0x1C800] =	vst v63  }
0x61: {  	s13 =	sadd.s32 s13, s12  }
0x62: {  	[tilespmem:s14], [sflag:$0x5] =	stream.linear.gather [hbm4b:s13+s3], $0x200, $0x38;
	[tilespmem:$0x1C800] =	vst v63  }
0x63: {  	_ = 	snop  }
0x64: {  	[tilespmem:s17], [sflag:$0x1] =	stream.indirect.gather [hbm4b:s9+s16], $0x80, s7, s16, $0xb8;
	[tilespmem:$0x1C800] =	vst v63  }
0x65: {  	_ =	swait.ge [sflag:s28], $0x3E80  }
0x66: {  	[sflag:s28] =	ssyncset.done $0x0  }
0x67: {  	[sflag:s28] =	ssyncadd.s32 $0xFFFFC180  }
0x68: {  	[spmem:s2] =	stream.indirect.scatter.add.f32 [tilespmem:s19], [sflag:$0x4], $0x80, s22, s16, $0xb8;
	[tilespmem:$0x1C800] =	vst v63  }
0x69: {  	_ =	swait.ge [sflag:s30], $0x3E80  }
0x6a: {  	[sflag:s30] =	ssyncset.done $0x0  }
0x6b: {  	[sflag:s30] =	ssyncadd.s32 $0xFFFFC180  }
0x6c: {  	[tilespmem:s19], [sflag:$0x2] =	stream.indirect.gather [hbm4b:s9+s16], $0x80, s24, s16, $0xb8;
	[tilespmem:$0x1C800] =	vst v63  }
0x6d: {  	_ =	swait.ge [sflag:s20], $0x3E80  }
0x6e: {  	[sflag:s20] =	ssyncset.done $0x0  }
0x6f: {  	[sflag:s20] =	ssyncadd.s32 $0xFFFFC180  }
0x70: {  	[spmem:s2] =	stream.indirect.scatter.add.f32 [tilespmem:s17], [sflag:$0x3], $0x80, s6, s16, $0xb8;
	[tilespmem:$0x1C800] =	vst v63  }
0x71: {  	_ =	swait.ge [sflag:s15], $0x200  }
0x72: {  	[sflag:s15] =	ssyncset.done $0x0  }
0x73: {  	[sflag:s15] =	ssyncadd.s32 $0xFFFFFE00  }
0x74: {  	_ =	swait.ge [sflag:s15], $0x200  }
0x75: {  	[sflag:s15] =	ssyncset.done $0x0  }
0x76: {  	[sflag:s15] =	ssyncadd.s32 $0xFFFFFE00  }
0x77: {  	_ =	swait.ge [sflag:s21], $0x3E80  }
0x78: {  	[sflag:s21] =	ssyncset.done $0x0  }
0x79: {  	[sflag:s21] =	ssyncadd.s32 $0xFFFFC180  }
0x7a: {  	[tilespmem:s17], [sflag:$0x1] =	stream.indirect.gather [hbm4b:s9+s16], $0x80, s3, s16, $0xb8;
	[tilespmem:$0x1C800] =	vst v63  }
0x7b: {  	_ =	swait.ge [sflag:s28], $0x3E80  }
0x7c: {  	[sflag:s28] =	ssyncset.done $0x0  }
0x7d: {  	[sflag:s28] =	ssyncadd.s32 $0xFFFFC180  }
0x7e: {  	[spmem:s2] =	stream.indirect.scatter.add.f32 [tilespmem:s19], [sflag:$0x4], $0x80, s11, s16, $0xb8;
	[tilespmem:$0x1C800] =	vst v63  }
0x7f: {  	_ =	swait.ge [sflag:s30], $0x3E80  }
0x80: {  	[sflag:s30] =	ssyncset.done $0x0  }
0x81: {  	[sflag:s30] =	ssyncadd.s32 $0xFFFFC180  }
0x82: {  	[tilespmem:s19], [sflag:$0x2] =	stream.indirect.gather [hbm4b:s9+s16], $0x80, s29, s16, $0xb8;
	[tilespmem:$0x1C800] =	vst v63  }
0x83: {  	_ =	swait.ge [sflag:s20], $0x3E80  }
0x84: {  	s13 =	simm.s32 $0x3;
	[sflag:s20] =	ssyncset.done $0x0  }
0x85: {  	s13 =	simm.s32 @!p0 $0xFFFFFFEF;
	[sflag:s20] =	ssyncadd.s32 $0xFFFFC180  }
0x86: {  	[spmem:s2] =	stream.indirect.scatter.add.f32 [tilespmem:s17], [sflag:$0x3], $0x80, s14, s16, $0xb8;
	[tilespmem:$0x1C800] =	vst v63  }
0x87: {  	s13 =	sadd.s32 $0x0, s13;
	_ =	swait.ge [sflag:s21], $0x3E80  }
0x88: {  	s13 =	sshll.u32 s13, $0x6;
	[sflag:s21] =	ssyncset.done $0x0  }
0x89: {  	s18 =	sadd.s32 s13, s18;
	[sflag:s21] =	ssyncadd.s32 $0xFFFFC180  }
0x8a: {  	[tilespmem:s23], [sflag:$0x6] =	stream.linear.gather [hbm4b:s18+s3], $0x200, $0x38;
	[tilespmem:$0x1C800] =	vst v63  }
0x8b: {  	s12 =	sadd.s32 s13, s12  }
0x8c: {  	[tilespmem:s25], [sflag:$0x6] =	stream.linear.gather [hbm4b:s12+s3], $0x200, $0x38;
	[tilespmem:$0x1C800] =	vst v63  }
0x8d: {  	_ = 	snop  }
0x8e: {  	[tilespmem:s17], [sflag:$0x1] =	stream.indirect.gather [hbm4b:s9+s16], $0x80, s31, s16, $0xb8;
	[tilespmem:$0x1C800] =	vst v63  }
0x8f: {  	_ =	swait.ge [sflag:s28], $0x3E80  }
0x90: {  	[sflag:s28] =	ssyncset.done $0x0  }
0x91: {  	s1 =	simm.s32 $0x480;
	[sflag:s28] =	ssyncadd.s32 $0xFFFFC180  }
0x92: {  	[spmem:s2] =	stream.indirect.scatter.add.f32 [tilespmem:s19], [sflag:$0x4], $0x80, s1, s16, $0xb8;
	[tilespmem:$0x1C800] =	vst v63  }
0x93: {  	_ =	swait.ge [sflag:s30], $0x3E80  }
0x94: {  	[sflag:s30] =	ssyncset.done $0x0  }
0x95: {  	s10 =	simm.s32 $0x180;
	[sflag:s30] =	ssyncadd.s32 $0xFFFFC180  }
0x96: {  	[tilespmem:s19], [sflag:$0x2] =	stream.indirect.gather [hbm4b:s9+s16], $0x80, s10, s16, $0xb8;
	[tilespmem:$0x1C800] =	vst v63  }
0x97: {  	_ =	swait.ge [sflag:s20], $0x3E80  }
0x98: {  	[sflag:s20] =	ssyncset.done $0x0  }
0x99: {  	s13 =	simm.s32 $0x2;
	s12 =	simm.s32 $0x1;
	[sflag:s20] =	ssyncadd.s32 $0xFFFFC180  }
.LBB2_2:
0x9a: {  	s0 =	simm.s32 $0x500  }
0x9b: {  	[spmem:s2] =	stream.indirect.scatter.add.f32 [tilespmem:s17], [sflag:$0x3], $0x80, s0, s16, $0xb8;
	[tilespmem:$0x1C800] =	vst v63  }
0x9c: {  	_ =	swait.ge [sflag:s4], $0x200  }
0x9d: {  	[sflag:s4] =	ssyncset.done $0x0  }
0x9e: {  	[sflag:s4] =	ssyncadd.s32 $0xFFFFFE00  }
0x9f: {  	_ =	swait.ge [sflag:s4], $0x200  }
0xa0: {  	[sflag:s4] =	ssyncset.done $0x0  }
0xa1: {  	[sflag:s4] =	ssyncadd.s32 $0xFFFFFE00  }
0xa2: {  	_ =	swait.ge [sflag:s21], $0x3E80  }
0xa3: {  	[sflag:s21] =	ssyncset.done $0x0  }
0xa4: {  	[sflag:s21] =	ssyncadd.s32 $0xFFFFC180  }
0xa5: {  	[tilespmem:s17], [sflag:$0x1] =	stream.indirect.gather [hbm4b:s9+s16], $0x80, s23, s16, $0xb8;
	[tilespmem:$0x1C800] =	vst v63  }
0xa6: {  	_ =	swait.ge [sflag:s28], $0x3E80  }
0xa7: {  	[sflag:s28] =	ssyncset.done $0x0  }
0xa8: {  	s26 =	simm.s32 $0x580;
	[sflag:s28] =	ssyncadd.s32 $0xFFFFC180  }
0xa9: {  	[spmem:s2] =	stream.indirect.scatter.add.f32 [tilespmem:s19], [sflag:$0x4], $0x80, s26, s16, $0xb8;
	[tilespmem:$0x1C800] =	vst v63  }
0xaa: {  	_ =	swait.ge [sflag:s30], $0x3E80  }
0xab: {  	[sflag:s30] =	ssyncset.done $0x0  }
0xac: {  	s26 =	simm.s32 $0x280;
	[sflag:s30] =	ssyncadd.s32 $0xFFFFC180  }
0xad: {  	[tilespmem:s19], [sflag:$0x2] =	stream.indirect.gather [hbm4b:s9+s16], $0x80, s26, s16, $0xb8;
	[tilespmem:$0x1C800] =	vst v63  }
0xae: {  	_ =	swait.ge [sflag:s20], $0x3E80  }
0xaf: {  	[sflag:s20] =	ssyncset.done $0x0  }
0xb0: {  	s18 =	smov.u32 s12;
	[sflag:s20] =	ssyncadd.s32 $0xFFFFC180  }
0xb1: {  	[spmem:s2] =	stream.indirect.scatter.add.f32 [tilespmem:s17], [sflag:$0x3], $0x80, s25, s16, $0xb8;
	[tilespmem:$0x1C800] =	vst v63  }
0xb2: {  	s29 =	simm.s32 $0x1;
	p1 =	sgt.u32 s18, $0x8;
	_ =	swait.ge [sflag:s21], $0x3E80  }
0xb3: {  	s29 =	simm.s32 @!p1 $0x0;
	s26 =	rddreg [dreg:$0x4]  }
0xb4: {  	s26 =	sor.u32 s29, s26  }
0xb5: {  	p1 =	slt.u32 s18, $0x9;
	s0 =	smul.u32 $0x500, s26;
	s26 =	simm.s32 $0x2  }
0xb6: {  	s26 =	simm.s32 @!p1 $0xFFFFFFEE  }
0xb7: {  	s26 =	sadd.s32 s13, s26  }
0xb8: {  	[sflag:s21] =	ssyncset.done $0x0;
	s31 =	sadd.s32 s5, s0;
	s26 =	sshll.u32 s26, $0x6  }
0xb9: {  	[sflag:s21] =	ssyncadd.s32 $0xFFFFC180;
	s18 =	sadd.s32 s8, s0;
	s0 =	sadd.s32 s26, s31  }
0xba: {  	[tilespmem:s3], [sflag:$0x5] =	stream.linear.gather [hbm4b:s0+s3], $0x200, $0x38;
	[tilespmem:$0x1C800] =	vst v63  }
0xbb: {  	s26 =	sadd.s32 s26, s18  }
0xbc: {  	[tilespmem:s14], [sflag:$0x5] =	stream.linear.gather [hbm4b:s26+s3], $0x200, $0x38;
	[tilespmem:$0x1C800] =	vst v63  }
0xbd: {  	_ = 	snop  }
0xbe: {  	[tilespmem:s17], [sflag:$0x1] =	stream.indirect.gather [hbm4b:s9+s16], $0x80, s7, s16, $0xb8;
	[tilespmem:$0x1C800] =	vst v63  }
0xbf: {  	_ =	swait.ge [sflag:s28], $0x3E80  }
0xc0: {  	[sflag:s28] =	ssyncset.done $0x0  }
0xc1: {  	[sflag:s28] =	ssyncadd.s32 $0xFFFFC180  }
0xc2: {  	[spmem:s2] =	stream.indirect.scatter.add.f32 [tilespmem:s19], [sflag:$0x4], $0x80, s22, s16, $0xb8;
	[tilespmem:$0x1C800] =	vst v63  }
0xc3: {  	_ =	swait.ge [sflag:s30], $0x3E80  }
0xc4: {  	[sflag:s30] =	ssyncset.done $0x0  }
0xc5: {  	[sflag:s30] =	ssyncadd.s32 $0xFFFFC180  }
0xc6: {  	[tilespmem:s19], [sflag:$0x2] =	stream.indirect.gather [hbm4b:s9+s16], $0x80, s24, s16, $0xb8;
	[tilespmem:$0x1C800] =	vst v63  }
0xc7: {  	_ =	swait.ge [sflag:s20], $0x3E80  }
0xc8: {  	[sflag:s20] =	ssyncset.done $0x0  }
0xc9: {  	[sflag:s20] =	ssyncadd.s32 $0xFFFFC180  }
0xca: {  	[spmem:s2] =	stream.indirect.scatter.add.f32 [tilespmem:s17], [sflag:$0x3], $0x80, s6, s16, $0xb8;
	[tilespmem:$0x1C800] =	vst v63  }
0xcb: {  	_ =	swait.ge [sflag:s15], $0x200  }
0xcc: {  	[sflag:s15] =	ssyncset.done $0x0  }
0xcd: {  	[sflag:s15] =	ssyncadd.s32 $0xFFFFFE00  }
0xce: {  	_ =	swait.ge [sflag:s15], $0x200  }
0xcf: {  	[sflag:s15] =	ssyncset.done $0x0  }
0xd0: {  	[sflag:s15] =	ssyncadd.s32 $0xFFFFFE00  }
0xd1: {  	_ =	swait.ge [sflag:s21], $0x3E80  }
0xd2: {  	[sflag:s21] =	ssyncset.done $0x0  }
0xd3: {  	[sflag:s21] =	ssyncadd.s32 $0xFFFFC180  }
0xd4: {  	[tilespmem:s17], [sflag:$0x1] =	stream.indirect.gather [hbm4b:s9+s16], $0x80, s3, s16, $0xb8;
	[tilespmem:$0x1C800] =	vst v63  }
0xd5: {  	s29 =	simm.s32 $0x3;
	_ =	swait.ge [sflag:s28], $0x3E80  }
0xd6: {  	s29 =	simm.s32 @!p1 $0xFFFFFFEF;
	[sflag:s28] =	ssyncset.done $0x0  }
0xd7: {  	s29 =	sadd.s32 s13, s29;
	[sflag:s28] =	ssyncadd.s32 $0xFFFFC180  }
0xd8: {  	[spmem:s2] =	stream.indirect.scatter.add.f32 [tilespmem:s19], [sflag:$0x4], $0x80, s11, s16, $0xb8;
	[tilespmem:$0x1C800] =	vst v63  }
0xd9: {  	s29 =	sshll.u32 s29, $0x6;
	_ =	swait.ge [sflag:s30], $0x3E80  }
0xda: {  	s18 =	sadd.s32 s29, s18;
	[sflag:s30] =	ssyncset.done $0x0  }
0xdb: {  	s0 =	sadd.s32 s29, s31;
	s29 =	simm.s32 $0x80;
	[sflag:s30] =	ssyncadd.s32 $0xFFFFC180  }
0xdc: {  	[tilespmem:s19], [sflag:$0x2] =	stream.indirect.gather [hbm4b:s9+s16], $0x80, s29, s16, $0xb8;
	[tilespmem:$0x1C800] =	vst v63  }
0xdd: {  	_ =	swait.ge [sflag:s20], $0x3E80  }
0xde: {  	[sflag:s20] =	ssyncset.done $0x0  }
0xdf: {  	[sflag:s20] =	ssyncadd.s32 $0xFFFFC180  }
0xe0: {  	[spmem:s2] =	stream.indirect.scatter.add.f32 [tilespmem:s17], [sflag:$0x3], $0x80, s14, s16, $0xb8;
	[tilespmem:$0x1C800] =	vst v63  }
0xe1: {  	_ =	swait.ge [sflag:s21], $0x3E80  }
0xe2: {  	[sflag:s21] =	ssyncset.done $0x0  }
0xe3: {  	[sflag:s21] =	ssyncadd.s32 $0xFFFFC180  }
0xe4: {  	[tilespmem:s23], [sflag:$0x6] =	stream.linear.gather [hbm4b:s0+s3], $0x200, $0x38;
	[tilespmem:$0x1C800] =	vst v63  }
0xe5: {  	_ = 	snop  }
0xe6: {  	[tilespmem:s25], [sflag:$0x6] =	stream.linear.gather [hbm4b:s18+s3], $0x200, $0x38;
	[tilespmem:$0x1C800] =	vst v63  }
0xe7: {  	s31 =	simm.s32 $0x100  }
0xe8: {  	[tilespmem:s17], [sflag:$0x1] =	stream.indirect.gather [hbm4b:s9+s16], $0x80, s31, s16, $0xb8;
	[tilespmem:$0x1C800] =	vst v63  }
0xe9: {  	_ =	swait.ge [sflag:s28], $0x3E80  }
0xea: {  	[sflag:s28] =	ssyncset.done $0x0  }
0xeb: {  	[sflag:s28] =	ssyncadd.s32 $0xFFFFC180  }
0xec: {  	[spmem:s2] =	stream.indirect.scatter.add.f32 [tilespmem:s19], [sflag:$0x4], $0x80, s1, s16, $0xb8;
	[tilespmem:$0x1C800] =	vst v63  }
0xed: {  	_ =	swait.ge [sflag:s30], $0x3E80  }
0xee: {  	p0 =	sne.s32 s12, $0x12;
	[sflag:s30] =	ssyncset.done $0x0  }
.Ltmp0:
0xef: {  	[sflag:s30] =	ssyncadd.s32 $0xFFFFC180;
	(pc) =	sbr.rel @p0 .LBB2_2-.Ltmp0, $4  }
0xf0: {  	[tilespmem:s19], [sflag:$0x2] =	stream.indirect.gather [hbm4b:s9+s16], $0x80, s10, s16, $0xb8;
	[tilespmem:$0x1C800] =	vst v63  }
0xf1: {  	_ =	swait.ge [sflag:s20], $0x3E80  }
0xf2: {  	[sflag:s20] =	ssyncset.done $0x0  }
0xf3: {  	s12 =	sadd.s32 $0x1, s12;
	s13 =	sadd.s32 $0x2, s13;
	[sflag:s20] =	ssyncadd.s32 $0xFFFFC180  }
0xf4: {  	s0 =	simm.s32 $0x500  }
0xf5: {  	[spmem:s2] =	stream.indirect.scatter.add.f32 [tilespmem:s17], [sflag:$0x3], $0x80, s0, s16, $0xb8;
	[tilespmem:$0x1C800] =	vst v63  }
0xf6: {  	_ =	swait.ge [sflag:s4], $0x200  }
0xf7: {  	[sflag:s4] =	ssyncset.done $0x0  }
0xf8: {  	[sflag:s4] =	ssyncadd.s32 $0xFFFFFE00  }
0xf9: {  	_ =	swait.ge [sflag:s4], $0x200  }
0xfa: {  	[sflag:s4] =	ssyncset.done $0x0  }
0xfb: {  	[sflag:s4] =	ssyncadd.s32 $0xFFFFFE00  }
0xfc: {  	_ =	swait.ge [sflag:s21], $0x3E80  }
0xfd: {  	[sflag:s21] =	ssyncset.done $0x0  }
0xfe: {  	[sflag:s21] =	ssyncadd.s32 $0xFFFFC180  }
0xff: {  	[tilespmem:s17], [sflag:$0x1] =	stream.indirect.gather [hbm4b:s9+s16], $0x80, s23, s16, $0xb8;
	[tilespmem:$0x1C800] =	vst v63  }
0x100: {  	_ =	swait.ge [sflag:s28], $0x3E80  }
0x101: {  	[sflag:s28] =	ssyncset.done $0x0  }
0x102: {  	s18 =	simm.s32 $0x580;
	[sflag:s28] =	ssyncadd.s32 $0xFFFFC180  }
0x103: {  	[spmem:s2] =	stream.indirect.scatter.add.f32 [tilespmem:s19], [sflag:$0x4], $0x80, s18, s16, $0xb8;
	[tilespmem:$0x1C800] =	vst v63  }
0x104: {  	_ =	swait.ge [sflag:s30], $0x3E80  }
0x105: {  	[sflag:s30] =	ssyncset.done $0x0  }
0x106: {  	s26 =	simm.s32 $0x280;
	[sflag:s30] =	ssyncadd.s32 $0xFFFFC180  }
0x107: {  	[tilespmem:s19], [sflag:$0x2] =	stream.indirect.gather [hbm4b:s9+s16], $0x80, s26, s16, $0xb8;
	[tilespmem:$0x1C800] =	vst v63  }
0x108: {  	_ =	swait.ge [sflag:s20], $0x3E80  }
0x109: {  	[sflag:s20] =	ssyncset.done $0x0  }
0x10a: {  	[sflag:s20] =	ssyncadd.s32 $0xFFFFC180  }
0x10b: {  	[spmem:s2] =	stream.indirect.scatter.add.f32 [tilespmem:s17], [sflag:$0x3], $0x80, s25, s16, $0xb8;
	[tilespmem:$0x1C800] =	vst v63  }
0x10c: {  	_ =	swait.ge [sflag:s21], $0x3E80  }
0x10d: {  	[sflag:s21] =	ssyncset.done $0x0  }
0x10e: {  	[sflag:s21] =	ssyncadd.s32 $0xFFFFC180  }
0x10f: {  	[tilespmem:s17], [sflag:$0x1] =	stream.indirect.gather [hbm4b:s9+s16], $0x80, s7, s16, $0xb8;
	[tilespmem:$0x1C800] =	vst v63  }
0x110: {  	_ =	swait.ge [sflag:s28], $0x3E80  }
0x111: {  	[sflag:s28] =	ssyncset.done $0x0  }
0x112: {  	[sflag:s28] =	ssyncadd.s32 $0xFFFFC180  }
0x113: {  	[spmem:s2] =	stream.indirect.scatter.add.f32 [tilespmem:s19], [sflag:$0x4], $0x80, s22, s16, $0xb8;
	[tilespmem:$0x1C800] =	vst v63  }
0x114: {  	_ =	swait.ge [sflag:s30], $0x3E80  }
0x115: {  	[sflag:s30] =	ssyncset.done $0x0  }
0x116: {  	[sflag:s30] =	ssyncadd.s32 $0xFFFFC180  }
0x117: {  	[tilespmem:s19], [sflag:$0x2] =	stream.indirect.gather [hbm4b:s9+s16], $0x80, s24, s16, $0xb8;
	[tilespmem:$0x1C800] =	vst v63  }
0x118: {  	_ =	swait.ge [sflag:s20], $0x3E80  }
0x119: {  	[sflag:s20] =	ssyncset.done $0x0  }
0x11a: {  	[sflag:s20] =	ssyncadd.s32 $0xFFFFC180  }
0x11b: {  	[spmem:s2] =	stream.indirect.scatter.add.f32 [tilespmem:s17], [sflag:$0x3], $0x80, s6, s16, $0xb8;
	[tilespmem:$0x1C800] =	vst v63  }
0x11c: {  	_ =	swait.ge [sflag:s28], $0x3E80  }
0x11d: {  	[sflag:s28] =	ssyncset.done $0x0  }
0x11e: {  	[sflag:s28] =	ssyncadd.s32 $0xFFFFC180  }
0x11f: {  	[spmem:s2] =	stream.indirect.scatter.add.f32 [tilespmem:s19], [sflag:$0x4], $0x80, s11, s16, $0xb8;
	[tilespmem:$0x1C800] =	vst v63  }
0x120: {  	_ =	swait.ge [sflag:s21], $0x3E80  }
0x121: {  	[sflag:s21] =	ssyncset.done $0x0  }
0x122: {  	[sflag:s21] =	ssyncadd.s32 $0xFFFFC180  }
0x123: {  	_ =	swait.ge [sflag:s30], $0x3E80  }
0x124: {  	[sflag:s30] =	ssyncset.done $0x0  }
0x125: {  	[sflag:s30] =	ssyncadd.s32 $0xFFFFC180  }
0x126: {  	[bflag:$0x0] =	sbarrier.arrive $0xFFFF  }
0x127: {  	s12 =	rddreg [dreg:$0x5]  }
0x128: {  	s18 =	rddreg [dreg:$0x8]  }
0x129: {  	s26 =	simm.s32 $0x7;
	s1 =	rddreg [dreg:$0xb]  }
0x12a: {  	[hbm:s1], [sflag:s12] =	dma.local [spmem:s18], $0x2800  }
0x12b: {  	_ =	swait.ge [sflag:s26], $0x2800  }
0x12c: {  	s13 =	rddreg [dreg:$0xc]  }
0x12d: {  	s10 =	rddreg [dreg:$0x7];
	s13 =	sadd.s32 $0x1, s13  }
0x12e: {  	p0 =	sne.s32 s13, s10  }
.Ltmp1:
0x12f: {  	_ = 	snop;
	(pc) =	sbr.rel @p0 .LBB2_1-.Ltmp1, $3  }
0x130: {  	_ =	sdelay $0x1  }
0x131: {  	[sflag:s26] =	ssyncset.done $0x0  }
0x132: {  	s1 =	simm.s32 $0x480;
	[sflag:s26] =	ssyncadd.s32 $0xFFFFD800;
	s10 =	simm.s32 $0x180  }
0x133: {  	_ =	sfence.sel $0x180000  }
0x134: {  	[bflag:$0x0] =	sbarrier.arrive $0xFFFF  }
0x135: {  	_ =	strace $0x9000004A  }
0x136: {  	s0 =	stileid.u32;
	[bflag:$0x2] =	sbarrier.arrive $0xFFFF  }
0x137: {  	p0 =	sne.s32 s0, $0x0;
	s0 =	rddreg [dreg:$0x3]  }
0x138: {  	s0 =	sadd.s32 @!p0 $0x100000, s0  }
0x139: {  	[sflag:s0] =	ssyncadd.tile.s32 @!p0 $0x1;
	_ =	shalt  }
.Lfunc_end2:
_tile_overlayer_lowered:
.L_overlay_start_2:
0x13a: {  	(tag) =	ssettag $0x2  }
0x13b: {  	s0 =	rddreg [dreg:$0x0];
	s2 =	stileid.u32  }
0x13c: {  	s1 =	rddreg [dreg:$0x1];
	p0 =	sne.s32 s2, $0x0  }
0x13d: {  	s3 =	rddreg [dreg:$0x2];
	[bflag:$0x3] =	sbarrier.arrive $0xFFFF;
	s2 =	simm.s32 @!p0 $0x1C07  }
0x13e: {  	[timem:s3], [sflag:s2] =	dma.local @!p0 [hbm:s0], s1  }
0x13f: {  	s0 =	simm.s32 @!p0 $0x7  }
0x140: {  	_ =	swait.ge @!p0 [sflag:s0], s1  }
0x141: {  	s1 =	ssub.s32 @!p0 $0x0, s1;
	[sflag:s0] =	ssyncset.done @!p0 $0x0  }
0x142: {  	[sflag:s0] =	ssyncadd.s32 @!p0 s1  }
0x143: {  	[bflag:$0x3] =	sbarrier.arrive $0xFFFF  }
0x144: {  	_ =	shalt  }

// kernel: kernel.8.cloned.1.call-start
scs
__scs_entry_jumppad:
0x0: {  	(pc) =	sbr.rel $0x88, $3  }
0x1: {  	(tag) =	ssettag $0x0;
	lr =	simm.s32 $0x1  }
0x2: {  	[smem:$0x3F97] =	sst lr;
	_ =	strace $0xD0000000  }
0x3: {  	_ = 	snop  }
0x4: {  	_ = 	snop  }
0x5: {  	_ = 	snop  }
0x6: {  	_ = 	snop  }
0x7: {  	_ = 	snop  }
__scs_overlays_trampoline_lowered:
0x8: {  	[smem:$0x3FA6] =	sst s0  }
0x9: {  	[smem:$0x3FA7] =	sst s1  }
0xa: {  	[smem:$0x3FA8] =	sst s2  }
0xb: {  	[smem:$0x3FA9] =	sst s3  }
0xc: {  	[smem:$0x3FAA] =	sst s4  }
0xd: {  	[smem:$0x3FAB] =	sst s5  }
0xe: {  	[smem:$0x3FAC] =	sst s6  }
0xf: {  	[smem:$0x3FAD] =	sst s7  }
0x10: {  	[smem:$0x3FAE] =	sst s8  }
0x11: {  	[smem:$0x3FAF] =	sst s9;
	s0 =	simm.s32 @!p0 $0x0  }
0x12: {  	s1 =	sld [smem:$0x3F95];
	s0 =	simm.s32 @p0 $0x1  }
0x13: {  	[smem:$0x3FB0] =	sst s0;
	s0 =	simm.s32 @!p1 $0x0  }
0x14: {  	s2 =	sld [smem:$0x3F94];
	s0 =	simm.s32 @p1 $0x1  }
0x15: {  	[smem:$0x3FB1] =	sst s0;
	s0 =	simm.s32 @!p2 $0x0  }
0x16: {  	s3 =	sld [smem:$0x3FDB];
	s0 =	simm.s32 @p2 $0x1  }
0x17: {  	s4 =	simm.s32 $0x1BF5;
	[smem:$0x3FB3] =	sst s0  }
0x18: {  	s0 =	sld [smem:$0x3F96];
	_ =	swait.ge [sflag:s4], $0x0  }
0x19: {  	s7 =	sld [smem:$0x3F97]  }
0x1a: {  	s8 =	sadd.s32 $0xFFFFE003, lr  }
0x1b: {  	s9 =	sadd.s32 $0xFFFFFEF7, lr;
	s5 =	simm.s32 $0xFFFFFFFF;
	p2 =	slt.u32 s8, $0xFFFFF086  }
0x1c: {  	p1 =	slt.u32 s9, $0xF7A;
	s5 =	simm.s32 @!p2 $0x0  }
0x1d: {  	s5 =	simm.s32 @p1 $0x1;
	p0 =	seq.s32 s7, s2  }
0x1e: {  	s7 =	smul.u32 @!p0 $0xF7A, s2;
	p2 =	seq.s32 @!p0 s5, $0x0  }
0x1f: {  	s9 =	smul.u32 $0xF7A, s1;
	s8 =	simm.s32 @!p0 $0x1BF5;
	p2 =	por !p2, p0  }
0x20: {  	[sflag:s8] =	ssyncset.s32 @!p0 $0xFFFFF086;
	s6 =	sadd.s32 @!p0 s3, s7;
	s7 =	simm.s32 @!p0 $0x108  }
0x21: {  	s3 =	sadd.s32 s3, s9;
	s6 =	sadd.s32 @!p0 $0x88, s6;
	s7 =	simm.s32 @p2 $0x1082  }
0x22: {  	[simem:s7], [sflag:s8] =	dma.local @!p0 [hbm:s6], $0xF7A  }
0x23: {  	s9 =	sor.u32 $0xD0000000, s2;
	s6 =	simm.s32 $0x108;
	_ =	swait.ge @!p0 [sflag:s8], $0x0  }
0x24: {  	s3 =	sadd.s32 $0x88, s3;
	s6 =	simm.s32 @!p1 $0x1082;
	[sflag:s4] =	ssyncset.s32 $0xFFFFF086  }
0x25: {  	[simem:s6], [sflag:s4] =	dma.local [hbm:s3], $0xF7A  }
0x26: {  	[smem:$0x3F97] =	sst s1;
	(tag) =	ssettag s2;
	_ =	strace s9  }
0x27: {  	s1 =	sld [smem:$0x3FA7]  }
0x28: {  	s2 =	sld [smem:$0x3FA8]  }
0x29: {  	s4 =	sld [smem:$0x3FAA]  }
0x2a: {  	p0 =	seq.s32 s5, $0x0;
	s5 =	sld [smem:$0x3FAB]  }
0x2b: {  	s6 =	sld [smem:$0x3FAC]  }
0x2c: {  	s7 =	sld [smem:$0x3FAD]  }
0x2d: {  	s3 =	simm.s32 $0x108;
	s8 =	sld [smem:$0x3FAE]  }
0x2e: {  	s3 =	simm.s32 @!p0 $0x1082;
	s9 =	sld [smem:$0x3FAF]  }
0x2f: {  	lr =	sadd.s32 s0, s3;
	s0 =	sld [smem:$0x3FA6]  }
0x30: {  	s3 =	sld [smem:$0x3FA9]  }
0x31: {  	[smem:$0x3FB2] =	sst s10  }
0x32: {  	s10 =	sld [smem:$0x3FB0];
	_ =	sdelay $0x3  }
0x33: {  	p0 =	seq.s32 s10, $0x1;
	s10 =	sld [smem:$0x3FB2];
	_ =	sdelay $0x3  }
0x34: {  	[smem:$0x3FB2] =	sst s10  }
0x35: {  	s10 =	sld [smem:$0x3FB1];
	_ =	sdelay $0x3  }
0x36: {  	p1 =	seq.s32 s10, $0x1;
	s10 =	sld [smem:$0x3FB2];
	_ =	sdelay $0x3  }
0x37: {  	[smem:$0x3FB2] =	sst s10  }
0x38: {  	s10 =	sld [smem:$0x3FB3]  }
0x39: {  	_ = 	snop;
	(pc) =	sbr.ind lr, $3  }
0x3a: {  	_ = 	snop  }
0x3b: {  	_ = 	snop  }
0x3c: {  	p2 =	seq.s32 s10, $0x1;
	s10 =	sld [smem:$0x3FB2]  }
0x3d: {  	_ =	shalt  }
0x3e: {  	_ =	shalt  }
0x3f: {  	_ =	shalt  }
0x40: {  	_ =	shalt  }
0x41: {  	_ =	shalt  }
0x42: {  	_ =	shalt  }
0x43: {  	_ =	shalt  }
0x44: {  	_ =	shalt  }
0x45: {  	_ =	shalt  }
0x46: {  	_ =	shalt  }
0x47: {  	_ =	shalt  }
0x48: {  	_ =	shalt  }
0x49: {  	_ =	shalt  }
0x4a: {  	_ =	shalt  }
0x4b: {  	_ =	shalt  }
0x4c: {  	_ =	shalt  }
0x4d: {  	_ =	shalt  }
0x4e: {  	_ =	shalt  }
0x4f: {  	_ =	shalt  }
0x50: {  	_ =	shalt  }
0x51: {  	_ =	shalt  }
0x52: {  	_ =	shalt  }
0x53: {  	_ =	shalt  }
0x54: {  	_ =	shalt  }
0x55: {  	_ =	shalt  }
0x56: {  	_ =	shalt  }
0x57: {  	_ =	shalt  }
0x58: {  	_ =	shalt  }
0x59: {  	_ =	shalt  }
0x5a: {  	_ =	shalt  }
0x5b: {  	_ =	shalt  }
0x5c: {  	_ =	shalt  }
0x5d: {  	_ =	shalt  }
0x5e: {  	_ =	shalt  }
0x5f: {  	_ =	shalt  }
0x60: {  	_ =	shalt  }
0x61: {  	_ =	shalt  }
0x62: {  	_ =	shalt  }
0x63: {  	_ =	shalt  }
0x64: {  	_ =	shalt  }
0x65: {  	_ =	shalt  }
0x66: {  	_ =	shalt  }
0x67: {  	_ =	shalt  }
0x68: {  	_ =	shalt  }
0x69: {  	_ =	shalt  }
0x6a: {  	_ =	shalt  }
0x6b: {  	_ =	shalt  }
0x6c: {  	_ =	shalt  }
0x6d: {  	_ =	shalt  }
0x6e: {  	_ =	shalt  }
0x6f: {  	_ =	shalt  }
0x70: {  	_ =	shalt  }
0x71: {  	_ =	shalt  }
0x72: {  	_ =	shalt  }
0x73: {  	_ =	shalt  }
0x74: {  	_ =	shalt  }
0x75: {  	_ =	shalt  }
0x76: {  	_ =	shalt  }
0x77: {  	_ =	shalt  }
0x78: {  	_ =	shalt  }
0x79: {  	_ =	shalt  }
0x7a: {  	_ =	shalt  }
0x7b: {  	_ =	shalt  }
0x7c: {  	_ =	shalt  }
0x7d: {  	_ =	shalt  }
0x7e: {  	_ =	shalt  }
0x7f: {  	_ =	shalt  }
0x80: {  	_ =	shalt  }
0x81: {  	_ =	shalt  }
0x82: {  	_ =	shalt  }
0x83: {  	_ =	shalt  }
0x84: {  	_ =	shalt  }
0x85: {  	_ =	shalt  }
0x86: {  	_ =	shalt  }
0x87: {  	_ =	shalt  }
.Lfunc_end0:
.L_simem_size_0:
called_computation_lowered:
.L_overlay_start_0:
0x88: {  	s2 =	sld [smem:$0x3FD9]  }
0x89: {  	s3 =	sld [smem:$0x3FFE];
	_ =	sdelay $0x1  }
0x8a: {  	s1 =	srdreg.scid  }
0x8b: {  	s0 =	sand.u32 $0x1, s1  }
0x8c: {  	s17 =	sshll.u32 s0, $0xA;
	s2 =	sadd.s32 s3, s2  }
0x8d: {  	s2 =	sadd.s32 s2, s17  }
0x8e: {  	[smem:$0x3FBE] =	sst s2  }
0x8f: {  	_ = 	snop  }
0x90: {  	s2 =	sld [smem:$0x3FC9]  }
0x91: {  	s18 =	sld [smem:$0x3FD0];
	(tm) =	ssettm $0x1  }
0x92: {  	s4 =	sld [smem:$0x3FFB];
	_ =	sdelay $0x3  }
0x93: {  	_ =	strace s4  }
0x94: {  	s4 =	sld [smem:$0x3FFC];
	_ =	sdelay $0x3  }
0x95: {  	_ =	strace s4  }
0x96: {  	s4 =	sld [smem:$0x3FFD];
	_ =	sdelay $0x3  }
0x97: {  	_ =	strace s4  }
0x98: {  	_ =	strace $0x8FFFFFFF  }
0x99: {  	s19 =	sld [smem:$0x3FDB];
	_ =	sdelay $0x1  }
0x9a: {  	s5 =	simm.s32 $_scs_section_size  }
0x9b: {  	s6 =	simm.s32 $_size__tile_overlayer_lowered;
	s7 =	simm.s32 $_tile_overlayer_lowered  }
0x9c: {  	s22 =	simm.s32 $0x1BFF;
	s21 =	sshll.u32 s7, $0x1;
	s4 =	sadd.s32 s5, s19  }
0x9d: {  	s8 =	simm.s32 $0x0;
	s20 =	sshll.u32 s6, $0x1;
	s6 =	sadd.s32 s21, s4  }
0x9e: {  	[timem:s8], [sflag:s22] =	dma.local [hbm:s6], s20  }
0x9f: {  	_ =	swait.ge [sflag:s22], s20  }
0xa0: {  	s5 =	ssub.s32 $0x0, s20;
	[sflag:s22] =	ssyncset.done $0x0  }
0xa1: {  	[sflag:s22] =	ssyncadd.s32 s5;
	_ =	sdelay $0x1  }
0xa2: {  	s23 =	simm.s32 $0x1B8B  }
0xa3: {  	_ =	swait.ge [sflag:s23], $0x1  }
0xa4: {  	[sflag:s23] =	ssyncset.done $0x0  }
0xa5: {  	s25 =	simm.s32 $0x1B8E;
	s24 =	sld [smem:$0x3FFE];
	[sflag:s23] =	ssyncadd.s32 $0xFFFFFFFF  }
0xa6: {  	s26 =	simm.s32 $execute0_lowered;
	[smem:$0x3FD2] =	sst s25  }
0xa7: {  	s6 =	sshll.u32 s26, $0x1;
	_ =	strace $0x80000046;
	[dreg:$0x1] =	wrdreg $0xFFFFFFFF  }
0xa8: {  	s28 =	simm.s32 $_size_execute0_lowered;
	s4 =	sadd.s32 s4, s6;
	[dreg:$0x0] =	wrdreg $0x0  }
0xa9: {  	s6 =	sshll.u32 s28, $0x1;
	[dreg:$0x2] =	wrdreg s4  }
0xaa: {  	[dreg:$0x3] =	wrdreg s6  }
0xab: {  	[dreg:$0x4] =	wrdreg $0xC0  }
0xac: {  	_ =	task [dreg:s8], $0x5FFFF  }
0xad: {  	[dreg:$0x1] =	wrdreg $0xFFFFFFFF  }
0xae: {  	[dreg:$0x0] =	wrdreg $0x60  }
0xaf: {  	[dreg:$0x2] =	wrdreg s2  }
0xb0: {  	[dreg:$0x3] =	wrdreg s24  }
0xb1: {  	[dreg:$0x4] =	wrdreg s18  }
0xb2: {  	[dreg:$0x5] =	wrdreg $0x88800  }
0xb3: {  	[dreg:$0x6] =	wrdreg $0x1C8800  }
0xb4: {  	[dreg:$0x7] =	wrdreg $0x9  }
0xb5: {  	_ =	task.clear_ibuf [dreg:s8], $0x8FFFF;
	_ =	strace $0x90000046  }
0xb6: {  	s29 =	simm.s32 $0x9;
	_ =	strace $0x80000048  }
0xb7: {  	_ =	swait.ge [sflag:s29], $0x1  }
0xb8: {  	[sflag:s29] =	ssyncadd.s32 $0xFFFFFFFF  }
0xb9: {  	_ =	strace $0x90000048  }
0xba: {  	_ =	sfence  }
0xbb: {  	s30 =	sld [smem:$0x0];
	_ =	sdelay $0x2  }
0xbc: {  	s31 =	sshll.u32 s1, $0xD;
	s1 =	sshrl.u32 s1, $0x2  }
0xbd: {  	s3 =	sand.u32 $0x4000, s31;
	s1 =	sadd.s32 s1, s30  }
0xbe: {  	s0 =	sor.u32 s3, s0;
	s1 =	sshll.u32 s1, $0x11  }
0xbf: {  	s0 =	sor.u32 s1, s0  }
0xc0: {  	s0 =	sadd.s32 $0x8F2B, s0  }
0xc1: {  	[sflag:s0] =	ssyncadd.remote.s32 $0x1  }
0xc2: {  	_ =	sfence.sel $0xFFFF  }
0xc3: {  	[dreg:$0x0] =	wrdreg $0xFFFFFFFF;
	(pc) =	sbr.abs _section_cstart, $3  }
0xc4: {  	[dreg:$0x1] =	wrdreg $0xFFFFFFFF  }
0xc5: {  	_ =	task.clear_ibuf [dreg:s8], $0x2FFFF;
	_ =	strace $0x9FFFFFFF  }
0xc6: {  	(tm) =	ssettm $0x7FFFFFFF  }
0xc7: {  	_ =	shalt  }
tec
execute0_lowered:
.L_overlay_start_1:
0x0: {  	(tag) =	ssettag $0x1  }
0x1: {  	s0 =	rddreg [dreg:$0x0]  }
0x2: {  	s1 =	rddreg [dreg:$0x1]  }
0x3: {  	s2 =	srdreg.scid;
	s4 =	rddreg [dreg:$0x3]  }
0x4: {  	s13 =	stileid.u32;
	s5 =	rddreg [dreg:$0x4]  }
0x5: {  	s6 =	simm.s32 $0x0;
	s29 =	simm.s32 $0x7;
	s15 =	simm.s32 $0x400  }
0x6: {  	s16 =	simm.s32 $0x5;
	s17 =	simm.s32 $0x7D;
	s18 =	simm.s32 $0x800  }
0x7: {  	s28 =	simm.s32 $0x600;
	s30 =	simm.s32 $0x2;
	s20 =	smul.u32 $0x50000, s13  }
0x8: {  	s31 =	simm.s32 $0x480;
	s2 =	sand.u32 $0x1, s2;
	s12 =	smul.u32 $0xA00, s13  }
0x9: {  	[smem:$0x7FF] =	sst s6;
	s10 =	sadd.s32 $0x16E00, s1;
	s23 =	smul.u32 $0x2800, s13  }
0xa: {  	s21 =	sshll.u32 s13, $0x6;
	s3 =	sshll.u32 s2, $0x4;
	s8 =	smul.u32 $0x28000, s2  }
0xb: {  	_ =	strace $0x80000047;
	[dreg:$0x6] =	wrdreg s10;
	s2 =	ssub.s32 $0x2, s2  }
0xc: {  	s19 =	sor.u32 $0x1C07, s21;
	s21 =	simm.s32 $0x1;
	s7 =	sor.u32 s13, s3  }
0xd: {  	s3 =	sadd.s32 s3, s1;
	s11 =	sshrl.u32 s2, $0x1;
	s10 =	sshrl.u32 s20, $0x2  }
0xe: {  	s22 =	sshrl.u32 s12, $0x2;
	s13 =	smul.u32 $0xA0, s13;
	s20 =	simm.s32 $0x4800  }
0xf: {  	s12 =	simm.s32 $0x780;
	[dreg:$0x7] =	wrdreg s19;
	s7 =	smul.u32 $0x500, s7  }
0x10: {  	s8 =	sadd.s32 s8, s1;
	s2 =	ssub.s32 s2, s11;
	s10 =	sadd.s32 s10, s4  }
0x11: {  	s11 =	sadd.s32 s22, s5;
	s3 =	sadd.s32 $0x17000, s3;
	s8 =	sadd.s32 $0x17A00, s8  }
0x12: {  	s2 =	smax.u32 s2, $0x1;
	s24 =	sshrl.u32 s10, $0x3;
	s22 =	sshrl.u32 s11, $0x3  }
0x13: {  	s26 =	sadd.s32 s13, s3;
	s3 =	simm.s32 $0x4;
	s10 =	simm.s32 $0x580  }
0x14: {  	s11 =	simm.s32 $0x680;
	s13 =	simm.s32 $0x0;
	s9 =	sadd.s32 s7, s1  }
0x15: {  	s1 =	sadd.s32 $0xCE00, s1;
	[dreg:$0x8] =	wrdreg s2;
	s25 =	sadd.s32 s23, s8  }
0x16: {  	s23 =	simm.s32 $0x8800;
	[dreg:$0xc] =	wrdreg s26;
	s26 =	simm.s32 $0x200  }
0x17: {  	s2 =	simm.s32 $0x500;
	s8 =	simm.s32 $0x700;
	[dreg:$0x9] =	wrdreg s24  }
0x18: {  	[dreg:$0xa] =	wrdreg s22;
	s9 =	sadd.s32 $0x2E00, s9;
	s14 =	sadd.s32 s7, s1  }
0x19: {  	v0 =	vimm.f32 $1.000000000e+00;
	[dreg:$0xb] =	wrdreg s25;
	s25 =	simm.s32 $0x3;
	s7 =	simm.s32 $0x6  }
.LBB2_1:
0x1a: {  	[dreg:$0xd] =	wrdreg s13  }
0x1b: {  	s1 =	rddreg [dreg:$0x2]  }
0x1c: {  	[spmem:s24], [sflag:s19] =	dma.local [hbm:s1], $0x2800  }
0x1d: {  	_ =	swait.ge [sflag:s29], $0x2800  }
0x1e: {  	[sflag:s29] =	ssyncset.done $0x0  }
0x1f: {  	s13 =	rddreg [dreg:$0x6];
	[sflag:s29] =	ssyncadd.s32 $0xFFFFD800  }
0x20: {  	[spmem:s22], [sflag:s19] =	dma.local [hbm:s13], $0x50  }
0x21: {  	_ =	swait.ge [sflag:s29], $0x50  }
0x22: {  	[sflag:s29] =	ssyncset.done $0x0  }
0x23: {  	[sflag:s29] =	ssyncadd.s32 $0xFFFFFFB0  }
0x24: {  	[tilespmem:$0x8800] =	vst v0  }
0x25: {  	[tilespmem:$0x8810] =	vst v0  }
0x26: {  	[tilespmem:$0x8820] =	vst v0  }
0x27: {  	[tilespmem:$0x8830] =	vst v0  }
0x28: {  	[tilespmem:$0x8840] =	vst v0  }
0x29: {  	[tilespmem:$0x8850] =	vst v0  }
0x2a: {  	[tilespmem:$0x8860] =	vst v0  }
0x2b: {  	[tilespmem:$0x8870] =	vst v0  }
0x2c: {  	[bflag:$0x0] =	sbarrier.arrive $0xFFFF  }
0x2d: {  	[tilespmem:s6], [sflag:$0x5] =	stream.linear.gather [hbm4b:s9+s6], $0x200, $0x38;
	[tilespmem:$0x1CB00] =	vst v63  }
0x2e: {  	_ = 	snop  }
0x2f: {  	[tilespmem:s15], [sflag:$0x5] =	stream.linear.gather [hbm4b:s14+s6], $0x200, $0x38;
	[tilespmem:$0x1CB00] =	vst v63  }
0x30: {  	_ =	swait.ge [sflag:s16], $0x200  }
0x31: {  	[sflag:s16] =	ssyncset.done $0x0  }
0x32: {  	[sflag:s16] =	ssyncadd.s32 $0xFFFFFE00  }
0x33: {  	_ =	swait.ge [sflag:s16], $0x200  }
0x34: {  	[sflag:s16] =	ssyncset.done $0x0  }
0x35: {  	[sflag:s16] =	ssyncadd.s32 $0xFFFFFE00  }
0x36: {  	[tilespmem:s18], [sflag:$0x1] =	stream.indirect.gather [hbm4b:s0+s17], $0x80, s6, s17, $0xb8;
	[tilespmem:$0x1CB00] =	vst v63  }
0x37: {  	s22 =	simm.s32 $0x80  }
0x38: {  	[tilespmem:s20], [sflag:$0x2] =	stream.indirect.gather [hbm4b:s0+s17], $0x80, s22, s17, $0xb8;
	[tilespmem:$0x1CB00] =	vst v63  }
0x39: {  	_ =	swait.ge [sflag:s21], $0x3E80  }
0x3a: {  	[sflag:s21] =	ssyncset.done $0x0  }
0x3b: {  	[sflag:s21] =	ssyncadd.s32 $0xFFFFC180  }
0x3c: {  	[spmem:s4] =	stream.indirect.scatter.add.f32 [tilespmem:s18], [sflag:$0x3], $0x80, s15, s17, $0xb8;
	[tilespmem:$0x1CB00] =	vst v63  }
0x3d: {  	_ = 	snop  }
0x3e: {  	[spmem:s5] =	stream.indirect.scatter.add.f32 [tilespmem:s23], [sflag:$0x3], $0x1, s15, s17, $0xb8;
	[tilespmem:$0x1CB00] =	vst v63  }
0x3f: {  	_ =	swait.ge [sflag:s25], $0x3E80  }
0x40: {  	[sflag:s25] =	ssyncset.done $0x0  }
0x41: {  	[sflag:s25] =	ssyncadd.s32 $0xFFFFC180  }
0x42: {  	_ =	swait.ge [sflag:s25], $0x7D  }
0x43: {  	[sflag:s25] =	ssyncset.done $0x0  }
0x44: {  	s19 =	sadd.s32 $0x40, s9;
	[sflag:s25] =	ssyncadd.s32 $0xFFFFFF83  }
0x45: {  	[tilespmem:s26], [sflag:$0x6] =	stream.linear.gather [hbm4b:s19+s6], $0x200, $0x38;
	[tilespmem:$0x1CB00] =	vst v63  }
0x46: {  	s24 =	sadd.s32 $0x40, s14  }
0x47: {  	[tilespmem:s28], [sflag:$0x6] =	stream.linear.gather [hbm4b:s24+s6], $0x200, $0x38;
	[tilespmem:$0x1CB00] =	vst v63  }
0x48: {  	s13 =	simm.s32 $0x100  }
0x49: {  	[tilespmem:s18], [sflag:$0x1] =	stream.indirect.gather [hbm4b:s0+s17], $0x80, s13, s17, $0xb8;
	[tilespmem:$0x1CB00] =	vst v63  }
0x4a: {  	_ =	swait.ge [sflag:s30], $0x3E80  }
0x4b: {  	[sflag:s30] =	ssyncset.done $0x0  }
0x4c: {  	[sflag:s30] =	ssyncadd.s32 $0xFFFFC180  }
0x4d: {  	[spmem:s4] =	stream.indirect.scatter.add.f32 [tilespmem:s20], [sflag:$0x4], $0x80, s31, s17, $0xb8;
	[tilespmem:$0x1CB00] =	vst v63  }
0x4e: {  	_ = 	snop  }
0x4f: {  	[spmem:s5] =	stream.indirect.scatter.add.f32 [tilespmem:s23], [sflag:$0x4], $0x1, s31, s17, $0xb8;
	[tilespmem:$0x1CB00] =	vst v63  }
0x50: {  	_ =	swait.ge [sflag:s3], $0x3E80  }
0x51: {  	[sflag:s3] =	ssyncset.done $0x0  }
0x52: {  	[sflag:s3] =	ssyncadd.s32 $0xFFFFC180  }
0x53: {  	_ =	swait.ge [sflag:s3], $0x7D  }
0x54: {  	[sflag:s3] =	ssyncset.done $0x0  }
0x55: {  	s29 =	simm.s32 $0x180;
	[sflag:s3] =	ssyncadd.s32 $0xFFFFFF83  }
0x56: {  	[tilespmem:s20], [sflag:$0x2] =	stream.indirect.gather [hbm4b:s0+s17], $0x80, s29, s17, $0xb8;
	[tilespmem:$0x1CB00] =	vst v63  }
0x57: {  	_ =	swait.ge [sflag:s21], $0x3E80  }
0x58: {  	[sflag:s21] =	ssyncset.done $0x0  }
0x59: {  	[sflag:s21] =	ssyncadd.s32 $0xFFFFC180  }
0x5a: {  	[spmem:s4] =	stream.indirect.scatter.add.f32 [tilespmem:s18], [sflag:$0x3], $0x80, s2, s17, $0xb8;
	[tilespmem:$0x1CB00] =	vst v63  }
0x5b: {  	_ = 	snop  }
0x5c: {  	[spmem:s5] =	stream.indirect.scatter.add.f32 [tilespmem:s23], [sflag:$0x3], $0x1, s2, s17, $0xb8;
	[tilespmem:$0x1CB00] =	vst v63  }
0x5d: {  	_ =	swait.ge [sflag:s7], $0x200  }
0x5e: {  	[sflag:s7] =	ssyncset.done $0x0  }
0x5f: {  	[sflag:s7] =	ssyncadd.s32 $0xFFFFFE00  }
0x60: {  	_ =	swait.ge [sflag:s7], $0x200  }
0x61: {  	[sflag:s7] =	ssyncset.done $0x0  }
0x62: {  	[sflag:s7] =	ssyncadd.s32 $0xFFFFFE00  }
0x63: {  	_ =	swait.ge [sflag:s25], $0x3E80  }
0x64: {  	[sflag:s25] =	ssyncset.done $0x0  }
0x65: {  	[sflag:s25] =	ssyncadd.s32 $0xFFFFC180  }
0x66: {  	_ =	swait.ge [sflag:s25], $0x7D  }
0x67: {  	[sflag:s25] =	ssyncset.done $0x0  }
0x68: {  	[sflag:s25] =	ssyncadd.s32 $0xFFFFFF83  }
0x69: {  	[tilespmem:s18], [sflag:$0x1] =	stream.indirect.gather [hbm4b:s0+s17], $0x80, s26, s17, $0xb8;
	[tilespmem:$0x1CB00] =	vst v63  }
0x6a: {  	_ =	swait.ge [sflag:s30], $0x3E80  }
0x6b: {  	[sflag:s30] =	ssyncset.done $0x0  }
0x6c: {  	[sflag:s30] =	ssyncadd.s32 $0xFFFFC180  }
0x6d: {  	[spmem:s4] =	stream.indirect.scatter.add.f32 [tilespmem:s20], [sflag:$0x4], $0x80, s10, s17, $0xb8;
	[tilespmem:$0x1CB00] =	vst v63  }
0x6e: {  	_ = 	snop  }
0x6f: {  	[spmem:s5] =	stream.indirect.scatter.add.f32 [tilespmem:s23], [sflag:$0x4], $0x1, s10, s17, $0xb8;
	[tilespmem:$0x1CB00] =	vst v63  }
0x70: {  	_ =	swait.ge [sflag:s3], $0x3E80  }
0x71: {  	[sflag:s3] =	ssyncset.done $0x0  }
0x72: {  	[sflag:s3] =	ssyncadd.s32 $0xFFFFC180  }
0x73: {  	_ =	swait.ge [sflag:s3], $0x7D  }
0x74: {  	[sflag:s3] =	ssyncset.done $0x0  }
0x75: {  	s19 =	simm.s32 $0x280;
	[sflag:s3] =	ssyncadd.s32 $0xFFFFFF83  }
0x76: {  	[tilespmem:s20], [sflag:$0x2] =	stream.indirect.gather [hbm4b:s0+s17], $0x80, s19, s17, $0xb8;
	[tilespmem:$0x1CB00] =	vst v63  }
0x77: {  	_ =	swait.ge [sflag:s21], $0x3E80  }
0x78: {  	[sflag:s21] =	ssyncset.done $0x0  }
0x79: {  	[sflag:s21] =	ssyncadd.s32 $0xFFFFC180  }
0x7a: {  	[spmem:s4] =	stream.indirect.scatter.add.f32 [tilespmem:s18], [sflag:$0x3], $0x80, s28, s17, $0xb8;
	[tilespmem:$0x1CB00] =	vst v63  }
0x7b: {  	_ = 	snop  }
0x7c: {  	[spmem:s5] =	stream.indirect.scatter.add.f32 [tilespmem:s23], [sflag:$0x3], $0x1, s28, s17, $0xb8;
	[tilespmem:$0x1CB00] =	vst v63  }
0x7d: {  	_ =	swait.ge [sflag:s25], $0x3E80  }
0x7e: {  	[sflag:s25] =	ssyncset.done $0x0  }
0x7f: {  	[sflag:s25] =	ssyncadd.s32 $0xFFFFC180  }
0x80: {  	_ =	swait.ge [sflag:s25], $0x7D  }
0x81: {  	s1 =	sadd.s32 $0xFFFFFB80, s9;
	[sflag:s25] =	ssyncset.done $0x0  }
0x82: {  	s24 =	sadd.s32 $0x500, s1;
	s29 =	sadd.s32 $0xFFFFFB80, s14;
	[sflag:s25] =	ssyncadd.s32 $0xFFFFFF83  }
0x83: {  	[tilespmem:s6], [sflag:$0x5] =	stream.linear.gather [hbm4b:s24+s6], $0x200, $0x38;
	[tilespmem:$0x1CB00] =	vst v63  }
0x84: {  	s24 =	sadd.s32 $0x500, s29  }
0x85: {  	[tilespmem:s15], [sflag:$0x5] =	stream.linear.gather [hbm4b:s24+s6], $0x200, $0x38;
	[tilespmem:$0x1CB00] =	vst v63  }
0x86: {  	s24 =	simm.s32 $0x300  }
0x87: {  	[tilespmem:s18], [sflag:$0x1] =	stream.indirect.gather [hbm4b:s0+s17], $0x80, s24, s17, $0xb8;
	[tilespmem:$0x1CB00] =	vst v63  }
0x88: {  	_ =	swait.ge [sflag:s30], $0x3E80  }
0x89: {  	[sflag:s30] =	ssyncset.done $0x0  }
0x8a: {  	[sflag:s30] =	ssyncadd.s32 $0xFFFFC180  }
0x8b: {  	[spmem:s4] =	stream.indirect.scatter.add.f32 [tilespmem:s20], [sflag:$0x4], $0x80, s11, s17, $0xb8;
	[tilespmem:$0x1CB00] =	vst v63  }
0x8c: {  	_ = 	snop  }
0x8d: {  	[spmem:s5] =	stream.indirect.scatter.add.f32 [tilespmem:s23], [sflag:$0x4], $0x1, s11, s17, $0xb8;
	[tilespmem:$0x1CB00] =	vst v63  }
0x8e: {  	_ =	swait.ge [sflag:s3], $0x3E80  }
0x8f: {  	[sflag:s3] =	ssyncset.done $0x0  }
0x90: {  	[sflag:s3] =	ssyncadd.s32 $0xFFFFC180  }
0x91: {  	_ =	swait.ge [sflag:s3], $0x7D  }
0x92: {  	[sflag:s3] =	ssyncset.done $0x0  }
0x93: {  	s24 =	simm.s32 $0x380;
	[sflag:s3] =	ssyncadd.s32 $0xFFFFFF83  }
0x94: {  	[tilespmem:s20], [sflag:$0x2] =	stream.indirect.gather [hbm4b:s0+s17], $0x80, s24, s17, $0xb8;
	[tilespmem:$0x1CB00] =	vst v63  }
0x95: {  	_ =	swait.ge [sflag:s21], $0x3E80  }
0x96: {  	[sflag:s21] =	ssyncset.done $0x0  }
0x97: {  	[sflag:s21] =	ssyncadd.s32 $0xFFFFC180  }
0x98: {  	[spmem:s4] =	stream.indirect.scatter.add.f32 [tilespmem:s18], [sflag:$0x3], $0x80, s8, s17, $0xb8;
	[tilespmem:$0x1CB00] =	vst v63  }
0x99: {  	_ = 	snop  }
0x9a: {  	[spmem:s5] =	stream.indirect.scatter.add.f32 [tilespmem:s23], [sflag:$0x3], $0x1, s8, s17, $0xb8;
	[tilespmem:$0x1CB00] =	vst v63  }
0x9b: {  	_ =	swait.ge [sflag:s16], $0x200  }
0x9c: {  	[sflag:s16] =	ssyncset.done $0x0  }
0x9d: {  	[sflag:s16] =	ssyncadd.s32 $0xFFFFFE00  }
0x9e: {  	_ =	swait.ge [sflag:s16], $0x200  }
0x9f: {  	[sflag:s16] =	ssyncset.done $0x0  }
0xa0: {  	[sflag:s16] =	ssyncadd.s32 $0xFFFFFE00  }
0xa1: {  	_ =	swait.ge [sflag:s25], $0x3E80  }
0xa2: {  	[sflag:s25] =	ssyncset.done $0x0  }
0xa3: {  	[sflag:s25] =	ssyncadd.s32 $0xFFFFC180  }
0xa4: {  	_ =	swait.ge [sflag:s25], $0x7D  }
0xa5: {  	[sflag:s25] =	ssyncset.done $0x0  }
0xa6: {  	[sflag:s25] =	ssyncadd.s32 $0xFFFFFF83  }
0xa7: {  	[tilespmem:s18], [sflag:$0x1] =	stream.indirect.gather [hbm4b:s0+s17], $0x80, s6, s17, $0xb8;
	[tilespmem:$0x1CB00] =	vst v63  }
0xa8: {  	_ =	swait.ge [sflag:s30], $0x3E80  }
0xa9: {  	[sflag:s30] =	ssyncset.done $0x0  }
0xaa: {  	[sflag:s30] =	ssyncadd.s32 $0xFFFFC180  }
0xab: {  	[spmem:s4] =	stream.indirect.scatter.add.f32 [tilespmem:s20], [sflag:$0x4], $0x80, s12, s17, $0xb8;
	[tilespmem:$0x1CB00] =	vst v63  }
0xac: {  	_ = 	snop  }
0xad: {  	[spmem:s5] =	stream.indirect.scatter.add.f32 [tilespmem:s23], [sflag:$0x4], $0x1, s12, s17, $0xb8;
	[tilespmem:$0x1CB00] =	vst v63  }
0xae: {  	_ =	swait.ge [sflag:s3], $0x3E80  }
0xaf: {  	[sflag:s3] =	ssyncset.done $0x0  }
0xb0: {  	[sflag:s3] =	ssyncadd.s32 $0xFFFFC180  }
0xb1: {  	_ =	swait.ge [sflag:s3], $0x7D  }
0xb2: {  	[sflag:s3] =	ssyncset.done $0x0  }
0xb3: {  	[sflag:s3] =	ssyncadd.s32 $0xFFFFFF83  }
0xb4: {  	[tilespmem:s20], [sflag:$0x2] =	stream.indirect.gather [hbm4b:s0+s17], $0x80, s22, s17, $0xb8;
	[tilespmem:$0x1CB00] =	vst v63  }
0xb5: {  	_ =	swait.ge [sflag:s21], $0x3E80  }
0xb6: {  	[sflag:s21] =	ssyncset.done $0x0  }
0xb7: {  	[sflag:s21] =	ssyncadd.s32 $0xFFFFC180  }
0xb8: {  	[spmem:s4] =	stream.indirect.scatter.add.f32 [tilespmem:s18], [sflag:$0x3], $0x80, s15, s17, $0xb8;
	[tilespmem:$0x1CB00] =	vst v63  }
0xb9: {  	_ = 	snop  }
0xba: {  	[spmem:s5] =	stream.indirect.scatter.add.f32 [tilespmem:s23], [sflag:$0x3], $0x1, s15, s17, $0xb8;
	[tilespmem:$0x1CB00] =	vst v63  }
0xbb: {  	_ =	swait.ge [sflag:s25], $0x3E80  }
0xbc: {  	[sflag:s25] =	ssyncset.done $0x0  }
0xbd: {  	[sflag:s25] =	ssyncadd.s32 $0xFFFFC180  }
0xbe: {  	_ =	swait.ge [sflag:s25], $0x7D  }
0xbf: {  	[sflag:s25] =	ssyncset.done $0x0  }
0xc0: {  	s1 =	sadd.s32 $0x540, s1;
	[sflag:s25] =	ssyncadd.s32 $0xFFFFFF83  }
0xc1: {  	[tilespmem:s26], [sflag:$0x6] =	stream.linear.gather [hbm4b:s1+s6], $0x200, $0x38;
	[tilespmem:$0x1CB00] =	vst v63  }
0xc2: {  	s24 =	sadd.s32 $0x540, s29  }
0xc3: {  	[tilespmem:s28], [sflag:$0x6] =	stream.linear.gather [hbm4b:s24+s6], $0x200, $0x38;
	[tilespmem:$0x1CB00] =	vst v63  }
0xc4: {  	_ = 	snop  }
0xc5: {  	[tilespmem:s18], [sflag:$0x1] =	stream.indirect.gather [hbm4b:s0+s17], $0x80, s13, s17, $0xb8;
	[tilespmem:$0x1CB00] =	vst v63  }
0xc6: {  	_ =	swait.ge [sflag:s30], $0x3E80  }
0xc7: {  	[sflag:s30] =	ssyncset.done $0x0  }
0xc8: {  	[sflag:s30] =	ssyncadd.s32 $0xFFFFC180  }
0xc9: {  	[spmem:s4] =	stream.indirect.scatter.add.f32 [tilespmem:s20], [sflag:$0x4], $0x80, s31, s17, $0xb8;
	[tilespmem:$0x1CB00] =	vst v63  }
0xca: {  	_ = 	snop  }
0xcb: {  	[spmem:s5] =	stream.indirect.scatter.add.f32 [tilespmem:s23], [sflag:$0x4], $0x1, s31, s17, $0xb8;
	[tilespmem:$0x1CB00] =	vst v63  }
0xcc: {  	_ =	swait.ge [sflag:s3], $0x3E80  }
0xcd: {  	[sflag:s3] =	ssyncset.done $0x0  }
0xce: {  	[sflag:s3] =	ssyncadd.s32 $0xFFFFC180  }
0xcf: {  	_ =	swait.ge [sflag:s3], $0x7D  }
0xd0: {  	[sflag:s3] =	ssyncset.done $0x0  }
0xd1: {  	s29 =	simm.s32 $0x180;
	[sflag:s3] =	ssyncadd.s32 $0xFFFFFF83  }
0xd2: {  	[tilespmem:s20], [sflag:$0x2] =	stream.indirect.gather [hbm4b:s0+s17], $0x80, s29, s17, $0xb8;
	[tilespmem:$0x1CB00] =	vst v63  }
0xd3: {  	_ =	swait.ge [sflag:s21], $0x3E80  }
0xd4: {  	s19 =	simm.s32 $0xFFFFFC00;
	[sflag:s21] =	ssyncset.done $0x0  }
0xd5: {  	s24 =	simm.s32 $0x100;
	s13 =	simm.s32 $0x180;
	[sflag:s21] =	ssyncadd.s32 $0xFFFFC180  }
0xd6: {  	[spmem:s4] =	stream.indirect.scatter.add.f32 [tilespmem:s18], [sflag:$0x3], $0x80, s2, s17, $0xb8;
	[tilespmem:$0x1CB00] =	vst v63  }
.LBB2_2:
0xd7: {  	[spmem:s5] =	stream.indirect.scatter.add.f32 [tilespmem:s23], [sflag:$0x3], $0x1, s2, s17, $0xb8;
	[tilespmem:$0x1CB00] =	vst v63  }
0xd8: {  	s1 =	smov.u32 s19  }
0xd9: {  	p0 =	sne.s32 s19, $0xFFFFFF80;
	s19 =	sadd.s32 $0x80, s19;
	_ =	swait.ge [sflag:s7], $0x200  }
0xda: {  	[sflag:s7] =	ssyncset.done $0x0  }
0xdb: {  	[sflag:s7] =	ssyncadd.s32 $0xFFFFFE00  }
0xdc: {  	_ =	swait.ge [sflag:s7], $0x200  }
0xdd: {  	[sflag:s7] =	ssyncset.done $0x0  }
0xde: {  	[sflag:s7] =	ssyncadd.s32 $0xFFFFFE00  }
0xdf: {  	_ =	swait.ge [sflag:s25], $0x3E80  }
0xe0: {  	[sflag:s25] =	ssyncset.done $0x0  }
0xe1: {  	[sflag:s25] =	ssyncadd.s32 $0xFFFFC180  }
0xe2: {  	_ =	swait.ge [sflag:s25], $0x7D  }
0xe3: {  	[sflag:s25] =	ssyncset.done $0x0  }
0xe4: {  	[sflag:s25] =	ssyncadd.s32 $0xFFFFFF83  }
0xe5: {  	[tilespmem:s18], [sflag:$0x1] =	stream.indirect.gather [hbm4b:s0+s17], $0x80, s26, s17, $0xb8;
	[tilespmem:$0x1CB00] =	vst v63  }
0xe6: {  	_ =	swait.ge [sflag:s30], $0x3E80  }
0xe7: {  	[sflag:s30] =	ssyncset.done $0x0  }
0xe8: {  	[sflag:s30] =	ssyncadd.s32 $0xFFFFC180  }
0xe9: {  	[spmem:s4] =	stream.indirect.scatter.add.f32 [tilespmem:s20], [sflag:$0x4], $0x80, s10, s17, $0xb8;
	[tilespmem:$0x1CB00] =	vst v63  }
0xea: {  	_ = 	snop  }
0xeb: {  	[spmem:s5] =	stream.indirect.scatter.add.f32 [tilespmem:s23], [sflag:$0x4], $0x1, s10, s17, $0xb8;
	[tilespmem:$0x1CB00] =	vst v63  }
0xec: {  	_ =	swait.ge [sflag:s3], $0x3E80  }
0xed: {  	[sflag:s3] =	ssyncset.done $0x0  }
0xee: {  	[sflag:s3] =	ssyncadd.s32 $0xFFFFC180  }
0xef: {  	_ =	swait.ge [sflag:s3], $0x7D  }
0xf0: {  	[sflag:s3] =	ssyncset.done $0x0  }
0xf1: {  	s22 =	simm.s32 $0x280;
	[sflag:s3] =	ssyncadd.s32 $0xFFFFFF83  }
0xf2: {  	[tilespmem:s20], [sflag:$0x2] =	stream.indirect.gather [hbm4b:s0+s17], $0x80, s22, s17, $0xb8;
	[tilespmem:$0x1CB00] =	vst v63  }
0xf3: {  	_ =	swait.ge [sflag:s21], $0x3E80  }
0xf4: {  	[sflag:s21] =	ssyncset.done $0x0  }
0xf5: {  	[sflag:s21] =	ssyncadd.s32 $0xFFFFC180  }
0xf6: {  	[spmem:s4] =	stream.indirect.scatter.add.f32 [tilespmem:s18], [sflag:$0x3], $0x80, s28, s17, $0xb8;
	[tilespmem:$0x1CB00] =	vst v63  }
0xf7: {  	_ = 	snop  }
0xf8: {  	[spmem:s5] =	stream.indirect.scatter.add.f32 [tilespmem:s23], [sflag:$0x3], $0x1, s28, s17, $0xb8;
	[tilespmem:$0x1CB00] =	vst v63  }
0xf9: {  	_ =	swait.ge [sflag:s25], $0x3E80  }
0xfa: {  	[sflag:s25] =	ssyncset.done $0x0  }
0xfb: {  	[sflag:s25] =	ssyncadd.s32 $0xFFFFC180  }
0xfc: {  	_ =	swait.ge [sflag:s25], $0x7D  }
0xfd: {  	s29 =	sadd.s32 s1, s9;
	[sflag:s25] =	ssyncset.done $0x0  }
0xfe: {  	s1 =	sadd.s32 s1, s14;
	s22 =	sadd.s32 $0x500, s29;
	[sflag:s25] =	ssyncadd.s32 $0xFFFFFF83  }
0xff: {  	[tilespmem:s6], [sflag:$0x5] =	stream.linear.gather [hbm4b:s22+s6], $0x200, $0x38;
	[tilespmem:$0x1CB00] =	vst v63  }
0x100: {  	s22 =	sadd.s32 $0x500, s1  }
0x101: {  	[tilespmem:s15], [sflag:$0x5] =	stream.linear.gather [hbm4b:s22+s6], $0x200, $0x38;
	[tilespmem:$0x1CB00] =	vst v63  }
0x102: {  	s22 =	simm.s32 $0x300  }
0x103: {  	[tilespmem:s18], [sflag:$0x1] =	stream.indirect.gather [hbm4b:s0+s17], $0x80, s22, s17, $0xb8;
	[tilespmem:$0x1CB00] =	vst v63  }
0x104: {  	_ =	swait.ge [sflag:s30], $0x3E80  }
0x105: {  	[sflag:s30] =	ssyncset.done $0x0  }
0x106: {  	[sflag:s30] =	ssyncadd.s32 $0xFFFFC180  }
0x107: {  	[spmem:s4] =	stream.indirect.scatter.add.f32 [tilespmem:s20], [sflag:$0x4], $0x80, s11, s17, $0xb8;
	[tilespmem:$0x1CB00] =	vst v63  }
0x108: {  	_ = 	snop  }
0x109: {  	[spmem:s5] =	stream.indirect.scatter.add.f32 [tilespmem:s23], [sflag:$0x4], $0x1, s11, s17, $0xb8;
	[tilespmem:$0x1CB00] =	vst v63  }
0x10a: {  	_ =	swait.ge [sflag:s3], $0x3E80  }
0x10b: {  	[sflag:s3] =	ssyncset.done $0x0  }
0x10c: {  	[sflag:s3] =	ssyncadd.s32 $0xFFFFC180  }
0x10d: {  	_ =	swait.ge [sflag:s3], $0x7D  }
0x10e: {  	[sflag:s3] =	ssyncset.done $0x0  }
0x10f: {  	s22 =	simm.s32 $0x380;
	[sflag:s3] =	ssyncadd.s32 $0xFFFFFF83  }
0x110: {  	[tilespmem:s20], [sflag:$0x2] =	stream.indirect.gather [hbm4b:s0+s17], $0x80, s22, s17, $0xb8;
	[tilespmem:$0x1CB00] =	vst v63  }
0x111: {  	_ =	swait.ge [sflag:s21], $0x3E80  }
0x112: {  	[sflag:s21] =	ssyncset.done $0x0  }
0x113: {  	[sflag:s21] =	ssyncadd.s32 $0xFFFFC180  }
0x114: {  	[spmem:s4] =	stream.indirect.scatter.add.f32 [tilespmem:s18], [sflag:$0x3], $0x80, s8, s17, $0xb8;
	[tilespmem:$0x1CB00] =	vst v63  }
0x115: {  	_ = 	snop  }
0x116: {  	[spmem:s5] =	stream.indirect.scatter.add.f32 [tilespmem:s23], [sflag:$0x3], $0x1, s8, s17, $0xb8;
	[tilespmem:$0x1CB00] =	vst v63  }
0x117: {  	_ =	swait.ge [sflag:s16], $0x200  }
0x118: {  	[sflag:s16] =	ssyncset.done $0x0  }
0x119: {  	[sflag:s16] =	ssyncadd.s32 $0xFFFFFE00  }
0x11a: {  	_ =	swait.ge [sflag:s16], $0x200  }
0x11b: {  	[sflag:s16] =	ssyncset.done $0x0  }
0x11c: {  	[sflag:s16] =	ssyncadd.s32 $0xFFFFFE00  }
0x11d: {  	_ =	swait.ge [sflag:s25], $0x3E80  }
0x11e: {  	[sflag:s25] =	ssyncset.done $0x0  }
0x11f: {  	[sflag:s25] =	ssyncadd.s32 $0xFFFFC180  }
0x120: {  	_ =	swait.ge [sflag:s25], $0x7D  }
0x121: {  	[sflag:s25] =	ssyncset.done $0x0  }
0x122: {  	[sflag:s25] =	ssyncadd.s32 $0xFFFFFF83  }
0x123: {  	[tilespmem:s18], [sflag:$0x1] =	stream.indirect.gather [hbm4b:s0+s17], $0x80, s6, s17, $0xb8;
	[tilespmem:$0x1CB00] =	vst v63  }
0x124: {  	_ =	swait.ge [sflag:s30], $0x3E80  }
0x125: {  	[sflag:s30] =	ssyncset.done $0x0  }
0x126: {  	[sflag:s30] =	ssyncadd.s32 $0xFFFFC180  }
0x127: {  	[spmem:s4] =	stream.indirect.scatter.add.f32 [tilespmem:s20], [sflag:$0x4], $0x80, s12, s17, $0xb8;
	[tilespmem:$0x1CB00] =	vst v63  }
0x128: {  	_ = 	snop  }
0x129: {  	[spmem:s5] =	stream.indirect.scatter.add.f32 [tilespmem:s23], [sflag:$0x4], $0x1, s12, s17, $0xb8;
	[tilespmem:$0x1CB00] =	vst v63  }
0x12a: {  	_ =	swait.ge [sflag:s3], $0x3E80  }
0x12b: {  	[sflag:s3] =	ssyncset.done $0x0  }
0x12c: {  	[sflag:s3] =	ssyncadd.s32 $0xFFFFC180  }
0x12d: {  	_ =	swait.ge [sflag:s3], $0x7D  }
0x12e: {  	[sflag:s3] =	ssyncset.done $0x0  }
0x12f: {  	s22 =	simm.s32 $0x80;
	[sflag:s3] =	ssyncadd.s32 $0xFFFFFF83  }
0x130: {  	[tilespmem:s20], [sflag:$0x2] =	stream.indirect.gather [hbm4b:s0+s17], $0x80, s22, s17, $0xb8;
	[tilespmem:$0x1CB00] =	vst v63  }
0x131: {  	_ =	swait.ge [sflag:s21], $0x3E80  }
0x132: {  	[sflag:s21] =	ssyncset.done $0x0  }
0x133: {  	[sflag:s21] =	ssyncadd.s32 $0xFFFFC180  }
0x134: {  	[spmem:s4] =	stream.indirect.scatter.add.f32 [tilespmem:s18], [sflag:$0x3], $0x80, s15, s17, $0xb8;
	[tilespmem:$0x1CB00] =	vst v63  }
0x135: {  	_ = 	snop  }
0x136: {  	[spmem:s5] =	stream.indirect.scatter.add.f32 [tilespmem:s23], [sflag:$0x3], $0x1, s15, s17, $0xb8;
	[tilespmem:$0x1CB00] =	vst v63  }
0x137: {  	_ =	swait.ge [sflag:s25], $0x3E80  }
0x138: {  	[sflag:s25] =	ssyncset.done $0x0  }
0x139: {  	[sflag:s25] =	ssyncadd.s32 $0xFFFFC180  }
0x13a: {  	_ =	swait.ge [sflag:s25], $0x7D  }
0x13b: {  	[sflag:s25] =	ssyncset.done $0x0  }
0x13c: {  	s22 =	sadd.s32 $0x540, s29;
	[sflag:s25] =	ssyncadd.s32 $0xFFFFFF83  }
0x13d: {  	[tilespmem:s26], [sflag:$0x6] =	stream.linear.gather [hbm4b:s22+s6], $0x200, $0x38;
	[tilespmem:$0x1CB00] =	vst v63  }
0x13e: {  	s1 =	sadd.s32 $0x540, s1  }
0x13f: {  	[tilespmem:s28], [sflag:$0x6] =	stream.linear.gather [hbm4b:s1+s6], $0x200, $0x38;
	[tilespmem:$0x1CB00] =	vst v63  }
0x140: {  	_ = 	snop  }
0x141: {  	[tilespmem:s18], [sflag:$0x1] =	stream.indirect.gather [hbm4b:s0+s17], $0x80, s24, s17, $0xb8;
	[tilespmem:$0x1CB00] =	vst v63  }
0x142: {  	_ =	swait.ge [sflag:s30], $0x3E80  }
0x143: {  	[sflag:s30] =	ssyncset.done $0x0  }
0x144: {  	[sflag:s30] =	ssyncadd.s32 $0xFFFFC180  }
0x145: {  	[spmem:s4] =	stream.indirect.scatter.add.f32 [tilespmem:s20], [sflag:$0x4], $0x80, s31, s17, $0xb8;
	[tilespmem:$0x1CB00] =	vst v63  }
0x146: {  	_ = 	snop  }
0x147: {  	[spmem:s5] =	stream.indirect.scatter.add.f32 [tilespmem:s23], [sflag:$0x4], $0x1, s31, s17, $0xb8;
	[tilespmem:$0x1CB00] =	vst v63  }
0x148: {  	_ =	swait.ge [sflag:s3], $0x3E80  }
0x149: {  	[sflag:s3] =	ssyncset.done $0x0  }
0x14a: {  	[sflag:s3] =	ssyncadd.s32 $0xFFFFC180  }
0x14b: {  	_ =	swait.ge [sflag:s3], $0x7D  }
0x14c: {  	[sflag:s3] =	ssyncset.done $0x0  }
0x14d: {  	[sflag:s3] =	ssyncadd.s32 $0xFFFFFF83  }
0x14e: {  	[tilespmem:s20], [sflag:$0x2] =	stream.indirect.gather [hbm4b:s0+s17], $0x80, s13, s17, $0xb8;
	[tilespmem:$0x1CB00] =	vst v63  }
.Ltmp0:
0x14f: {  	_ = 	snop;
	(pc) =	sbr.rel @p0 .LBB2_2-.Ltmp0, $4  }
0x150: {  	_ =	swait.ge [sflag:s21], $0x3E80  }
0x151: {  	[sflag:s21] =	ssyncset.done $0x0  }
0x152: {  	[sflag:s21] =	ssyncadd.s32 $0xFFFFC180  }
0x153: {  	[spmem:s4] =	stream.indirect.scatter.add.f32 [tilespmem:s18], [sflag:$0x3], $0x80, s2, s17, $0xb8;
	[tilespmem:$0x1CB00] =	vst v63  }
0x154: {  	[spmem:s5] =	stream.indirect.scatter.add.f32 [tilespmem:s23], [sflag:$0x3], $0x1, s2, s17, $0xb8;
	[tilespmem:$0x1CB00] =	vst v63  }
0x155: {  	_ =	swait.ge [sflag:s7], $0x200  }
0x156: {  	[sflag:s7] =	ssyncset.done $0x0  }
0x157: {  	[sflag:s7] =	ssyncadd.s32 $0xFFFFFE00  }
0x158: {  	_ =	swait.ge [sflag:s7], $0x200  }
0x159: {  	[sflag:s7] =	ssyncset.done $0x0  }
0x15a: {  	[sflag:s7] =	ssyncadd.s32 $0xFFFFFE00  }
0x15b: {  	_ =	swait.ge [sflag:s25], $0x3E80  }
0x15c: {  	[sflag:s25] =	ssyncset.done $0x0  }
0x15d: {  	[sflag:s25] =	ssyncadd.s32 $0xFFFFC180  }
0x15e: {  	_ =	swait.ge [sflag:s25], $0x7D  }
0x15f: {  	[sflag:s25] =	ssyncset.done $0x0  }
0x160: {  	[sflag:s25] =	ssyncadd.s32 $0xFFFFFF83  }
0x161: {  	[tilespmem:s18], [sflag:$0x1] =	stream.indirect.gather [hbm4b:s0+s17], $0x80, s26, s17, $0xb8;
	[tilespmem:$0x1CB00] =	vst v63  }
0x162: {  	_ =	swait.ge [sflag:s30], $0x3E80  }
0x163: {  	[sflag:s30] =	ssyncset.done $0x0  }
0x164: {  	[sflag:s30] =	ssyncadd.s32 $0xFFFFC180  }
0x165: {  	[spmem:s4] =	stream.indirect.scatter.add.f32 [tilespmem:s20], [sflag:$0x4], $0x80, s10, s17, $0xb8;
	[tilespmem:$0x1CB00] =	vst v63  }
0x166: {  	_ = 	snop  }
0x167: {  	[spmem:s5] =	stream.indirect.scatter.add.f32 [tilespmem:s23], [sflag:$0x4], $0x1, s10, s17, $0xb8;
	[tilespmem:$0x1CB00] =	vst v63  }
0x168: {  	_ =	swait.ge [sflag:s3], $0x3E80  }
0x169: {  	[sflag:s3] =	ssyncset.done $0x0  }
0x16a: {  	[sflag:s3] =	ssyncadd.s32 $0xFFFFC180  }
0x16b: {  	_ =	swait.ge [sflag:s3], $0x7D  }
0x16c: {  	[sflag:s3] =	ssyncset.done $0x0  }
0x16d: {  	s1 =	simm.s32 $0x280;
	[sflag:s3] =	ssyncadd.s32 $0xFFFFFF83  }
0x16e: {  	[tilespmem:s20], [sflag:$0x2] =	stream.indirect.gather [hbm4b:s0+s17], $0x80, s1, s17, $0xb8;
	[tilespmem:$0x1CB00] =	vst v63  }
0x16f: {  	_ =	swait.ge [sflag:s21], $0x3E80  }
0x170: {  	[sflag:s21] =	ssyncset.done $0x0  }
0x171: {  	[sflag:s21] =	ssyncadd.s32 $0xFFFFC180  }
0x172: {  	[spmem:s4] =	stream.indirect.scatter.add.f32 [tilespmem:s18], [sflag:$0x3], $0x80, s28, s17, $0xb8;
	[tilespmem:$0x1CB00] =	vst v63  }
0x173: {  	_ = 	snop  }
0x174: {  	[spmem:s5] =	stream.indirect.scatter.add.f32 [tilespmem:s23], [sflag:$0x3], $0x1, s28, s17, $0xb8;
	[tilespmem:$0x1CB00] =	vst v63  }
0x175: {  	_ =	swait.ge [sflag:s25], $0x3E80  }
0x176: {  	[sflag:s25] =	ssyncset.done $0x0  }
0x177: {  	[sflag:s25] =	ssyncadd.s32 $0xFFFFC180  }
0x178: {  	_ =	swait.ge [sflag:s25], $0x7D  }
0x179: {  	[sflag:s25] =	ssyncset.done $0x0  }
0x17a: {  	s19 =	simm.s32 $0x300;
	[sflag:s25] =	ssyncadd.s32 $0xFFFFFF83  }
0x17b: {  	[tilespmem:s18], [sflag:$0x1] =	stream.indirect.gather [hbm4b:s0+s17], $0x80, s19, s17, $0xb8;
	[tilespmem:$0x1CB00] =	vst v63  }
0x17c: {  	_ =	swait.ge [sflag:s30], $0x3E80  }
0x17d: {  	[sflag:s30] =	ssyncset.done $0x0  }
0x17e: {  	[sflag:s30] =	ssyncadd.s32 $0xFFFFC180  }
0x17f: {  	[spmem:s4] =	stream.indirect.scatter.add.f32 [tilespmem:s20], [sflag:$0x4], $0x80, s11, s17, $0xb8;
	[tilespmem:$0x1CB00] =	vst v63  }
0x180: {  	_ = 	snop  }
0x181: {  	[spmem:s5] =	stream.indirect.scatter.add.f32 [tilespmem:s23], [sflag:$0x4], $0x1, s11, s17, $0xb8;
	[tilespmem:$0x1CB00] =	vst v63  }
0x182: {  	_ =	swait.ge [sflag:s3], $0x3E80  }
0x183: {  	[sflag:s3] =	ssyncset.done $0x0  }
0x184: {  	[sflag:s3] =	ssyncadd.s32 $0xFFFFC180  }
0x185: {  	_ =	swait.ge [sflag:s3], $0x7D  }
0x186: {  	[sflag:s3] =	ssyncset.done $0x0  }
0x187: {  	s22 =	simm.s32 $0x380;
	[sflag:s3] =	ssyncadd.s32 $0xFFFFFF83  }
0x188: {  	[tilespmem:s20], [sflag:$0x2] =	stream.indirect.gather [hbm4b:s0+s17], $0x80, s22, s17, $0xb8;
	[tilespmem:$0x1CB00] =	vst v63  }
0x189: {  	_ =	swait.ge [sflag:s21], $0x3E80  }
0x18a: {  	[sflag:s21] =	ssyncset.done $0x0  }
0x18b: {  	[sflag:s21] =	ssyncadd.s32 $0xFFFFC180  }
0x18c: {  	[spmem:s4] =	stream.indirect.scatter.add.f32 [tilespmem:s18], [sflag:$0x3], $0x80, s8, s17, $0xb8;
	[tilespmem:$0x1CB00] =	vst v63  }
0x18d: {  	_ = 	snop  }
0x18e: {  	[spmem:s5] =	stream.indirect.scatter.add.f32 [tilespmem:s23], [sflag:$0x3], $0x1, s8, s17, $0xb8;
	[tilespmem:$0x1CB00] =	vst v63  }
0x18f: {  	_ =	swait.ge [sflag:s30], $0x3E80  }
0x190: {  	[sflag:s30] =	ssyncset.done $0x0  }
0x191: {  	[sflag:s30] =	ssyncadd.s32 $0xFFFFC180  }
0x192: {  	[spmem:s4] =	stream.indirect.scatter.add.f32 [tilespmem:s20], [sflag:$0x4], $0x80, s12, s17, $0xb8;
	[tilespmem:$0x1CB00] =	vst v63  }
0x193: {  	_ = 	snop  }
0x194: {  	[spmem:s5] =	stream.indirect.scatter.add.f32 [tilespmem:s23], [sflag:$0x4], $0x1, s12, s17, $0xb8;
	[tilespmem:$0x1CB00] =	vst v63  }
0x195: {  	_ =	swait.ge [sflag:s25], $0x3E80  }
0x196: {  	[sflag:s25] =	ssyncset.done $0x0  }
0x197: {  	[sflag:s25] =	ssyncadd.s32 $0xFFFFC180  }
0x198: {  	_ =	swait.ge [sflag:s25], $0x7D  }
0x199: {  	[sflag:s25] =	ssyncset.done $0x0  }
0x19a: {  	[sflag:s25] =	ssyncadd.s32 $0xFFFFFF83  }
0x19b: {  	_ =	swait.ge [sflag:s3], $0x3E80  }
0x19c: {  	[sflag:s3] =	ssyncset.done $0x0  }
0x19d: {  	[sflag:s3] =	ssyncadd.s32 $0xFFFFC180  }
0x19e: {  	_ =	swait.ge [sflag:s3], $0x7D  }
0x19f: {  	[sflag:s3] =	ssyncset.done $0x0  }
0x1a0: {  	[sflag:s3] =	ssyncadd.s32 $0xFFFFFF83  }
0x1a1: {  	[bflag:$0x0] =	sbarrier.arrive $0xFFFF  }
0x1a2: {  	s19 =	rddreg [dreg:$0x7]  }
0x1a3: {  	s13 =	rddreg [dreg:$0x9]  }
0x1a4: {  	s29 =	simm.s32 $0x7;
	s24 =	rddreg [dreg:$0xb]  }
0x1a5: {  	[hbm:s24], [sflag:s19] =	dma.local [spmem:s13], $0x2800  }
0x1a6: {  	_ =	swait.ge [sflag:s29], $0x2800  }
0x1a7: {  	s13 =	simm.s32 $0x20;
	[sflag:s29] =	ssyncset.done $0x0;
	s22 =	rddreg [dreg:$0xa]  }
0x1a8: {  	s24 =	simm.s32 $0x10;
	s1 =	rddreg [dreg:$0xc];
	[sflag:s29] =	ssyncadd.s32 $0xFFFFD800  }
0x1a9: {  	[hbm:s1@s13], [sflag:s19] =	dma.strided [spmem:s22@s24], $0x50, s21, $0x10   }
0x1aa: {  	s24 =	rddreg [dreg:$0x9];
	_ =	swait.ge [sflag:s29], $0x50  }
0x1ab: {  	s1 =	rddreg [dreg:$0xd]  }
0x1ac: {  	s13 =	sadd.s32 $0x1, s1;
	s1 =	rddreg [dreg:$0x8]  }
0x1ad: {  	p0 =	sne.s32 s13, s1  }
.Ltmp1:
0x1ae: {  	_ = 	snop;
	(pc) =	sbr.rel @p0 .LBB2_1-.Ltmp1, $3  }
0x1af: {  	_ =	sdelay $0x1  }
0x1b0: {  	[sflag:s29] =	ssyncset.done $0x0  }
0x1b1: {  	[sflag:s29] =	ssyncadd.s32 $0xFFFFFFB0  }
0x1b2: {  	_ =	sfence.sel $0x180000  }
0x1b3: {  	[bflag:$0x0] =	sbarrier.arrive $0xFFFF  }
0x1b4: {  	_ =	strace $0x90000047  }
0x1b5: {  	s0 =	stileid.u32;
	[bflag:$0x2] =	sbarrier.arrive $0xFFFF  }
0x1b6: {  	p0 =	sne.s32 s0, $0x0;
	s0 =	rddreg [dreg:$0x5]  }
0x1b7: {  	s0 =	sadd.s32 @!p0 $0x100000, s0  }
0x1b8: {  	[sflag:s0] =	ssyncadd.tile.s32 @!p0 $0x1;
	_ =	shalt  }
.Lfunc_end2:
_tile_overlayer_lowered:
.L_overlay_start_2:
0x1b9: {  	(tag) =	ssettag $0x2  }
0x1ba: {  	s0 =	rddreg [dreg:$0x0];
	s2 =	stileid.u32  }
0x1bb: {  	s1 =	rddreg [dreg:$0x1];
	p0 =	sne.s32 s2, $0x0  }
0x1bc: {  	s3 =	rddreg [dreg:$0x2];
	[bflag:$0x3] =	sbarrier.arrive $0xFFFF;
	s2 =	simm.s32 @!p0 $0x1C07  }
0x1bd: {  	[timem:s3], [sflag:s2] =	dma.local @!p0 [hbm:s0], s1  }
0x1be: {  	s0 =	simm.s32 @!p0 $0x7  }
0x1bf: {  	_ =	swait.ge @!p0 [sflag:s0], s1  }
0x1c0: {  	s1 =	ssub.s32 @!p0 $0x0, s1;
	[sflag:s0] =	ssyncset.done @!p0 $0x0  }
0x1c1: {  	[sflag:s0] =	ssyncadd.s32 @!p0 s1  }
0x1c2: {  	[bflag:$0x3] =	sbarrier.arrive $0xFFFF  }
0x1c3: {  	_ =	shalt  }

</sc_bundles>
